<compile_context>
chip_gen: v7x
topology: tpu7x:2x2x1
jax: 0.10.2.dev20260603
libtpu: 0.0.44.dev20260713+nightly
codegen_flags: <defaults>
</compile_context>

<pallas_src>
import functools

import jax
import jax.numpy as jnp
from jax import lax
from jax.experimental import pallas as pl
from jax.experimental.pallas import tpu as pltpu
from jax.experimental.pallas import tpu_sc as plsc

N = 10000
E = 160000
F_IN = 256
D = 512
BATCH = 100

Q = 4
DQ = D // Q
NS = 16
NPASS = 3
NT = 3336
DUMP = NT
ACC_R = NT + 8
EPT = E // NS
CH = 80
NCHUNK = EPT // CH
NPT = 208
TAIL = NT - NS * NPT
ZROWS = 208

_VEC = 16


def _segsum_body(h4_hbm, src_hbm, dst_hbm, out_hbm,
                 src_v, dst_v, gidx_v, ldst_v, rows_v, zbuf, sem, acc):
    s = lax.axis_index("s")

    pltpu.sync_copy(src_hbm.at[s], src_v)
    pltpu.sync_copy(dst_hbm.at[s], dst_v)

    zeros = jnp.zeros((_VEC,), jnp.float32)

    def zfill(i, carry):
        for kk in range(DQ // _VEC):
            zbuf[i, pl.ds(kk * _VEC, _VEC)] = zeros
        return carry

    lax.fori_loop(0, ZROWS, zfill, 0)

    dump16 = jnp.full((_VEC,), DUMP, jnp.int32)

    for q in range(Q):
        def gidx(i, carry):
            for kk in range(CH // _VEC):
                sl = pl.ds(kk * _VEC, _VEC)
                gidx_v[i, sl] = src_v[i, sl] * Q + q
            return carry

        lax.fori_loop(0, NCHUNK, gidx, 0)

        for t in range(NPASS):
            lo = t * NT
            lo16 = jnp.full((_VEC,), lo, jnp.int32)
            hi16 = jnp.full((_VEC,), min(lo + NT, N), jnp.int32)

            def localize(i, carry):
                for kk in range(CH // _VEC):
                    sl = pl.ds(kk * _VEC, _VEC)
                    dv = dst_v[i, sl]
                    oob = (dv < lo16) | (dv >= hi16)
                    ldst_v[i, sl] = jnp.where(oob, dump16, dv - lo16)
                return carry

            lax.fori_loop(0, NCHUNK, localize, 0)

            pltpu.sync_copy(zbuf, acc.at[pl.ds(s * NPT, ZROWS)])

            if lo + NT <= N:
                @pl.when(s == NS - 1)
                def _():
                    pltpu.sync_copy(zbuf.at[pl.ds(0, TAIL)],
                                    acc.at[pl.ds(NS * NPT, TAIL)])

            plsc.subcore_barrier()

            def chunk(j, carry):
                pltpu.async_copy(h4_hbm.at[gidx_v.at[j]], rows_v,
                                 sem).wait()
                pltpu.sync_copy(rows_v, acc.at[ldst_v.at[j]], add=True)
                return carry

            lax.fori_loop(0, NCHUNK, chunk, 0)

            plsc.subcore_barrier()

            pltpu.sync_copy(
                acc.at[pl.ds(s * NPT, NPT)],
                out_hbm.at[q].at[pl.ds(lo + s * NPT, NPT)])

            if lo + NT <= N:
                @pl.when(s == NS - 1)
                def _():
                    pltpu.sync_copy(
                        acc.at[pl.ds(NS * NPT, TAIL)],
                        out_hbm.at[q].at[pl.ds(lo + NS * NPT, TAIL)])


def _build_segsum():
    mesh = plsc.VectorSubcoreMesh(core_axis_name="c", subcore_axis_name="s",
                                  num_cores=1)

    @functools.partial(
        pl.kernel,
        out_type=jax.ShapeDtypeStruct((Q, N, DQ), jnp.float32),
        mesh=mesh,
        scratch_types=[
            pltpu.VMEM((NCHUNK, CH), jnp.int32),
            pltpu.VMEM((NCHUNK, CH), jnp.int32),
            pltpu.VMEM((NCHUNK, CH), jnp.int32),
            pltpu.VMEM((NCHUNK, CH), jnp.int32),
            pltpu.VMEM((CH, DQ), jnp.float32),
            pltpu.VMEM((ZROWS, DQ), jnp.float32),
            pltpu.VMEM_SHARED((ACC_R, DQ), jnp.float32),
            pltpu.SemaphoreType.DMA,
        ],
    )
    def k(h4_hbm, src_hbm, dst_hbm, out_hbm,
          src_v, dst_v, gidx_v, ldst_v, rows_v, zbuf, acc, sem):
        _segsum_body(h4_hbm, src_hbm, dst_hbm, out_hbm,
                     src_v, dst_v, gidx_v, ldst_v, rows_v, zbuf, sem, acc)

    return k


_segsum_sc = _build_segsum()


_BM = 1000


def _mm_init_kernel(x_ref, w_ref, o_ref):
    o_ref[...] = lax.dot_general(
        x_ref[...], w_ref[...], (((1,), (1,)), ((), ())),
        preferred_element_type=jnp.float32)


def _mm_init(x, W0):
    return pl.pallas_call(
        _mm_init_kernel,
        grid=(N // _BM,),
        in_specs=[
            pl.BlockSpec((_BM, F_IN), lambda i: (i, 0)),
            pl.BlockSpec((D, F_IN), lambda i: (0, 0)),
        ],
        out_specs=pl.BlockSpec((_BM, D), lambda i: (i, 0)),
        out_shape=jax.ShapeDtypeStruct((N, D), jnp.float32),
    )(x, W0)


def _layer_kernel(agg_ref, h_ref, w_ref, b_ref, wr_ref, br_ref, o_ref):
    z = lax.dot_general(
        agg_ref[0], w_ref[...][:, 0:DQ], (((1,), (1,)), ((), ())),
        preferred_element_type=jnp.float32)
    for q in range(1, Q):
        z = z + lax.dot_general(
            agg_ref[q], w_ref[...][:, q * DQ:(q + 1) * DQ],
            (((1,), (1,)), ((), ())), preferred_element_type=jnp.float32)
    r = lax.dot_general(
        h_ref[...], wr_ref[...], (((1,), (1,)), ((), ())),
        preferred_element_type=jnp.float32)
    o_ref[...] = (jnp.maximum(z + b_ref[...], 0.0)
                  + jnp.maximum(r + br_ref[...], 0.0))


def _layer(agg, h, W, b, Wr, br):
    return pl.pallas_call(
        _layer_kernel,
        grid=(N // _BM,),
        in_specs=[
            pl.BlockSpec((Q, _BM, DQ), lambda i: (0, i, 0)),
            pl.BlockSpec((_BM, D), lambda i: (i, 0)),
            pl.BlockSpec((D, D), lambda i: (0, 0)),
            pl.BlockSpec((1, D), lambda i: (0, 0)),
            pl.BlockSpec((D, D), lambda i: (0, 0)),
            pl.BlockSpec((1, D), lambda i: (0, 0)),
        ],
        out_specs=pl.BlockSpec((_BM, D), lambda i: (i, 0)),
        out_shape=jax.ShapeDtypeStruct((N, D), jnp.float32),
    )(agg, h, W, b, Wr, br)


@jax.jit
def _impl_a(x, edge_index, W0, W1, b1, Wr1, br1):
    src3 = edge_index[0].reshape(NS, NCHUNK, CH)
    dst3 = edge_index[1].reshape(NS, NCHUNK, CH)
    h0 = _mm_init(x, W0)
    agg1 = _segsum_sc(h0.reshape(N * Q, DQ), src3, dst3)
    h1 = _layer(agg1, h0, W1, b1.reshape(1, D), Wr1, br1.reshape(1, D))
    return h1, src3, dst3


@jax.jit
def _impl_b(h1, src3, dst3, W2, b2, Wr2, br2):
    agg2 = _segsum_sc(h1.reshape(N * Q, DQ), src3, dst3)
    h2 = _layer(agg2, h1, W2, b2.reshape(1, D), Wr2, br2.reshape(1, D))
    return h2.reshape(BATCH, N // BATCH, D)


def kernel(x, edge_index, batch_size, W0, W1, b1, Wr1, br1, W2, b2, Wr2, br2):
    del batch_size
    h1, src3, dst3 = _impl_a(x, edge_index, W0, W1, b1, Wr1, br1)
    return _impl_b(h1, src3, dst3, W2, b2, Wr2, br2)

# --- scband reference (transcript-rebuilt; emitter-appended) ---
"""Pipeline reference for scband-drug-gcn-51565377356376 (READ-ONLY COPY).

The authoritative reference and input builder live on the scoring server;
editing this copy changes nothing except your own understanding.
"""

import jax, jax.numpy as jnp
import numpy as np

N, E, F_IN, D_EMB, H = 10000, 160000, 256, 512, 512
BATCH = 100  # 100 graphs x 100 nodes each


def setup_inputs(seed: int = 0) -> dict:
    key = jax.random.key(seed)
    ks = jax.random.split(key, 12)
    x = jax.random.normal(ks[0], (N, F_IN), dtype=jnp.float32)
    edge_index = jax.random.randint(ks[1], (2, E), 0, N, dtype=jnp.int32)
    # init_transform: Linear(in_feats=256, dim_embedding=512, bias=False), last output row zeroed (padding=True)
    W0 = jax.random.normal(ks[2], (D_EMB, F_IN), dtype=jnp.float32) * 0.05
    W0 = W0.at[-1].set(0.0)
    # dgllife GCN layers (defaults: gnn_norm='none' sum aggregation, relu activation, residual=True, dropout=0)
    W1 = jax.random.normal(ks[3], (H, D_EMB), dtype=jnp.float32) * 0.05
    b1 = jax.random.normal(ks[4], (H,), dtype=jnp.float32) * 0.05
    Wr1 = jax.random.normal(ks[5], (H, D_EMB), dtype=jnp.float32) * 0.05
    br1 = jax.random.normal(ks[6], (H,), dtype=jnp.float32) * 0.05
    W2 = jax.random.normal(ks[7], (H, H), dtype=jnp.float32) * 0.05
    b2 = jax.random.normal(ks[8], (H,), dtype=jnp.float32) * 0.05
    Wr2 = jax.random.normal(ks[9], (H, H), dtype=jnp.float32) * 0.05
    br2 = jax.random.normal(ks[10], (H,), dtype=jnp.float32) * 0.05
    return {"x": x, "edge_index": edge_index, "batch_size": BATCH,
            "W0": W0, "W1": W1, "b1": b1, "Wr1": Wr1, "br1": br1,
            "W2": W2, "b2": b2, "Wr2": Wr2, "br2": br2}


def _gcn_layer(h, src, dst, W, b, Wr, br):
    # GraphConv(norm='none'): sum-aggregate neighbor feats, then linear + relu
    agg = jax.ops.segment_sum(h[src], dst, num_segments=h.shape[0])
    new = jax.nn.relu(agg @ W.T + b)
    # residual connection: relu(Linear(h))
    res = jax.nn.relu(h @ Wr.T + br)
    return new + res


def reference(x, edge_index, batch_size, W0, W1, b1, Wr1, br1, W2, b2, Wr2, br2):
    src = edge_index[0]
    dst = edge_index[1]
    # init_transform (bias-free linear)
    h = x @ W0.T
    h = _gcn_layer(h, src, dst, W1, b1, Wr1, br1)
    h = _gcn_layer(h, src, dst, W2, b2, Wr2, br2)
    # view(batch_size, -1, output_feats)
    out = h.reshape(BATCH, -1, H)
    return jnp.where(batch_size == BATCH, out, out)

if __name__ == "__main__":
    import jax
    _d = setup_inputs()
    print(jax.jit(kernel)(*tuple(_d.values())))

</pallas_src>

<mosaic_0001>
#map = affine_map<(d0, d1) -> (0, 0)>
#map1 = affine_map<(d0, d1) -> (0, 0, 0)>
module attributes {stable_mosaic.version = 14 : i64} {
  func.func @k(%arg0: i32, %arg1: i32, %arg2: memref<40000x128xf32, #tpu.memory_space<hbm>>, %arg3: memref<16x125x80xi32, #tpu.memory_space<hbm>>, %arg4: memref<16x125x80xi32, #tpu.memory_space<hbm>>, %arg5: memref<4x10000x128xf32, #tpu.memory_space<hbm>>, %arg6: memref<125x80xi32, #tpu.memory_space<vmem>>, %arg7: memref<125x80xi32, #tpu.memory_space<vmem>>, %arg8: memref<125x80xi32, #tpu.memory_space<vmem>>, %arg9: memref<125x80xi32, #tpu.memory_space<vmem>>, %arg10: memref<80x128xf32, #tpu.memory_space<vmem>>, %arg11: memref<208x128xf32, #tpu.memory_space<vmem>>, %arg12: memref<3344x128xf32, #tpu.memory_space<vmem_shared>>, %arg13: memref<!tpu.dma_semaphore, #tpu.memory_space<semaphore_mem>>) attributes {dimension_semantics = [#tpu.dimension_semantics<core_parallel>, #tpu.dimension_semantics<subcore_parallel>], iteration_bounds = array<i64: 1, 16>, scalar_prefetch = 0 : i64, scratch_operands = 8 : i64, tpu.core_type = #tpu.core_type<sc_vector_subcore>, window_params = [{transform_indices = #map}, {transform_indices = #map1}, {transform_indices = #map1}, {transform_indices = #map1}]} {
    "tpu.region"() ({
      %run_scoped3A_429 = tpu.sem_alloc : memref<!tpu.dma_semaphore, #tpu.memory_space<semaphore_mem>>
      %dma_start3A = arith.constant 0 : i32
      %dma_start3A_430 = arith.constant 0 : i32
      %dma_start3A_431 = tpu.memref_slice %arg3[%arg1, %dma_start3A, %dma_start3A_430] : memref<16x125x80xi32, #tpu.memory_space<hbm>> -> memref<1x125x80xi32, #tpu.memory_space<hbm>>
      %dma_start3A_432 = tpu.memref_squeeze %dma_start3A_431 : memref<1x125x80xi32, #tpu.memory_space<hbm>> -> memref<125x80xi32, #tpu.memory_space<hbm>>
      %dma_start3A_433 = arith.constant 0 : i32
      %dma_start3A_434 = arith.constant 0 : i32
      %dma_start3A_435 = tpu.memref_slice %arg3[%arg1, %dma_start3A_433, %dma_start3A_434] : memref<16x125x80xi32, #tpu.memory_space<hbm>> -> memref<1x125x80xi32, #tpu.memory_space<hbm>>
      %dma_start3A_436 = tpu.memref_squeeze %dma_start3A_435 : memref<1x125x80xi32, #tpu.memory_space<hbm>> -> memref<125x80xi32, #tpu.memory_space<hbm>>
      tpu.enqueue_dma source(%dma_start3A_436 : memref<125x80xi32, #tpu.memory_space<hbm>>) target(%arg6 : memref<125x80xi32, #tpu.memory_space<vmem>>) target_semaphore(%run_scoped3A_429 : memref<!tpu.dma_semaphore, #tpu.memory_space<semaphore_mem>>)
      %dma_wait3A = arith.constant 0 : i32
      %dma_wait3A_437 = arith.constant 0 : i32
      %dma_wait3A_438 = tpu.memref_slice %arg3[%arg1, %dma_wait3A, %dma_wait3A_437] : memref<16x125x80xi32, #tpu.memory_space<hbm>> -> memref<1x125x80xi32, #tpu.memory_space<hbm>>
      %dma_wait3A_439 = tpu.memref_squeeze %dma_wait3A_438 : memref<1x125x80xi32, #tpu.memory_space<hbm>> -> memref<125x80xi32, #tpu.memory_space<hbm>>
      %dma_wait3A_440 = arith.constant 0 : i32
      %dma_wait3A_441 = arith.constant 0 : i32
      %dma_wait3A_442 = tpu.memref_slice %arg3[%arg1, %dma_wait3A_440, %dma_wait3A_441] : memref<16x125x80xi32, #tpu.memory_space<hbm>> -> memref<1x125x80xi32, #tpu.memory_space<hbm>>
      %dma_wait3A_443 = tpu.memref_squeeze %dma_wait3A_442 : memref<1x125x80xi32, #tpu.memory_space<hbm>> -> memref<125x80xi32, #tpu.memory_space<hbm>>
      tpu.wait_dma2 semaphore(%run_scoped3A_429 : memref<!tpu.dma_semaphore, #tpu.memory_space<semaphore_mem>>) src(%dma_wait3A_443 : memref<125x80xi32, #tpu.memory_space<hbm>>) dst(%arg6 : memref<125x80xi32, #tpu.memory_space<vmem>>)
      tpu.yield
    }) : () -> ()
    "tpu.region"() ({
      %run_scoped3A_429 = tpu.sem_alloc : memref<!tpu.dma_semaphore, #tpu.memory_space<semaphore_mem>>
      %dma_start3A = arith.constant 0 : i32
      %dma_start3A_430 = arith.constant 0 : i32
      %dma_start3A_431 = tpu.memref_slice %arg4[%arg1, %dma_start3A, %dma_start3A_430] : memref<16x125x80xi32, #tpu.memory_space<hbm>> -> memref<1x125x80xi32, #tpu.memory_space<hbm>>
      %dma_start3A_432 = tpu.memref_squeeze %dma_start3A_431 : memref<1x125x80xi32, #tpu.memory_space<hbm>> -> memref<125x80xi32, #tpu.memory_space<hbm>>
      %dma_start3A_433 = arith.constant 0 : i32
      %dma_start3A_434 = arith.constant 0 : i32
      %dma_start3A_435 = tpu.memref_slice %arg4[%arg1, %dma_start3A_433, %dma_start3A_434] : memref<16x125x80xi32, #tpu.memory_space<hbm>> -> memref<1x125x80xi32, #tpu.memory_space<hbm>>
      %dma_start3A_436 = tpu.memref_squeeze %dma_start3A_435 : memref<1x125x80xi32, #tpu.memory_space<hbm>> -> memref<125x80xi32, #tpu.memory_space<hbm>>
      tpu.enqueue_dma source(%dma_start3A_436 : memref<125x80xi32, #tpu.memory_space<hbm>>) target(%arg7 : memref<125x80xi32, #tpu.memory_space<vmem>>) target_semaphore(%run_scoped3A_429 : memref<!tpu.dma_semaphore, #tpu.memory_space<semaphore_mem>>)
      %dma_wait3A = arith.constant 0 : i32
      %dma_wait3A_437 = arith.constant 0 : i32
      %dma_wait3A_438 = tpu.memref_slice %arg4[%arg1, %dma_wait3A, %dma_wait3A_437] : memref<16x125x80xi32, #tpu.memory_space<hbm>> -> memref<1x125x80xi32, #tpu.memory_space<hbm>>
      %dma_wait3A_439 = tpu.memref_squeeze %dma_wait3A_438 : memref<1x125x80xi32, #tpu.memory_space<hbm>> -> memref<125x80xi32, #tpu.memory_space<hbm>>
      %dma_wait3A_440 = arith.constant 0 : i32
      %dma_wait3A_441 = arith.constant 0 : i32
      %dma_wait3A_442 = tpu.memref_slice %arg4[%arg1, %dma_wait3A_440, %dma_wait3A_441] : memref<16x125x80xi32, #tpu.memory_space<hbm>> -> memref<1x125x80xi32, #tpu.memory_space<hbm>>
      %dma_wait3A_443 = tpu.memref_squeeze %dma_wait3A_442 : memref<1x125x80xi32, #tpu.memory_space<hbm>> -> memref<125x80xi32, #tpu.memory_space<hbm>>
      tpu.wait_dma2 semaphore(%run_scoped3A_429 : memref<!tpu.dma_semaphore, #tpu.memory_space<semaphore_mem>>) src(%dma_wait3A_443 : memref<125x80xi32, #tpu.memory_space<hbm>>) dst(%arg7 : memref<125x80xi32, #tpu.memory_space<vmem>>)
      tpu.yield
    }) : () -> ()
    %broadcast_in_dim3A = arith.constant 0.000000e+00 : f32
    %broadcast_in_dim3A_0 = vector.broadcast %broadcast_in_dim3A : f32 to vector<16xf32>
    %scan3A = arith.constant 0 : i32
    %scan3A_1 = arith.constant 0 : i32
    %scan3A_2 = arith.constant 208 : i32
    %scan3A_3 = arith.addi %scan3A_1, %scan3A_2 : i32
    %scan3A_4 = arith.constant 1 : i32
    scf.for %scan3A_429 = %scan3A_1 to %scan3A_3 step %scan3A_4  : i32 {
      %swap3A = arith.index_cast %scan3A_429 : i32 to index
      %swap3A_430 = arith.constant 0 : index
      %swap3A_431 = tpu.vector_load %arg11[%swap3A, %swap3A_430] {strides = array<i32>} : memref<208x128xf32, #tpu.memory_space<vmem>>, vector<1x16xf32>,
      %swap3A_432 = vector.shape_cast %swap3A_431 : vector<1x16xf32> to vector<16xf32>
      %swap3A_433 = vector.shape_cast %broadcast_in_dim3A_0 : vector<16xf32> to vector<1x16xf32>
      tpu.vector_store %arg11[%swap3A, %swap3A_430], %swap3A_433 {strides = array<i32>} : memref<208x128xf32, #tpu.memory_space<vmem>>, vector<1x16xf32>,
      %swap3A_434 = arith.index_cast %scan3A_429 : i32 to index
      %swap3A_435 = arith.constant 16 : index
      %swap3A_436 = tpu.vector_load %arg11[%swap3A_434, %swap3A_435] {strides = array<i32>} : memref<208x128xf32, #tpu.memory_space<vmem>>, vector<1x16xf32>,
      %swap3A_437 = vector.shape_cast %swap3A_436 : vector<1x16xf32> to vector<16xf32>
      %swap3A_438 = vector.shape_cast %broadcast_in_dim3A_0 : vector<16xf32> to vector<1x16xf32>
      tpu.vector_store %arg11[%swap3A_434, %swap3A_435], %swap3A_438 {strides = array<i32>} : memref<208x128xf32, #tpu.memory_space<vmem>>, vector<1x16xf32>,
      %swap3A_439 = arith.index_cast %scan3A_429 : i32 to index
      %swap3A_440 = arith.constant 32 : index
      %swap3A_441 = tpu.vector_load %arg11[%swap3A_439, %swap3A_440] {strides = array<i32>} : memref<208x128xf32, #tpu.memory_space<vmem>>, vector<1x16xf32>,
      %swap3A_442 = vector.shape_cast %swap3A_441 : vector<1x16xf32> to vector<16xf32>
      %swap3A_443 = vector.shape_cast %broadcast_in_dim3A_0 : vector<16xf32> to vector<1x16xf32>
      tpu.vector_store %arg11[%swap3A_439, %swap3A_440], %swap3A_443 {strides = array<i32>} : memref<208x128xf32, #tpu.memory_space<vmem>>, vector<1x16xf32>,
      %swap3A_444 = arith.index_cast %scan3A_429 : i32 to index
      %swap3A_445 = arith.constant 48 : index
      %swap3A_446 = tpu.vector_load %arg11[%swap3A_444, %swap3A_445] {strides = array<i32>} : memref<208x128xf32, #tpu.memory_space<vmem>>, vector<1x16xf32>,
      %swap3A_447 = vector.shape_cast %swap3A_446 : vector<1x16xf32> to vector<16xf32>
      %swap3A_448 = vector.shape_cast %broadcast_in_dim3A_0 : vector<16xf32> to vector<1x16xf32>
      tpu.vector_store %arg11[%swap3A_444, %swap3A_445], %swap3A_448 {strides = array<i32>} : memref<208x128xf32, #tpu.memory_space<vmem>>, vector<1x16xf32>,
      %swap3A_449 = arith.index_cast %scan3A_429 : i32 to index
      %swap3A_450 = arith.constant 64 : index
      %swap3A_451 = tpu.vector_load %arg11[%swap3A_449, %swap3A_450] {strides = array<i32>} : memref<208x128xf32, #tpu.memory_space<vmem>>, vector<1x16xf32>,
      %swap3A_452 = vector.shape_cast %swap3A_451 : vector<1x16xf32> to vector<16xf32>
      %swap3A_453 = vector.shape_cast %broadcast_in_dim3A_0 : vector<16xf32> to vector<1x16xf32>
      tpu.vector_store %arg11[%swap3A_449, %swap3A_450], %swap3A_453 {strides = array<i32>} : memref<208x128xf32, #tpu.memory_space<vmem>>, vector<1x16xf32>,
      %swap3A_454 = arith.index_cast %scan3A_429 : i32 to index
      %swap3A_455 = arith.constant 80 : index
      %swap3A_456 = tpu.vector_load %arg11[%swap3A_454, %swap3A_455] {strides = array<i32>} : memref<208x128xf32, #tpu.memory_space<vmem>>, vector<1x16xf32>,
      %swap3A_457 = vector.shape_cast %swap3A_456 : vector<1x16xf32> to vector<16xf32>
      %swap3A_458 = vector.shape_cast %broadcast_in_dim3A_0 : vector<16xf32> to vector<1x16xf32>
      tpu.vector_store %arg11[%swap3A_454, %swap3A_455], %swap3A_458 {strides = array<i32>} : memref<208x128xf32, #tpu.memory_space<vmem>>, vector<1x16xf32>,
      %swap3A_459 = arith.index_cast %scan3A_429 : i32 to index
      %swap3A_460 = arith.constant 96 : index
      %swap3A_461 = tpu.vector_load %arg11[%swap3A_459, %swap3A_460] {strides = array<i32>} : memref<208x128xf32, #tpu.memory_space<vmem>>, vector<1x16xf32>,
      %swap3A_462 = vector.shape_cast %swap3A_461 : vector<1x16xf32> to vector<16xf32>
      %swap3A_463 = vector.shape_cast %broadcast_in_dim3A_0 : vector<16xf32> to vector<1x16xf32>
      tpu.vector_store %arg11[%swap3A_459, %swap3A_460], %swap3A_463 {strides = array<i32>} : memref<208x128xf32, #tpu.memory_space<vmem>>, vector<1x16xf32>,
      %swap3A_464 = arith.index_cast %scan3A_429 : i32 to index
      %swap3A_465 = arith.constant 112 : index
      %swap3A_466 = tpu.vector_load %arg11[%swap3A_464, %swap3A_465] {strides = array<i32>} : memref<208x128xf32, #tpu.memory_space<vmem>>, vector<1x16xf32>,
      %swap3A_467 = vector.shape_cast %swap3A_466 : vector<1x16xf32> to vector<16xf32>
      %swap3A_468 = vector.shape_cast %broadcast_in_dim3A_0 : vector<16xf32> to vector<1x16xf32>
      tpu.vector_store %arg11[%swap3A_464, %swap3A_465], %swap3A_468 {strides = array<i32>} : memref<208x128xf32, #tpu.memory_space<vmem>>, vector<1x16xf32>,
    }
    %scan3A_5 = arith.constant 208 : i32
    %broadcast_in_dim3A_6 = arith.constant 3336 : i32
    %broadcast_in_dim3A_7 = vector.broadcast %broadcast_in_dim3A_6 : i32 to vector<16xi32>
    %scan3A_8 = arith.constant 0 : i32
    %scan3A_9 = arith.constant 0 : i32
    %scan3A_10 = arith.constant 125 : i32
    %scan3A_11 = arith.addi %scan3A_9, %scan3A_10 : i32
    %scan3A_12 = arith.constant 1 : i32
    scf.for %scan3A_429 = %scan3A_9 to %scan3A_11 step %scan3A_12  : i32 {
      %get3A = arith.index_cast %scan3A_429 : i32 to index
      %get3A_430 = arith.constant 0 : index
      %get3A_431 = tpu.vector_load %arg6[%get3A, %get3A_430] {strides = array<i32>} : memref<125x80xi32, #tpu.memory_space<vmem>>, vector<1x16xi32>,
      %get3A_432 = vector.shape_cast %get3A_431 : vector<1x16xi32> to vector<16xi32>
      %mul3A_433 = arith.constant 4 : i32
      %mul3A_434 = vector.broadcast %mul3A_433 : i32 to vector<16xi32>
      %mul3A_435 = arith.muli %get3A_432, %mul3A_434 : vector<16xi32>
      %add3A_436 = arith.constant 0 : i32
      %add3A_437 = vector.broadcast %add3A_436 : i32 to vector<16xi32>
      %add3A_438 = arith.addi %mul3A_435, %add3A_437 : vector<16xi32>
      %swap3A = arith.index_cast %scan3A_429 : i32 to index
      %swap3A_439 = arith.constant 0 : index
      %swap3A_440 = tpu.vector_load %arg8[%swap3A, %swap3A_439] {strides = array<i32>} : memref<125x80xi32, #tpu.memory_space<vmem>>, vector<1x16xi32>,
      %swap3A_441 = vector.shape_cast %swap3A_440 : vector<1x16xi32> to vector<16xi32>
      %swap3A_442 = vector.shape_cast %add3A_438 : vector<16xi32> to vector<1x16xi32>
      tpu.vector_store %arg8[%swap3A, %swap3A_439], %swap3A_442 {strides = array<i32>} : memref<125x80xi32, #tpu.memory_space<vmem>>, vector<1x16xi32>,
      %get3A_443 = arith.index_cast %scan3A_429 : i32 to index
      %get3A_444 = arith.constant 16 : index
      %get3A_445 = tpu.vector_load %arg6[%get3A_443, %get3A_444] {strides = array<i32>} : memref<125x80xi32, #tpu.memory_space<vmem>>, vector<1x16xi32>,
      %get3A_446 = vector.shape_cast %get3A_445 : vector<1x16xi32> to vector<16xi32>
      %mul3A_447 = arith.constant 4 : i32
      %mul3A_448 = vector.broadcast %mul3A_447 : i32 to vector<16xi32>
      %mul3A_449 = arith.muli %get3A_446, %mul3A_448 : vector<16xi32>
      %add3A_450 = arith.constant 0 : i32
      %add3A_451 = vector.broadcast %add3A_450 : i32 to vector<16xi32>
      %add3A_452 = arith.addi %mul3A_449, %add3A_451 : vector<16xi32>
      %swap3A_453 = arith.index_cast %scan3A_429 : i32 to index
      %swap3A_454 = arith.constant 16 : index
      %swap3A_455 = tpu.vector_load %arg8[%swap3A_453, %swap3A_454] {strides = array<i32>} : memref<125x80xi32, #tpu.memory_space<vmem>>, vector<1x16xi32>,
      %swap3A_456 = vector.shape_cast %swap3A_455 : vector<1x16xi32> to vector<16xi32>
      %swap3A_457 = vector.shape_cast %add3A_452 : vector<16xi32> to vector<1x16xi32>
      tpu.vector_store %arg8[%swap3A_453, %swap3A_454], %swap3A_457 {strides = array<i32>} : memref<125x80xi32, #tpu.memory_space<vmem>>, vector<1x16xi32>,
      %get3A_458 = arith.index_cast %scan3A_429 : i32 to index
      %get3A_459 = arith.constant 32 : index
      %get3A_460 = tpu.vector_load %arg6[%get3A_458, %get3A_459] {strides = array<i32>} : memref<125x80xi32, #tpu.memory_space<vmem>>, vector<1x16xi32>,
      %get3A_461 = vector.shape_cast %get3A_460 : vector<1x16xi32> to vector<16xi32>
      %mul3A_462 = arith.constant 4 : i32
      %mul3A_463 = vector.broadcast %mul3A_462 : i32 to vector<16xi32>
      %mul3A_464 = arith.muli %get3A_461, %mul3A_463 : vector<16xi32>
      %add3A_465 = arith.constant 0 : i32
      %add3A_466 = vector.broadcast %add3A_465 : i32 to vector<16xi32>
      %add3A_467 = arith.addi %mul3A_464, %add3A_466 : vector<16xi32>
      %swap3A_468 = arith.index_cast %scan3A_429 : i32 to index
      %swap3A_469 = arith.constant 32 : index
      %swap3A_470 = tpu.vector_load %arg8[%swap3A_468, %swap3A_469] {strides = array<i32>} : memref<125x80xi32, #tpu.memory_space<vmem>>, vector<1x16xi32>,
      %swap3A_471 = vector.shape_cast %swap3A_470 : vector<1x16xi32> to vector<16xi32>
      %swap3A_472 = vector.shape_cast %add3A_467 : vector<16xi32> to vector<1x16xi32>
      tpu.vector_store %arg8[%swap3A_468, %swap3A_469], %swap3A_472 {strides = array<i32>} : memref<125x80xi32, #tpu.memory_space<vmem>>, vector<1x16xi32>,
      %get3A_473 = arith.index_cast %scan3A_429 : i32 to index
      %get3A_474 = arith.constant 48 : index
      %get3A_475 = tpu.vector_load %arg6[%get3A_473, %get3A_474] {strides = array<i32>} : memref<125x80xi32, #tpu.memory_space<vmem>>, vector<1x16xi32>,
      %get3A_476 = vector.shape_cast %get3A_475 : vector<1x16xi32> to vector<16xi32>
      %mul3A_477 = arith.constant 4 : i32
      %mul3A_478 = vector.broadcast %mul3A_477 : i32 to vector<16xi32>
      %mul3A_479 = arith.muli %get3A_476, %mul3A_478 : vector<16xi32>
      %add3A_480 = arith.constant 0 : i32
      %add3A_481 = vector.broadcast %add3A_480 : i32 to vector<16xi32>
      %add3A_482 = arith.addi %mul3A_479, %add3A_481 : vector<16xi32>
      %swap3A_483 = arith.index_cast %scan3A_429 : i32 to index
      %swap3A_484 = arith.constant 48 : index
      %swap3A_485 = tpu.vector_load %arg8[%swap3A_483, %swap3A_484] {strides = array<i32>} : memref<125x80xi32, #tpu.memory_space<vmem>>, vector<1x16xi32>,
      %swap3A_486 = vector.shape_cast %swap3A_485 : vector<1x16xi32> to vector<16xi32>
      %swap3A_487 = vector.shape_cast %add3A_482 : vector<16xi32> to vector<1x16xi32>
      tpu.vector_store %arg8[%swap3A_483, %swap3A_484], %swap3A_487 {strides = array<i32>} : memref<125x80xi32, #tpu.memory_space<vmem>>, vector<1x16xi32>,
      %get3A_488 = arith.index_cast %scan3A_429 : i32 to index
      %get3A_489 = arith.constant 64 : index
      %get3A_490 = tpu.vector_load %arg6[%get3A_488, %get3A_489] {strides = array<i32>} : memref<125x80xi32, #tpu.memory_space<vmem>>, vector<1x16xi32>,
      %get3A_491 = vector.shape_cast %get3A_490 : vector<1x16xi32> to vector<16xi32>
      %mul3A_492 = arith.constant 4 : i32
      %mul3A_493 = vector.broadcast %mul3A_492 : i32 to vector<16xi32>
      %mul3A_494 = arith.muli %get3A_491, %mul3A_493 : vector<16xi32>
      %add3A_495 = arith.constant 0 : i32
      %add3A_496 = vector.broadcast %add3A_495 : i32 to vector<16xi32>
      %add3A_497 = arith.addi %mul3A_494, %add3A_496 : vector<16xi32>
      %swap3A_498 = arith.index_cast %scan3A_429 : i32 to index
      %swap3A_499 = arith.constant 64 : index
      %swap3A_500 = tpu.vector_load %arg8[%swap3A_498, %swap3A_499] {strides = array<i32>} : memref<125x80xi32, #tpu.memory_space<vmem>>, vector<1x16xi32>,
      %swap3A_501 = vector.shape_cast %swap3A_500 : vector<1x16xi32> to vector<16xi32>
      %swap3A_502 = vector.shape_cast %add3A_497 : vector<16xi32> to vector<1x16xi32>
      tpu.vector_store %arg8[%swap3A_498, %swap3A_499], %swap3A_502 {strides = array<i32>} : memref<125x80xi32, #tpu.memory_space<vmem>>, vector<1x16xi32>,
    }
    %scan3A_13 = arith.constant 125 : i32
    %broadcast_in_dim3A_14 = arith.constant 0 : i32
    %broadcast_in_dim3A_15 = vector.broadcast %broadcast_in_dim3A_14 : i32 to vector<16xi32>
    %broadcast_in_dim3A_16 = arith.constant 3336 : i32
    %broadcast_in_dim3A_17 = vector.broadcast %broadcast_in_dim3A_16 : i32 to vector<16xi32>
    %scan3A_18 = arith.constant 0 : i32
    %scan3A_19 = arith.constant 0 : i32
    %scan3A_20 = arith.constant 125 : i32
    %scan3A_21 = arith.addi %scan3A_19, %scan3A_20 : i32
    %scan3A_22 = arith.constant 1 : i32
    scf.for %scan3A_429 = %scan3A_19 to %scan3A_21 step %scan3A_22  : i32 {
      %get3A = arith.index_cast %scan3A_429 : i32 to index
      %get3A_430 = arith.constant 0 : index
      %get3A_431 = tpu.vector_load %arg7[%get3A, %get3A_430] {strides = array<i32>} : memref<125x80xi32, #tpu.memory_space<vmem>>, vector<1x16xi32>,
      %get3A_432 = vector.shape_cast %get3A_431 : vector<1x16xi32> to vector<16xi32>
      %lt3A = arith.cmpi slt, %get3A_432, %broadcast_in_dim3A_15 : vector<16xi32>
      %ge3A = arith.cmpi sge, %get3A_432, %broadcast_in_dim3A_17 : vector<16xi32>
      %or3A = arith.ori %lt3A, %ge3A : vector<16xi1>
      %sub3A = arith.subi %get3A_432, %broadcast_in_dim3A_15 : vector<16xi32>
      %select_n3A = arith.select %or3A, %broadcast_in_dim3A_7, %sub3A : vector<16xi1>, vector<16xi32>
      %swap3A = arith.index_cast %scan3A_429 : i32 to index
      %swap3A_433 = arith.constant 0 : index
      %swap3A_434 = tpu.vector_load %arg9[%swap3A, %swap3A_433] {strides = array<i32>} : memref<125x80xi32, #tpu.memory_space<vmem>>, vector<1x16xi32>,
      %swap3A_435 = vector.shape_cast %swap3A_434 : vector<1x16xi32> to vector<16xi32>
      %swap3A_436 = vector.shape_cast %select_n3A : vector<16xi32> to vector<1x16xi32>
      tpu.vector_store %arg9[%swap3A, %swap3A_433], %swap3A_436 {strides = array<i32>} : memref<125x80xi32, #tpu.memory_space<vmem>>, vector<1x16xi32>,
      %get3A_437 = arith.index_cast %scan3A_429 : i32 to index
      %get3A_438 = arith.constant 16 : index
      %get3A_439 = tpu.vector_load %arg7[%get3A_437, %get3A_438] {strides = array<i32>} : memref<125x80xi32, #tpu.memory_space<vmem>>, vector<1x16xi32>,
      %get3A_440 = vector.shape_cast %get3A_439 : vector<1x16xi32> to vector<16xi32>
      %lt3A_441 = arith.cmpi slt, %get3A_440, %broadcast_in_dim3A_15 : vector<16xi32>
      %ge3A_442 = arith.cmpi sge, %get3A_440, %broadcast_in_dim3A_17 : vector<16xi32>
      %or3A_443 = arith.ori %lt3A_441, %ge3A_442 : vector<16xi1>
      %sub3A_444 = arith.subi %get3A_440, %broadcast_in_dim3A_15 : vector<16xi32>
      %select_n3A_445 = arith.select %or3A_443, %broadcast_in_dim3A_7, %sub3A_444 : vector<16xi1>, vector<16xi32>
      %swap3A_446 = arith.index_cast %scan3A_429 : i32 to index
      %swap3A_447 = arith.constant 16 : index
      %swap3A_448 = tpu.vector_load %arg9[%swap3A_446, %swap3A_447] {strides = array<i32>} : memref<125x80xi32, #tpu.memory_space<vmem>>, vector<1x16xi32>,
      %swap3A_449 = vector.shape_cast %swap3A_448 : vector<1x16xi32> to vector<16xi32>
      %swap3A_450 = vector.shape_cast %select_n3A_445 : vector<16xi32> to vector<1x16xi32>
      tpu.vector_store %arg9[%swap3A_446, %swap3A_447], %swap3A_450 {strides = array<i32>} : memref<125x80xi32, #tpu.memory_space<vmem>>, vector<1x16xi32>,
      %get3A_451 = arith.index_cast %scan3A_429 : i32 to index
      %get3A_452 = arith.constant 32 : index
      %get3A_453 = tpu.vector_load %arg7[%get3A_451, %get3A_452] {strides = array<i32>} : memref<125x80xi32, #tpu.memory_space<vmem>>, vector<1x16xi32>,
      %get3A_454 = vector.shape_cast %get3A_453 : vector<1x16xi32> to vector<16xi32>
      %lt3A_455 = arith.cmpi slt, %get3A_454, %broadcast_in_dim3A_15 : vector<16xi32>
      %ge3A_456 = arith.cmpi sge, %get3A_454, %broadcast_in_dim3A_17 : vector<16xi32>
      %or3A_457 = arith.ori %lt3A_455, %ge3A_456 : vector<16xi1>
      %sub3A_458 = arith.subi %get3A_454, %broadcast_in_dim3A_15 : vector<16xi32>
      %select_n3A_459 = arith.select %or3A_457, %broadcast_in_dim3A_7, %sub3A_458 : vector<16xi1>, vector<16xi32>
      %swap3A_460 = arith.index_cast %scan3A_429 : i32 to index
      %swap3A_461 = arith.constant 32 : index
      %swap3A_462 = tpu.vector_load %arg9[%swap3A_460, %swap3A_461] {strides = array<i32>} : memref<125x80xi32, #tpu.memory_space<vmem>>, vector<1x16xi32>,
      %swap3A_463 = vector.shape_cast %swap3A_462 : vector<1x16xi32> to vector<16xi32>
      %swap3A_464 = vector.shape_cast %select_n3A_459 : vector<16xi32> to vector<1x16xi32>
      tpu.vector_store %arg9[%swap3A_460, %swap3A_461], %swap3A_464 {strides = array<i32>} : memref<125x80xi32, #tpu.memory_space<vmem>>, vector<1x16xi32>,
      %get3A_465 = arith.index_cast %scan3A_429 : i32 to index
      %get3A_466 = arith.constant 48 : index
      %get3A_467 = tpu.vector_load %arg7[%get3A_465, %get3A_466] {strides = array<i32>} : memref<125x80xi32, #tpu.memory_space<vmem>>, vector<1x16xi32>,
      %get3A_468 = vector.shape_cast %get3A_467 : vector<1x16xi32> to vector<16xi32>
      %lt3A_469 = arith.cmpi slt, %get3A_468, %broadcast_in_dim3A_15 : vector<16xi32>
      %ge3A_470 = arith.cmpi sge, %get3A_468, %broadcast_in_dim3A_17 : vector<16xi32>
      %or3A_471 = arith.ori %lt3A_469, %ge3A_470 : vector<16xi1>
      %sub3A_472 = arith.subi %get3A_468, %broadcast_in_dim3A_15 : vector<16xi32>
      %select_n3A_473 = arith.select %or3A_471, %broadcast_in_dim3A_7, %sub3A_472 : vector<16xi1>, vector<16xi32>
      %swap3A_474 = arith.index_cast %scan3A_429 : i32 to index
      %swap3A_475 = arith.constant 48 : index
      %swap3A_476 = tpu.vector_load %arg9[%swap3A_474, %swap3A_475] {strides = array<i32>} : memref<125x80xi32, #tpu.memory_space<vmem>>, vector<1x16xi32>,
      %swap3A_477 = vector.shape_cast %swap3A_476 : vector<1x16xi32> to vector<16xi32>
      %swap3A_478 = vector.shape_cast %select_n3A_473 : vector<16xi32> to vector<1x16xi32>
      tpu.vector_store %arg9[%swap3A_474, %swap3A_475], %swap3A_478 {strides = array<i32>} : memref<125x80xi32, #tpu.memory_space<vmem>>, vector<1x16xi32>,
      %get3A_479 = arith.index_cast %scan3A_429 : i32 to index
      %get3A_480 = arith.constant 64 : index
      %get3A_481 = tpu.vector_load %arg7[%get3A_479, %get3A_480] {strides = array<i32>} : memref<125x80xi32, #tpu.memory_space<vmem>>, vector<1x16xi32>,
      %get3A_482 = vector.shape_cast %get3A_481 : vector<1x16xi32> to vector<16xi32>
      %lt3A_483 = arith.cmpi slt, %get3A_482, %broadcast_in_dim3A_15 : vector<16xi32>
      %ge3A_484 = arith.cmpi sge, %get3A_482, %broadcast_in_dim3A_17 : vector<16xi32>
      %or3A_485 = arith.ori %lt3A_483, %ge3A_484 : vector<16xi1>
      %sub3A_486 = arith.subi %get3A_482, %broadcast_in_dim3A_15 : vector<16xi32>
      %select_n3A_487 = arith.select %or3A_485, %broadcast_in_dim3A_7, %sub3A_486 : vector<16xi1>, vector<16xi32>
      %swap3A_488 = arith.index_cast %scan3A_429 : i32 to index
      %swap3A_489 = arith.constant 64 : index
      %swap3A_490 = tpu.vector_load %arg9[%swap3A_488, %swap3A_489] {strides = array<i32>} : memref<125x80xi32, #tpu.memory_space<vmem>>, vector<1x16xi32>,
      %swap3A_491 = vector.shape_cast %swap3A_490 : vector<1x16xi32> to vector<16xi32>
      %swap3A_492 = vector.shape_cast %select_n3A_487 : vector<16xi32> to vector<1x16xi32>
      tpu.vector_store %arg9[%swap3A_488, %swap3A_489], %swap3A_492 {strides = array<i32>} : memref<125x80xi32, #tpu.memory_space<vmem>>, vector<1x16xi32>,
    }
    %scan3A_23 = arith.constant 125 : i32
    %mul3A = arith.constant 208 : i32
    %mul3A_24 = arith.muli %arg1, %mul3A : i32
    "tpu.region"() ({
      %run_scoped3A_429 = tpu.sem_alloc : memref<!tpu.dma_semaphore, #tpu.memory_space<semaphore_mem>>
      %dma_start3A = arith.constant 0 : i32
      %dma_start3A_430 = tpu.memref_slice %arg12[%mul3A_24, %dma_start3A] : memref<3344x128xf32, #tpu.memory_space<vmem_shared>> -> memref<208x128xf32, #tpu.memory_space<vmem_shared>>
      %dma_start3A_431 = arith.constant 0 : i32
      %dma_start3A_432 = tpu.memref_slice %arg12[%mul3A_24, %dma_start3A_431] : memref<3344x128xf32, #tpu.memory_space<vmem_shared>> -> memref<208x128xf32, #tpu.memory_space<vmem_shared>>
      tpu.enqueue_dma source(%arg11 : memref<208x128xf32, #tpu.memory_space<vmem>>) target(%dma_start3A_432 : memref<208x128xf32, #tpu.memory_space<vmem_shared>>) target_semaphore(%run_scoped3A_429 : memref<!tpu.dma_semaphore, #tpu.memory_space<semaphore_mem>>)
      %dma_wait3A = arith.constant 0 : i32
      %dma_wait3A_433 = tpu.memref_slice %arg12[%mul3A_24, %dma_wait3A] : memref<3344x128xf32, #tpu.memory_space<vmem_shared>> -> memref<208x128xf32, #tpu.memory_space<vmem_shared>>
      %dma_wait3A_434 = arith.constant 0 : i32
      %dma_wait3A_435 = tpu.memref_slice %arg12[%mul3A_24, %dma_wait3A_434] : memref<3344x128xf32, #tpu.memory_space<vmem_shared>> -> memref<208x128xf32, #tpu.memory_space<vmem_shared>>
      tpu.wait_dma2 semaphore(%run_scoped3A_429 : memref<!tpu.dma_semaphore, #tpu.memory_space<semaphore_mem>>) src(%arg11 : memref<208x128xf32, #tpu.memory_space<vmem>>) dst(%dma_wait3A_435 : memref<208x128xf32, #tpu.memory_space<vmem_shared>>)
      tpu.yield
    }) : () -> ()
    %eq3A = arith.constant 15 : i32
    %eq3A_25 = arith.cmpi eq, %arg1, %eq3A : i32
    %convert_element_type3A = arith.extui %eq3A_25 : i1 to i32
    %cond3A = arith.constant 0 : i32
    %cond3A_26 = arith.cmpi ne, %convert_element_type3A, %cond3A : i32
    scf.if %cond3A_26 {
      "tpu.region"() ({
        %run_scoped3A_429 = tpu.sem_alloc : memref<!tpu.dma_semaphore, #tpu.memory_space<semaphore_mem>>
        %dma_start3A = arith.constant 0 : i32
        %dma_start3A_430 = arith.constant 0 : i32
        %dma_start3A_431 = tpu.memref_slice %arg11[%dma_start3A, %dma_start3A_430] : memref<208x128xf32, #tpu.memory_space<vmem>> -> memref<8x128xf32, #tpu.memory_space<vmem>>
        %dma_start3A_432 = arith.constant 3328 : i32
        %dma_start3A_433 = arith.constant 0 : i32
        %dma_start3A_434 = tpu.memref_slice %arg12[%dma_start3A_432, %dma_start3A_433] : memref<3344x128xf32, #tpu.memory_space<vmem_shared>> -> memref<8x128xf32, #tpu.memory_space<vmem_shared>>
        %dma_start3A_435 = arith.constant 3328 : i32
        %dma_start3A_436 = arith.constant 0 : i32
        %dma_start3A_437 = tpu.memref_slice %arg12[%dma_start3A_435, %dma_start3A_436] : memref<3344x128xf32, #tpu.memory_space<vmem_shared>> -> memref<8x128xf32, #tpu.memory_space<vmem_shared>>
        %dma_start3A_438 = arith.constant 0 : i32
        %dma_start3A_439 = arith.constant 0 : i32
        %dma_start3A_440 = tpu.memref_slice %arg11[%dma_start3A_438, %dma_start3A_439] : memref<208x128xf32, #tpu.memory_space<vmem>> -> memref<8x128xf32, #tpu.memory_space<vmem>>
        tpu.enqueue_dma source(%dma_start3A_440 : memref<8x128xf32, #tpu.memory_space<vmem>>) target(%dma_start3A_437 : memref<8x128xf32, #tpu.memory_space<vmem_shared>>) target_semaphore(%run_scoped3A_429 : memref<!tpu.dma_semaphore, #tpu.memory_space<semaphore_mem>>)
        %dma_wait3A = arith.constant 0 : i32
        %dma_wait3A_441 = arith.constant 0 : i32
        %dma_wait3A_442 = tpu.memref_slice %arg11[%dma_wait3A, %dma_wait3A_441] : memref<208x128xf32, #tpu.memory_space<vmem>> -> memref<8x128xf32, #tpu.memory_space<vmem>>
        %dma_wait3A_443 = arith.constant 3328 : i32
        %dma_wait3A_444 = arith.constant 0 : i32
        %dma_wait3A_445 = tpu.memref_slice %arg12[%dma_wait3A_443, %dma_wait3A_444] : memref<3344x128xf32, #tpu.memory_space<vmem_shared>> -> memref<8x128xf32, #tpu.memory_space<vmem_shared>>
        %dma_wait3A_446 = arith.constant 3328 : i32
        %dma_wait3A_447 = arith.constant 0 : i32
        %dma_wait3A_448 = tpu.memref_slice %arg12[%dma_wait3A_446, %dma_wait3A_447] : memref<3344x128xf32, #tpu.memory_space<vmem_shared>> -> memref<8x128xf32, #tpu.memory_space<vmem_shared>>
        %dma_wait3A_449 = arith.constant 0 : i32
        %dma_wait3A_450 = arith.constant 0 : i32
        %dma_wait3A_451 = tpu.memref_slice %arg11[%dma_wait3A_449, %dma_wait3A_450] : memref<208x128xf32, #tpu.memory_space<vmem>> -> memref<8x128xf32, #tpu.memory_space<vmem>>
        tpu.wait_dma2 semaphore(%run_scoped3A_429 : memref<!tpu.dma_semaphore, #tpu.memory_space<semaphore_mem>>) src(%dma_wait3A_451 : memref<8x128xf32, #tpu.memory_space<vmem>>) dst(%dma_wait3A_448 : memref<8x128xf32, #tpu.memory_space<vmem_shared>>)
        tpu.yield
      }) : () -> ()
    } else {
    }
    %barrier3A = arith.constant 0 : index
    tpu.barrier barrier_id(%barrier3A)
    %scan3A_27 = arith.constant 0 : i32
    %scan3A_28 = arith.constant 0 : i32
    %scan3A_29 = arith.constant 125 : i32
    %scan3A_30 = arith.addi %scan3A_28, %scan3A_29 : i32
    %scan3A_31 = arith.constant 1 : i32
    scf.for %scan3A_429 = %scan3A_28 to %scan3A_30 step %scan3A_31  : i32 {
      %dma_start3A = arith.constant 0 : i32
      %dma_start3A_430 = tpu.memref_slice %arg8[%scan3A_429, %dma_start3A] : memref<125x80xi32, #tpu.memory_space<vmem>> -> memref<1x80xi32, #tpu.memory_space<vmem>>
      %dma_start3A_431 = tpu.memref_squeeze %dma_start3A_430 : memref<1x80xi32, #tpu.memory_space<vmem>> -> memref<80xi32, #tpu.memory_space<vmem>>
      %dma_start3A_432 = arith.constant 0 : i32
      %dma_start3A_433 = arith.constant 0 : i32
      %dma_start3A_434 = tpu.memref_slice %arg2[%dma_start3A_432, %dma_start3A_433] : memref<40000x128xf32, #tpu.memory_space<hbm>> -> memref<40000x128xf32, #tpu.memory_space<hbm>>
      tpu.enqueue_indirect_dma source(%dma_start3A_434 : memref<40000x128xf32, #tpu.memory_space<hbm>>) target(%arg10 : memref<80x128xf32, #tpu.memory_space<vmem>>) offsets(%dma_start3A_431 : memref<80xi32, #tpu.memory_space<vmem>>) semaphore(%arg13 : memref<!tpu.dma_semaphore, #tpu.memory_space<semaphore_mem>>)
      %dma_wait3A = arith.constant 0 : i32
      %dma_wait3A_435 = tpu.memref_slice %arg8[%scan3A_429, %dma_wait3A] : memref<125x80xi32, #tpu.memory_space<vmem>> -> memref<1x80xi32, #tpu.memory_space<vmem>>
      %dma_wait3A_436 = tpu.memref_squeeze %dma_wait3A_435 : memref<1x80xi32, #tpu.memory_space<vmem>> -> memref<80xi32, #tpu.memory_space<vmem>>
      %dma_wait3A_437 = arith.constant 0 : i32
      %dma_wait3A_438 = arith.constant 0 : i32
      %dma_wait3A_439 = tpu.memref_slice %arg2[%dma_wait3A_437, %dma_wait3A_438] : memref<40000x128xf32, #tpu.memory_space<hbm>> -> memref<40000x128xf32, #tpu.memory_space<hbm>>
      tpu.wait_indirect_dma semaphore(%arg13 : memref<!tpu.dma_semaphore, #tpu.memory_space<semaphore_mem>>) src(%dma_wait3A_439 : memref<40000x128xf32, #tpu.memory_space<hbm>>) dst(%arg10 : memref<80x128xf32, #tpu.memory_space<vmem>>)
      "tpu.region"() ({
        %run_scoped3A_440 = tpu.sem_alloc : memref<!tpu.dma_semaphore, #tpu.memory_space<semaphore_mem>>
        %dma_start3A_441 = arith.constant 0 : i32
        %dma_start3A_442 = tpu.memref_slice %arg9[%scan3A_429, %dma_start3A_441] : memref<125x80xi32, #tpu.memory_space<vmem>> -> memref<1x80xi32, #tpu.memory_space<vmem>>
        %dma_start3A_443 = tpu.memref_squeeze %dma_start3A_442 : memref<1x80xi32, #tpu.memory_space<vmem>> -> memref<80xi32, #tpu.memory_space<vmem>>
        %dma_start3A_444 = arith.constant 0 : i32
        %dma_start3A_445 = arith.constant 0 : i32
        %dma_start3A_446 = tpu.memref_slice %arg12[%dma_start3A_444, %dma_start3A_445] : memref<3344x128xf32, #tpu.memory_space<vmem_shared>> -> memref<3344x128xf32, #tpu.memory_space<vmem_shared>>
        tpu.enqueue_indirect_dma source(%arg10 : memref<80x128xf32, #tpu.memory_space<vmem>>) target(%dma_start3A_446 : memref<3344x128xf32, #tpu.memory_space<vmem_shared>>) offsets(%dma_start3A_443 : memref<80xi32, #tpu.memory_space<vmem>>) semaphore(%run_scoped3A_440 : memref<!tpu.dma_semaphore, #tpu.memory_space<semaphore_mem>>) {add = true}
        %dma_wait3A_447 = arith.constant 0 : i32
        %dma_wait3A_448 = tpu.memref_slice %arg9[%scan3A_429, %dma_wait3A_447] : memref<125x80xi32, #tpu.memory_space<vmem>> -> memref<1x80xi32, #tpu.memory_space<vmem>>
        %dma_wait3A_449 = tpu.memref_squeeze %dma_wait3A_448 : memref<1x80xi32, #tpu.memory_space<vmem>> -> memref<80xi32, #tpu.memory_space<vmem>>
        %dma_wait3A_450 = arith.constant 0 : i32
        %dma_wait3A_451 = arith.constant 0 : i32
        %dma_wait3A_452 = tpu.memref_slice %arg12[%dma_wait3A_450, %dma_wait3A_451] : memref<3344x128xf32, #tpu.memory_space<vmem_shared>> -> memref<3344x128xf32, #tpu.memory_space<vmem_shared>>
        tpu.wait_indirect_dma semaphore(%run_scoped3A_440 : memref<!tpu.dma_semaphore, #tpu.memory_space<semaphore_mem>>) src(%arg10 : memref<80x128xf32, #tpu.memory_space<vmem>>) dst(%dma_wait3A_452 : memref<3344x128xf32, #tpu.memory_space<vmem_shared>>)
        tpu.yield
      }) : () -> ()
    }
    %scan3A_32 = arith.constant 125 : i32
    %barrier3A_33 = arith.constant 0 : index
    tpu.barrier barrier_id(%barrier3A_33)
    %mul3A_34 = arith.constant 208 : i32
    %mul3A_35 = arith.muli %arg1, %mul3A_34 : i32
    %mul3A_36 = arith.constant 208 : i32
    %mul3A_37 = arith.muli %arg1, %mul3A_36 : i32
    %add3A = arith.constant 0 : i32
    %add3A_38 = arith.addi %add3A, %mul3A_37 : i32
    %run_scoped3A = arith.constant 0 : i32
    "tpu.region"() ({
      %run_scoped3A_429 = tpu.sem_alloc : memref<!tpu.dma_semaphore, #tpu.memory_space<semaphore_mem>>
      %dma_start3A = arith.constant 0 : i32
      %dma_start3A_430 = arith.constant 0 : i32
      %dma_start3A_431 = tpu.memref_slice %arg5[%run_scoped3A, %dma_start3A, %dma_start3A_430] : memref<4x10000x128xf32, #tpu.memory_space<hbm>> -> memref<1x10000x128xf32, #tpu.memory_space<hbm>>
      %dma_start3A_432 = tpu.memref_squeeze %dma_start3A_431 : memref<1x10000x128xf32, #tpu.memory_space<hbm>> -> memref<10000x128xf32, #tpu.memory_space<hbm>>
      %dma_start3A_433 = arith.constant 0 : i32
      %dma_start3A_434 = tpu.memref_slice %dma_start3A_432[%add3A_38, %dma_start3A_433] : memref<10000x128xf32, #tpu.memory_space<hbm>> -> memref<208x128xf32, #tpu.memory_space<hbm>>
      %dma_start3A_435 = arith.constant 0 : i32
      %dma_start3A_436 = tpu.memref_slice %arg12[%mul3A_35, %dma_start3A_435] : memref<3344x128xf32, #tpu.memory_space<vmem_shared>> -> memref<208x128xf32, #tpu.memory_space<vmem_shared>>
      tpu.enqueue_dma source(%dma_start3A_436 : memref<208x128xf32, #tpu.memory_space<vmem_shared>>) target(%dma_start3A_434 : memref<208x128xf32, #tpu.memory_space<hbm>>) target_semaphore(%run_scoped3A_429 : memref<!tpu.dma_semaphore, #tpu.memory_space<semaphore_mem>>)
      %dma_wait3A = arith.constant 0 : i32
      %dma_wait3A_437 = arith.constant 0 : i32
      %dma_wait3A_438 = tpu.memref_slice %arg5[%run_scoped3A, %dma_wait3A, %dma_wait3A_437] : memref<4x10000x128xf32, #tpu.memory_space<hbm>> -> memref<1x10000x128xf32, #tpu.memory_space<hbm>>
      %dma_wait3A_439 = tpu.memref_squeeze %dma_wait3A_438 : memref<1x10000x128xf32, #tpu.memory_space<hbm>> -> memref<10000x128xf32, #tpu.memory_space<hbm>>
      %dma_wait3A_440 = arith.constant 0 : i32
      %dma_wait3A_441 = tpu.memref_slice %dma_wait3A_439[%add3A_38, %dma_wait3A_440] : memref<10000x128xf32, #tpu.memory_space<hbm>> -> memref<208x128xf32, #tpu.memory_space<hbm>>
      %dma_wait3A_442 = arith.constant 0 : i32
      %dma_wait3A_443 = tpu.memref_slice %arg12[%mul3A_35, %dma_wait3A_442] : memref<3344x128xf32, #tpu.memory_space<vmem_shared>> -> memref<208x128xf32, #tpu.memory_space<vmem_shared>>
      tpu.wait_dma2 semaphore(%run_scoped3A_429 : memref<!tpu.dma_semaphore, #tpu.memory_space<semaphore_mem>>) src(%dma_wait3A_443 : memref<208x128xf32, #tpu.memory_space<vmem_shared>>) dst(%dma_wait3A_441 : memref<208x128xf32, #tpu.memory_space<hbm>>)
      tpu.yield
    }) : () -> ()
    %eq3A_39 = arith.constant 15 : i32
    %eq3A_40 = arith.cmpi eq, %arg1, %eq3A_39 : i32
    %convert_element_type3A_41 = arith.extui %eq3A_40 : i1 to i32
    %cond3A_42 = arith.constant 0 : i32
    %cond3A_43 = arith.cmpi ne, %convert_element_type3A_41, %cond3A_42 : i32
    scf.if %cond3A_43 {
      %run_scoped3A_429 = arith.constant 0 : i32
      "tpu.region"() ({
        %run_scoped3A_430 = tpu.sem_alloc : memref<!tpu.dma_semaphore, #tpu.memory_space<semaphore_mem>>
        %dma_start3A = arith.constant 0 : i32
        %dma_start3A_431 = arith.constant 0 : i32
        %dma_start3A_432 = tpu.memref_slice %arg5[%run_scoped3A_429, %dma_start3A, %dma_start3A_431] : memref<4x10000x128xf32, #tpu.memory_space<hbm>> -> memref<1x10000x128xf32, #tpu.memory_space<hbm>>
        %dma_start3A_433 = tpu.memref_squeeze %dma_start3A_432 : memref<1x10000x128xf32, #tpu.memory_space<hbm>> -> memref<10000x128xf32, #tpu.memory_space<hbm>>
        %dma_start3A_434 = arith.constant 3328 : i32
        %dma_start3A_435 = arith.constant 0 : i32
        %dma_start3A_436 = tpu.memref_slice %dma_start3A_433[%dma_start3A_434, %dma_start3A_435] : memref<10000x128xf32, #tpu.memory_space<hbm>> -> memref<8x128xf32, #tpu.memory_space<hbm>>
        %dma_start3A_437 = arith.constant 3328 : i32
        %dma_start3A_438 = arith.constant 0 : i32
        %dma_start3A_439 = tpu.memref_slice %arg12[%dma_start3A_437, %dma_start3A_438] : memref<3344x128xf32, #tpu.memory_space<vmem_shared>> -> memref<8x128xf32, #tpu.memory_space<vmem_shared>>
        tpu.enqueue_dma source(%dma_start3A_439 : memref<8x128xf32, #tpu.memory_space<vmem_shared>>) target(%dma_start3A_436 : memref<8x128xf32, #tpu.memory_space<hbm>>) target_semaphore(%run_scoped3A_430 : memref<!tpu.dma_semaphore, #tpu.memory_space<semaphore_mem>>)
        %dma_wait3A = arith.constant 0 : i32
        %dma_wait3A_440 = arith.constant 0 : i32
        %dma_wait3A_441 = tpu.memref_slice %arg5[%run_scoped3A_429, %dma_wait3A, %dma_wait3A_440] : memref<4x10000x128xf32, #tpu.memory_space<hbm>> -> memref<1x10000x128xf32, #tpu.memory_space<hbm>>
        %dma_wait3A_442 = tpu.memref_squeeze %dma_wait3A_441 : memref<1x10000x128xf32, #tpu.memory_space<hbm>> -> memref<10000x128xf32, #tpu.memory_space<hbm>>
        %dma_wait3A_443 = arith.constant 3328 : i32
        %dma_wait3A_444 = arith.constant 0 : i32
        %dma_wait3A_445 = tpu.memref_slice %dma_wait3A_442[%dma_wait3A_443, %dma_wait3A_444] : memref<10000x128xf32, #tpu.memory_space<hbm>> -> memref<8x128xf32, #tpu.memory_space<hbm>>
        %dma_wait3A_446 = arith.constant 3328 : i32
        %dma_wait3A_447 = arith.constant 0 : i32
        %dma_wait3A_448 = tpu.memref_slice %arg12[%dma_wait3A_446, %dma_wait3A_447] : memref<3344x128xf32, #tpu.memory_space<vmem_shared>> -> memref<8x128xf32, #tpu.memory_space<vmem_shared>>
        tpu.wait_dma2 semaphore(%run_scoped3A_430 : memref<!tpu.dma_semaphore, #tpu.memory_space<semaphore_mem>>) src(%dma_wait3A_448 : memref<8x128xf32, #tpu.memory_space<vmem_shared>>) dst(%dma_wait3A_445 : memref<8x128xf32, #tpu.memory_space<hbm>>)
        tpu.yield
      }) : () -> ()
    } else {
    }
    %broadcast_in_dim3A_44 = arith.constant 3336 : i32
    %broadcast_in_dim3A_45 = vector.broadcast %broadcast_in_dim3A_44 : i32 to vector<16xi32>
    %broadcast_in_dim3A_46 = arith.constant 6672 : i32
    %broadcast_in_dim3A_47 = vector.broadcast %broadcast_in_dim3A_46 : i32 to vector<16xi32>
    %scan3A_48 = arith.constant 0 : i32
    %scan3A_49 = arith.constant 0 : i32
    %scan3A_50 = arith.constant 125 : i32
    %scan3A_51 = arith.addi %scan3A_49, %scan3A_50 : i32
    %scan3A_52 = arith.constant 1 : i32
    scf.for %scan3A_429 = %scan3A_49 to %scan3A_51 step %scan3A_52  : i32 {
      %get3A = arith.index_cast %scan3A_429 : i32 to index
      %get3A_430 = arith.constant 0 : index
      %get3A_431 = tpu.vector_load %arg7[%get3A, %get3A_430] {strides = array<i32>} : memref<125x80xi32, #tpu.memory_space<vmem>>, vector<1x16xi32>,
      %get3A_432 = vector.shape_cast %get3A_431 : vector<1x16xi32> to vector<16xi32>
      %lt3A = arith.cmpi slt, %get3A_432, %broadcast_in_dim3A_45 : vector<16xi32>
      %ge3A = arith.cmpi sge, %get3A_432, %broadcast_in_dim3A_47 : vector<16xi32>
      %or3A = arith.ori %lt3A, %ge3A : vector<16xi1>
      %sub3A = arith.subi %get3A_432, %broadcast_in_dim3A_45 : vector<16xi32>
      %select_n3A = arith.select %or3A, %broadcast_in_dim3A_7, %sub3A : vector<16xi1>, vector<16xi32>
      %swap3A = arith.index_cast %scan3A_429 : i32 to index
      %swap3A_433 = arith.constant 0 : index
      %swap3A_434 = tpu.vector_load %arg9[%swap3A, %swap3A_433] {strides = array<i32>} : memref<125x80xi32, #tpu.memory_space<vmem>>, vector<1x16xi32>,
      %swap3A_435 = vector.shape_cast %swap3A_434 : vector<1x16xi32> to vector<16xi32>
      %swap3A_436 = vector.shape_cast %select_n3A : vector<16xi32> to vector<1x16xi32>
      tpu.vector_store %arg9[%swap3A, %swap3A_433], %swap3A_436 {strides = array<i32>} : memref<125x80xi32, #tpu.memory_space<vmem>>, vector<1x16xi32>,
      %get3A_437 = arith.index_cast %scan3A_429 : i32 to index
      %get3A_438 = arith.constant 16 : index
      %get3A_439 = tpu.vector_load %arg7[%get3A_437, %get3A_438] {strides = array<i32>} : memref<125x80xi32, #tpu.memory_space<vmem>>, vector<1x16xi32>,
      %get3A_440 = vector.shape_cast %get3A_439 : vector<1x16xi32> to vector<16xi32>
      %lt3A_441 = arith.cmpi slt, %get3A_440, %broadcast_in_dim3A_45 : vector<16xi32>
      %ge3A_442 = arith.cmpi sge, %get3A_440, %broadcast_in_dim3A_47 : vector<16xi32>
      %or3A_443 = arith.ori %lt3A_441, %ge3A_442 : vector<16xi1>
      %sub3A_444 = arith.subi %get3A_440, %broadcast_in_dim3A_45 : vector<16xi32>
      %select_n3A_445 = arith.select %or3A_443, %broadcast_in_dim3A_7, %sub3A_444 : vector<16xi1>, vector<16xi32>
      %swap3A_446 = arith.index_cast %scan3A_429 : i32 to index
      %swap3A_447 = arith.constant 16 : index
      %swap3A_448 = tpu.vector_load %arg9[%swap3A_446, %swap3A_447] {strides = array<i32>} : memref<125x80xi32, #tpu.memory_space<vmem>>, vector<1x16xi32>,
      %swap3A_449 = vector.shape_cast %swap3A_448 : vector<1x16xi32> to vector<16xi32>
      %swap3A_450 = vector.shape_cast %select_n3A_445 : vector<16xi32> to vector<1x16xi32>
      tpu.vector_store %arg9[%swap3A_446, %swap3A_447], %swap3A_450 {strides = array<i32>} : memref<125x80xi32, #tpu.memory_space<vmem>>, vector<1x16xi32>,
      %get3A_451 = arith.index_cast %scan3A_429 : i32 to index
      %get3A_452 = arith.constant 32 : index
      %get3A_453 = tpu.vector_load %arg7[%get3A_451, %get3A_452] {strides = array<i32>} : memref<125x80xi32, #tpu.memory_space<vmem>>, vector<1x16xi32>,
      %get3A_454 = vector.shape_cast %get3A_453 : vector<1x16xi32> to vector<16xi32>
      %lt3A_455 = arith.cmpi slt, %get3A_454, %broadcast_in_dim3A_45 : vector<16xi32>
      %ge3A_456 = arith.cmpi sge, %get3A_454, %broadcast_in_dim3A_47 : vector<16xi32>
      %or3A_457 = arith.ori %lt3A_455, %ge3A_456 : vector<16xi1>
      %sub3A_458 = arith.subi %get3A_454, %broadcast_in_dim3A_45 : vector<16xi32>
      %select_n3A_459 = arith.select %or3A_457, %broadcast_in_dim3A_7, %sub3A_458 : vector<16xi1>, vector<16xi32>
      %swap3A_460 = arith.index_cast %scan3A_429 : i32 to index
      %swap3A_461 = arith.constant 32 : index
      %swap3A_462 = tpu.vector_load %arg9[%swap3A_460, %swap3A_461] {strides = array<i32>} : memref<125x80xi32, #tpu.memory_space<vmem>>, vector<1x16xi32>,
      %swap3A_463 = vector.shape_cast %swap3A_462 : vector<1x16xi32> to vector<16xi32>
      %swap3A_464 = vector.shape_cast %select_n3A_459 : vector<16xi32> to vector<1x16xi32>
      tpu.vector_store %arg9[%swap3A_460, %swap3A_461], %swap3A_464 {strides = array<i32>} : memref<125x80xi32, #tpu.memory_space<vmem>>, vector<1x16xi32>,
      %get3A_465 = arith.index_cast %scan3A_429 : i32 to index
      %get3A_466 = arith.constant 48 : index
      %get3A_467 = tpu.vector_load %arg7[%get3A_465, %get3A_466] {strides = array<i32>} : memref<125x80xi32, #tpu.memory_space<vmem>>, vector<1x16xi32>,
      %get3A_468 = vector.shape_cast %get3A_467 : vector<1x16xi32> to vector<16xi32>
      %lt3A_469 = arith.cmpi slt, %get3A_468, %broadcast_in_dim3A_45 : vector<16xi32>
      %ge3A_470 = arith.cmpi sge, %get3A_468, %broadcast_in_dim3A_47 : vector<16xi32>
      %or3A_471 = arith.ori %lt3A_469, %ge3A_470 : vector<16xi1>
      %sub3A_472 = arith.subi %get3A_468, %broadcast_in_dim3A_45 : vector<16xi32>
      %select_n3A_473 = arith.select %or3A_471, %broadcast_in_dim3A_7, %sub3A_472 : vector<16xi1>, vector<16xi32>
      %swap3A_474 = arith.index_cast %scan3A_429 : i32 to index
      %swap3A_475 = arith.constant 48 : index
      %swap3A_476 = tpu.vector_load %arg9[%swap3A_474, %swap3A_475] {strides = array<i32>} : memref<125x80xi32, #tpu.memory_space<vmem>>, vector<1x16xi32>,
      %swap3A_477 = vector.shape_cast %swap3A_476 : vector<1x16xi32> to vector<16xi32>
      %swap3A_478 = vector.shape_cast %select_n3A_473 : vector<16xi32> to vector<1x16xi32>
      tpu.vector_store %arg9[%swap3A_474, %swap3A_475], %swap3A_478 {strides = array<i32>} : memref<125x80xi32, #tpu.memory_space<vmem>>, vector<1x16xi32>,
      %get3A_479 = arith.index_cast %scan3A_429 : i32 to index
      %get3A_480 = arith.constant 64 : index
      %get3A_481 = tpu.vector_load %arg7[%get3A_479, %get3A_480] {strides = array<i32>} : memref<125x80xi32, #tpu.memory_space<vmem>>, vector<1x16xi32>,
      %get3A_482 = vector.shape_cast %get3A_481 : vector<1x16xi32> to vector<16xi32>
      %lt3A_483 = arith.cmpi slt, %get3A_482, %broadcast_in_dim3A_45 : vector<16xi32>
      %ge3A_484 = arith.cmpi sge, %get3A_482, %broadcast_in_dim3A_47 : vector<16xi32>
      %or3A_485 = arith.ori %lt3A_483, %ge3A_484 : vector<16xi1>
      %sub3A_486 = arith.subi %get3A_482, %broadcast_in_dim3A_45 : vector<16xi32>
      %select_n3A_487 = arith.select %or3A_485, %broadcast_in_dim3A_7, %sub3A_486 : vector<16xi1>, vector<16xi32>
      %swap3A_488 = arith.index_cast %scan3A_429 : i32 to index
      %swap3A_489 = arith.constant 64 : index
      %swap3A_490 = tpu.vector_load %arg9[%swap3A_488, %swap3A_489] {strides = array<i32>} : memref<125x80xi32, #tpu.memory_space<vmem>>, vector<1x16xi32>,
      %swap3A_491 = vector.shape_cast %swap3A_490 : vector<1x16xi32> to vector<16xi32>
      %swap3A_492 = vector.shape_cast %select_n3A_487 : vector<16xi32> to vector<1x16xi32>
      tpu.vector_store %arg9[%swap3A_488, %swap3A_489], %swap3A_492 {strides = array<i32>} : memref<125x80xi32, #tpu.memory_space<vmem>>, vector<1x16xi32>,
    }
    %scan3A_53 = arith.constant 125 : i32
    %mul3A_54 = arith.constant 208 : i32
    %mul3A_55 = arith.muli %arg1, %mul3A_54 : i32
    "tpu.region"() ({
      %run_scoped3A_429 = tpu.sem_alloc : memref<!tpu.dma_semaphore, #tpu.memory_space<semaphore_mem>>
      %dma_start3A = arith.constant 0 : i32
      %dma_start3A_430 = tpu.memref_slice %arg12[%mul3A_55, %dma_start3A] : memref<3344x128xf32, #tpu.memory_space<vmem_shared>> -> memref<208x128xf32, #tpu.memory_space<vmem_shared>>
      %dma_start3A_431 = arith.constant 0 : i32
      %dma_start3A_432 = tpu.memref_slice %arg12[%mul3A_55, %dma_start3A_431] : memref<3344x128xf32, #tpu.memory_space<vmem_shared>> -> memref<208x128xf32, #tpu.memory_space<vmem_shared>>
      tpu.enqueue_dma source(%arg11 : memref<208x128xf32, #tpu.memory_space<vmem>>) target(%dma_start3A_432 : memref<208x128xf32, #tpu.memory_space<vmem_shared>>) target_semaphore(%run_scoped3A_429 : memref<!tpu.dma_semaphore, #tpu.memory_space<semaphore_mem>>)
      %dma_wait3A = arith.constant 0 : i32
      %dma_wait3A_433 = tpu.memref_slice %arg12[%mul3A_55, %dma_wait3A] : memref<3344x128xf32, #tpu.memory_space<vmem_shared>> -> memref<208x128xf32, #tpu.memory_space<vmem_shared>>
      %dma_wait3A_434 = arith.constant 0 : i32
      %dma_wait3A_435 = tpu.memref_slice %arg12[%mul3A_55, %dma_wait3A_434] : memref<3344x128xf32, #tpu.memory_space<vmem_shared>> -> memref<208x128xf32, #tpu.memory_space<vmem_shared>>
      tpu.wait_dma2 semaphore(%run_scoped3A_429 : memref<!tpu.dma_semaphore, #tpu.memory_space<semaphore_mem>>) src(%arg11 : memref<208x128xf32, #tpu.memory_space<vmem>>) dst(%dma_wait3A_435 : memref<208x128xf32, #tpu.memory_space<vmem_shared>>)
      tpu.yield
    }) : () -> ()
    %eq3A_56 = arith.constant 15 : i32
    %eq3A_57 = arith.cmpi eq, %arg1, %eq3A_56 : i32
    %convert_element_type3A_58 = arith.extui %eq3A_57 : i1 to i32
    %cond3A_59 = arith.constant 0 : i32
    %cond3A_60 = arith.cmpi ne, %convert_element_type3A_58, %cond3A_59 : i32
    scf.if %cond3A_60 {
      "tpu.region"() ({
        %run_scoped3A_429 = tpu.sem_alloc : memref<!tpu.dma_semaphore, #tpu.memory_space<semaphore_mem>>
        %dma_start3A = arith.constant 0 : i32
        %dma_start3A_430 = arith.constant 0 : i32
        %dma_start3A_431 = tpu.memref_slice %arg11[%dma_start3A, %dma_start3A_430] : memref<208x128xf32, #tpu.memory_space<vmem>> -> memref<8x128xf32, #tpu.memory_space<vmem>>
        %dma_start3A_432 = arith.constant 3328 : i32
        %dma_start3A_433 = arith.constant 0 : i32
        %dma_start3A_434 = tpu.memref_slice %arg12[%dma_start3A_432, %dma_start3A_433] : memref<3344x128xf32, #tpu.memory_space<vmem_shared>> -> memref<8x128xf32, #tpu.memory_space<vmem_shared>>
        %dma_start3A_435 = arith.constant 3328 : i32
        %dma_start3A_436 = arith.constant 0 : i32
        %dma_start3A_437 = tpu.memref_slice %arg12[%dma_start3A_435, %dma_start3A_436] : memref<3344x128xf32, #tpu.memory_space<vmem_shared>> -> memref<8x128xf32, #tpu.memory_space<vmem_shared>>
        %dma_start3A_438 = arith.constant 0 : i32
        %dma_start3A_439 = arith.constant 0 : i32
        %dma_start3A_440 = tpu.memref_slice %arg11[%dma_start3A_438, %dma_start3A_439] : memref<208x128xf32, #tpu.memory_space<vmem>> -> memref<8x128xf32, #tpu.memory_space<vmem>>
        tpu.enqueue_dma source(%dma_start3A_440 : memref<8x128xf32, #tpu.memory_space<vmem>>) target(%dma_start3A_437 : memref<8x128xf32, #tpu.memory_space<vmem_shared>>) target_semaphore(%run_scoped3A_429 : memref<!tpu.dma_semaphore, #tpu.memory_space<semaphore_mem>>)
        %dma_wait3A = arith.constant 0 : i32
        %dma_wait3A_441 = arith.constant 0 : i32
        %dma_wait3A_442 = tpu.memref_slice %arg11[%dma_wait3A, %dma_wait3A_441] : memref<208x128xf32, #tpu.memory_space<vmem>> -> memref<8x128xf32, #tpu.memory_space<vmem>>
        %dma_wait3A_443 = arith.constant 3328 : i32
        %dma_wait3A_444 = arith.constant 0 : i32
        %dma_wait3A_445 = tpu.memref_slice %arg12[%dma_wait3A_443, %dma_wait3A_444] : memref<3344x128xf32, #tpu.memory_space<vmem_shared>> -> memref<8x128xf32, #tpu.memory_space<vmem_shared>>
        %dma_wait3A_446 = arith.constant 3328 : i32
        %dma_wait3A_447 = arith.constant 0 : i32
        %dma_wait3A_448 = tpu.memref_slice %arg12[%dma_wait3A_446, %dma_wait3A_447] : memref<3344x128xf32, #tpu.memory_space<vmem_shared>> -> memref<8x128xf32, #tpu.memory_space<vmem_shared>>
        %dma_wait3A_449 = arith.constant 0 : i32
        %dma_wait3A_450 = arith.constant 0 : i32
        %dma_wait3A_451 = tpu.memref_slice %arg11[%dma_wait3A_449, %dma_wait3A_450] : memref<208x128xf32, #tpu.memory_space<vmem>> -> memref<8x128xf32, #tpu.memory_space<vmem>>
        tpu.wait_dma2 semaphore(%run_scoped3A_429 : memref<!tpu.dma_semaphore, #tpu.memory_space<semaphore_mem>>) src(%dma_wait3A_451 : memref<8x128xf32, #tpu.memory_space<vmem>>) dst(%dma_wait3A_448 : memref<8x128xf32, #tpu.memory_space<vmem_shared>>)
        tpu.yield
      }) : () -> ()
    } else {
    }
    %barrier3A_61 = arith.constant 0 : index
    tpu.barrier barrier_id(%barrier3A_61)
    %scan3A_62 = arith.constant 0 : i32
    %scan3A_63 = arith.constant 0 : i32
    %scan3A_64 = arith.constant 125 : i32
    %scan3A_65 = arith.addi %scan3A_63, %scan3A_64 : i32
    %scan3A_66 = arith.constant 1 : i32
    scf.for %scan3A_429 = %scan3A_63 to %scan3A_65 step %scan3A_66  : i32 {
      %dma_start3A = arith.constant 0 : i32
      %dma_start3A_430 = tpu.memref_slice %arg8[%scan3A_429, %dma_start3A] : memref<125x80xi32, #tpu.memory_space<vmem>> -> memref<1x80xi32, #tpu.memory_space<vmem>>
      %dma_start3A_431 = tpu.memref_squeeze %dma_start3A_430 : memref<1x80xi32, #tpu.memory_space<vmem>> -> memref<80xi32, #tpu.memory_space<vmem>>
      %dma_start3A_432 = arith.constant 0 : i32
      %dma_start3A_433 = arith.constant 0 : i32
      %dma_start3A_434 = tpu.memref_slice %arg2[%dma_start3A_432, %dma_start3A_433] : memref<40000x128xf32, #tpu.memory_space<hbm>> -> memref<40000x128xf32, #tpu.memory_space<hbm>>
      tpu.enqueue_indirect_dma source(%dma_start3A_434 : memref<40000x128xf32, #tpu.memory_space<hbm>>) target(%arg10 : memref<80x128xf32, #tpu.memory_space<vmem>>) offsets(%dma_start3A_431 : memref<80xi32, #tpu.memory_space<vmem>>) semaphore(%arg13 : memref<!tpu.dma_semaphore, #tpu.memory_space<semaphore_mem>>)
      %dma_wait3A = arith.constant 0 : i32
      %dma_wait3A_435 = tpu.memref_slice %arg8[%scan3A_429, %dma_wait3A] : memref<125x80xi32, #tpu.memory_space<vmem>> -> memref<1x80xi32, #tpu.memory_space<vmem>>
      %dma_wait3A_436 = tpu.memref_squeeze %dma_wait3A_435 : memref<1x80xi32, #tpu.memory_space<vmem>> -> memref<80xi32, #tpu.memory_space<vmem>>
      %dma_wait3A_437 = arith.constant 0 : i32
      %dma_wait3A_438 = arith.constant 0 : i32
      %dma_wait3A_439 = tpu.memref_slice %arg2[%dma_wait3A_437, %dma_wait3A_438] : memref<40000x128xf32, #tpu.memory_space<hbm>> -> memref<40000x128xf32, #tpu.memory_space<hbm>>
      tpu.wait_indirect_dma semaphore(%arg13 : memref<!tpu.dma_semaphore, #tpu.memory_space<semaphore_mem>>) src(%dma_wait3A_439 : memref<40000x128xf32, #tpu.memory_space<hbm>>) dst(%arg10 : memref<80x128xf32, #tpu.memory_space<vmem>>)
      "tpu.region"() ({
        %run_scoped3A_440 = tpu.sem_alloc : memref<!tpu.dma_semaphore, #tpu.memory_space<semaphore_mem>>
        %dma_start3A_441 = arith.constant 0 : i32
        %dma_start3A_442 = tpu.memref_slice %arg9[%scan3A_429, %dma_start3A_441] : memref<125x80xi32, #tpu.memory_space<vmem>> -> memref<1x80xi32, #tpu.memory_space<vmem>>
        %dma_start3A_443 = tpu.memref_squeeze %dma_start3A_442 : memref<1x80xi32, #tpu.memory_space<vmem>> -> memref<80xi32, #tpu.memory_space<vmem>>
        %dma_start3A_444 = arith.constant 0 : i32
        %dma_start3A_445 = arith.constant 0 : i32
        %dma_start3A_446 = tpu.memref_slice %arg12[%dma_start3A_444, %dma_start3A_445] : memref<3344x128xf32, #tpu.memory_space<vmem_shared>> -> memref<3344x128xf32, #tpu.memory_space<vmem_shared>>
        tpu.enqueue_indirect_dma source(%arg10 : memref<80x128xf32, #tpu.memory_space<vmem>>) target(%dma_start3A_446 : memref<3344x128xf32, #tpu.memory_space<vmem_shared>>) offsets(%dma_start3A_443 : memref<80xi32, #tpu.memory_space<vmem>>) semaphore(%run_scoped3A_440 : memref<!tpu.dma_semaphore, #tpu.memory_space<semaphore_mem>>) {add = true}
        %dma_wait3A_447 = arith.constant 0 : i32
        %dma_wait3A_448 = tpu.memref_slice %arg9[%scan3A_429, %dma_wait3A_447] : memref<125x80xi32, #tpu.memory_space<vmem>> -> memref<1x80xi32, #tpu.memory_space<vmem>>
        %dma_wait3A_449 = tpu.memref_squeeze %dma_wait3A_448 : memref<1x80xi32, #tpu.memory_space<vmem>> -> memref<80xi32, #tpu.memory_space<vmem>>
        %dma_wait3A_450 = arith.constant 0 : i32
        %dma_wait3A_451 = arith.constant 0 : i32
        %dma_wait3A_452 = tpu.memref_slice %arg12[%dma_wait3A_450, %dma_wait3A_451] : memref<3344x128xf32, #tpu.memory_space<vmem_shared>> -> memref<3344x128xf32, #tpu.memory_space<vmem_shared>>
        tpu.wait_indirect_dma semaphore(%run_scoped3A_440 : memref<!tpu.dma_semaphore, #tpu.memory_space<semaphore_mem>>) src(%arg10 : memref<80x128xf32, #tpu.memory_space<vmem>>) dst(%dma_wait3A_452 : memref<3344x128xf32, #tpu.memory_space<vmem_shared>>)
        tpu.yield
      }) : () -> ()
    }
    %scan3A_67 = arith.constant 125 : i32
    %barrier3A_68 = arith.constant 0 : index
    tpu.barrier barrier_id(%barrier3A_68)
    %mul3A_69 = arith.constant 208 : i32
    %mul3A_70 = arith.muli %arg1, %mul3A_69 : i32
    %mul3A_71 = arith.constant 208 : i32
    %mul3A_72 = arith.muli %arg1, %mul3A_71 : i32
    %add3A_73 = arith.constant 3336 : i32
    %add3A_74 = arith.addi %add3A_73, %mul3A_72 : i32
    %run_scoped3A_75 = arith.constant 0 : i32
    "tpu.region"() ({
      %run_scoped3A_429 = tpu.sem_alloc : memref<!tpu.dma_semaphore, #tpu.memory_space<semaphore_mem>>
      %dma_start3A = arith.constant 0 : i32
      %dma_start3A_430 = arith.constant 0 : i32
      %dma_start3A_431 = tpu.memref_slice %arg5[%run_scoped3A_75, %dma_start3A, %dma_start3A_430] : memref<4x10000x128xf32, #tpu.memory_space<hbm>> -> memref<1x10000x128xf32, #tpu.memory_space<hbm>>
      %dma_start3A_432 = tpu.memref_squeeze %dma_start3A_431 : memref<1x10000x128xf32, #tpu.memory_space<hbm>> -> memref<10000x128xf32, #tpu.memory_space<hbm>>
      %dma_start3A_433 = arith.constant 0 : i32
      %dma_start3A_434 = tpu.memref_slice %dma_start3A_432[%add3A_74, %dma_start3A_433] : memref<10000x128xf32, #tpu.memory_space<hbm>> -> memref<208x128xf32, #tpu.memory_space<hbm>>
      %dma_start3A_435 = arith.constant 0 : i32
      %dma_start3A_436 = tpu.memref_slice %arg12[%mul3A_70, %dma_start3A_435] : memref<3344x128xf32, #tpu.memory_space<vmem_shared>> -> memref<208x128xf32, #tpu.memory_space<vmem_shared>>
      tpu.enqueue_dma source(%dma_start3A_436 : memref<208x128xf32, #tpu.memory_space<vmem_shared>>) target(%dma_start3A_434 : memref<208x128xf32, #tpu.memory_space<hbm>>) target_semaphore(%run_scoped3A_429 : memref<!tpu.dma_semaphore, #tpu.memory_space<semaphore_mem>>)
      %dma_wait3A = arith.constant 0 : i32
      %dma_wait3A_437 = arith.constant 0 : i32
      %dma_wait3A_438 = tpu.memref_slice %arg5[%run_scoped3A_75, %dma_wait3A, %dma_wait3A_437] : memref<4x10000x128xf32, #tpu.memory_space<hbm>> -> memref<1x10000x128xf32, #tpu.memory_space<hbm>>
      %dma_wait3A_439 = tpu.memref_squeeze %dma_wait3A_438 : memref<1x10000x128xf32, #tpu.memory_space<hbm>> -> memref<10000x128xf32, #tpu.memory_space<hbm>>
      %dma_wait3A_440 = arith.constant 0 : i32
      %dma_wait3A_441 = tpu.memref_slice %dma_wait3A_439[%add3A_74, %dma_wait3A_440] : memref<10000x128xf32, #tpu.memory_space<hbm>> -> memref<208x128xf32, #tpu.memory_space<hbm>>
      %dma_wait3A_442 = arith.constant 0 : i32
      %dma_wait3A_443 = tpu.memref_slice %arg12[%mul3A_70, %dma_wait3A_442] : memref<3344x128xf32, #tpu.memory_space<vmem_shared>> -> memref<208x128xf32, #tpu.memory_space<vmem_shared>>
      tpu.wait_dma2 semaphore(%run_scoped3A_429 : memref<!tpu.dma_semaphore, #tpu.memory_space<semaphore_mem>>) src(%dma_wait3A_443 : memref<208x128xf32, #tpu.memory_space<vmem_shared>>) dst(%dma_wait3A_441 : memref<208x128xf32, #tpu.memory_space<hbm>>)
      tpu.yield
    }) : () -> ()
    %eq3A_76 = arith.constant 15 : i32
    %eq3A_77 = arith.cmpi eq, %arg1, %eq3A_76 : i32
    %convert_element_type3A_78 = arith.extui %eq3A_77 : i1 to i32
    %cond3A_79 = arith.constant 0 : i32
    %cond3A_80 = arith.cmpi ne, %convert_element_type3A_78, %cond3A_79 : i32
    scf.if %cond3A_80 {
      %run_scoped3A_429 = arith.constant 0 : i32
      "tpu.region"() ({
        %run_scoped3A_430 = tpu.sem_alloc : memref<!tpu.dma_semaphore, #tpu.memory_space<semaphore_mem>>
        %dma_start3A = arith.constant 0 : i32
        %dma_start3A_431 = arith.constant 0 : i32
        %dma_start3A_432 = tpu.memref_slice %arg5[%run_scoped3A_429, %dma_start3A, %dma_start3A_431] : memref<4x10000x128xf32, #tpu.memory_space<hbm>> -> memref<1x10000x128xf32, #tpu.memory_space<hbm>>
        %dma_start3A_433 = tpu.memref_squeeze %dma_start3A_432 : memref<1x10000x128xf32, #tpu.memory_space<hbm>> -> memref<10000x128xf32, #tpu.memory_space<hbm>>
        %dma_start3A_434 = arith.constant 6664 : i32
        %dma_start3A_435 = arith.constant 0 : i32
        %dma_start3A_436 = tpu.memref_slice %dma_start3A_433[%dma_start3A_434, %dma_start3A_435] : memref<10000x128xf32, #tpu.memory_space<hbm>> -> memref<8x128xf32, #tpu.memory_space<hbm>>
        %dma_start3A_437 = arith.constant 3328 : i32
        %dma_start3A_438 = arith.constant 0 : i32
        %dma_start3A_439 = tpu.memref_slice %arg12[%dma_start3A_437, %dma_start3A_438] : memref<3344x128xf32, #tpu.memory_space<vmem_shared>> -> memref<8x128xf32, #tpu.memory_space<vmem_shared>>
        tpu.enqueue_dma source(%dma_start3A_439 : memref<8x128xf32, #tpu.memory_space<vmem_shared>>) target(%dma_start3A_436 : memref<8x128xf32, #tpu.memory_space<hbm>>) target_semaphore(%run_scoped3A_430 : memref<!tpu.dma_semaphore, #tpu.memory_space<semaphore_mem>>)
        %dma_wait3A = arith.constant 0 : i32
        %dma_wait3A_440 = arith.constant 0 : i32
        %dma_wait3A_441 = tpu.memref_slice %arg5[%run_scoped3A_429, %dma_wait3A, %dma_wait3A_440] : memref<4x10000x128xf32, #tpu.memory_space<hbm>> -> memref<1x10000x128xf32, #tpu.memory_space<hbm>>
        %dma_wait3A_442 = tpu.memref_squeeze %dma_wait3A_441 : memref<1x10000x128xf32, #tpu.memory_space<hbm>> -> memref<10000x128xf32, #tpu.memory_space<hbm>>
        %dma_wait3A_443 = arith.constant 6664 : i32
        %dma_wait3A_444 = arith.constant 0 : i32
        %dma_wait3A_445 = tpu.memref_slice %dma_wait3A_442[%dma_wait3A_443, %dma_wait3A_444] : memref<10000x128xf32, #tpu.memory_space<hbm>> -> memref<8x128xf32, #tpu.memory_space<hbm>>
        %dma_wait3A_446 = arith.constant 3328 : i32
        %dma_wait3A_447 = arith.constant 0 : i32
        %dma_wait3A_448 = tpu.memref_slice %arg12[%dma_wait3A_446, %dma_wait3A_447] : memref<3344x128xf32, #tpu.memory_space<vmem_shared>> -> memref<8x128xf32, #tpu.memory_space<vmem_shared>>
        tpu.wait_dma2 semaphore(%run_scoped3A_430 : memref<!tpu.dma_semaphore, #tpu.memory_space<semaphore_mem>>) src(%dma_wait3A_448 : memref<8x128xf32, #tpu.memory_space<vmem_shared>>) dst(%dma_wait3A_445 : memref<8x128xf32, #tpu.memory_space<hbm>>)
        tpu.yield
      }) : () -> ()
    } else {
    }
    %broadcast_in_dim3A_81 = arith.constant 6672 : i32
    %broadcast_in_dim3A_82 = vector.broadcast %broadcast_in_dim3A_81 : i32 to vector<16xi32>
    %broadcast_in_dim3A_83 = arith.constant 10000 : i32
    %broadcast_in_dim3A_84 = vector.broadcast %broadcast_in_dim3A_83 : i32 to vector<16xi32>
    %scan3A_85 = arith.constant 0 : i32
    %scan3A_86 = arith.constant 0 : i32
    %scan3A_87 = arith.constant 125 : i32
    %scan3A_88 = arith.addi %scan3A_86, %scan3A_87 : i32
    %scan3A_89 = arith.constant 1 : i32
    scf.for %scan3A_429 = %scan3A_86 to %scan3A_88 step %scan3A_89  : i32 {
      %get3A = arith.index_cast %scan3A_429 : i32 to index
      %get3A_430 = arith.constant 0 : index
      %get3A_431 = tpu.vector_load %arg7[%get3A, %get3A_430] {strides = array<i32>} : memref<125x80xi32, #tpu.memory_space<vmem>>, vector<1x16xi32>,
      %get3A_432 = vector.shape_cast %get3A_431 : vector<1x16xi32> to vector<16xi32>
      %lt3A = arith.cmpi slt, %get3A_432, %broadcast_in_dim3A_82 : vector<16xi32>
      %ge3A = arith.cmpi sge, %get3A_432, %broadcast_in_dim3A_84 : vector<16xi32>
      %or3A = arith.ori %lt3A, %ge3A : vector<16xi1>
      %sub3A = arith.subi %get3A_432, %broadcast_in_dim3A_82 : vector<16xi32>
      %select_n3A = arith.select %or3A, %broadcast_in_dim3A_7, %sub3A : vector<16xi1>, vector<16xi32>
      %swap3A = arith.index_cast %scan3A_429 : i32 to index
      %swap3A_433 = arith.constant 0 : index
      %swap3A_434 = tpu.vector_load %arg9[%swap3A, %swap3A_433] {strides = array<i32>} : memref<125x80xi32, #tpu.memory_space<vmem>>, vector<1x16xi32>,
      %swap3A_435 = vector.shape_cast %swap3A_434 : vector<1x16xi32> to vector<16xi32>
      %swap3A_436 = vector.shape_cast %select_n3A : vector<16xi32> to vector<1x16xi32>
      tpu.vector_store %arg9[%swap3A, %swap3A_433], %swap3A_436 {strides = array<i32>} : memref<125x80xi32, #tpu.memory_space<vmem>>, vector<1x16xi32>,
      %get3A_437 = arith.index_cast %scan3A_429 : i32 to index
      %get3A_438 = arith.constant 16 : index
      %get3A_439 = tpu.vector_load %arg7[%get3A_437, %get3A_438] {strides = array<i32>} : memref<125x80xi32, #tpu.memory_space<vmem>>, vector<1x16xi32>,
      %get3A_440 = vector.shape_cast %get3A_439 : vector<1x16xi32> to vector<16xi32>
      %lt3A_441 = arith.cmpi slt, %get3A_440, %broadcast_in_dim3A_82 : vector<16xi32>
      %ge3A_442 = arith.cmpi sge, %get3A_440, %broadcast_in_dim3A_84 : vector<16xi32>
      %or3A_443 = arith.ori %lt3A_441, %ge3A_442 : vector<16xi1>
      %sub3A_444 = arith.subi %get3A_440, %broadcast_in_dim3A_82 : vector<16xi32>
      %select_n3A_445 = arith.select %or3A_443, %broadcast_in_dim3A_7, %sub3A_444 : vector<16xi1>, vector<16xi32>
      %swap3A_446 = arith.index_cast %scan3A_429 : i32 to index
      %swap3A_447 = arith.constant 16 : index
      %swap3A_448 = tpu.vector_load %arg9[%swap3A_446, %swap3A_447] {strides = array<i32>} : memref<125x80xi32, #tpu.memory_space<vmem>>, vector<1x16xi32>,
      %swap3A_449 = vector.shape_cast %swap3A_448 : vector<1x16xi32> to vector<16xi32>
      %swap3A_450 = vector.shape_cast %select_n3A_445 : vector<16xi32> to vector<1x16xi32>
      tpu.vector_store %arg9[%swap3A_446, %swap3A_447], %swap3A_450 {strides = array<i32>} : memref<125x80xi32, #tpu.memory_space<vmem>>, vector<1x16xi32>,
      %get3A_451 = arith.index_cast %scan3A_429 : i32 to index
      %get3A_452 = arith.constant 32 : index
      %get3A_453 = tpu.vector_load %arg7[%get3A_451, %get3A_452] {strides = array<i32>} : memref<125x80xi32, #tpu.memory_space<vmem>>, vector<1x16xi32>,
      %get3A_454 = vector.shape_cast %get3A_453 : vector<1x16xi32> to vector<16xi32>
      %lt3A_455 = arith.cmpi slt, %get3A_454, %broadcast_in_dim3A_82 : vector<16xi32>
      %ge3A_456 = arith.cmpi sge, %get3A_454, %broadcast_in_dim3A_84 : vector<16xi32>
      %or3A_457 = arith.ori %lt3A_455, %ge3A_456 : vector<16xi1>
      %sub3A_458 = arith.subi %get3A_454, %broadcast_in_dim3A_82 : vector<16xi32>
      %select_n3A_459 = arith.select %or3A_457, %broadcast_in_dim3A_7, %sub3A_458 : vector<16xi1>, vector<16xi32>
      %swap3A_460 = arith.index_cast %scan3A_429 : i32 to index
      %swap3A_461 = arith.constant 32 : index
      %swap3A_462 = tpu.vector_load %arg9[%swap3A_460, %swap3A_461] {strides = array<i32>} : memref<125x80xi32, #tpu.memory_space<vmem>>, vector<1x16xi32>,
      %swap3A_463 = vector.shape_cast %swap3A_462 : vector<1x16xi32> to vector<16xi32>
      %swap3A_464 = vector.shape_cast %select_n3A_459 : vector<16xi32> to vector<1x16xi32>
      tpu.vector_store %arg9[%swap3A_460, %swap3A_461], %swap3A_464 {strides = array<i32>} : memref<125x80xi32, #tpu.memory_space<vmem>>, vector<1x16xi32>,
      %get3A_465 = arith.index_cast %scan3A_429 : i32 to index
      %get3A_466 = arith.constant 48 : index
      %get3A_467 = tpu.vector_load %arg7[%get3A_465, %get3A_466] {strides = array<i32>} : memref<125x80xi32, #tpu.memory_space<vmem>>, vector<1x16xi32>,
      %get3A_468 = vector.shape_cast %get3A_467 : vector<1x16xi32> to vector<16xi32>
      %lt3A_469 = arith.cmpi slt, %get3A_468, %broadcast_in_dim3A_82 : vector<16xi32>
      %ge3A_470 = arith.cmpi sge, %get3A_468, %broadcast_in_dim3A_84 : vector<16xi32>
      %or3A_471 = arith.ori %lt3A_469, %ge3A_470 : vector<16xi1>
      %sub3A_472 = arith.subi %get3A_468, %broadcast_in_dim3A_82 : vector<16xi32>
      %select_n3A_473 = arith.select %or3A_471, %broadcast_in_dim3A_7, %sub3A_472 : vector<16xi1>, vector<16xi32>
      %swap3A_474 = arith.index_cast %scan3A_429 : i32 to index
      %swap3A_475 = arith.constant 48 : index
      %swap3A_476 = tpu.vector_load %arg9[%swap3A_474, %swap3A_475] {strides = array<i32>} : memref<125x80xi32, #tpu.memory_space<vmem>>, vector<1x16xi32>,
      %swap3A_477 = vector.shape_cast %swap3A_476 : vector<1x16xi32> to vector<16xi32>
      %swap3A_478 = vector.shape_cast %select_n3A_473 : vector<16xi32> to vector<1x16xi32>
      tpu.vector_store %arg9[%swap3A_474, %swap3A_475], %swap3A_478 {strides = array<i32>} : memref<125x80xi32, #tpu.memory_space<vmem>>, vector<1x16xi32>,
      %get3A_479 = arith.index_cast %scan3A_429 : i32 to index
      %get3A_480 = arith.constant 64 : index
      %get3A_481 = tpu.vector_load %arg7[%get3A_479, %get3A_480] {strides = array<i32>} : memref<125x80xi32, #tpu.memory_space<vmem>>, vector<1x16xi32>,
      %get3A_482 = vector.shape_cast %get3A_481 : vector<1x16xi32> to vector<16xi32>
      %lt3A_483 = arith.cmpi slt, %get3A_482, %broadcast_in_dim3A_82 : vector<16xi32>
      %ge3A_484 = arith.cmpi sge, %get3A_482, %broadcast_in_dim3A_84 : vector<16xi32>
      %or3A_485 = arith.ori %lt3A_483, %ge3A_484 : vector<16xi1>
      %sub3A_486 = arith.subi %get3A_482, %broadcast_in_dim3A_82 : vector<16xi32>
      %select_n3A_487 = arith.select %or3A_485, %broadcast_in_dim3A_7, %sub3A_486 : vector<16xi1>, vector<16xi32>
      %swap3A_488 = arith.index_cast %scan3A_429 : i32 to index
      %swap3A_489 = arith.constant 64 : index
      %swap3A_490 = tpu.vector_load %arg9[%swap3A_488, %swap3A_489] {strides = array<i32>} : memref<125x80xi32, #tpu.memory_space<vmem>>, vector<1x16xi32>,
      %swap3A_491 = vector.shape_cast %swap3A_490 : vector<1x16xi32> to vector<16xi32>
      %swap3A_492 = vector.shape_cast %select_n3A_487 : vector<16xi32> to vector<1x16xi32>
      tpu.vector_store %arg9[%swap3A_488, %swap3A_489], %swap3A_492 {strides = array<i32>} : memref<125x80xi32, #tpu.memory_space<vmem>>, vector<1x16xi32>,
    }
    %scan3A_90 = arith.constant 125 : i32
    %mul3A_91 = arith.constant 208 : i32
    %mul3A_92 = arith.muli %arg1, %mul3A_91 : i32
    "tpu.region"() ({
      %run_scoped3A_429 = tpu.sem_alloc : memref<!tpu.dma_semaphore, #tpu.memory_space<semaphore_mem>>
      %dma_start3A = arith.constant 0 : i32
      %dma_start3A_430 = tpu.memref_slice %arg12[%mul3A_92, %dma_start3A] : memref<3344x128xf32, #tpu.memory_space<vmem_shared>> -> memref<208x128xf32, #tpu.memory_space<vmem_shared>>
      %dma_start3A_431 = arith.constant 0 : i32
      %dma_start3A_432 = tpu.memref_slice %arg12[%mul3A_92, %dma_start3A_431] : memref<3344x128xf32, #tpu.memory_space<vmem_shared>> -> memref<208x128xf32, #tpu.memory_space<vmem_shared>>
      tpu.enqueue_dma source(%arg11 : memref<208x128xf32, #tpu.memory_space<vmem>>) target(%dma_start3A_432 : memref<208x128xf32, #tpu.memory_space<vmem_shared>>) target_semaphore(%run_scoped3A_429 : memref<!tpu.dma_semaphore, #tpu.memory_space<semaphore_mem>>)
      %dma_wait3A = arith.constant 0 : i32
      %dma_wait3A_433 = tpu.memref_slice %arg12[%mul3A_92, %dma_wait3A] : memref<3344x128xf32, #tpu.memory_space<vmem_shared>> -> memref<208x128xf32, #tpu.memory_space<vmem_shared>>
      %dma_wait3A_434 = arith.constant 0 : i32
      %dma_wait3A_435 = tpu.memref_slice %arg12[%mul3A_92, %dma_wait3A_434] : memref<3344x128xf32, #tpu.memory_space<vmem_shared>> -> memref<208x128xf32, #tpu.memory_space<vmem_shared>>
      tpu.wait_dma2 semaphore(%run_scoped3A_429 : memref<!tpu.dma_semaphore, #tpu.memory_space<semaphore_mem>>) src(%arg11 : memref<208x128xf32, #tpu.memory_space<vmem>>) dst(%dma_wait3A_435 : memref<208x128xf32, #tpu.memory_space<vmem_shared>>)
      tpu.yield
    }) : () -> ()
    %barrier3A_93 = arith.constant 0 : index
    tpu.barrier barrier_id(%barrier3A_93)
    %scan3A_94 = arith.constant 0 : i32
    %scan3A_95 = arith.constant 0 : i32
    %scan3A_96 = arith.constant 125 : i32
    %scan3A_97 = arith.addi %scan3A_95, %scan3A_96 : i32
    %scan3A_98 = arith.constant 1 : i32
    scf.for %scan3A_429 = %scan3A_95 to %scan3A_97 step %scan3A_98  : i32 {
      %dma_start3A = arith.constant 0 : i32
      %dma_start3A_430 = tpu.memref_slice %arg8[%scan3A_429, %dma_start3A] : memref<125x80xi32, #tpu.memory_space<vmem>> -> memref<1x80xi32, #tpu.memory_space<vmem>>
      %dma_start3A_431 = tpu.memref_squeeze %dma_start3A_430 : memref<1x80xi32, #tpu.memory_space<vmem>> -> memref<80xi32, #tpu.memory_space<vmem>>
      %dma_start3A_432 = arith.constant 0 : i32
      %dma_start3A_433 = arith.constant 0 : i32
      %dma_start3A_434 = tpu.memref_slice %arg2[%dma_start3A_432, %dma_start3A_433] : memref<40000x128xf32, #tpu.memory_space<hbm>> -> memref<40000x128xf32, #tpu.memory_space<hbm>>
      tpu.enqueue_indirect_dma source(%dma_start3A_434 : memref<40000x128xf32, #tpu.memory_space<hbm>>) target(%arg10 : memref<80x128xf32, #tpu.memory_space<vmem>>) offsets(%dma_start3A_431 : memref<80xi32, #tpu.memory_space<vmem>>) semaphore(%arg13 : memref<!tpu.dma_semaphore, #tpu.memory_space<semaphore_mem>>)
      %dma_wait3A = arith.constant 0 : i32
      %dma_wait3A_435 = tpu.memref_slice %arg8[%scan3A_429, %dma_wait3A] : memref<125x80xi32, #tpu.memory_space<vmem>> -> memref<1x80xi32, #tpu.memory_space<vmem>>
      %dma_wait3A_436 = tpu.memref_squeeze %dma_wait3A_435 : memref<1x80xi32, #tpu.memory_space<vmem>> -> memref<80xi32, #tpu.memory_space<vmem>>
      %dma_wait3A_437 = arith.constant 0 : i32
      %dma_wait3A_438 = arith.constant 0 : i32
      %dma_wait3A_439 = tpu.memref_slice %arg2[%dma_wait3A_437, %dma_wait3A_438] : memref<40000x128xf32, #tpu.memory_space<hbm>> -> memref<40000x128xf32, #tpu.memory_space<hbm>>
      tpu.wait_indirect_dma semaphore(%arg13 : memref<!tpu.dma_semaphore, #tpu.memory_space<semaphore_mem>>) src(%dma_wait3A_439 : memref<40000x128xf32, #tpu.memory_space<hbm>>) dst(%arg10 : memref<80x128xf32, #tpu.memory_space<vmem>>)
      "tpu.region"() ({
        %run_scoped3A_440 = tpu.sem_alloc : memref<!tpu.dma_semaphore, #tpu.memory_space<semaphore_mem>>
        %dma_start3A_441 = arith.constant 0 : i32
        %dma_start3A_442 = tpu.memref_slice %arg9[%scan3A_429, %dma_start3A_441] : memref<125x80xi32, #tpu.memory_space<vmem>> -> memref<1x80xi32, #tpu.memory_space<vmem>>
        %dma_start3A_443 = tpu.memref_squeeze %dma_start3A_442 : memref<1x80xi32, #tpu.memory_space<vmem>> -> memref<80xi32, #tpu.memory_space<vmem>>
        %dma_start3A_444 = arith.constant 0 : i32
        %dma_start3A_445 = arith.constant 0 : i32
        %dma_start3A_446 = tpu.memref_slice %arg12[%dma_start3A_444, %dma_start3A_445] : memref<3344x128xf32, #tpu.memory_space<vmem_shared>> -> memref<3344x128xf32, #tpu.memory_space<vmem_shared>>
        tpu.enqueue_indirect_dma source(%arg10 : memref<80x128xf32, #tpu.memory_space<vmem>>) target(%dma_start3A_446 : memref<3344x128xf32, #tpu.memory_space<vmem_shared>>) offsets(%dma_start3A_443 : memref<80xi32, #tpu.memory_space<vmem>>) semaphore(%run_scoped3A_440 : memref<!tpu.dma_semaphore, #tpu.memory_space<semaphore_mem>>) {add = true}
        %dma_wait3A_447 = arith.constant 0 : i32
        %dma_wait3A_448 = tpu.memref_slice %arg9[%scan3A_429, %dma_wait3A_447] : memref<125x80xi32, #tpu.memory_space<vmem>> -> memref<1x80xi32, #tpu.memory_space<vmem>>
        %dma_wait3A_449 = tpu.memref_squeeze %dma_wait3A_448 : memref<1x80xi32, #tpu.memory_space<vmem>> -> memref<80xi32, #tpu.memory_space<vmem>>
        %dma_wait3A_450 = arith.constant 0 : i32
        %dma_wait3A_451 = arith.constant 0 : i32
        %dma_wait3A_452 = tpu.memref_slice %arg12[%dma_wait3A_450, %dma_wait3A_451] : memref<3344x128xf32, #tpu.memory_space<vmem_shared>> -> memref<3344x128xf32, #tpu.memory_space<vmem_shared>>
        tpu.wait_indirect_dma semaphore(%run_scoped3A_440 : memref<!tpu.dma_semaphore, #tpu.memory_space<semaphore_mem>>) src(%arg10 : memref<80x128xf32, #tpu.memory_space<vmem>>) dst(%dma_wait3A_452 : memref<3344x128xf32, #tpu.memory_space<vmem_shared>>)
        tpu.yield
      }) : () -> ()
    }
    %scan3A_99 = arith.constant 125 : i32
    %barrier3A_100 = arith.constant 0 : index
    tpu.barrier barrier_id(%barrier3A_100)
    %mul3A_101 = arith.constant 208 : i32
    %mul3A_102 = arith.muli %arg1, %mul3A_101 : i32
    %mul3A_103 = arith.constant 208 : i32
    %mul3A_104 = arith.muli %arg1, %mul3A_103 : i32
    %add3A_105 = arith.constant 6672 : i32
    %add3A_106 = arith.addi %add3A_105, %mul3A_104 : i32
    %run_scoped3A_107 = arith.constant 0 : i32
    "tpu.region"() ({
      %run_scoped3A_429 = tpu.sem_alloc : memref<!tpu.dma_semaphore, #tpu.memory_space<semaphore_mem>>
      %dma_start3A = arith.constant 0 : i32
      %dma_start3A_430 = arith.constant 0 : i32
      %dma_start3A_431 = tpu.memref_slice %arg5[%run_scoped3A_107, %dma_start3A, %dma_start3A_430] : memref<4x10000x128xf32, #tpu.memory_space<hbm>> -> memref<1x10000x128xf32, #tpu.memory_space<hbm>>
      %dma_start3A_432 = tpu.memref_squeeze %dma_start3A_431 : memref<1x10000x128xf32, #tpu.memory_space<hbm>> -> memref<10000x128xf32, #tpu.memory_space<hbm>>
      %dma_start3A_433 = arith.constant 0 : i32
      %dma_start3A_434 = tpu.memref_slice %dma_start3A_432[%add3A_106, %dma_start3A_433] : memref<10000x128xf32, #tpu.memory_space<hbm>> -> memref<208x128xf32, #tpu.memory_space<hbm>>
      %dma_start3A_435 = arith.constant 0 : i32
      %dma_start3A_436 = tpu.memref_slice %arg12[%mul3A_102, %dma_start3A_435] : memref<3344x128xf32, #tpu.memory_space<vmem_shared>> -> memref<208x128xf32, #tpu.memory_space<vmem_shared>>
      tpu.enqueue_dma source(%dma_start3A_436 : memref<208x128xf32, #tpu.memory_space<vmem_shared>>) target(%dma_start3A_434 : memref<208x128xf32, #tpu.memory_space<hbm>>) target_semaphore(%run_scoped3A_429 : memref<!tpu.dma_semaphore, #tpu.memory_space<semaphore_mem>>)
      %dma_wait3A = arith.constant 0 : i32
      %dma_wait3A_437 = arith.constant 0 : i32
      %dma_wait3A_438 = tpu.memref_slice %arg5[%run_scoped3A_107, %dma_wait3A, %dma_wait3A_437] : memref<4x10000x128xf32, #tpu.memory_space<hbm>> -> memref<1x10000x128xf32, #tpu.memory_space<hbm>>
      %dma_wait3A_439 = tpu.memref_squeeze %dma_wait3A_438 : memref<1x10000x128xf32, #tpu.memory_space<hbm>> -> memref<10000x128xf32, #tpu.memory_space<hbm>>
      %dma_wait3A_440 = arith.constant 0 : i32
      %dma_wait3A_441 = tpu.memref_slice %dma_wait3A_439[%add3A_106, %dma_wait3A_440] : memref<10000x128xf32, #tpu.memory_space<hbm>> -> memref<208x128xf32, #tpu.memory_space<hbm>>
      %dma_wait3A_442 = arith.constant 0 : i32
      %dma_wait3A_443 = tpu.memref_slice %arg12[%mul3A_102, %dma_wait3A_442] : memref<3344x128xf32, #tpu.memory_space<vmem_shared>> -> memref<208x128xf32, #tpu.memory_space<vmem_shared>>
      tpu.wait_dma2 semaphore(%run_scoped3A_429 : memref<!tpu.dma_semaphore, #tpu.memory_space<semaphore_mem>>) src(%dma_wait3A_443 : memref<208x128xf32, #tpu.memory_space<vmem_shared>>) dst(%dma_wait3A_441 : memref<208x128xf32, #tpu.memory_space<hbm>>)
      tpu.yield
    }) : () -> ()
    %scan3A_108 = arith.constant 0 : i32
    %scan3A_109 = arith.constant 0 : i32
    %scan3A_110 = arith.constant 125 : i32
    %scan3A_111 = arith.addi %scan3A_109, %scan3A_110 : i32
    %scan3A_112 = arith.constant 1 : i32
    scf.for %scan3A_429 = %scan3A_109 to %scan3A_111 step %scan3A_112  : i32 {
      %get3A = arith.index_cast %scan3A_429 : i32 to index
      %get3A_430 = arith.constant 0 : index
      %get3A_431 = tpu.vector_load %arg6[%get3A, %get3A_430] {strides = array<i32>} : memref<125x80xi32, #tpu.memory_space<vmem>>, vector<1x16xi32>,
      %get3A_432 = vector.shape_cast %get3A_431 : vector<1x16xi32> to vector<16xi32>
      %mul3A_433 = arith.constant 4 : i32
      %mul3A_434 = vector.broadcast %mul3A_433 : i32 to vector<16xi32>
      %mul3A_435 = arith.muli %get3A_432, %mul3A_434 : vector<16xi32>
      %add3A_436 = arith.constant 1 : i32
      %add3A_437 = vector.broadcast %add3A_436 : i32 to vector<16xi32>
      %add3A_438 = arith.addi %mul3A_435, %add3A_437 : vector<16xi32>
      %swap3A = arith.index_cast %scan3A_429 : i32 to index
      %swap3A_439 = arith.constant 0 : index
      %swap3A_440 = tpu.vector_load %arg8[%swap3A, %swap3A_439] {strides = array<i32>} : memref<125x80xi32, #tpu.memory_space<vmem>>, vector<1x16xi32>,
      %swap3A_441 = vector.shape_cast %swap3A_440 : vector<1x16xi32> to vector<16xi32>
      %swap3A_442 = vector.shape_cast %add3A_438 : vector<16xi32> to vector<1x16xi32>
      tpu.vector_store %arg8[%swap3A, %swap3A_439], %swap3A_442 {strides = array<i32>} : memref<125x80xi32, #tpu.memory_space<vmem>>, vector<1x16xi32>,
      %get3A_443 = arith.index_cast %scan3A_429 : i32 to index
      %get3A_444 = arith.constant 16 : index
      %get3A_445 = tpu.vector_load %arg6[%get3A_443, %get3A_444] {strides = array<i32>} : memref<125x80xi32, #tpu.memory_space<vmem>>, vector<1x16xi32>,
      %get3A_446 = vector.shape_cast %get3A_445 : vector<1x16xi32> to vector<16xi32>
      %mul3A_447 = arith.constant 4 : i32
      %mul3A_448 = vector.broadcast %mul3A_447 : i32 to vector<16xi32>
      %mul3A_449 = arith.muli %get3A_446, %mul3A_448 : vector<16xi32>
      %add3A_450 = arith.constant 1 : i32
      %add3A_451 = vector.broadcast %add3A_450 : i32 to vector<16xi32>
      %add3A_452 = arith.addi %mul3A_449, %add3A_451 : vector<16xi32>
      %swap3A_453 = arith.index_cast %scan3A_429 : i32 to index
      %swap3A_454 = arith.constant 16 : index
      %swap3A_455 = tpu.vector_load %arg8[%swap3A_453, %swap3A_454] {strides = array<i32>} : memref<125x80xi32, #tpu.memory_space<vmem>>, vector<1x16xi32>,
      %swap3A_456 = vector.shape_cast %swap3A_455 : vector<1x16xi32> to vector<16xi32>
      %swap3A_457 = vector.shape_cast %add3A_452 : vector<16xi32> to vector<1x16xi32>
      tpu.vector_store %arg8[%swap3A_453, %swap3A_454], %swap3A_457 {strides = array<i32>} : memref<125x80xi32, #tpu.memory_space<vmem>>, vector<1x16xi32>,
      %get3A_458 = arith.index_cast %scan3A_429 : i32 to index
      %get3A_459 = arith.constant 32 : index
      %get3A_460 = tpu.vector_load %arg6[%get3A_458, %get3A_459] {strides = array<i32>} : memref<125x80xi32, #tpu.memory_space<vmem>>, vector<1x16xi32>,
      %get3A_461 = vector.shape_cast %get3A_460 : vector<1x16xi32> to vector<16xi32>
      %mul3A_462 = arith.constant 4 : i32
      %mul3A_463 = vector.broadcast %mul3A_462 : i32 to vector<16xi32>
      %mul3A_464 = arith.muli %get3A_461, %mul3A_463 : vector<16xi32>
      %add3A_465 = arith.constant 1 : i32
      %add3A_466 = vector.broadcast %add3A_465 : i32 to vector<16xi32>
      %add3A_467 = arith.addi %mul3A_464, %add3A_466 : vector<16xi32>
      %swap3A_468 = arith.index_cast %scan3A_429 : i32 to index
      %swap3A_469 = arith.constant 32 : index
      %swap3A_470 = tpu.vector_load %arg8[%swap3A_468, %swap3A_469] {strides = array<i32>} : memref<125x80xi32, #tpu.memory_space<vmem>>, vector<1x16xi32>,
      %swap3A_471 = vector.shape_cast %swap3A_470 : vector<1x16xi32> to vector<16xi32>
      %swap3A_472 = vector.shape_cast %add3A_467 : vector<16xi32> to vector<1x16xi32>
      tpu.vector_store %arg8[%swap3A_468, %swap3A_469], %swap3A_472 {strides = array<i32>} : memref<125x80xi32, #tpu.memory_space<vmem>>, vector<1x16xi32>,
      %get3A_473 = arith.index_cast %scan3A_429 : i32 to index
      %get3A_474 = arith.constant 48 : index
      %get3A_475 = tpu.vector_load %arg6[%get3A_473, %get3A_474] {strides = array<i32>} : memref<125x80xi32, #tpu.memory_space<vmem>>, vector<1x16xi32>,
      %get3A_476 = vector.shape_cast %get3A_475 : vector<1x16xi32> to vector<16xi32>
      %mul3A_477 = arith.constant 4 : i32
      %mul3A_478 = vector.broadcast %mul3A_477 : i32 to vector<16xi32>
      %mul3A_479 = arith.muli %get3A_476, %mul3A_478 : vector<16xi32>
      %add3A_480 = arith.constant 1 : i32
      %add3A_481 = vector.broadcast %add3A_480 : i32 to vector<16xi32>
      %add3A_482 = arith.addi %mul3A_479, %add3A_481 : vector<16xi32>
      %swap3A_483 = arith.index_cast %scan3A_429 : i32 to index
      %swap3A_484 = arith.constant 48 : index
      %swap3A_485 = tpu.vector_load %arg8[%swap3A_483, %swap3A_484] {strides = array<i32>} : memref<125x80xi32, #tpu.memory_space<vmem>>, vector<1x16xi32>,
      %swap3A_486 = vector.shape_cast %swap3A_485 : vector<1x16xi32> to vector<16xi32>
      %swap3A_487 = vector.shape_cast %add3A_482 : vector<16xi32> to vector<1x16xi32>
      tpu.vector_store %arg8[%swap3A_483, %swap3A_484], %swap3A_487 {strides = array<i32>} : memref<125x80xi32, #tpu.memory_space<vmem>>, vector<1x16xi32>,
      %get3A_488 = arith.index_cast %scan3A_429 : i32 to index
      %get3A_489 = arith.constant 64 : index
      %get3A_490 = tpu.vector_load %arg6[%get3A_488, %get3A_489] {strides = array<i32>} : memref<125x80xi32, #tpu.memory_space<vmem>>, vector<1x16xi32>,
      %get3A_491 = vector.shape_cast %get3A_490 : vector<1x16xi32> to vector<16xi32>
      %mul3A_492 = arith.constant 4 : i32
      %mul3A_493 = vector.broadcast %mul3A_492 : i32 to vector<16xi32>
      %mul3A_494 = arith.muli %get3A_491, %mul3A_493 : vector<16xi32>
      %add3A_495 = arith.constant 1 : i32
      %add3A_496 = vector.broadcast %add3A_495 : i32 to vector<16xi32>
      %add3A_497 = arith.addi %mul3A_494, %add3A_496 : vector<16xi32>
      %swap3A_498 = arith.index_cast %scan3A_429 : i32 to index
      %swap3A_499 = arith.constant 64 : index
      %swap3A_500 = tpu.vector_load %arg8[%swap3A_498, %swap3A_499] {strides = array<i32>} : memref<125x80xi32, #tpu.memory_space<vmem>>, vector<1x16xi32>,
      %swap3A_501 = vector.shape_cast %swap3A_500 : vector<1x16xi32> to vector<16xi32>
      %swap3A_502 = vector.shape_cast %add3A_497 : vector<16xi32> to vector<1x16xi32>
      tpu.vector_store %arg8[%swap3A_498, %swap3A_499], %swap3A_502 {strides = array<i32>} : memref<125x80xi32, #tpu.memory_space<vmem>>, vector<1x16xi32>,
    }
    %scan3A_113 = arith.constant 125 : i32
    %broadcast_in_dim3A_114 = arith.constant 0 : i32
    %broadcast_in_dim3A_115 = vector.broadcast %broadcast_in_dim3A_114 : i32 to vector<16xi32>
    %broadcast_in_dim3A_116 = arith.constant 3336 : i32
    %broadcast_in_dim3A_117 = vector.broadcast %broadcast_in_dim3A_116 : i32 to vector<16xi32>
    %scan3A_118 = arith.constant 0 : i32
    %scan3A_119 = arith.constant 0 : i32
    %scan3A_120 = arith.constant 125 : i32
    %scan3A_121 = arith.addi %scan3A_119, %scan3A_120 : i32
    %scan3A_122 = arith.constant 1 : i32
    scf.for %scan3A_429 = %scan3A_119 to %scan3A_121 step %scan3A_122  : i32 {
      %get3A = arith.index_cast %scan3A_429 : i32 to index
      %get3A_430 = arith.constant 0 : index
      %get3A_431 = tpu.vector_load %arg7[%get3A, %get3A_430] {strides = array<i32>} : memref<125x80xi32, #tpu.memory_space<vmem>>, vector<1x16xi32>,
      %get3A_432 = vector.shape_cast %get3A_431 : vector<1x16xi32> to vector<16xi32>
      %lt3A = arith.cmpi slt, %get3A_432, %broadcast_in_dim3A_115 : vector<16xi32>
      %ge3A = arith.cmpi sge, %get3A_432, %broadcast_in_dim3A_117 : vector<16xi32>
      %or3A = arith.ori %lt3A, %ge3A : vector<16xi1>
      %sub3A = arith.subi %get3A_432, %broadcast_in_dim3A_115 : vector<16xi32>
      %select_n3A = arith.select %or3A, %broadcast_in_dim3A_7, %sub3A : vector<16xi1>, vector<16xi32>
      %swap3A = arith.index_cast %scan3A_429 : i32 to index
      %swap3A_433 = arith.constant 0 : index
      %swap3A_434 = tpu.vector_load %arg9[%swap3A, %swap3A_433] {strides = array<i32>} : memref<125x80xi32, #tpu.memory_space<vmem>>, vector<1x16xi32>,
      %swap3A_435 = vector.shape_cast %swap3A_434 : vector<1x16xi32> to vector<16xi32>
      %swap3A_436 = vector.shape_cast %select_n3A : vector<16xi32> to vector<1x16xi32>
      tpu.vector_store %arg9[%swap3A, %swap3A_433], %swap3A_436 {strides = array<i32>} : memref<125x80xi32, #tpu.memory_space<vmem>>, vector<1x16xi32>,
      %get3A_437 = arith.index_cast %scan3A_429 : i32 to index
      %get3A_438 = arith.constant 16 : index
      %get3A_439 = tpu.vector_load %arg7[%get3A_437, %get3A_438] {strides = array<i32>} : memref<125x80xi32, #tpu.memory_space<vmem>>, vector<1x16xi32>,
      %get3A_440 = vector.shape_cast %get3A_439 : vector<1x16xi32> to vector<16xi32>
      %lt3A_441 = arith.cmpi slt, %get3A_440, %broadcast_in_dim3A_115 : vector<16xi32>
      %ge3A_442 = arith.cmpi sge, %get3A_440, %broadcast_in_dim3A_117 : vector<16xi32>
      %or3A_443 = arith.ori %lt3A_441, %ge3A_442 : vector<16xi1>
      %sub3A_444 = arith.subi %get3A_440, %broadcast_in_dim3A_115 : vector<16xi32>
      %select_n3A_445 = arith.select %or3A_443, %broadcast_in_dim3A_7, %sub3A_444 : vector<16xi1>, vector<16xi32>
      %swap3A_446 = arith.index_cast %scan3A_429 : i32 to index
      %swap3A_447 = arith.constant 16 : index
      %swap3A_448 = tpu.vector_load %arg9[%swap3A_446, %swap3A_447] {strides = array<i32>} : memref<125x80xi32, #tpu.memory_space<vmem>>, vector<1x16xi32>,
      %swap3A_449 = vector.shape_cast %swap3A_448 : vector<1x16xi32> to vector<16xi32>
      %swap3A_450 = vector.shape_cast %select_n3A_445 : vector<16xi32> to vector<1x16xi32>
      tpu.vector_store %arg9[%swap3A_446, %swap3A_447], %swap3A_450 {strides = array<i32>} : memref<125x80xi32, #tpu.memory_space<vmem>>, vector<1x16xi32>,
      %get3A_451 = arith.index_cast %scan3A_429 : i32 to index
      %get3A_452 = arith.constant 32 : index
      %get3A_453 = tpu.vector_load %arg7[%get3A_451, %get3A_452] {strides = array<i32>} : memref<125x80xi32, #tpu.memory_space<vmem>>, vector<1x16xi32>,
      %get3A_454 = vector.shape_cast %get3A_453 : vector<1x16xi32> to vector<16xi32>
      %lt3A_455 = arith.cmpi slt, %get3A_454, %broadcast_in_dim3A_115 : vector<16xi32>
      %ge3A_456 = arith.cmpi sge, %get3A_454, %broadcast_in_dim3A_117 : vector<16xi32>
      %or3A_457 = arith.ori %lt3A_455, %ge3A_456 : vector<16xi1>
      %sub3A_458 = arith.subi %get3A_454, %broadcast_in_dim3A_115 : vector<16xi32>
      %select_n3A_459 = arith.select %or3A_457, %broadcast_in_dim3A_7, %sub3A_458 : vector<16xi1>, vector<16xi32>
      %swap3A_460 = arith.index_cast %scan3A_429 : i32 to index
      %swap3A_461 = arith.constant 32 : index
      %swap3A_462 = tpu.vector_load %arg9[%swap3A_460, %swap3A_461] {strides = array<i32>} : memref<125x80xi32, #tpu.memory_space<vmem>>, vector<1x16xi32>,
      %swap3A_463 = vector.shape_cast %swap3A_462 : vector<1x16xi32> to vector<16xi32>
      %swap3A_464 = vector.shape_cast %select_n3A_459 : vector<16xi32> to vector<1x16xi32>
      tpu.vector_store %arg9[%swap3A_460, %swap3A_461], %swap3A_464 {strides = array<i32>} : memref<125x80xi32, #tpu.memory_space<vmem>>, vector<1x16xi32>,
      %get3A_465 = arith.index_cast %scan3A_429 : i32 to index
      %get3A_466 = arith.constant 48 : index
      %get3A_467 = tpu.vector_load %arg7[%get3A_465, %get3A_466] {strides = array<i32>} : memref<125x80xi32, #tpu.memory_space<vmem>>, vector<1x16xi32>,
      %get3A_468 = vector.shape_cast %get3A_467 : vector<1x16xi32> to vector<16xi32>
      %lt3A_469 = arith.cmpi slt, %get3A_468, %broadcast_in_dim3A_115 : vector<16xi32>
      %ge3A_470 = arith.cmpi sge, %get3A_468, %broadcast_in_dim3A_117 : vector<16xi32>
      %or3A_471 = arith.ori %lt3A_469, %ge3A_470 : vector<16xi1>
      %sub3A_472 = arith.subi %get3A_468, %broadcast_in_dim3A_115 : vector<16xi32>
      %select_n3A_473 = arith.select %or3A_471, %broadcast_in_dim3A_7, %sub3A_472 : vector<16xi1>, vector<16xi32>
      %swap3A_474 = arith.index_cast %scan3A_429 : i32 to index
      %swap3A_475 = arith.constant 48 : index
      %swap3A_476 = tpu.vector_load %arg9[%swap3A_474, %swap3A_475] {strides = array<i32>} : memref<125x80xi32, #tpu.memory_space<vmem>>, vector<1x16xi32>,
      %swap3A_477 = vector.shape_cast %swap3A_476 : vector<1x16xi32> to vector<16xi32>
      %swap3A_478 = vector.shape_cast %select_n3A_473 : vector<16xi32> to vector<1x16xi32>
      tpu.vector_store %arg9[%swap3A_474, %swap3A_475], %swap3A_478 {strides = array<i32>} : memref<125x80xi32, #tpu.memory_space<vmem>>, vector<1x16xi32>,
      %get3A_479 = arith.index_cast %scan3A_429 : i32 to index
      %get3A_480 = arith.constant 64 : index
      %get3A_481 = tpu.vector_load %arg7[%get3A_479, %get3A_480] {strides = array<i32>} : memref<125x80xi32, #tpu.memory_space<vmem>>, vector<1x16xi32>,
      %get3A_482 = vector.shape_cast %get3A_481 : vector<1x16xi32> to vector<16xi32>
      %lt3A_483 = arith.cmpi slt, %get3A_482, %broadcast_in_dim3A_115 : vector<16xi32>
      %ge3A_484 = arith.cmpi sge, %get3A_482, %broadcast_in_dim3A_117 : vector<16xi32>
      %or3A_485 = arith.ori %lt3A_483, %ge3A_484 : vector<16xi1>
      %sub3A_486 = arith.subi %get3A_482, %broadcast_in_dim3A_115 : vector<16xi32>
      %select_n3A_487 = arith.select %or3A_485, %broadcast_in_dim3A_7, %sub3A_486 : vector<16xi1>, vector<16xi32>
      %swap3A_488 = arith.index_cast %scan3A_429 : i32 to index
      %swap3A_489 = arith.constant 64 : index
      %swap3A_490 = tpu.vector_load %arg9[%swap3A_488, %swap3A_489] {strides = array<i32>} : memref<125x80xi32, #tpu.memory_space<vmem>>, vector<1x16xi32>,
      %swap3A_491 = vector.shape_cast %swap3A_490 : vector<1x16xi32> to vector<16xi32>
      %swap3A_492 = vector.shape_cast %select_n3A_487 : vector<16xi32> to vector<1x16xi32>
      tpu.vector_store %arg9[%swap3A_488, %swap3A_489], %swap3A_492 {strides = array<i32>} : memref<125x80xi32, #tpu.memory_space<vmem>>, vector<1x16xi32>,
    }
    %scan3A_123 = arith.constant 125 : i32
    %mul3A_124 = arith.constant 208 : i32
    %mul3A_125 = arith.muli %arg1, %mul3A_124 : i32
    "tpu.region"() ({
      %run_scoped3A_429 = tpu.sem_alloc : memref<!tpu.dma_semaphore, #tpu.memory_space<semaphore_mem>>
      %dma_start3A = arith.constant 0 : i32
      %dma_start3A_430 = tpu.memref_slice %arg12[%mul3A_125, %dma_start3A] : memref<3344x128xf32, #tpu.memory_space<vmem_shared>> -> memref<208x128xf32, #tpu.memory_space<vmem_shared>>
      %dma_start3A_431 = arith.constant 0 : i32
      %dma_start3A_432 = tpu.memref_slice %arg12[%mul3A_125, %dma_start3A_431] : memref<3344x128xf32, #tpu.memory_space<vmem_shared>> -> memref<208x128xf32, #tpu.memory_space<vmem_shared>>
      tpu.enqueue_dma source(%arg11 : memref<208x128xf32, #tpu.memory_space<vmem>>) target(%dma_start3A_432 : memref<208x128xf32, #tpu.memory_space<vmem_shared>>) target_semaphore(%run_scoped3A_429 : memref<!tpu.dma_semaphore, #tpu.memory_space<semaphore_mem>>)
      %dma_wait3A = arith.constant 0 : i32
      %dma_wait3A_433 = tpu.memref_slice %arg12[%mul3A_125, %dma_wait3A] : memref<3344x128xf32, #tpu.memory_space<vmem_shared>> -> memref<208x128xf32, #tpu.memory_space<vmem_shared>>
      %dma_wait3A_434 = arith.constant 0 : i32
      %dma_wait3A_435 = tpu.memref_slice %arg12[%mul3A_125, %dma_wait3A_434] : memref<3344x128xf32, #tpu.memory_space<vmem_shared>> -> memref<208x128xf32, #tpu.memory_space<vmem_shared>>
      tpu.wait_dma2 semaphore(%run_scoped3A_429 : memref<!tpu.dma_semaphore, #tpu.memory_space<semaphore_mem>>) src(%arg11 : memref<208x128xf32, #tpu.memory_space<vmem>>) dst(%dma_wait3A_435 : memref<208x128xf32, #tpu.memory_space<vmem_shared>>)
      tpu.yield
    }) : () -> ()
    %eq3A_126 = arith.constant 15 : i32
    %eq3A_127 = arith.cmpi eq, %arg1, %eq3A_126 : i32
    %convert_element_type3A_128 = arith.extui %eq3A_127 : i1 to i32
    %cond3A_129 = arith.constant 0 : i32
    %cond3A_130 = arith.cmpi ne, %convert_element_type3A_128, %cond3A_129 : i32
    scf.if %cond3A_130 {
      "tpu.region"() ({
        %run_scoped3A_429 = tpu.sem_alloc : memref<!tpu.dma_semaphore, #tpu.memory_space<semaphore_mem>>
        %dma_start3A = arith.constant 0 : i32
        %dma_start3A_430 = arith.constant 0 : i32
        %dma_start3A_431 = tpu.memref_slice %arg11[%dma_start3A, %dma_start3A_430] : memref<208x128xf32, #tpu.memory_space<vmem>> -> memref<8x128xf32, #tpu.memory_space<vmem>>
        %dma_start3A_432 = arith.constant 3328 : i32
        %dma_start3A_433 = arith.constant 0 : i32
        %dma_start3A_434 = tpu.memref_slice %arg12[%dma_start3A_432, %dma_start3A_433] : memref<3344x128xf32, #tpu.memory_space<vmem_shared>> -> memref<8x128xf32, #tpu.memory_space<vmem_shared>>
        %dma_start3A_435 = arith.constant 3328 : i32
        %dma_start3A_436 = arith.constant 0 : i32
        %dma_start3A_437 = tpu.memref_slice %arg12[%dma_start3A_435, %dma_start3A_436] : memref<3344x128xf32, #tpu.memory_space<vmem_shared>> -> memref<8x128xf32, #tpu.memory_space<vmem_shared>>
        %dma_start3A_438 = arith.constant 0 : i32
        %dma_start3A_439 = arith.constant 0 : i32
        %dma_start3A_440 = tpu.memref_slice %arg11[%dma_start3A_438, %dma_start3A_439] : memref<208x128xf32, #tpu.memory_space<vmem>> -> memref<8x128xf32, #tpu.memory_space<vmem>>
        tpu.enqueue_dma source(%dma_start3A_440 : memref<8x128xf32, #tpu.memory_space<vmem>>) target(%dma_start3A_437 : memref<8x128xf32, #tpu.memory_space<vmem_shared>>) target_semaphore(%run_scoped3A_429 : memref<!tpu.dma_semaphore, #tpu.memory_space<semaphore_mem>>)
        %dma_wait3A = arith.constant 0 : i32
        %dma_wait3A_441 = arith.constant 0 : i32
        %dma_wait3A_442 = tpu.memref_slice %arg11[%dma_wait3A, %dma_wait3A_441] : memref<208x128xf32, #tpu.memory_space<vmem>> -> memref<8x128xf32, #tpu.memory_space<vmem>>
        %dma_wait3A_443 = arith.constant 3328 : i32
        %dma_wait3A_444 = arith.constant 0 : i32
        %dma_wait3A_445 = tpu.memref_slice %arg12[%dma_wait3A_443, %dma_wait3A_444] : memref<3344x128xf32, #tpu.memory_space<vmem_shared>> -> memref<8x128xf32, #tpu.memory_space<vmem_shared>>
        %dma_wait3A_446 = arith.constant 3328 : i32
        %dma_wait3A_447 = arith.constant 0 : i32
        %dma_wait3A_448 = tpu.memref_slice %arg12[%dma_wait3A_446, %dma_wait3A_447] : memref<3344x128xf32, #tpu.memory_space<vmem_shared>> -> memref<8x128xf32, #tpu.memory_space<vmem_shared>>
        %dma_wait3A_449 = arith.constant 0 : i32
        %dma_wait3A_450 = arith.constant 0 : i32
        %dma_wait3A_451 = tpu.memref_slice %arg11[%dma_wait3A_449, %dma_wait3A_450] : memref<208x128xf32, #tpu.memory_space<vmem>> -> memref<8x128xf32, #tpu.memory_space<vmem>>
        tpu.wait_dma2 semaphore(%run_scoped3A_429 : memref<!tpu.dma_semaphore, #tpu.memory_space<semaphore_mem>>) src(%dma_wait3A_451 : memref<8x128xf32, #tpu.memory_space<vmem>>) dst(%dma_wait3A_448 : memref<8x128xf32, #tpu.memory_space<vmem_shared>>)
        tpu.yield
      }) : () -> ()
    } else {
    }
    %barrier3A_131 = arith.constant 0 : index
    tpu.barrier barrier_id(%barrier3A_131)
    %scan3A_132 = arith.constant 0 : i32
    %scan3A_133 = arith.constant 0 : i32
    %scan3A_134 = arith.constant 125 : i32
    %scan3A_135 = arith.addi %scan3A_133, %scan3A_134 : i32
    %scan3A_136 = arith.constant 1 : i32
    scf.for %scan3A_429 = %scan3A_133 to %scan3A_135 step %scan3A_136  : i32 {
      %dma_start3A = arith.constant 0 : i32
      %dma_start3A_430 = tpu.memref_slice %arg8[%scan3A_429, %dma_start3A] : memref<125x80xi32, #tpu.memory_space<vmem>> -> memref<1x80xi32, #tpu.memory_space<vmem>>
      %dma_start3A_431 = tpu.memref_squeeze %dma_start3A_430 : memref<1x80xi32, #tpu.memory_space<vmem>> -> memref<80xi32, #tpu.memory_space<vmem>>
      %dma_start3A_432 = arith.constant 0 : i32
      %dma_start3A_433 = arith.constant 0 : i32
      %dma_start3A_434 = tpu.memref_slice %arg2[%dma_start3A_432, %dma_start3A_433] : memref<40000x128xf32, #tpu.memory_space<hbm>> -> memref<40000x128xf32, #tpu.memory_space<hbm>>
      tpu.enqueue_indirect_dma source(%dma_start3A_434 : memref<40000x128xf32, #tpu.memory_space<hbm>>) target(%arg10 : memref<80x128xf32, #tpu.memory_space<vmem>>) offsets(%dma_start3A_431 : memref<80xi32, #tpu.memory_space<vmem>>) semaphore(%arg13 : memref<!tpu.dma_semaphore, #tpu.memory_space<semaphore_mem>>)
      %dma_wait3A = arith.constant 0 : i32
      %dma_wait3A_435 = tpu.memref_slice %arg8[%scan3A_429, %dma_wait3A] : memref<125x80xi32, #tpu.memory_space<vmem>> -> memref<1x80xi32, #tpu.memory_space<vmem>>
      %dma_wait3A_436 = tpu.memref_squeeze %dma_wait3A_435 : memref<1x80xi32, #tpu.memory_space<vmem>> -> memref<80xi32, #tpu.memory_space<vmem>>
      %dma_wait3A_437 = arith.constant 0 : i32
      %dma_wait3A_438 = arith.constant 0 : i32
      %dma_wait3A_439 = tpu.memref_slice %arg2[%dma_wait3A_437, %dma_wait3A_438] : memref<40000x128xf32, #tpu.memory_space<hbm>> -> memref<40000x128xf32, #tpu.memory_space<hbm>>
      tpu.wait_indirect_dma semaphore(%arg13 : memref<!tpu.dma_semaphore, #tpu.memory_space<semaphore_mem>>) src(%dma_wait3A_439 : memref<40000x128xf32, #tpu.memory_space<hbm>>) dst(%arg10 : memref<80x128xf32, #tpu.memory_space<vmem>>)
      "tpu.region"() ({
        %run_scoped3A_440 = tpu.sem_alloc : memref<!tpu.dma_semaphore, #tpu.memory_space<semaphore_mem>>
        %dma_start3A_441 = arith.constant 0 : i32
        %dma_start3A_442 = tpu.memref_slice %arg9[%scan3A_429, %dma_start3A_441] : memref<125x80xi32, #tpu.memory_space<vmem>> -> memref<1x80xi32, #tpu.memory_space<vmem>>
        %dma_start3A_443 = tpu.memref_squeeze %dma_start3A_442 : memref<1x80xi32, #tpu.memory_space<vmem>> -> memref<80xi32, #tpu.memory_space<vmem>>
        %dma_start3A_444 = arith.constant 0 : i32
        %dma_start3A_445 = arith.constant 0 : i32
        %dma_start3A_446 = tpu.memref_slice %arg12[%dma_start3A_444, %dma_start3A_445] : memref<3344x128xf32, #tpu.memory_space<vmem_shared>> -> memref<3344x128xf32, #tpu.memory_space<vmem_shared>>
        tpu.enqueue_indirect_dma source(%arg10 : memref<80x128xf32, #tpu.memory_space<vmem>>) target(%dma_start3A_446 : memref<3344x128xf32, #tpu.memory_space<vmem_shared>>) offsets(%dma_start3A_443 : memref<80xi32, #tpu.memory_space<vmem>>) semaphore(%run_scoped3A_440 : memref<!tpu.dma_semaphore, #tpu.memory_space<semaphore_mem>>) {add = true}
        %dma_wait3A_447 = arith.constant 0 : i32
        %dma_wait3A_448 = tpu.memref_slice %arg9[%scan3A_429, %dma_wait3A_447] : memref<125x80xi32, #tpu.memory_space<vmem>> -> memref<1x80xi32, #tpu.memory_space<vmem>>
        %dma_wait3A_449 = tpu.memref_squeeze %dma_wait3A_448 : memref<1x80xi32, #tpu.memory_space<vmem>> -> memref<80xi32, #tpu.memory_space<vmem>>
        %dma_wait3A_450 = arith.constant 0 : i32
        %dma_wait3A_451 = arith.constant 0 : i32
        %dma_wait3A_452 = tpu.memref_slice %arg12[%dma_wait3A_450, %dma_wait3A_451] : memref<3344x128xf32, #tpu.memory_space<vmem_shared>> -> memref<3344x128xf32, #tpu.memory_space<vmem_shared>>
        tpu.wait_indirect_dma semaphore(%run_scoped3A_440 : memref<!tpu.dma_semaphore, #tpu.memory_space<semaphore_mem>>) src(%arg10 : memref<80x128xf32, #tpu.memory_space<vmem>>) dst(%dma_wait3A_452 : memref<3344x128xf32, #tpu.memory_space<vmem_shared>>)
        tpu.yield
      }) : () -> ()
    }
    %scan3A_137 = arith.constant 125 : i32
    %barrier3A_138 = arith.constant 0 : index
    tpu.barrier barrier_id(%barrier3A_138)
    %mul3A_139 = arith.constant 208 : i32
    %mul3A_140 = arith.muli %arg1, %mul3A_139 : i32
    %mul3A_141 = arith.constant 208 : i32
    %mul3A_142 = arith.muli %arg1, %mul3A_141 : i32
    %add3A_143 = arith.constant 0 : i32
    %add3A_144 = arith.addi %add3A_143, %mul3A_142 : i32
    %run_scoped3A_145 = arith.constant 1 : i32
    "tpu.region"() ({
      %run_scoped3A_429 = tpu.sem_alloc : memref<!tpu.dma_semaphore, #tpu.memory_space<semaphore_mem>>
      %dma_start3A = arith.constant 0 : i32
      %dma_start3A_430 = arith.constant 0 : i32
      %dma_start3A_431 = tpu.memref_slice %arg5[%run_scoped3A_145, %dma_start3A, %dma_start3A_430] : memref<4x10000x128xf32, #tpu.memory_space<hbm>> -> memref<1x10000x128xf32, #tpu.memory_space<hbm>>
      %dma_start3A_432 = tpu.memref_squeeze %dma_start3A_431 : memref<1x10000x128xf32, #tpu.memory_space<hbm>> -> memref<10000x128xf32, #tpu.memory_space<hbm>>
      %dma_start3A_433 = arith.constant 0 : i32
      %dma_start3A_434 = tpu.memref_slice %dma_start3A_432[%add3A_144, %dma_start3A_433] : memref<10000x128xf32, #tpu.memory_space<hbm>> -> memref<208x128xf32, #tpu.memory_space<hbm>>
      %dma_start3A_435 = arith.constant 0 : i32
      %dma_start3A_436 = tpu.memref_slice %arg12[%mul3A_140, %dma_start3A_435] : memref<3344x128xf32, #tpu.memory_space<vmem_shared>> -> memref<208x128xf32, #tpu.memory_space<vmem_shared>>
      tpu.enqueue_dma source(%dma_start3A_436 : memref<208x128xf32, #tpu.memory_space<vmem_shared>>) target(%dma_start3A_434 : memref<208x128xf32, #tpu.memory_space<hbm>>) target_semaphore(%run_scoped3A_429 : memref<!tpu.dma_semaphore, #tpu.memory_space<semaphore_mem>>)
      %dma_wait3A = arith.constant 0 : i32
      %dma_wait3A_437 = arith.constant 0 : i32
      %dma_wait3A_438 = tpu.memref_slice %arg5[%run_scoped3A_145, %dma_wait3A, %dma_wait3A_437] : memref<4x10000x128xf32, #tpu.memory_space<hbm>> -> memref<1x10000x128xf32, #tpu.memory_space<hbm>>
      %dma_wait3A_439 = tpu.memref_squeeze %dma_wait3A_438 : memref<1x10000x128xf32, #tpu.memory_space<hbm>> -> memref<10000x128xf32, #tpu.memory_space<hbm>>
      %dma_wait3A_440 = arith.constant 0 : i32
      %dma_wait3A_441 = tpu.memref_slice %dma_wait3A_439[%add3A_144, %dma_wait3A_440] : memref<10000x128xf32, #tpu.memory_space<hbm>> -> memref<208x128xf32, #tpu.memory_space<hbm>>
      %dma_wait3A_442 = arith.constant 0 : i32
      %dma_wait3A_443 = tpu.memref_slice %arg12[%mul3A_140, %dma_wait3A_442] : memref<3344x128xf32, #tpu.memory_space<vmem_shared>> -> memref<208x128xf32, #tpu.memory_space<vmem_shared>>
      tpu.wait_dma2 semaphore(%run_scoped3A_429 : memref<!tpu.dma_semaphore, #tpu.memory_space<semaphore_mem>>) src(%dma_wait3A_443 : memref<208x128xf32, #tpu.memory_space<vmem_shared>>) dst(%dma_wait3A_441 : memref<208x128xf32, #tpu.memory_space<hbm>>)
      tpu.yield
    }) : () -> ()
    %eq3A_146 = arith.constant 15 : i32
    %eq3A_147 = arith.cmpi eq, %arg1, %eq3A_146 : i32
    %convert_element_type3A_148 = arith.extui %eq3A_147 : i1 to i32
    %cond3A_149 = arith.constant 0 : i32
    %cond3A_150 = arith.cmpi ne, %convert_element_type3A_148, %cond3A_149 : i32
    scf.if %cond3A_150 {
      %run_scoped3A_429 = arith.constant 1 : i32
      "tpu.region"() ({
        %run_scoped3A_430 = tpu.sem_alloc : memref<!tpu.dma_semaphore, #tpu.memory_space<semaphore_mem>>
        %dma_start3A = arith.constant 0 : i32
        %dma_start3A_431 = arith.constant 0 : i32
        %dma_start3A_432 = tpu.memref_slice %arg5[%run_scoped3A_429, %dma_start3A, %dma_start3A_431] : memref<4x10000x128xf32, #tpu.memory_space<hbm>> -> memref<1x10000x128xf32, #tpu.memory_space<hbm>>
        %dma_start3A_433 = tpu.memref_squeeze %dma_start3A_432 : memref<1x10000x128xf32, #tpu.memory_space<hbm>> -> memref<10000x128xf32, #tpu.memory_space<hbm>>
        %dma_start3A_434 = arith.constant 3328 : i32
        %dma_start3A_435 = arith.constant 0 : i32
        %dma_start3A_436 = tpu.memref_slice %dma_start3A_433[%dma_start3A_434, %dma_start3A_435] : memref<10000x128xf32, #tpu.memory_space<hbm>> -> memref<8x128xf32, #tpu.memory_space<hbm>>
        %dma_start3A_437 = arith.constant 3328 : i32
        %dma_start3A_438 = arith.constant 0 : i32
        %dma_start3A_439 = tpu.memref_slice %arg12[%dma_start3A_437, %dma_start3A_438] : memref<3344x128xf32, #tpu.memory_space<vmem_shared>> -> memref<8x128xf32, #tpu.memory_space<vmem_shared>>
        tpu.enqueue_dma source(%dma_start3A_439 : memref<8x128xf32, #tpu.memory_space<vmem_shared>>) target(%dma_start3A_436 : memref<8x128xf32, #tpu.memory_space<hbm>>) target_semaphore(%run_scoped3A_430 : memref<!tpu.dma_semaphore, #tpu.memory_space<semaphore_mem>>)
        %dma_wait3A = arith.constant 0 : i32
        %dma_wait3A_440 = arith.constant 0 : i32
        %dma_wait3A_441 = tpu.memref_slice %arg5[%run_scoped3A_429, %dma_wait3A, %dma_wait3A_440] : memref<4x10000x128xf32, #tpu.memory_space<hbm>> -> memref<1x10000x128xf32, #tpu.memory_space<hbm>>
        %dma_wait3A_442 = tpu.memref_squeeze %dma_wait3A_441 : memref<1x10000x128xf32, #tpu.memory_space<hbm>> -> memref<10000x128xf32, #tpu.memory_space<hbm>>
        %dma_wait3A_443 = arith.constant 3328 : i32
        %dma_wait3A_444 = arith.constant 0 : i32
        %dma_wait3A_445 = tpu.memref_slice %dma_wait3A_442[%dma_wait3A_443, %dma_wait3A_444] : memref<10000x128xf32, #tpu.memory_space<hbm>> -> memref<8x128xf32, #tpu.memory_space<hbm>>
        %dma_wait3A_446 = arith.constant 3328 : i32
        %dma_wait3A_447 = arith.constant 0 : i32
        %dma_wait3A_448 = tpu.memref_slice %arg12[%dma_wait3A_446, %dma_wait3A_447] : memref<3344x128xf32, #tpu.memory_space<vmem_shared>> -> memref<8x128xf32, #tpu.memory_space<vmem_shared>>
        tpu.wait_dma2 semaphore(%run_scoped3A_430 : memref<!tpu.dma_semaphore, #tpu.memory_space<semaphore_mem>>) src(%dma_wait3A_448 : memref<8x128xf32, #tpu.memory_space<vmem_shared>>) dst(%dma_wait3A_445 : memref<8x128xf32, #tpu.memory_space<hbm>>)
        tpu.yield
      }) : () -> ()
    } else {
    }
    %broadcast_in_dim3A_151 = arith.constant 3336 : i32
    %broadcast_in_dim3A_152 = vector.broadcast %broadcast_in_dim3A_151 : i32 to vector<16xi32>
    %broadcast_in_dim3A_153 = arith.constant 6672 : i32
    %broadcast_in_dim3A_154 = vector.broadcast %broadcast_in_dim3A_153 : i32 to vector<16xi32>
    %scan3A_155 = arith.constant 0 : i32
    %scan3A_156 = arith.constant 0 : i32
    %scan3A_157 = arith.constant 125 : i32
    %scan3A_158 = arith.addi %scan3A_156, %scan3A_157 : i32
    %scan3A_159 = arith.constant 1 : i32
    scf.for %scan3A_429 = %scan3A_156 to %scan3A_158 step %scan3A_159  : i32 {
      %get3A = arith.index_cast %scan3A_429 : i32 to index
      %get3A_430 = arith.constant 0 : index
      %get3A_431 = tpu.vector_load %arg7[%get3A, %get3A_430] {strides = array<i32>} : memref<125x80xi32, #tpu.memory_space<vmem>>, vector<1x16xi32>,
      %get3A_432 = vector.shape_cast %get3A_431 : vector<1x16xi32> to vector<16xi32>
      %lt3A = arith.cmpi slt, %get3A_432, %broadcast_in_dim3A_152 : vector<16xi32>
      %ge3A = arith.cmpi sge, %get3A_432, %broadcast_in_dim3A_154 : vector<16xi32>
      %or3A = arith.ori %lt3A, %ge3A : vector<16xi1>
      %sub3A = arith.subi %get3A_432, %broadcast_in_dim3A_152 : vector<16xi32>
      %select_n3A = arith.select %or3A, %broadcast_in_dim3A_7, %sub3A : vector<16xi1>, vector<16xi32>
      %swap3A = arith.index_cast %scan3A_429 : i32 to index
      %swap3A_433 = arith.constant 0 : index
      %swap3A_434 = tpu.vector_load %arg9[%swap3A, %swap3A_433] {strides = array<i32>} : memref<125x80xi32, #tpu.memory_space<vmem>>, vector<1x16xi32>,
      %swap3A_435 = vector.shape_cast %swap3A_434 : vector<1x16xi32> to vector<16xi32>
      %swap3A_436 = vector.shape_cast %select_n3A : vector<16xi32> to vector<1x16xi32>
      tpu.vector_store %arg9[%swap3A, %swap3A_433], %swap3A_436 {strides = array<i32>} : memref<125x80xi32, #tpu.memory_space<vmem>>, vector<1x16xi32>,
      %get3A_437 = arith.index_cast %scan3A_429 : i32 to index
      %get3A_438 = arith.constant 16 : index
      %get3A_439 = tpu.vector_load %arg7[%get3A_437, %get3A_438] {strides = array<i32>} : memref<125x80xi32, #tpu.memory_space<vmem>>, vector<1x16xi32>,
      %get3A_440 = vector.shape_cast %get3A_439 : vector<1x16xi32> to vector<16xi32>
      %lt3A_441 = arith.cmpi slt, %get3A_440, %broadcast_in_dim3A_152 : vector<16xi32>
      %ge3A_442 = arith.cmpi sge, %get3A_440, %broadcast_in_dim3A_154 : vector<16xi32>
      %or3A_443 = arith.ori %lt3A_441, %ge3A_442 : vector<16xi1>
      %sub3A_444 = arith.subi %get3A_440, %broadcast_in_dim3A_152 : vector<16xi32>
      %select_n3A_445 = arith.select %or3A_443, %broadcast_in_dim3A_7, %sub3A_444 : vector<16xi1>, vector<16xi32>
      %swap3A_446 = arith.index_cast %scan3A_429 : i32 to index
      %swap3A_447 = arith.constant 16 : index
      %swap3A_448 = tpu.vector_load %arg9[%swap3A_446, %swap3A_447] {strides = array<i32>} : memref<125x80xi32, #tpu.memory_space<vmem>>, vector<1x16xi32>,
      %swap3A_449 = vector.shape_cast %swap3A_448 : vector<1x16xi32> to vector<16xi32>
      %swap3A_450 = vector.shape_cast %select_n3A_445 : vector<16xi32> to vector<1x16xi32>
      tpu.vector_store %arg9[%swap3A_446, %swap3A_447], %swap3A_450 {strides = array<i32>} : memref<125x80xi32, #tpu.memory_space<vmem>>, vector<1x16xi32>,
      %get3A_451 = arith.index_cast %scan3A_429 : i32 to index
      %get3A_452 = arith.constant 32 : index
      %get3A_453 = tpu.vector_load %arg7[%get3A_451, %get3A_452] {strides = array<i32>} : memref<125x80xi32, #tpu.memory_space<vmem>>, vector<1x16xi32>,
      %get3A_454 = vector.shape_cast %get3A_453 : vector<1x16xi32> to vector<16xi32>
      %lt3A_455 = arith.cmpi slt, %get3A_454, %broadcast_in_dim3A_152 : vector<16xi32>
      %ge3A_456 = arith.cmpi sge, %get3A_454, %broadcast_in_dim3A_154 : vector<16xi32>
      %or3A_457 = arith.ori %lt3A_455, %ge3A_456 : vector<16xi1>
      %sub3A_458 = arith.subi %get3A_454, %broadcast_in_dim3A_152 : vector<16xi32>
      %select_n3A_459 = arith.select %or3A_457, %broadcast_in_dim3A_7, %sub3A_458 : vector<16xi1>, vector<16xi32>
      %swap3A_460 = arith.index_cast %scan3A_429 : i32 to index
      %swap3A_461 = arith.constant 32 : index
      %swap3A_462 = tpu.vector_load %arg9[%swap3A_460, %swap3A_461] {strides = array<i32>} : memref<125x80xi32, #tpu.memory_space<vmem>>, vector<1x16xi32>,
      %swap3A_463 = vector.shape_cast %swap3A_462 : vector<1x16xi32> to vector<16xi32>
      %swap3A_464 = vector.shape_cast %select_n3A_459 : vector<16xi32> to vector<1x16xi32>
      tpu.vector_store %arg9[%swap3A_460, %swap3A_461], %swap3A_464 {strides = array<i32>} : memref<125x80xi32, #tpu.memory_space<vmem>>, vector<1x16xi32>,
      %get3A_465 = arith.index_cast %scan3A_429 : i32 to index
      %get3A_466 = arith.constant 48 : index
      %get3A_467 = tpu.vector_load %arg7[%get3A_465, %get3A_466] {strides = array<i32>} : memref<125x80xi32, #tpu.memory_space<vmem>>, vector<1x16xi32>,
      %get3A_468 = vector.shape_cast %get3A_467 : vector<1x16xi32> to vector<16xi32>
      %lt3A_469 = arith.cmpi slt, %get3A_468, %broadcast_in_dim3A_152 : vector<16xi32>
      %ge3A_470 = arith.cmpi sge, %get3A_468, %broadcast_in_dim3A_154 : vector<16xi32>
      %or3A_471 = arith.ori %lt3A_469, %ge3A_470 : vector<16xi1>
      %sub3A_472 = arith.subi %get3A_468, %broadcast_in_dim3A_152 : vector<16xi32>
      %select_n3A_473 = arith.select %or3A_471, %broadcast_in_dim3A_7, %sub3A_472 : vector<16xi1>, vector<16xi32>
      %swap3A_474 = arith.index_cast %scan3A_429 : i32 to index
      %swap3A_475 = arith.constant 48 : index
      %swap3A_476 = tpu.vector_load %arg9[%swap3A_474, %swap3A_475] {strides = array<i32>} : memref<125x80xi32, #tpu.memory_space<vmem>>, vector<1x16xi32>,
      %swap3A_477 = vector.shape_cast %swap3A_476 : vector<1x16xi32> to vector<16xi32>
      %swap3A_478 = vector.shape_cast %select_n3A_473 : vector<16xi32> to vector<1x16xi32>
      tpu.vector_store %arg9[%swap3A_474, %swap3A_475], %swap3A_478 {strides = array<i32>} : memref<125x80xi32, #tpu.memory_space<vmem>>, vector<1x16xi32>,
      %get3A_479 = arith.index_cast %scan3A_429 : i32 to index
      %get3A_480 = arith.constant 64 : index
      %get3A_481 = tpu.vector_load %arg7[%get3A_479, %get3A_480] {strides = array<i32>} : memref<125x80xi32, #tpu.memory_space<vmem>>, vector<1x16xi32>,
      %get3A_482 = vector.shape_cast %get3A_481 : vector<1x16xi32> to vector<16xi32>
      %lt3A_483 = arith.cmpi slt, %get3A_482, %broadcast_in_dim3A_152 : vector<16xi32>
      %ge3A_484 = arith.cmpi sge, %get3A_482, %broadcast_in_dim3A_154 : vector<16xi32>
      %or3A_485 = arith.ori %lt3A_483, %ge3A_484 : vector<16xi1>
      %sub3A_486 = arith.subi %get3A_482, %broadcast_in_dim3A_152 : vector<16xi32>
      %select_n3A_487 = arith.select %or3A_485, %broadcast_in_dim3A_7, %sub3A_486 : vector<16xi1>, vector<16xi32>
      %swap3A_488 = arith.index_cast %scan3A_429 : i32 to index
      %swap3A_489 = arith.constant 64 : index
      %swap3A_490 = tpu.vector_load %arg9[%swap3A_488, %swap3A_489] {strides = array<i32>} : memref<125x80xi32, #tpu.memory_space<vmem>>, vector<1x16xi32>,
      %swap3A_491 = vector.shape_cast %swap3A_490 : vector<1x16xi32> to vector<16xi32>
      %swap3A_492 = vector.shape_cast %select_n3A_487 : vector<16xi32> to vector<1x16xi32>
      tpu.vector_store %arg9[%swap3A_488, %swap3A_489], %swap3A_492 {strides = array<i32>} : memref<125x80xi32, #tpu.memory_space<vmem>>, vector<1x16xi32>,
    }
    %scan3A_160 = arith.constant 125 : i32
    %mul3A_161 = arith.constant 208 : i32
    %mul3A_162 = arith.muli %arg1, %mul3A_161 : i32
    "tpu.region"() ({
      %run_scoped3A_429 = tpu.sem_alloc : memref<!tpu.dma_semaphore, #tpu.memory_space<semaphore_mem>>
      %dma_start3A = arith.constant 0 : i32
      %dma_start3A_430 = tpu.memref_slice %arg12[%mul3A_162, %dma_start3A] : memref<3344x128xf32, #tpu.memory_space<vmem_shared>> -> memref<208x128xf32, #tpu.memory_space<vmem_shared>>
      %dma_start3A_431 = arith.constant 0 : i32
      %dma_start3A_432 = tpu.memref_slice %arg12[%mul3A_162, %dma_start3A_431] : memref<3344x128xf32, #tpu.memory_space<vmem_shared>> -> memref<208x128xf32, #tpu.memory_space<vmem_shared>>
      tpu.enqueue_dma source(%arg11 : memref<208x128xf32, #tpu.memory_space<vmem>>) target(%dma_start3A_432 : memref<208x128xf32, #tpu.memory_space<vmem_shared>>) target_semaphore(%run_scoped3A_429 : memref<!tpu.dma_semaphore, #tpu.memory_space<semaphore_mem>>)
      %dma_wait3A = arith.constant 0 : i32
      %dma_wait3A_433 = tpu.memref_slice %arg12[%mul3A_162, %dma_wait3A] : memref<3344x128xf32, #tpu.memory_space<vmem_shared>> -> memref<208x128xf32, #tpu.memory_space<vmem_shared>>
      %dma_wait3A_434 = arith.constant 0 : i32
      %dma_wait3A_435 = tpu.memref_slice %arg12[%mul3A_162, %dma_wait3A_434] : memref<3344x128xf32, #tpu.memory_space<vmem_shared>> -> memref<208x128xf32, #tpu.memory_space<vmem_shared>>
      tpu.wait_dma2 semaphore(%run_scoped3A_429 : memref<!tpu.dma_semaphore, #tpu.memory_space<semaphore_mem>>) src(%arg11 : memref<208x128xf32, #tpu.memory_space<vmem>>) dst(%dma_wait3A_435 : memref<208x128xf32, #tpu.memory_space<vmem_shared>>)
      tpu.yield
    }) : () -> ()
    %eq3A_163 = arith.constant 15 : i32
    %eq3A_164 = arith.cmpi eq, %arg1, %eq3A_163 : i32
    %convert_element_type3A_165 = arith.extui %eq3A_164 : i1 to i32
    %cond3A_166 = arith.constant 0 : i32
    %cond3A_167 = arith.cmpi ne, %convert_element_type3A_165, %cond3A_166 : i32
    scf.if %cond3A_167 {
      "tpu.region"() ({
        %run_scoped3A_429 = tpu.sem_alloc : memref<!tpu.dma_semaphore, #tpu.memory_space<semaphore_mem>>
        %dma_start3A = arith.constant 0 : i32
        %dma_start3A_430 = arith.constant 0 : i32
        %dma_start3A_431 = tpu.memref_slice %arg11[%dma_start3A, %dma_start3A_430] : memref<208x128xf32, #tpu.memory_space<vmem>> -> memref<8x128xf32, #tpu.memory_space<vmem>>
        %dma_start3A_432 = arith.constant 3328 : i32
        %dma_start3A_433 = arith.constant 0 : i32
        %dma_start3A_434 = tpu.memref_slice %arg12[%dma_start3A_432, %dma_start3A_433] : memref<3344x128xf32, #tpu.memory_space<vmem_shared>> -> memref<8x128xf32, #tpu.memory_space<vmem_shared>>
        %dma_start3A_435 = arith.constant 3328 : i32
        %dma_start3A_436 = arith.constant 0 : i32
        %dma_start3A_437 = tpu.memref_slice %arg12[%dma_start3A_435, %dma_start3A_436] : memref<3344x128xf32, #tpu.memory_space<vmem_shared>> -> memref<8x128xf32, #tpu.memory_space<vmem_shared>>
        %dma_start3A_438 = arith.constant 0 : i32
        %dma_start3A_439 = arith.constant 0 : i32
        %dma_start3A_440 = tpu.memref_slice %arg11[%dma_start3A_438, %dma_start3A_439] : memref<208x128xf32, #tpu.memory_space<vmem>> -> memref<8x128xf32, #tpu.memory_space<vmem>>
        tpu.enqueue_dma source(%dma_start3A_440 : memref<8x128xf32, #tpu.memory_space<vmem>>) target(%dma_start3A_437 : memref<8x128xf32, #tpu.memory_space<vmem_shared>>) target_semaphore(%run_scoped3A_429 : memref<!tpu.dma_semaphore, #tpu.memory_space<semaphore_mem>>)
        %dma_wait3A = arith.constant 0 : i32
        %dma_wait3A_441 = arith.constant 0 : i32
        %dma_wait3A_442 = tpu.memref_slice %arg11[%dma_wait3A, %dma_wait3A_441] : memref<208x128xf32, #tpu.memory_space<vmem>> -> memref<8x128xf32, #tpu.memory_space<vmem>>
        %dma_wait3A_443 = arith.constant 3328 : i32
        %dma_wait3A_444 = arith.constant 0 : i32
        %dma_wait3A_445 = tpu.memref_slice %arg12[%dma_wait3A_443, %dma_wait3A_444] : memref<3344x128xf32, #tpu.memory_space<vmem_shared>> -> memref<8x128xf32, #tpu.memory_space<vmem_shared>>
        %dma_wait3A_446 = arith.constant 3328 : i32
        %dma_wait3A_447 = arith.constant 0 : i32
        %dma_wait3A_448 = tpu.memref_slice %arg12[%dma_wait3A_446, %dma_wait3A_447] : memref<3344x128xf32, #tpu.memory_space<vmem_shared>> -> memref<8x128xf32, #tpu.memory_space<vmem_shared>>
        %dma_wait3A_449 = arith.constant 0 : i32
        %dma_wait3A_450 = arith.constant 0 : i32
        %dma_wait3A_451 = tpu.memref_slice %arg11[%dma_wait3A_449, %dma_wait3A_450] : memref<208x128xf32, #tpu.memory_space<vmem>> -> memref<8x128xf32, #tpu.memory_space<vmem>>
        tpu.wait_dma2 semaphore(%run_scoped3A_429 : memref<!tpu.dma_semaphore, #tpu.memory_space<semaphore_mem>>) src(%dma_wait3A_451 : memref<8x128xf32, #tpu.memory_space<vmem>>) dst(%dma_wait3A_448 : memref<8x128xf32, #tpu.memory_space<vmem_shared>>)
        tpu.yield
      }) : () -> ()
    } else {
    }
    %barrier3A_168 = arith.constant 0 : index
    tpu.barrier barrier_id(%barrier3A_168)
    %scan3A_169 = arith.constant 0 : i32
    %scan3A_170 = arith.constant 0 : i32
    %scan3A_171 = arith.constant 125 : i32
    %scan3A_172 = arith.addi %scan3A_170, %scan3A_171 : i32
    %scan3A_173 = arith.constant 1 : i32
    scf.for %scan3A_429 = %scan3A_170 to %scan3A_172 step %scan3A_173  : i32 {
      %dma_start3A = arith.constant 0 : i32
      %dma_start3A_430 = tpu.memref_slice %arg8[%scan3A_429, %dma_start3A] : memref<125x80xi32, #tpu.memory_space<vmem>> -> memref<1x80xi32, #tpu.memory_space<vmem>>
      %dma_start3A_431 = tpu.memref_squeeze %dma_start3A_430 : memref<1x80xi32, #tpu.memory_space<vmem>> -> memref<80xi32, #tpu.memory_space<vmem>>
      %dma_start3A_432 = arith.constant 0 : i32
      %dma_start3A_433 = arith.constant 0 : i32
      %dma_start3A_434 = tpu.memref_slice %arg2[%dma_start3A_432, %dma_start3A_433] : memref<40000x128xf32, #tpu.memory_space<hbm>> -> memref<40000x128xf32, #tpu.memory_space<hbm>>
      tpu.enqueue_indirect_dma source(%dma_start3A_434 : memref<40000x128xf32, #tpu.memory_space<hbm>>) target(%arg10 : memref<80x128xf32, #tpu.memory_space<vmem>>) offsets(%dma_start3A_431 : memref<80xi32, #tpu.memory_space<vmem>>) semaphore(%arg13 : memref<!tpu.dma_semaphore, #tpu.memory_space<semaphore_mem>>)
      %dma_wait3A = arith.constant 0 : i32
      %dma_wait3A_435 = tpu.memref_slice %arg8[%scan3A_429, %dma_wait3A] : memref<125x80xi32, #tpu.memory_space<vmem>> -> memref<1x80xi32, #tpu.memory_space<vmem>>
      %dma_wait3A_436 = tpu.memref_squeeze %dma_wait3A_435 : memref<1x80xi32, #tpu.memory_space<vmem>> -> memref<80xi32, #tpu.memory_space<vmem>>
      %dma_wait3A_437 = arith.constant 0 : i32
      %dma_wait3A_438 = arith.constant 0 : i32
      %dma_wait3A_439 = tpu.memref_slice %arg2[%dma_wait3A_437, %dma_wait3A_438] : memref<40000x128xf32, #tpu.memory_space<hbm>> -> memref<40000x128xf32, #tpu.memory_space<hbm>>
      tpu.wait_indirect_dma semaphore(%arg13 : memref<!tpu.dma_semaphore, #tpu.memory_space<semaphore_mem>>) src(%dma_wait3A_439 : memref<40000x128xf32, #tpu.memory_space<hbm>>) dst(%arg10 : memref<80x128xf32, #tpu.memory_space<vmem>>)
      "tpu.region"() ({
        %run_scoped3A_440 = tpu.sem_alloc : memref<!tpu.dma_semaphore, #tpu.memory_space<semaphore_mem>>
        %dma_start3A_441 = arith.constant 0 : i32
        %dma_start3A_442 = tpu.memref_slice %arg9[%scan3A_429, %dma_start3A_441] : memref<125x80xi32, #tpu.memory_space<vmem>> -> memref<1x80xi32, #tpu.memory_space<vmem>>
        %dma_start3A_443 = tpu.memref_squeeze %dma_start3A_442 : memref<1x80xi32, #tpu.memory_space<vmem>> -> memref<80xi32, #tpu.memory_space<vmem>>
        %dma_start3A_444 = arith.constant 0 : i32
        %dma_start3A_445 = arith.constant 0 : i32
        %dma_start3A_446 = tpu.memref_slice %arg12[%dma_start3A_444, %dma_start3A_445] : memref<3344x128xf32, #tpu.memory_space<vmem_shared>> -> memref<3344x128xf32, #tpu.memory_space<vmem_shared>>
        tpu.enqueue_indirect_dma source(%arg10 : memref<80x128xf32, #tpu.memory_space<vmem>>) target(%dma_start3A_446 : memref<3344x128xf32, #tpu.memory_space<vmem_shared>>) offsets(%dma_start3A_443 : memref<80xi32, #tpu.memory_space<vmem>>) semaphore(%run_scoped3A_440 : memref<!tpu.dma_semaphore, #tpu.memory_space<semaphore_mem>>) {add = true}
        %dma_wait3A_447 = arith.constant 0 : i32
        %dma_wait3A_448 = tpu.memref_slice %arg9[%scan3A_429, %dma_wait3A_447] : memref<125x80xi32, #tpu.memory_space<vmem>> -> memref<1x80xi32, #tpu.memory_space<vmem>>
        %dma_wait3A_449 = tpu.memref_squeeze %dma_wait3A_448 : memref<1x80xi32, #tpu.memory_space<vmem>> -> memref<80xi32, #tpu.memory_space<vmem>>
        %dma_wait3A_450 = arith.constant 0 : i32
        %dma_wait3A_451 = arith.constant 0 : i32
        %dma_wait3A_452 = tpu.memref_slice %arg12[%dma_wait3A_450, %dma_wait3A_451] : memref<3344x128xf32, #tpu.memory_space<vmem_shared>> -> memref<3344x128xf32, #tpu.memory_space<vmem_shared>>
        tpu.wait_indirect_dma semaphore(%run_scoped3A_440 : memref<!tpu.dma_semaphore, #tpu.memory_space<semaphore_mem>>) src(%arg10 : memref<80x128xf32, #tpu.memory_space<vmem>>) dst(%dma_wait3A_452 : memref<3344x128xf32, #tpu.memory_space<vmem_shared>>)
        tpu.yield
      }) : () -> ()
    }
    %scan3A_174 = arith.constant 125 : i32
    %barrier3A_175 = arith.constant 0 : index
    tpu.barrier barrier_id(%barrier3A_175)
    %mul3A_176 = arith.constant 208 : i32
    %mul3A_177 = arith.muli %arg1, %mul3A_176 : i32
    %mul3A_178 = arith.constant 208 : i32
    %mul3A_179 = arith.muli %arg1, %mul3A_178 : i32
    %add3A_180 = arith.constant 3336 : i32
    %add3A_181 = arith.addi %add3A_180, %mul3A_179 : i32
    %run_scoped3A_182 = arith.constant 1 : i32
    "tpu.region"() ({
      %run_scoped3A_429 = tpu.sem_alloc : memref<!tpu.dma_semaphore, #tpu.memory_space<semaphore_mem>>
      %dma_start3A = arith.constant 0 : i32
      %dma_start3A_430 = arith.constant 0 : i32
      %dma_start3A_431 = tpu.memref_slice %arg5[%run_scoped3A_182, %dma_start3A, %dma_start3A_430] : memref<4x10000x128xf32, #tpu.memory_space<hbm>> -> memref<1x10000x128xf32, #tpu.memory_space<hbm>>
      %dma_start3A_432 = tpu.memref_squeeze %dma_start3A_431 : memref<1x10000x128xf32, #tpu.memory_space<hbm>> -> memref<10000x128xf32, #tpu.memory_space<hbm>>
      %dma_start3A_433 = arith.constant 0 : i32
      %dma_start3A_434 = tpu.memref_slice %dma_start3A_432[%add3A_181, %dma_start3A_433] : memref<10000x128xf32, #tpu.memory_space<hbm>> -> memref<208x128xf32, #tpu.memory_space<hbm>>
      %dma_start3A_435 = arith.constant 0 : i32
      %dma_start3A_436 = tpu.memref_slice %arg12[%mul3A_177, %dma_start3A_435] : memref<3344x128xf32, #tpu.memory_space<vmem_shared>> -> memref<208x128xf32, #tpu.memory_space<vmem_shared>>
      tpu.enqueue_dma source(%dma_start3A_436 : memref<208x128xf32, #tpu.memory_space<vmem_shared>>) target(%dma_start3A_434 : memref<208x128xf32, #tpu.memory_space<hbm>>) target_semaphore(%run_scoped3A_429 : memref<!tpu.dma_semaphore, #tpu.memory_space<semaphore_mem>>)
      %dma_wait3A = arith.constant 0 : i32
      %dma_wait3A_437 = arith.constant 0 : i32
      %dma_wait3A_438 = tpu.memref_slice %arg5[%run_scoped3A_182, %dma_wait3A, %dma_wait3A_437] : memref<4x10000x128xf32, #tpu.memory_space<hbm>> -> memref<1x10000x128xf32, #tpu.memory_space<hbm>>
      %dma_wait3A_439 = tpu.memref_squeeze %dma_wait3A_438 : memref<1x10000x128xf32, #tpu.memory_space<hbm>> -> memref<10000x128xf32, #tpu.memory_space<hbm>>
      %dma_wait3A_440 = arith.constant 0 : i32
      %dma_wait3A_441 = tpu.memref_slice %dma_wait3A_439[%add3A_181, %dma_wait3A_440] : memref<10000x128xf32, #tpu.memory_space<hbm>> -> memref<208x128xf32, #tpu.memory_space<hbm>>
      %dma_wait3A_442 = arith.constant 0 : i32
      %dma_wait3A_443 = tpu.memref_slice %arg12[%mul3A_177, %dma_wait3A_442] : memref<3344x128xf32, #tpu.memory_space<vmem_shared>> -> memref<208x128xf32, #tpu.memory_space<vmem_shared>>
      tpu.wait_dma2 semaphore(%run_scoped3A_429 : memref<!tpu.dma_semaphore, #tpu.memory_space<semaphore_mem>>) src(%dma_wait3A_443 : memref<208x128xf32, #tpu.memory_space<vmem_shared>>) dst(%dma_wait3A_441 : memref<208x128xf32, #tpu.memory_space<hbm>>)
      tpu.yield
    }) : () -> ()
    %eq3A_183 = arith.constant 15 : i32
    %eq3A_184 = arith.cmpi eq, %arg1, %eq3A_183 : i32
    %convert_element_type3A_185 = arith.extui %eq3A_184 : i1 to i32
    %cond3A_186 = arith.constant 0 : i32
    %cond3A_187 = arith.cmpi ne, %convert_element_type3A_185, %cond3A_186 : i32
    scf.if %cond3A_187 {
      %run_scoped3A_429 = arith.constant 1 : i32
      "tpu.region"() ({
        %run_scoped3A_430 = tpu.sem_alloc : memref<!tpu.dma_semaphore, #tpu.memory_space<semaphore_mem>>
        %dma_start3A = arith.constant 0 : i32
        %dma_start3A_431 = arith.constant 0 : i32
        %dma_start3A_432 = tpu.memref_slice %arg5[%run_scoped3A_429, %dma_start3A, %dma_start3A_431] : memref<4x10000x128xf32, #tpu.memory_space<hbm>> -> memref<1x10000x128xf32, #tpu.memory_space<hbm>>
        %dma_start3A_433 = tpu.memref_squeeze %dma_start3A_432 : memref<1x10000x128xf32, #tpu.memory_space<hbm>> -> memref<10000x128xf32, #tpu.memory_space<hbm>>
        %dma_start3A_434 = arith.constant 6664 : i32
        %dma_start3A_435 = arith.constant 0 : i32
        %dma_start3A_436 = tpu.memref_slice %dma_start3A_433[%dma_start3A_434, %dma_start3A_435] : memref<10000x128xf32, #tpu.memory_space<hbm>> -> memref<8x128xf32, #tpu.memory_space<hbm>>
        %dma_start3A_437 = arith.constant 3328 : i32
        %dma_start3A_438 = arith.constant 0 : i32
        %dma_start3A_439 = tpu.memref_slice %arg12[%dma_start3A_437, %dma_start3A_438] : memref<3344x128xf32, #tpu.memory_space<vmem_shared>> -> memref<8x128xf32, #tpu.memory_space<vmem_shared>>
        tpu.enqueue_dma source(%dma_start3A_439 : memref<8x128xf32, #tpu.memory_space<vmem_shared>>) target(%dma_start3A_436 : memref<8x128xf32, #tpu.memory_space<hbm>>) target_semaphore(%run_scoped3A_430 : memref<!tpu.dma_semaphore, #tpu.memory_space<semaphore_mem>>)
        %dma_wait3A = arith.constant 0 : i32
        %dma_wait3A_440 = arith.constant 0 : i32
        %dma_wait3A_441 = tpu.memref_slice %arg5[%run_scoped3A_429, %dma_wait3A, %dma_wait3A_440] : memref<4x10000x128xf32, #tpu.memory_space<hbm>> -> memref<1x10000x128xf32, #tpu.memory_space<hbm>>
        %dma_wait3A_442 = tpu.memref_squeeze %dma_wait3A_441 : memref<1x10000x128xf32, #tpu.memory_space<hbm>> -> memref<10000x128xf32, #tpu.memory_space<hbm>>
        %dma_wait3A_443 = arith.constant 6664 : i32
        %dma_wait3A_444 = arith.constant 0 : i32
        %dma_wait3A_445 = tpu.memref_slice %dma_wait3A_442[%dma_wait3A_443, %dma_wait3A_444] : memref<10000x128xf32, #tpu.memory_space<hbm>> -> memref<8x128xf32, #tpu.memory_space<hbm>>
        %dma_wait3A_446 = arith.constant 3328 : i32
        %dma_wait3A_447 = arith.constant 0 : i32
        %dma_wait3A_448 = tpu.memref_slice %arg12[%dma_wait3A_446, %dma_wait3A_447] : memref<3344x128xf32, #tpu.memory_space<vmem_shared>> -> memref<8x128xf32, #tpu.memory_space<vmem_shared>>
        tpu.wait_dma2 semaphore(%run_scoped3A_430 : memref<!tpu.dma_semaphore, #tpu.memory_space<semaphore_mem>>) src(%dma_wait3A_448 : memref<8x128xf32, #tpu.memory_space<vmem_shared>>) dst(%dma_wait3A_445 : memref<8x128xf32, #tpu.memory_space<hbm>>)
        tpu.yield
      }) : () -> ()
    } else {
    }
    %broadcast_in_dim3A_188 = arith.constant 6672 : i32
    %broadcast_in_dim3A_189 = vector.broadcast %broadcast_in_dim3A_188 : i32 to vector<16xi32>
    %broadcast_in_dim3A_190 = arith.constant 10000 : i32
    %broadcast_in_dim3A_191 = vector.broadcast %broadcast_in_dim3A_190 : i32 to vector<16xi32>
    %scan3A_192 = arith.constant 0 : i32
    %scan3A_193 = arith.constant 0 : i32
    %scan3A_194 = arith.constant 125 : i32
    %scan3A_195 = arith.addi %scan3A_193, %scan3A_194 : i32
    %scan3A_196 = arith.constant 1 : i32
    scf.for %scan3A_429 = %scan3A_193 to %scan3A_195 step %scan3A_196  : i32 {
      %get3A = arith.index_cast %scan3A_429 : i32 to index
      %get3A_430 = arith.constant 0 : index
      %get3A_431 = tpu.vector_load %arg7[%get3A, %get3A_430] {strides = array<i32>} : memref<125x80xi32, #tpu.memory_space<vmem>>, vector<1x16xi32>,
      %get3A_432 = vector.shape_cast %get3A_431 : vector<1x16xi32> to vector<16xi32>
      %lt3A = arith.cmpi slt, %get3A_432, %broadcast_in_dim3A_189 : vector<16xi32>
      %ge3A = arith.cmpi sge, %get3A_432, %broadcast_in_dim3A_191 : vector<16xi32>
      %or3A = arith.ori %lt3A, %ge3A : vector<16xi1>
      %sub3A = arith.subi %get3A_432, %broadcast_in_dim3A_189 : vector<16xi32>
      %select_n3A = arith.select %or3A, %broadcast_in_dim3A_7, %sub3A : vector<16xi1>, vector<16xi32>
      %swap3A = arith.index_cast %scan3A_429 : i32 to index
      %swap3A_433 = arith.constant 0 : index
      %swap3A_434 = tpu.vector_load %arg9[%swap3A, %swap3A_433] {strides = array<i32>} : memref<125x80xi32, #tpu.memory_space<vmem>>, vector<1x16xi32>,
      %swap3A_435 = vector.shape_cast %swap3A_434 : vector<1x16xi32> to vector<16xi32>
      %swap3A_436 = vector.shape_cast %select_n3A : vector<16xi32> to vector<1x16xi32>
      tpu.vector_store %arg9[%swap3A, %swap3A_433], %swap3A_436 {strides = array<i32>} : memref<125x80xi32, #tpu.memory_space<vmem>>, vector<1x16xi32>,
      %get3A_437 = arith.index_cast %scan3A_429 : i32 to index
      %get3A_438 = arith.constant 16 : index
      %get3A_439 = tpu.vector_load %arg7[%get3A_437, %get3A_438] {strides = array<i32>} : memref<125x80xi32, #tpu.memory_space<vmem>>, vector<1x16xi32>,
      %get3A_440 = vector.shape_cast %get3A_439 : vector<1x16xi32> to vector<16xi32>
      %lt3A_441 = arith.cmpi slt, %get3A_440, %broadcast_in_dim3A_189 : vector<16xi32>
      %ge3A_442 = arith.cmpi sge, %get3A_440, %broadcast_in_dim3A_191 : vector<16xi32>
      %or3A_443 = arith.ori %lt3A_441, %ge3A_442 : vector<16xi1>
      %sub3A_444 = arith.subi %get3A_440, %broadcast_in_dim3A_189 : vector<16xi32>
      %select_n3A_445 = arith.select %or3A_443, %broadcast_in_dim3A_7, %sub3A_444 : vector<16xi1>, vector<16xi32>
      %swap3A_446 = arith.index_cast %scan3A_429 : i32 to index
      %swap3A_447 = arith.constant 16 : index
      %swap3A_448 = tpu.vector_load %arg9[%swap3A_446, %swap3A_447] {strides = array<i32>} : memref<125x80xi32, #tpu.memory_space<vmem>>, vector<1x16xi32>,
      %swap3A_449 = vector.shape_cast %swap3A_448 : vector<1x16xi32> to vector<16xi32>
      %swap3A_450 = vector.shape_cast %select_n3A_445 : vector<16xi32> to vector<1x16xi32>
      tpu.vector_store %arg9[%swap3A_446, %swap3A_447], %swap3A_450 {strides = array<i32>} : memref<125x80xi32, #tpu.memory_space<vmem>>, vector<1x16xi32>,
      %get3A_451 = arith.index_cast %scan3A_429 : i32 to index
      %get3A_452 = arith.constant 32 : index
      %get3A_453 = tpu.vector_load %arg7[%get3A_451, %get3A_452] {strides = array<i32>} : memref<125x80xi32, #tpu.memory_space<vmem>>, vector<1x16xi32>,
      %get3A_454 = vector.shape_cast %get3A_453 : vector<1x16xi32> to vector<16xi32>
      %lt3A_455 = arith.cmpi slt, %get3A_454, %broadcast_in_dim3A_189 : vector<16xi32>
      %ge3A_456 = arith.cmpi sge, %get3A_454, %broadcast_in_dim3A_191 : vector<16xi32>
      %or3A_457 = arith.ori %lt3A_455, %ge3A_456 : vector<16xi1>
      %sub3A_458 = arith.subi %get3A_454, %broadcast_in_dim3A_189 : vector<16xi32>
      %select_n3A_459 = arith.select %or3A_457, %broadcast_in_dim3A_7, %sub3A_458 : vector<16xi1>, vector<16xi32>
      %swap3A_460 = arith.index_cast %scan3A_429 : i32 to index
      %swap3A_461 = arith.constant 32 : index
      %swap3A_462 = tpu.vector_load %arg9[%swap3A_460, %swap3A_461] {strides = array<i32>} : memref<125x80xi32, #tpu.memory_space<vmem>>, vector<1x16xi32>,
      %swap3A_463 = vector.shape_cast %swap3A_462 : vector<1x16xi32> to vector<16xi32>
      %swap3A_464 = vector.shape_cast %select_n3A_459 : vector<16xi32> to vector<1x16xi32>
      tpu.vector_store %arg9[%swap3A_460, %swap3A_461], %swap3A_464 {strides = array<i32>} : memref<125x80xi32, #tpu.memory_space<vmem>>, vector<1x16xi32>,
      %get3A_465 = arith.index_cast %scan3A_429 : i32 to index
      %get3A_466 = arith.constant 48 : index
      %get3A_467 = tpu.vector_load %arg7[%get3A_465, %get3A_466] {strides = array<i32>} : memref<125x80xi32, #tpu.memory_space<vmem>>, vector<1x16xi32>,
      %get3A_468 = vector.shape_cast %get3A_467 : vector<1x16xi32> to vector<16xi32>
      %lt3A_469 = arith.cmpi slt, %get3A_468, %broadcast_in_dim3A_189 : vector<16xi32>
      %ge3A_470 = arith.cmpi sge, %get3A_468, %broadcast_in_dim3A_191 : vector<16xi32>
      %or3A_471 = arith.ori %lt3A_469, %ge3A_470 : vector<16xi1>
      %sub3A_472 = arith.subi %get3A_468, %broadcast_in_dim3A_189 : vector<16xi32>
      %select_n3A_473 = arith.select %or3A_471, %broadcast_in_dim3A_7, %sub3A_472 : vector<16xi1>, vector<16xi32>
      %swap3A_474 = arith.index_cast %scan3A_429 : i32 to index
      %swap3A_475 = arith.constant 48 : index
      %swap3A_476 = tpu.vector_load %arg9[%swap3A_474, %swap3A_475] {strides = array<i32>} : memref<125x80xi32, #tpu.memory_space<vmem>>, vector<1x16xi32>,
      %swap3A_477 = vector.shape_cast %swap3A_476 : vector<1x16xi32> to vector<16xi32>
      %swap3A_478 = vector.shape_cast %select_n3A_473 : vector<16xi32> to vector<1x16xi32>
      tpu.vector_store %arg9[%swap3A_474, %swap3A_475], %swap3A_478 {strides = array<i32>} : memref<125x80xi32, #tpu.memory_space<vmem>>, vector<1x16xi32>,
      %get3A_479 = arith.index_cast %scan3A_429 : i32 to index
      %get3A_480 = arith.constant 64 : index
      %get3A_481 = tpu.vector_load %arg7[%get3A_479, %get3A_480] {strides = array<i32>} : memref<125x80xi32, #tpu.memory_space<vmem>>, vector<1x16xi32>,
      %get3A_482 = vector.shape_cast %get3A_481 : vector<1x16xi32> to vector<16xi32>
      %lt3A_483 = arith.cmpi slt, %get3A_482, %broadcast_in_dim3A_189 : vector<16xi32>
      %ge3A_484 = arith.cmpi sge, %get3A_482, %broadcast_in_dim3A_191 : vector<16xi32>
      %or3A_485 = arith.ori %lt3A_483, %ge3A_484 : vector<16xi1>
      %sub3A_486 = arith.subi %get3A_482, %broadcast_in_dim3A_189 : vector<16xi32>
      %select_n3A_487 = arith.select %or3A_485, %broadcast_in_dim3A_7, %sub3A_486 : vector<16xi1>, vector<16xi32>
      %swap3A_488 = arith.index_cast %scan3A_429 : i32 to index
      %swap3A_489 = arith.constant 64 : index
      %swap3A_490 = tpu.vector_load %arg9[%swap3A_488, %swap3A_489] {strides = array<i32>} : memref<125x80xi32, #tpu.memory_space<vmem>>, vector<1x16xi32>,
      %swap3A_491 = vector.shape_cast %swap3A_490 : vector<1x16xi32> to vector<16xi32>
      %swap3A_492 = vector.shape_cast %select_n3A_487 : vector<16xi32> to vector<1x16xi32>
      tpu.vector_store %arg9[%swap3A_488, %swap3A_489], %swap3A_492 {strides = array<i32>} : memref<125x80xi32, #tpu.memory_space<vmem>>, vector<1x16xi32>,
    }
    %scan3A_197 = arith.constant 125 : i32
    %mul3A_198 = arith.constant 208 : i32
    %mul3A_199 = arith.muli %arg1, %mul3A_198 : i32
    "tpu.region"() ({
      %run_scoped3A_429 = tpu.sem_alloc : memref<!tpu.dma_semaphore, #tpu.memory_space<semaphore_mem>>
      %dma_start3A = arith.constant 0 : i32
      %dma_start3A_430 = tpu.memref_slice %arg12[%mul3A_199, %dma_start3A] : memref<3344x128xf32, #tpu.memory_space<vmem_shared>> -> memref<208x128xf32, #tpu.memory_space<vmem_shared>>
      %dma_start3A_431 = arith.constant 0 : i32
      %dma_start3A_432 = tpu.memref_slice %arg12[%mul3A_199, %dma_start3A_431] : memref<3344x128xf32, #tpu.memory_space<vmem_shared>> -> memref<208x128xf32, #tpu.memory_space<vmem_shared>>
      tpu.enqueue_dma source(%arg11 : memref<208x128xf32, #tpu.memory_space<vmem>>) target(%dma_start3A_432 : memref<208x128xf32, #tpu.memory_space<vmem_shared>>) target_semaphore(%run_scoped3A_429 : memref<!tpu.dma_semaphore, #tpu.memory_space<semaphore_mem>>)
      %dma_wait3A = arith.constant 0 : i32
      %dma_wait3A_433 = tpu.memref_slice %arg12[%mul3A_199, %dma_wait3A] : memref<3344x128xf32, #tpu.memory_space<vmem_shared>> -> memref<208x128xf32, #tpu.memory_space<vmem_shared>>
      %dma_wait3A_434 = arith.constant 0 : i32
      %dma_wait3A_435 = tpu.memref_slice %arg12[%mul3A_199, %dma_wait3A_434] : memref<3344x128xf32, #tpu.memory_space<vmem_shared>> -> memref<208x128xf32, #tpu.memory_space<vmem_shared>>
      tpu.wait_dma2 semaphore(%run_scoped3A_429 : memref<!tpu.dma_semaphore, #tpu.memory_space<semaphore_mem>>) src(%arg11 : memref<208x128xf32, #tpu.memory_space<vmem>>) dst(%dma_wait3A_435 : memref<208x128xf32, #tpu.memory_space<vmem_shared>>)
      tpu.yield
    }) : () -> ()
    %barrier3A_200 = arith.constant 0 : index
    tpu.barrier barrier_id(%barrier3A_200)
    %scan3A_201 = arith.constant 0 : i32
    %scan3A_202 = arith.constant 0 : i32
    %scan3A_203 = arith.constant 125 : i32
    %scan3A_204 = arith.addi %scan3A_202, %scan3A_203 : i32
    %scan3A_205 = arith.constant 1 : i32
    scf.for %scan3A_429 = %scan3A_202 to %scan3A_204 step %scan3A_205  : i32 {
      %dma_start3A = arith.constant 0 : i32
      %dma_start3A_430 = tpu.memref_slice %arg8[%scan3A_429, %dma_start3A] : memref<125x80xi32, #tpu.memory_space<vmem>> -> memref<1x80xi32, #tpu.memory_space<vmem>>
      %dma_start3A_431 = tpu.memref_squeeze %dma_start3A_430 : memref<1x80xi32, #tpu.memory_space<vmem>> -> memref<80xi32, #tpu.memory_space<vmem>>
      %dma_start3A_432 = arith.constant 0 : i32
      %dma_start3A_433 = arith.constant 0 : i32
      %dma_start3A_434 = tpu.memref_slice %arg2[%dma_start3A_432, %dma_start3A_433] : memref<40000x128xf32, #tpu.memory_space<hbm>> -> memref<40000x128xf32, #tpu.memory_space<hbm>>
      tpu.enqueue_indirect_dma source(%dma_start3A_434 : memref<40000x128xf32, #tpu.memory_space<hbm>>) target(%arg10 : memref<80x128xf32, #tpu.memory_space<vmem>>) offsets(%dma_start3A_431 : memref<80xi32, #tpu.memory_space<vmem>>) semaphore(%arg13 : memref<!tpu.dma_semaphore, #tpu.memory_space<semaphore_mem>>)
      %dma_wait3A = arith.constant 0 : i32
      %dma_wait3A_435 = tpu.memref_slice %arg8[%scan3A_429, %dma_wait3A] : memref<125x80xi32, #tpu.memory_space<vmem>> -> memref<1x80xi32, #tpu.memory_space<vmem>>
      %dma_wait3A_436 = tpu.memref_squeeze %dma_wait3A_435 : memref<1x80xi32, #tpu.memory_space<vmem>> -> memref<80xi32, #tpu.memory_space<vmem>>
      %dma_wait3A_437 = arith.constant 0 : i32
      %dma_wait3A_438 = arith.constant 0 : i32
      %dma_wait3A_439 = tpu.memref_slice %arg2[%dma_wait3A_437, %dma_wait3A_438] : memref<40000x128xf32, #tpu.memory_space<hbm>> -> memref<40000x128xf32, #tpu.memory_space<hbm>>
      tpu.wait_indirect_dma semaphore(%arg13 : memref<!tpu.dma_semaphore, #tpu.memory_space<semaphore_mem>>) src(%dma_wait3A_439 : memref<40000x128xf32, #tpu.memory_space<hbm>>) dst(%arg10 : memref<80x128xf32, #tpu.memory_space<vmem>>)
      "tpu.region"() ({
        %run_scoped3A_440 = tpu.sem_alloc : memref<!tpu.dma_semaphore, #tpu.memory_space<semaphore_mem>>
        %dma_start3A_441 = arith.constant 0 : i32
        %dma_start3A_442 = tpu.memref_slice %arg9[%scan3A_429, %dma_start3A_441] : memref<125x80xi32, #tpu.memory_space<vmem>> -> memref<1x80xi32, #tpu.memory_space<vmem>>
        %dma_start3A_443 = tpu.memref_squeeze %dma_start3A_442 : memref<1x80xi32, #tpu.memory_space<vmem>> -> memref<80xi32, #tpu.memory_space<vmem>>
        %dma_start3A_444 = arith.constant 0 : i32
        %dma_start3A_445 = arith.constant 0 : i32
        %dma_start3A_446 = tpu.memref_slice %arg12[%dma_start3A_444, %dma_start3A_445] : memref<3344x128xf32, #tpu.memory_space<vmem_shared>> -> memref<3344x128xf32, #tpu.memory_space<vmem_shared>>
        tpu.enqueue_indirect_dma source(%arg10 : memref<80x128xf32, #tpu.memory_space<vmem>>) target(%dma_start3A_446 : memref<3344x128xf32, #tpu.memory_space<vmem_shared>>) offsets(%dma_start3A_443 : memref<80xi32, #tpu.memory_space<vmem>>) semaphore(%run_scoped3A_440 : memref<!tpu.dma_semaphore, #tpu.memory_space<semaphore_mem>>) {add = true}
        %dma_wait3A_447 = arith.constant 0 : i32
        %dma_wait3A_448 = tpu.memref_slice %arg9[%scan3A_429, %dma_wait3A_447] : memref<125x80xi32, #tpu.memory_space<vmem>> -> memref<1x80xi32, #tpu.memory_space<vmem>>
        %dma_wait3A_449 = tpu.memref_squeeze %dma_wait3A_448 : memref<1x80xi32, #tpu.memory_space<vmem>> -> memref<80xi32, #tpu.memory_space<vmem>>
        %dma_wait3A_450 = arith.constant 0 : i32
        %dma_wait3A_451 = arith.constant 0 : i32
        %dma_wait3A_452 = tpu.memref_slice %arg12[%dma_wait3A_450, %dma_wait3A_451] : memref<3344x128xf32, #tpu.memory_space<vmem_shared>> -> memref<3344x128xf32, #tpu.memory_space<vmem_shared>>
        tpu.wait_indirect_dma semaphore(%run_scoped3A_440 : memref<!tpu.dma_semaphore, #tpu.memory_space<semaphore_mem>>) src(%arg10 : memref<80x128xf32, #tpu.memory_space<vmem>>) dst(%dma_wait3A_452 : memref<3344x128xf32, #tpu.memory_space<vmem_shared>>)
        tpu.yield
      }) : () -> ()
    }
    %scan3A_206 = arith.constant 125 : i32
    %barrier3A_207 = arith.constant 0 : index
    tpu.barrier barrier_id(%barrier3A_207)
    %mul3A_208 = arith.constant 208 : i32
    %mul3A_209 = arith.muli %arg1, %mul3A_208 : i32
    %mul3A_210 = arith.constant 208 : i32
    %mul3A_211 = arith.muli %arg1, %mul3A_210 : i32
    %add3A_212 = arith.constant 6672 : i32
    %add3A_213 = arith.addi %add3A_212, %mul3A_211 : i32
    %run_scoped3A_214 = arith.constant 1 : i32
    "tpu.region"() ({
      %run_scoped3A_429 = tpu.sem_alloc : memref<!tpu.dma_semaphore, #tpu.memory_space<semaphore_mem>>
      %dma_start3A = arith.constant 0 : i32
      %dma_start3A_430 = arith.constant 0 : i32
      %dma_start3A_431 = tpu.memref_slice %arg5[%run_scoped3A_214, %dma_start3A, %dma_start3A_430] : memref<4x10000x128xf32, #tpu.memory_space<hbm>> -> memref<1x10000x128xf32, #tpu.memory_space<hbm>>
      %dma_start3A_432 = tpu.memref_squeeze %dma_start3A_431 : memref<1x10000x128xf32, #tpu.memory_space<hbm>> -> memref<10000x128xf32, #tpu.memory_space<hbm>>
      %dma_start3A_433 = arith.constant 0 : i32
      %dma_start3A_434 = tpu.memref_slice %dma_start3A_432[%add3A_213, %dma_start3A_433] : memref<10000x128xf32, #tpu.memory_space<hbm>> -> memref<208x128xf32, #tpu.memory_space<hbm>>
      %dma_start3A_435 = arith.constant 0 : i32
      %dma_start3A_436 = tpu.memref_slice %arg12[%mul3A_209, %dma_start3A_435] : memref<3344x128xf32, #tpu.memory_space<vmem_shared>> -> memref<208x128xf32, #tpu.memory_space<vmem_shared>>
      tpu.enqueue_dma source(%dma_start3A_436 : memref<208x128xf32, #tpu.memory_space<vmem_shared>>) target(%dma_start3A_434 : memref<208x128xf32, #tpu.memory_space<hbm>>) target_semaphore(%run_scoped3A_429 : memref<!tpu.dma_semaphore, #tpu.memory_space<semaphore_mem>>)
      %dma_wait3A = arith.constant 0 : i32
      %dma_wait3A_437 = arith.constant 0 : i32
      %dma_wait3A_438 = tpu.memref_slice %arg5[%run_scoped3A_214, %dma_wait3A, %dma_wait3A_437] : memref<4x10000x128xf32, #tpu.memory_space<hbm>> -> memref<1x10000x128xf32, #tpu.memory_space<hbm>>
      %dma_wait3A_439 = tpu.memref_squeeze %dma_wait3A_438 : memref<1x10000x128xf32, #tpu.memory_space<hbm>> -> memref<10000x128xf32, #tpu.memory_space<hbm>>
      %dma_wait3A_440 = arith.constant 0 : i32
      %dma_wait3A_441 = tpu.memref_slice %dma_wait3A_439[%add3A_213, %dma_wait3A_440] : memref<10000x128xf32, #tpu.memory_space<hbm>> -> memref<208x128xf32, #tpu.memory_space<hbm>>
      %dma_wait3A_442 = arith.constant 0 : i32
      %dma_wait3A_443 = tpu.memref_slice %arg12[%mul3A_209, %dma_wait3A_442] : memref<3344x128xf32, #tpu.memory_space<vmem_shared>> -> memref<208x128xf32, #tpu.memory_space<vmem_shared>>
      tpu.wait_dma2 semaphore(%run_scoped3A_429 : memref<!tpu.dma_semaphore, #tpu.memory_space<semaphore_mem>>) src(%dma_wait3A_443 : memref<208x128xf32, #tpu.memory_space<vmem_shared>>) dst(%dma_wait3A_441 : memref<208x128xf32, #tpu.memory_space<hbm>>)
      tpu.yield
    }) : () -> ()
    %scan3A_215 = arith.constant 0 : i32
    %scan3A_216 = arith.constant 0 : i32
    %scan3A_217 = arith.constant 125 : i32
    %scan3A_218 = arith.addi %scan3A_216, %scan3A_217 : i32
    %scan3A_219 = arith.constant 1 : i32
    scf.for %scan3A_429 = %scan3A_216 to %scan3A_218 step %scan3A_219  : i32 {
      %get3A = arith.index_cast %scan3A_429 : i32 to index
      %get3A_430 = arith.constant 0 : index
      %get3A_431 = tpu.vector_load %arg6[%get3A, %get3A_430] {strides = array<i32>} : memref<125x80xi32, #tpu.memory_space<vmem>>, vector<1x16xi32>,
      %get3A_432 = vector.shape_cast %get3A_431 : vector<1x16xi32> to vector<16xi32>
      %mul3A_433 = arith.constant 4 : i32
      %mul3A_434 = vector.broadcast %mul3A_433 : i32 to vector<16xi32>
      %mul3A_435 = arith.muli %get3A_432, %mul3A_434 : vector<16xi32>
      %add3A_436 = arith.constant 2 : i32
      %add3A_437 = vector.broadcast %add3A_436 : i32 to vector<16xi32>
      %add3A_438 = arith.addi %mul3A_435, %add3A_437 : vector<16xi32>
      %swap3A = arith.index_cast %scan3A_429 : i32 to index
      %swap3A_439 = arith.constant 0 : index
      %swap3A_440 = tpu.vector_load %arg8[%swap3A, %swap3A_439] {strides = array<i32>} : memref<125x80xi32, #tpu.memory_space<vmem>>, vector<1x16xi32>,
      %swap3A_441 = vector.shape_cast %swap3A_440 : vector<1x16xi32> to vector<16xi32>
      %swap3A_442 = vector.shape_cast %add3A_438 : vector<16xi32> to vector<1x16xi32>
      tpu.vector_store %arg8[%swap3A, %swap3A_439], %swap3A_442 {strides = array<i32>} : memref<125x80xi32, #tpu.memory_space<vmem>>, vector<1x16xi32>,
      %get3A_443 = arith.index_cast %scan3A_429 : i32 to index
      %get3A_444 = arith.constant 16 : index
      %get3A_445 = tpu.vector_load %arg6[%get3A_443, %get3A_444] {strides = array<i32>} : memref<125x80xi32, #tpu.memory_space<vmem>>, vector<1x16xi32>,
      %get3A_446 = vector.shape_cast %get3A_445 : vector<1x16xi32> to vector<16xi32>
      %mul3A_447 = arith.constant 4 : i32
      %mul3A_448 = vector.broadcast %mul3A_447 : i32 to vector<16xi32>
      %mul3A_449 = arith.muli %get3A_446, %mul3A_448 : vector<16xi32>
      %add3A_450 = arith.constant 2 : i32
      %add3A_451 = vector.broadcast %add3A_450 : i32 to vector<16xi32>
      %add3A_452 = arith.addi %mul3A_449, %add3A_451 : vector<16xi32>
      %swap3A_453 = arith.index_cast %scan3A_429 : i32 to index
      %swap3A_454 = arith.constant 16 : index
      %swap3A_455 = tpu.vector_load %arg8[%swap3A_453, %swap3A_454] {strides = array<i32>} : memref<125x80xi32, #tpu.memory_space<vmem>>, vector<1x16xi32>,
      %swap3A_456 = vector.shape_cast %swap3A_455 : vector<1x16xi32> to vector<16xi32>
      %swap3A_457 = vector.shape_cast %add3A_452 : vector<16xi32> to vector<1x16xi32>
      tpu.vector_store %arg8[%swap3A_453, %swap3A_454], %swap3A_457 {strides = array<i32>} : memref<125x80xi32, #tpu.memory_space<vmem>>, vector<1x16xi32>,
      %get3A_458 = arith.index_cast %scan3A_429 : i32 to index
      %get3A_459 = arith.constant 32 : index
      %get3A_460 = tpu.vector_load %arg6[%get3A_458, %get3A_459] {strides = array<i32>} : memref<125x80xi32, #tpu.memory_space<vmem>>, vector<1x16xi32>,
      %get3A_461 = vector.shape_cast %get3A_460 : vector<1x16xi32> to vector<16xi32>
      %mul3A_462 = arith.constant 4 : i32
      %mul3A_463 = vector.broadcast %mul3A_462 : i32 to vector<16xi32>
      %mul3A_464 = arith.muli %get3A_461, %mul3A_463 : vector<16xi32>
      %add3A_465 = arith.constant 2 : i32
      %add3A_466 = vector.broadcast %add3A_465 : i32 to vector<16xi32>
      %add3A_467 = arith.addi %mul3A_464, %add3A_466 : vector<16xi32>
      %swap3A_468 = arith.index_cast %scan3A_429 : i32 to index
      %swap3A_469 = arith.constant 32 : index
      %swap3A_470 = tpu.vector_load %arg8[%swap3A_468, %swap3A_469] {strides = array<i32>} : memref<125x80xi32, #tpu.memory_space<vmem>>, vector<1x16xi32>,
      %swap3A_471 = vector.shape_cast %swap3A_470 : vector<1x16xi32> to vector<16xi32>
      %swap3A_472 = vector.shape_cast %add3A_467 : vector<16xi32> to vector<1x16xi32>
      tpu.vector_store %arg8[%swap3A_468, %swap3A_469], %swap3A_472 {strides = array<i32>} : memref<125x80xi32, #tpu.memory_space<vmem>>, vector<1x16xi32>,
      %get3A_473 = arith.index_cast %scan3A_429 : i32 to index
      %get3A_474 = arith.constant 48 : index
      %get3A_475 = tpu.vector_load %arg6[%get3A_473, %get3A_474] {strides = array<i32>} : memref<125x80xi32, #tpu.memory_space<vmem>>, vector<1x16xi32>,
      %get3A_476 = vector.shape_cast %get3A_475 : vector<1x16xi32> to vector<16xi32>
      %mul3A_477 = arith.constant 4 : i32
      %mul3A_478 = vector.broadcast %mul3A_477 : i32 to vector<16xi32>
      %mul3A_479 = arith.muli %get3A_476, %mul3A_478 : vector<16xi32>
      %add3A_480 = arith.constant 2 : i32
      %add3A_481 = vector.broadcast %add3A_480 : i32 to vector<16xi32>
      %add3A_482 = arith.addi %mul3A_479, %add3A_481 : vector<16xi32>
      %swap3A_483 = arith.index_cast %scan3A_429 : i32 to index
      %swap3A_484 = arith.constant 48 : index
      %swap3A_485 = tpu.vector_load %arg8[%swap3A_483, %swap3A_484] {strides = array<i32>} : memref<125x80xi32, #tpu.memory_space<vmem>>, vector<1x16xi32>,
      %swap3A_486 = vector.shape_cast %swap3A_485 : vector<1x16xi32> to vector<16xi32>
      %swap3A_487 = vector.shape_cast %add3A_482 : vector<16xi32> to vector<1x16xi32>
      tpu.vector_store %arg8[%swap3A_483, %swap3A_484], %swap3A_487 {strides = array<i32>} : memref<125x80xi32, #tpu.memory_space<vmem>>, vector<1x16xi32>,
      %get3A_488 = arith.index_cast %scan3A_429 : i32 to index
      %get3A_489 = arith.constant 64 : index
      %get3A_490 = tpu.vector_load %arg6[%get3A_488, %get3A_489] {strides = array<i32>} : memref<125x80xi32, #tpu.memory_space<vmem>>, vector<1x16xi32>,
      %get3A_491 = vector.shape_cast %get3A_490 : vector<1x16xi32> to vector<16xi32>
      %mul3A_492 = arith.constant 4 : i32
      %mul3A_493 = vector.broadcast %mul3A_492 : i32 to vector<16xi32>
      %mul3A_494 = arith.muli %get3A_491, %mul3A_493 : vector<16xi32>
      %add3A_495 = arith.constant 2 : i32
      %add3A_496 = vector.broadcast %add3A_495 : i32 to vector<16xi32>
      %add3A_497 = arith.addi %mul3A_494, %add3A_496 : vector<16xi32>
      %swap3A_498 = arith.index_cast %scan3A_429 : i32 to index
      %swap3A_499 = arith.constant 64 : index
      %swap3A_500 = tpu.vector_load %arg8[%swap3A_498, %swap3A_499] {strides = array<i32>} : memref<125x80xi32, #tpu.memory_space<vmem>>, vector<1x16xi32>,
      %swap3A_501 = vector.shape_cast %swap3A_500 : vector<1x16xi32> to vector<16xi32>
      %swap3A_502 = vector.shape_cast %add3A_497 : vector<16xi32> to vector<1x16xi32>
      tpu.vector_store %arg8[%swap3A_498, %swap3A_499], %swap3A_502 {strides = array<i32>} : memref<125x80xi32, #tpu.memory_space<vmem>>, vector<1x16xi32>,
    }
    %scan3A_220 = arith.constant 125 : i32
    %broadcast_in_dim3A_221 = arith.constant 0 : i32
    %broadcast_in_dim3A_222 = vector.broadcast %broadcast_in_dim3A_221 : i32 to vector<16xi32>
    %broadcast_in_dim3A_223 = arith.constant 3336 : i32
    %broadcast_in_dim3A_224 = vector.broadcast %broadcast_in_dim3A_223 : i32 to vector<16xi32>
    %scan3A_225 = arith.constant 0 : i32
    %scan3A_226 = arith.constant 0 : i32
    %scan3A_227 = arith.constant 125 : i32
    %scan3A_228 = arith.addi %scan3A_226, %scan3A_227 : i32
    %scan3A_229 = arith.constant 1 : i32
    scf.for %scan3A_429 = %scan3A_226 to %scan3A_228 step %scan3A_229  : i32 {
      %get3A = arith.index_cast %scan3A_429 : i32 to index
      %get3A_430 = arith.constant 0 : index
      %get3A_431 = tpu.vector_load %arg7[%get3A, %get3A_430] {strides = array<i32>} : memref<125x80xi32, #tpu.memory_space<vmem>>, vector<1x16xi32>,
      %get3A_432 = vector.shape_cast %get3A_431 : vector<1x16xi32> to vector<16xi32>
      %lt3A = arith.cmpi slt, %get3A_432, %broadcast_in_dim3A_222 : vector<16xi32>
      %ge3A = arith.cmpi sge, %get3A_432, %broadcast_in_dim3A_224 : vector<16xi32>
      %or3A = arith.ori %lt3A, %ge3A : vector<16xi1>
      %sub3A = arith.subi %get3A_432, %broadcast_in_dim3A_222 : vector<16xi32>
      %select_n3A = arith.select %or3A, %broadcast_in_dim3A_7, %sub3A : vector<16xi1>, vector<16xi32>
      %swap3A = arith.index_cast %scan3A_429 : i32 to index
      %swap3A_433 = arith.constant 0 : index
      %swap3A_434 = tpu.vector_load %arg9[%swap3A, %swap3A_433] {strides = array<i32>} : memref<125x80xi32, #tpu.memory_space<vmem>>, vector<1x16xi32>,
      %swap3A_435 = vector.shape_cast %swap3A_434 : vector<1x16xi32> to vector<16xi32>
      %swap3A_436 = vector.shape_cast %select_n3A : vector<16xi32> to vector<1x16xi32>
      tpu.vector_store %arg9[%swap3A, %swap3A_433], %swap3A_436 {strides = array<i32>} : memref<125x80xi32, #tpu.memory_space<vmem>>, vector<1x16xi32>,
      %get3A_437 = arith.index_cast %scan3A_429 : i32 to index
      %get3A_438 = arith.constant 16 : index
      %get3A_439 = tpu.vector_load %arg7[%get3A_437, %get3A_438] {strides = array<i32>} : memref<125x80xi32, #tpu.memory_space<vmem>>, vector<1x16xi32>,
      %get3A_440 = vector.shape_cast %get3A_439 : vector<1x16xi32> to vector<16xi32>
      %lt3A_441 = arith.cmpi slt, %get3A_440, %broadcast_in_dim3A_222 : vector<16xi32>
      %ge3A_442 = arith.cmpi sge, %get3A_440, %broadcast_in_dim3A_224 : vector<16xi32>
      %or3A_443 = arith.ori %lt3A_441, %ge3A_442 : vector<16xi1>
      %sub3A_444 = arith.subi %get3A_440, %broadcast_in_dim3A_222 : vector<16xi32>
      %select_n3A_445 = arith.select %or3A_443, %broadcast_in_dim3A_7, %sub3A_444 : vector<16xi1>, vector<16xi32>
      %swap3A_446 = arith.index_cast %scan3A_429 : i32 to index
      %swap3A_447 = arith.constant 16 : index
      %swap3A_448 = tpu.vector_load %arg9[%swap3A_446, %swap3A_447] {strides = array<i32>} : memref<125x80xi32, #tpu.memory_space<vmem>>, vector<1x16xi32>,
      %swap3A_449 = vector.shape_cast %swap3A_448 : vector<1x16xi32> to vector<16xi32>
      %swap3A_450 = vector.shape_cast %select_n3A_445 : vector<16xi32> to vector<1x16xi32>
      tpu.vector_store %arg9[%swap3A_446, %swap3A_447], %swap3A_450 {strides = array<i32>} : memref<125x80xi32, #tpu.memory_space<vmem>>, vector<1x16xi32>,
      %get3A_451 = arith.index_cast %scan3A_429 : i32 to index
      %get3A_452 = arith.constant 32 : index
      %get3A_453 = tpu.vector_load %arg7[%get3A_451, %get3A_452] {strides = array<i32>} : memref<125x80xi32, #tpu.memory_space<vmem>>, vector<1x16xi32>,
      %get3A_454 = vector.shape_cast %get3A_453 : vector<1x16xi32> to vector<16xi32>
      %lt3A_455 = arith.cmpi slt, %get3A_454, %broadcast_in_dim3A_222 : vector<16xi32>
      %ge3A_456 = arith.cmpi sge, %get3A_454, %broadcast_in_dim3A_224 : vector<16xi32>
      %or3A_457 = arith.ori %lt3A_455, %ge3A_456 : vector<16xi1>
      %sub3A_458 = arith.subi %get3A_454, %broadcast_in_dim3A_222 : vector<16xi32>
      %select_n3A_459 = arith.select %or3A_457, %broadcast_in_dim3A_7, %sub3A_458 : vector<16xi1>, vector<16xi32>
      %swap3A_460 = arith.index_cast %scan3A_429 : i32 to index
      %swap3A_461 = arith.constant 32 : index
      %swap3A_462 = tpu.vector_load %arg9[%swap3A_460, %swap3A_461] {strides = array<i32>} : memref<125x80xi32, #tpu.memory_space<vmem>>, vector<1x16xi32>,
      %swap3A_463 = vector.shape_cast %swap3A_462 : vector<1x16xi32> to vector<16xi32>
      %swap3A_464 = vector.shape_cast %select_n3A_459 : vector<16xi32> to vector<1x16xi32>
      tpu.vector_store %arg9[%swap3A_460, %swap3A_461], %swap3A_464 {strides = array<i32>} : memref<125x80xi32, #tpu.memory_space<vmem>>, vector<1x16xi32>,
      %get3A_465 = arith.index_cast %scan3A_429 : i32 to index
      %get3A_466 = arith.constant 48 : index
      %get3A_467 = tpu.vector_load %arg7[%get3A_465, %get3A_466] {strides = array<i32>} : memref<125x80xi32, #tpu.memory_space<vmem>>, vector<1x16xi32>,
      %get3A_468 = vector.shape_cast %get3A_467 : vector<1x16xi32> to vector<16xi32>
      %lt3A_469 = arith.cmpi slt, %get3A_468, %broadcast_in_dim3A_222 : vector<16xi32>
      %ge3A_470 = arith.cmpi sge, %get3A_468, %broadcast_in_dim3A_224 : vector<16xi32>
      %or3A_471 = arith.ori %lt3A_469, %ge3A_470 : vector<16xi1>
      %sub3A_472 = arith.subi %get3A_468, %broadcast_in_dim3A_222 : vector<16xi32>
      %select_n3A_473 = arith.select %or3A_471, %broadcast_in_dim3A_7, %sub3A_472 : vector<16xi1>, vector<16xi32>
      %swap3A_474 = arith.index_cast %scan3A_429 : i32 to index
      %swap3A_475 = arith.constant 48 : index
      %swap3A_476 = tpu.vector_load %arg9[%swap3A_474, %swap3A_475] {strides = array<i32>} : memref<125x80xi32, #tpu.memory_space<vmem>>, vector<1x16xi32>,
      %swap3A_477 = vector.shape_cast %swap3A_476 : vector<1x16xi32> to vector<16xi32>
      %swap3A_478 = vector.shape_cast %select_n3A_473 : vector<16xi32> to vector<1x16xi32>
      tpu.vector_store %arg9[%swap3A_474, %swap3A_475], %swap3A_478 {strides = array<i32>} : memref<125x80xi32, #tpu.memory_space<vmem>>, vector<1x16xi32>,
      %get3A_479 = arith.index_cast %scan3A_429 : i32 to index
      %get3A_480 = arith.constant 64 : index
      %get3A_481 = tpu.vector_load %arg7[%get3A_479, %get3A_480] {strides = array<i32>} : memref<125x80xi32, #tpu.memory_space<vmem>>, vector<1x16xi32>,
      %get3A_482 = vector.shape_cast %get3A_481 : vector<1x16xi32> to vector<16xi32>
      %lt3A_483 = arith.cmpi slt, %get3A_482, %broadcast_in_dim3A_222 : vector<16xi32>
      %ge3A_484 = arith.cmpi sge, %get3A_482, %broadcast_in_dim3A_224 : vector<16xi32>
      %or3A_485 = arith.ori %lt3A_483, %ge3A_484 : vector<16xi1>
      %sub3A_486 = arith.subi %get3A_482, %broadcast_in_dim3A_222 : vector<16xi32>
      %select_n3A_487 = arith.select %or3A_485, %broadcast_in_dim3A_7, %sub3A_486 : vector<16xi1>, vector<16xi32>
      %swap3A_488 = arith.index_cast %scan3A_429 : i32 to index
      %swap3A_489 = arith.constant 64 : index
      %swap3A_490 = tpu.vector_load %arg9[%swap3A_488, %swap3A_489] {strides = array<i32>} : memref<125x80xi32, #tpu.memory_space<vmem>>, vector<1x16xi32>,
      %swap3A_491 = vector.shape_cast %swap3A_490 : vector<1x16xi32> to vector<16xi32>
      %swap3A_492 = vector.shape_cast %select_n3A_487 : vector<16xi32> to vector<1x16xi32>
      tpu.vector_store %arg9[%swap3A_488, %swap3A_489], %swap3A_492 {strides = array<i32>} : memref<125x80xi32, #tpu.memory_space<vmem>>, vector<1x16xi32>,
    }
    %scan3A_230 = arith.constant 125 : i32
    %mul3A_231 = arith.constant 208 : i32
    %mul3A_232 = arith.muli %arg1, %mul3A_231 : i32
    "tpu.region"() ({
      %run_scoped3A_429 = tpu.sem_alloc : memref<!tpu.dma_semaphore, #tpu.memory_space<semaphore_mem>>
      %dma_start3A = arith.constant 0 : i32
      %dma_start3A_430 = tpu.memref_slice %arg12[%mul3A_232, %dma_start3A] : memref<3344x128xf32, #tpu.memory_space<vmem_shared>> -> memref<208x128xf32, #tpu.memory_space<vmem_shared>>
      %dma_start3A_431 = arith.constant 0 : i32
      %dma_start3A_432 = tpu.memref_slice %arg12[%mul3A_232, %dma_start3A_431] : memref<3344x128xf32, #tpu.memory_space<vmem_shared>> -> memref<208x128xf32, #tpu.memory_space<vmem_shared>>
      tpu.enqueue_dma source(%arg11 : memref<208x128xf32, #tpu.memory_space<vmem>>) target(%dma_start3A_432 : memref<208x128xf32, #tpu.memory_space<vmem_shared>>) target_semaphore(%run_scoped3A_429 : memref<!tpu.dma_semaphore, #tpu.memory_space<semaphore_mem>>)
      %dma_wait3A = arith.constant 0 : i32
      %dma_wait3A_433 = tpu.memref_slice %arg12[%mul3A_232, %dma_wait3A] : memref<3344x128xf32, #tpu.memory_space<vmem_shared>> -> memref<208x128xf32, #tpu.memory_space<vmem_shared>>
      %dma_wait3A_434 = arith.constant 0 : i32
      %dma_wait3A_435 = tpu.memref_slice %arg12[%mul3A_232, %dma_wait3A_434] : memref<3344x128xf32, #tpu.memory_space<vmem_shared>> -> memref<208x128xf32, #tpu.memory_space<vmem_shared>>
      tpu.wait_dma2 semaphore(%run_scoped3A_429 : memref<!tpu.dma_semaphore, #tpu.memory_space<semaphore_mem>>) src(%arg11 : memref<208x128xf32, #tpu.memory_space<vmem>>) dst(%dma_wait3A_435 : memref<208x128xf32, #tpu.memory_space<vmem_shared>>)
      tpu.yield
    }) : () -> ()
    %eq3A_233 = arith.constant 15 : i32
    %eq3A_234 = arith.cmpi eq, %arg1, %eq3A_233 : i32
    %convert_element_type3A_235 = arith.extui %eq3A_234 : i1 to i32
    %cond3A_236 = arith.constant 0 : i32
    %cond3A_237 = arith.cmpi ne, %convert_element_type3A_235, %cond3A_236 : i32
    scf.if %cond3A_237 {
      "tpu.region"() ({
        %run_scoped3A_429 = tpu.sem_alloc : memref<!tpu.dma_semaphore, #tpu.memory_space<semaphore_mem>>
        %dma_start3A = arith.constant 0 : i32
        %dma_start3A_430 = arith.constant 0 : i32
        %dma_start3A_431 = tpu.memref_slice %arg11[%dma_start3A, %dma_start3A_430] : memref<208x128xf32, #tpu.memory_space<vmem>> -> memref<8x128xf32, #tpu.memory_space<vmem>>
        %dma_start3A_432 = arith.constant 3328 : i32
        %dma_start3A_433 = arith.constant 0 : i32
        %dma_start3A_434 = tpu.memref_slice %arg12[%dma_start3A_432, %dma_start3A_433] : memref<3344x128xf32, #tpu.memory_space<vmem_shared>> -> memref<8x128xf32, #tpu.memory_space<vmem_shared>>
        %dma_start3A_435 = arith.constant 3328 : i32
        %dma_start3A_436 = arith.constant 0 : i32
        %dma_start3A_437 = tpu.memref_slice %arg12[%dma_start3A_435, %dma_start3A_436] : memref<3344x128xf32, #tpu.memory_space<vmem_shared>> -> memref<8x128xf32, #tpu.memory_space<vmem_shared>>
        %dma_start3A_438 = arith.constant 0 : i32
        %dma_start3A_439 = arith.constant 0 : i32
        %dma_start3A_440 = tpu.memref_slice %arg11[%dma_start3A_438, %dma_start3A_439] : memref<208x128xf32, #tpu.memory_space<vmem>> -> memref<8x128xf32, #tpu.memory_space<vmem>>
        tpu.enqueue_dma source(%dma_start3A_440 : memref<8x128xf32, #tpu.memory_space<vmem>>) target(%dma_start3A_437 : memref<8x128xf32, #tpu.memory_space<vmem_shared>>) target_semaphore(%run_scoped3A_429 : memref<!tpu.dma_semaphore, #tpu.memory_space<semaphore_mem>>)
        %dma_wait3A = arith.constant 0 : i32
        %dma_wait3A_441 = arith.constant 0 : i32
        %dma_wait3A_442 = tpu.memref_slice %arg11[%dma_wait3A, %dma_wait3A_441] : memref<208x128xf32, #tpu.memory_space<vmem>> -> memref<8x128xf32, #tpu.memory_space<vmem>>
        %dma_wait3A_443 = arith.constant 3328 : i32
        %dma_wait3A_444 = arith.constant 0 : i32
        %dma_wait3A_445 = tpu.memref_slice %arg12[%dma_wait3A_443, %dma_wait3A_444] : memref<3344x128xf32, #tpu.memory_space<vmem_shared>> -> memref<8x128xf32, #tpu.memory_space<vmem_shared>>
        %dma_wait3A_446 = arith.constant 3328 : i32
        %dma_wait3A_447 = arith.constant 0 : i32
        %dma_wait3A_448 = tpu.memref_slice %arg12[%dma_wait3A_446, %dma_wait3A_447] : memref<3344x128xf32, #tpu.memory_space<vmem_shared>> -> memref<8x128xf32, #tpu.memory_space<vmem_shared>>
        %dma_wait3A_449 = arith.constant 0 : i32
        %dma_wait3A_450 = arith.constant 0 : i32
        %dma_wait3A_451 = tpu.memref_slice %arg11[%dma_wait3A_449, %dma_wait3A_450] : memref<208x128xf32, #tpu.memory_space<vmem>> -> memref<8x128xf32, #tpu.memory_space<vmem>>
        tpu.wait_dma2 semaphore(%run_scoped3A_429 : memref<!tpu.dma_semaphore, #tpu.memory_space<semaphore_mem>>) src(%dma_wait3A_451 : memref<8x128xf32, #tpu.memory_space<vmem>>) dst(%dma_wait3A_448 : memref<8x128xf32, #tpu.memory_space<vmem_shared>>)
        tpu.yield
      }) : () -> ()
    } else {
    }
    %barrier3A_238 = arith.constant 0 : index
    tpu.barrier barrier_id(%barrier3A_238)
    %scan3A_239 = arith.constant 0 : i32
    %scan3A_240 = arith.constant 0 : i32
    %scan3A_241 = arith.constant 125 : i32
    %scan3A_242 = arith.addi %scan3A_240, %scan3A_241 : i32
    %scan3A_243 = arith.constant 1 : i32
    scf.for %scan3A_429 = %scan3A_240 to %scan3A_242 step %scan3A_243  : i32 {
      %dma_start3A = arith.constant 0 : i32
      %dma_start3A_430 = tpu.memref_slice %arg8[%scan3A_429, %dma_start3A] : memref<125x80xi32, #tpu.memory_space<vmem>> -> memref<1x80xi32, #tpu.memory_space<vmem>>
      %dma_start3A_431 = tpu.memref_squeeze %dma_start3A_430 : memref<1x80xi32, #tpu.memory_space<vmem>> -> memref<80xi32, #tpu.memory_space<vmem>>
      %dma_start3A_432 = arith.constant 0 : i32
      %dma_start3A_433 = arith.constant 0 : i32
      %dma_start3A_434 = tpu.memref_slice %arg2[%dma_start3A_432, %dma_start3A_433] : memref<40000x128xf32, #tpu.memory_space<hbm>> -> memref<40000x128xf32, #tpu.memory_space<hbm>>
      tpu.enqueue_indirect_dma source(%dma_start3A_434 : memref<40000x128xf32, #tpu.memory_space<hbm>>) target(%arg10 : memref<80x128xf32, #tpu.memory_space<vmem>>) offsets(%dma_start3A_431 : memref<80xi32, #tpu.memory_space<vmem>>) semaphore(%arg13 : memref<!tpu.dma_semaphore, #tpu.memory_space<semaphore_mem>>)
      %dma_wait3A = arith.constant 0 : i32
      %dma_wait3A_435 = tpu.memref_slice %arg8[%scan3A_429, %dma_wait3A] : memref<125x80xi32, #tpu.memory_space<vmem>> -> memref<1x80xi32, #tpu.memory_space<vmem>>
      %dma_wait3A_436 = tpu.memref_squeeze %dma_wait3A_435 : memref<1x80xi32, #tpu.memory_space<vmem>> -> memref<80xi32, #tpu.memory_space<vmem>>
      %dma_wait3A_437 = arith.constant 0 : i32
      %dma_wait3A_438 = arith.constant 0 : i32
      %dma_wait3A_439 = tpu.memref_slice %arg2[%dma_wait3A_437, %dma_wait3A_438] : memref<40000x128xf32, #tpu.memory_space<hbm>> -> memref<40000x128xf32, #tpu.memory_space<hbm>>
      tpu.wait_indirect_dma semaphore(%arg13 : memref<!tpu.dma_semaphore, #tpu.memory_space<semaphore_mem>>) src(%dma_wait3A_439 : memref<40000x128xf32, #tpu.memory_space<hbm>>) dst(%arg10 : memref<80x128xf32, #tpu.memory_space<vmem>>)
      "tpu.region"() ({
        %run_scoped3A_440 = tpu.sem_alloc : memref<!tpu.dma_semaphore, #tpu.memory_space<semaphore_mem>>
        %dma_start3A_441 = arith.constant 0 : i32
        %dma_start3A_442 = tpu.memref_slice %arg9[%scan3A_429, %dma_start3A_441] : memref<125x80xi32, #tpu.memory_space<vmem>> -> memref<1x80xi32, #tpu.memory_space<vmem>>
        %dma_start3A_443 = tpu.memref_squeeze %dma_start3A_442 : memref<1x80xi32, #tpu.memory_space<vmem>> -> memref<80xi32, #tpu.memory_space<vmem>>
        %dma_start3A_444 = arith.constant 0 : i32
        %dma_start3A_445 = arith.constant 0 : i32
        %dma_start3A_446 = tpu.memref_slice %arg12[%dma_start3A_444, %dma_start3A_445] : memref<3344x128xf32, #tpu.memory_space<vmem_shared>> -> memref<3344x128xf32, #tpu.memory_space<vmem_shared>>
        tpu.enqueue_indirect_dma source(%arg10 : memref<80x128xf32, #tpu.memory_space<vmem>>) target(%dma_start3A_446 : memref<3344x128xf32, #tpu.memory_space<vmem_shared>>) offsets(%dma_start3A_443 : memref<80xi32, #tpu.memory_space<vmem>>) semaphore(%run_scoped3A_440 : memref<!tpu.dma_semaphore, #tpu.memory_space<semaphore_mem>>) {add = true}
        %dma_wait3A_447 = arith.constant 0 : i32
        %dma_wait3A_448 = tpu.memref_slice %arg9[%scan3A_429, %dma_wait3A_447] : memref<125x80xi32, #tpu.memory_space<vmem>> -> memref<1x80xi32, #tpu.memory_space<vmem>>
        %dma_wait3A_449 = tpu.memref_squeeze %dma_wait3A_448 : memref<1x80xi32, #tpu.memory_space<vmem>> -> memref<80xi32, #tpu.memory_space<vmem>>
        %dma_wait3A_450 = arith.constant 0 : i32
        %dma_wait3A_451 = arith.constant 0 : i32
        %dma_wait3A_452 = tpu.memref_slice %arg12[%dma_wait3A_450, %dma_wait3A_451] : memref<3344x128xf32, #tpu.memory_space<vmem_shared>> -> memref<3344x128xf32, #tpu.memory_space<vmem_shared>>
        tpu.wait_indirect_dma semaphore(%run_scoped3A_440 : memref<!tpu.dma_semaphore, #tpu.memory_space<semaphore_mem>>) src(%arg10 : memref<80x128xf32, #tpu.memory_space<vmem>>) dst(%dma_wait3A_452 : memref<3344x128xf32, #tpu.memory_space<vmem_shared>>)
        tpu.yield
      }) : () -> ()
    }
    %scan3A_244 = arith.constant 125 : i32
    %barrier3A_245 = arith.constant 0 : index
    tpu.barrier barrier_id(%barrier3A_245)
    %mul3A_246 = arith.constant 208 : i32
    %mul3A_247 = arith.muli %arg1, %mul3A_246 : i32
    %mul3A_248 = arith.constant 208 : i32
    %mul3A_249 = arith.muli %arg1, %mul3A_248 : i32
    %add3A_250 = arith.constant 0 : i32
    %add3A_251 = arith.addi %add3A_250, %mul3A_249 : i32
    %run_scoped3A_252 = arith.constant 2 : i32
    "tpu.region"() ({
      %run_scoped3A_429 = tpu.sem_alloc : memref<!tpu.dma_semaphore, #tpu.memory_space<semaphore_mem>>
      %dma_start3A = arith.constant 0 : i32
      %dma_start3A_430 = arith.constant 0 : i32
      %dma_start3A_431 = tpu.memref_slice %arg5[%run_scoped3A_252, %dma_start3A, %dma_start3A_430] : memref<4x10000x128xf32, #tpu.memory_space<hbm>> -> memref<1x10000x128xf32, #tpu.memory_space<hbm>>
      %dma_start3A_432 = tpu.memref_squeeze %dma_start3A_431 : memref<1x10000x128xf32, #tpu.memory_space<hbm>> -> memref<10000x128xf32, #tpu.memory_space<hbm>>
      %dma_start3A_433 = arith.constant 0 : i32
      %dma_start3A_434 = tpu.memref_slice %dma_start3A_432[%add3A_251, %dma_start3A_433] : memref<10000x128xf32, #tpu.memory_space<hbm>> -> memref<208x128xf32, #tpu.memory_space<hbm>>
      %dma_start3A_435 = arith.constant 0 : i32
      %dma_start3A_436 = tpu.memref_slice %arg12[%mul3A_247, %dma_start3A_435] : memref<3344x128xf32, #tpu.memory_space<vmem_shared>> -> memref<208x128xf32, #tpu.memory_space<vmem_shared>>
      tpu.enqueue_dma source(%dma_start3A_436 : memref<208x128xf32, #tpu.memory_space<vmem_shared>>) target(%dma_start3A_434 : memref<208x128xf32, #tpu.memory_space<hbm>>) target_semaphore(%run_scoped3A_429 : memref<!tpu.dma_semaphore, #tpu.memory_space<semaphore_mem>>)
      %dma_wait3A = arith.constant 0 : i32
      %dma_wait3A_437 = arith.constant 0 : i32
      %dma_wait3A_438 = tpu.memref_slice %arg5[%run_scoped3A_252, %dma_wait3A, %dma_wait3A_437] : memref<4x10000x128xf32, #tpu.memory_space<hbm>> -> memref<1x10000x128xf32, #tpu.memory_space<hbm>>
      %dma_wait3A_439 = tpu.memref_squeeze %dma_wait3A_438 : memref<1x10000x128xf32, #tpu.memory_space<hbm>> -> memref<10000x128xf32, #tpu.memory_space<hbm>>
      %dma_wait3A_440 = arith.constant 0 : i32
      %dma_wait3A_441 = tpu.memref_slice %dma_wait3A_439[%add3A_251, %dma_wait3A_440] : memref<10000x128xf32, #tpu.memory_space<hbm>> -> memref<208x128xf32, #tpu.memory_space<hbm>>
      %dma_wait3A_442 = arith.constant 0 : i32
      %dma_wait3A_443 = tpu.memref_slice %arg12[%mul3A_247, %dma_wait3A_442] : memref<3344x128xf32, #tpu.memory_space<vmem_shared>> -> memref<208x128xf32, #tpu.memory_space<vmem_shared>>
      tpu.wait_dma2 semaphore(%run_scoped3A_429 : memref<!tpu.dma_semaphore, #tpu.memory_space<semaphore_mem>>) src(%dma_wait3A_443 : memref<208x128xf32, #tpu.memory_space<vmem_shared>>) dst(%dma_wait3A_441 : memref<208x128xf32, #tpu.memory_space<hbm>>)
      tpu.yield
    }) : () -> ()
    %eq3A_253 = arith.constant 15 : i32
    %eq3A_254 = arith.cmpi eq, %arg1, %eq3A_253 : i32
    %convert_element_type3A_255 = arith.extui %eq3A_254 : i1 to i32
    %cond3A_256 = arith.constant 0 : i32
    %cond3A_257 = arith.cmpi ne, %convert_element_type3A_255, %cond3A_256 : i32
    scf.if %cond3A_257 {
      %run_scoped3A_429 = arith.constant 2 : i32
      "tpu.region"() ({
        %run_scoped3A_430 = tpu.sem_alloc : memref<!tpu.dma_semaphore, #tpu.memory_space<semaphore_mem>>
        %dma_start3A = arith.constant 0 : i32
        %dma_start3A_431 = arith.constant 0 : i32
        %dma_start3A_432 = tpu.memref_slice %arg5[%run_scoped3A_429, %dma_start3A, %dma_start3A_431] : memref<4x10000x128xf32, #tpu.memory_space<hbm>> -> memref<1x10000x128xf32, #tpu.memory_space<hbm>>
        %dma_start3A_433 = tpu.memref_squeeze %dma_start3A_432 : memref<1x10000x128xf32, #tpu.memory_space<hbm>> -> memref<10000x128xf32, #tpu.memory_space<hbm>>
        %dma_start3A_434 = arith.constant 3328 : i32
        %dma_start3A_435 = arith.constant 0 : i32
        %dma_start3A_436 = tpu.memref_slice %dma_start3A_433[%dma_start3A_434, %dma_start3A_435] : memref<10000x128xf32, #tpu.memory_space<hbm>> -> memref<8x128xf32, #tpu.memory_space<hbm>>
        %dma_start3A_437 = arith.constant 3328 : i32
        %dma_start3A_438 = arith.constant 0 : i32
        %dma_start3A_439 = tpu.memref_slice %arg12[%dma_start3A_437, %dma_start3A_438] : memref<3344x128xf32, #tpu.memory_space<vmem_shared>> -> memref<8x128xf32, #tpu.memory_space<vmem_shared>>
        tpu.enqueue_dma source(%dma_start3A_439 : memref<8x128xf32, #tpu.memory_space<vmem_shared>>) target(%dma_start3A_436 : memref<8x128xf32, #tpu.memory_space<hbm>>) target_semaphore(%run_scoped3A_430 : memref<!tpu.dma_semaphore, #tpu.memory_space<semaphore_mem>>)
        %dma_wait3A = arith.constant 0 : i32
        %dma_wait3A_440 = arith.constant 0 : i32
        %dma_wait3A_441 = tpu.memref_slice %arg5[%run_scoped3A_429, %dma_wait3A, %dma_wait3A_440] : memref<4x10000x128xf32, #tpu.memory_space<hbm>> -> memref<1x10000x128xf32, #tpu.memory_space<hbm>>
        %dma_wait3A_442 = tpu.memref_squeeze %dma_wait3A_441 : memref<1x10000x128xf32, #tpu.memory_space<hbm>> -> memref<10000x128xf32, #tpu.memory_space<hbm>>
        %dma_wait3A_443 = arith.constant 3328 : i32
        %dma_wait3A_444 = arith.constant 0 : i32
        %dma_wait3A_445 = tpu.memref_slice %dma_wait3A_442[%dma_wait3A_443, %dma_wait3A_444] : memref<10000x128xf32, #tpu.memory_space<hbm>> -> memref<8x128xf32, #tpu.memory_space<hbm>>
        %dma_wait3A_446 = arith.constant 3328 : i32
        %dma_wait3A_447 = arith.constant 0 : i32
        %dma_wait3A_448 = tpu.memref_slice %arg12[%dma_wait3A_446, %dma_wait3A_447] : memref<3344x128xf32, #tpu.memory_space<vmem_shared>> -> memref<8x128xf32, #tpu.memory_space<vmem_shared>>
        tpu.wait_dma2 semaphore(%run_scoped3A_430 : memref<!tpu.dma_semaphore, #tpu.memory_space<semaphore_mem>>) src(%dma_wait3A_448 : memref<8x128xf32, #tpu.memory_space<vmem_shared>>) dst(%dma_wait3A_445 : memref<8x128xf32, #tpu.memory_space<hbm>>)
        tpu.yield
      }) : () -> ()
    } else {
    }
    %broadcast_in_dim3A_258 = arith.constant 3336 : i32
    %broadcast_in_dim3A_259 = vector.broadcast %broadcast_in_dim3A_258 : i32 to vector<16xi32>
    %broadcast_in_dim3A_260 = arith.constant 6672 : i32
    %broadcast_in_dim3A_261 = vector.broadcast %broadcast_in_dim3A_260 : i32 to vector<16xi32>
    %scan3A_262 = arith.constant 0 : i32
    %scan3A_263 = arith.constant 0 : i32
    %scan3A_264 = arith.constant 125 : i32
    %scan3A_265 = arith.addi %scan3A_263, %scan3A_264 : i32
    %scan3A_266 = arith.constant 1 : i32
    scf.for %scan3A_429 = %scan3A_263 to %scan3A_265 step %scan3A_266  : i32 {
      %get3A = arith.index_cast %scan3A_429 : i32 to index
      %get3A_430 = arith.constant 0 : index
      %get3A_431 = tpu.vector_load %arg7[%get3A, %get3A_430] {strides = array<i32>} : memref<125x80xi32, #tpu.memory_space<vmem>>, vector<1x16xi32>,
      %get3A_432 = vector.shape_cast %get3A_431 : vector<1x16xi32> to vector<16xi32>
      %lt3A = arith.cmpi slt, %get3A_432, %broadcast_in_dim3A_259 : vector<16xi32>
      %ge3A = arith.cmpi sge, %get3A_432, %broadcast_in_dim3A_261 : vector<16xi32>
      %or3A = arith.ori %lt3A, %ge3A : vector<16xi1>
      %sub3A = arith.subi %get3A_432, %broadcast_in_dim3A_259 : vector<16xi32>
      %select_n3A = arith.select %or3A, %broadcast_in_dim3A_7, %sub3A : vector<16xi1>, vector<16xi32>
      %swap3A = arith.index_cast %scan3A_429 : i32 to index
      %swap3A_433 = arith.constant 0 : index
      %swap3A_434 = tpu.vector_load %arg9[%swap3A, %swap3A_433] {strides = array<i32>} : memref<125x80xi32, #tpu.memory_space<vmem>>, vector<1x16xi32>,
      %swap3A_435 = vector.shape_cast %swap3A_434 : vector<1x16xi32> to vector<16xi32>
      %swap3A_436 = vector.shape_cast %select_n3A : vector<16xi32> to vector<1x16xi32>
      tpu.vector_store %arg9[%swap3A, %swap3A_433], %swap3A_436 {strides = array<i32>} : memref<125x80xi32, #tpu.memory_space<vmem>>, vector<1x16xi32>,
      %get3A_437 = arith.index_cast %scan3A_429 : i32 to index
      %get3A_438 = arith.constant 16 : index
      %get3A_439 = tpu.vector_load %arg7[%get3A_437, %get3A_438] {strides = array<i32>} : memref<125x80xi32, #tpu.memory_space<vmem>>, vector<1x16xi32>,
      %get3A_440 = vector.shape_cast %get3A_439 : vector<1x16xi32> to vector<16xi32>
      %lt3A_441 = arith.cmpi slt, %get3A_440, %broadcast_in_dim3A_259 : vector<16xi32>
      %ge3A_442 = arith.cmpi sge, %get3A_440, %broadcast_in_dim3A_261 : vector<16xi32>
      %or3A_443 = arith.ori %lt3A_441, %ge3A_442 : vector<16xi1>
      %sub3A_444 = arith.subi %get3A_440, %broadcast_in_dim3A_259 : vector<16xi32>
      %select_n3A_445 = arith.select %or3A_443, %broadcast_in_dim3A_7, %sub3A_444 : vector<16xi1>, vector<16xi32>
      %swap3A_446 = arith.index_cast %scan3A_429 : i32 to index
      %swap3A_447 = arith.constant 16 : index
      %swap3A_448 = tpu.vector_load %arg9[%swap3A_446, %swap3A_447] {strides = array<i32>} : memref<125x80xi32, #tpu.memory_space<vmem>>, vector<1x16xi32>,
      %swap3A_449 = vector.shape_cast %swap3A_448 : vector<1x16xi32> to vector<16xi32>
      %swap3A_450 = vector.shape_cast %select_n3A_445 : vector<16xi32> to vector<1x16xi32>
      tpu.vector_store %arg9[%swap3A_446, %swap3A_447], %swap3A_450 {strides = array<i32>} : memref<125x80xi32, #tpu.memory_space<vmem>>, vector<1x16xi32>,
      %get3A_451 = arith.index_cast %scan3A_429 : i32 to index
      %get3A_452 = arith.constant 32 : index
      %get3A_453 = tpu.vector_load %arg7[%get3A_451, %get3A_452] {strides = array<i32>} : memref<125x80xi32, #tpu.memory_space<vmem>>, vector<1x16xi32>,
      %get3A_454 = vector.shape_cast %get3A_453 : vector<1x16xi32> to vector<16xi32>
      %lt3A_455 = arith.cmpi slt, %get3A_454, %broadcast_in_dim3A_259 : vector<16xi32>
      %ge3A_456 = arith.cmpi sge, %get3A_454, %broadcast_in_dim3A_261 : vector<16xi32>
      %or3A_457 = arith.ori %lt3A_455, %ge3A_456 : vector<16xi1>
      %sub3A_458 = arith.subi %get3A_454, %broadcast_in_dim3A_259 : vector<16xi32>
      %select_n3A_459 = arith.select %or3A_457, %broadcast_in_dim3A_7, %sub3A_458 : vector<16xi1>, vector<16xi32>
      %swap3A_460 = arith.index_cast %scan3A_429 : i32 to index
      %swap3A_461 = arith.constant 32 : index
      %swap3A_462 = tpu.vector_load %arg9[%swap3A_460, %swap3A_461] {strides = array<i32>} : memref<125x80xi32, #tpu.memory_space<vmem>>, vector<1x16xi32>,
      %swap3A_463 = vector.shape_cast %swap3A_462 : vector<1x16xi32> to vector<16xi32>
      %swap3A_464 = vector.shape_cast %select_n3A_459 : vector<16xi32> to vector<1x16xi32>
      tpu.vector_store %arg9[%swap3A_460, %swap3A_461], %swap3A_464 {strides = array<i32>} : memref<125x80xi32, #tpu.memory_space<vmem>>, vector<1x16xi32>,
      %get3A_465 = arith.index_cast %scan3A_429 : i32 to index
      %get3A_466 = arith.constant 48 : index
      %get3A_467 = tpu.vector_load %arg7[%get3A_465, %get3A_466] {strides = array<i32>} : memref<125x80xi32, #tpu.memory_space<vmem>>, vector<1x16xi32>,
      %get3A_468 = vector.shape_cast %get3A_467 : vector<1x16xi32> to vector<16xi32>
      %lt3A_469 = arith.cmpi slt, %get3A_468, %broadcast_in_dim3A_259 : vector<16xi32>
      %ge3A_470 = arith.cmpi sge, %get3A_468, %broadcast_in_dim3A_261 : vector<16xi32>
      %or3A_471 = arith.ori %lt3A_469, %ge3A_470 : vector<16xi1>
      %sub3A_472 = arith.subi %get3A_468, %broadcast_in_dim3A_259 : vector<16xi32>
      %select_n3A_473 = arith.select %or3A_471, %broadcast_in_dim3A_7, %sub3A_472 : vector<16xi1>, vector<16xi32>
      %swap3A_474 = arith.index_cast %scan3A_429 : i32 to index
      %swap3A_475 = arith.constant 48 : index
      %swap3A_476 = tpu.vector_load %arg9[%swap3A_474, %swap3A_475] {strides = array<i32>} : memref<125x80xi32, #tpu.memory_space<vmem>>, vector<1x16xi32>,
      %swap3A_477 = vector.shape_cast %swap3A_476 : vector<1x16xi32> to vector<16xi32>
      %swap3A_478 = vector.shape_cast %select_n3A_473 : vector<16xi32> to vector<1x16xi32>
      tpu.vector_store %arg9[%swap3A_474, %swap3A_475], %swap3A_478 {strides = array<i32>} : memref<125x80xi32, #tpu.memory_space<vmem>>, vector<1x16xi32>,
      %get3A_479 = arith.index_cast %scan3A_429 : i32 to index
      %get3A_480 = arith.constant 64 : index
      %get3A_481 = tpu.vector_load %arg7[%get3A_479, %get3A_480] {strides = array<i32>} : memref<125x80xi32, #tpu.memory_space<vmem>>, vector<1x16xi32>,
      %get3A_482 = vector.shape_cast %get3A_481 : vector<1x16xi32> to vector<16xi32>
      %lt3A_483 = arith.cmpi slt, %get3A_482, %broadcast_in_dim3A_259 : vector<16xi32>
      %ge3A_484 = arith.cmpi sge, %get3A_482, %broadcast_in_dim3A_261 : vector<16xi32>
      %or3A_485 = arith.ori %lt3A_483, %ge3A_484 : vector<16xi1>
      %sub3A_486 = arith.subi %get3A_482, %broadcast_in_dim3A_259 : vector<16xi32>
      %select_n3A_487 = arith.select %or3A_485, %broadcast_in_dim3A_7, %sub3A_486 : vector<16xi1>, vector<16xi32>
      %swap3A_488 = arith.index_cast %scan3A_429 : i32 to index
      %swap3A_489 = arith.constant 64 : index
      %swap3A_490 = tpu.vector_load %arg9[%swap3A_488, %swap3A_489] {strides = array<i32>} : memref<125x80xi32, #tpu.memory_space<vmem>>, vector<1x16xi32>,
      %swap3A_491 = vector.shape_cast %swap3A_490 : vector<1x16xi32> to vector<16xi32>
      %swap3A_492 = vector.shape_cast %select_n3A_487 : vector<16xi32> to vector<1x16xi32>
      tpu.vector_store %arg9[%swap3A_488, %swap3A_489], %swap3A_492 {strides = array<i32>} : memref<125x80xi32, #tpu.memory_space<vmem>>, vector<1x16xi32>,
    }
    %scan3A_267 = arith.constant 125 : i32
    %mul3A_268 = arith.constant 208 : i32
    %mul3A_269 = arith.muli %arg1, %mul3A_268 : i32
    "tpu.region"() ({
      %run_scoped3A_429 = tpu.sem_alloc : memref<!tpu.dma_semaphore, #tpu.memory_space<semaphore_mem>>
      %dma_start3A = arith.constant 0 : i32
      %dma_start3A_430 = tpu.memref_slice %arg12[%mul3A_269, %dma_start3A] : memref<3344x128xf32, #tpu.memory_space<vmem_shared>> -> memref<208x128xf32, #tpu.memory_space<vmem_shared>>
      %dma_start3A_431 = arith.constant 0 : i32
      %dma_start3A_432 = tpu.memref_slice %arg12[%mul3A_269, %dma_start3A_431] : memref<3344x128xf32, #tpu.memory_space<vmem_shared>> -> memref<208x128xf32, #tpu.memory_space<vmem_shared>>
      tpu.enqueue_dma source(%arg11 : memref<208x128xf32, #tpu.memory_space<vmem>>) target(%dma_start3A_432 : memref<208x128xf32, #tpu.memory_space<vmem_shared>>) target_semaphore(%run_scoped3A_429 : memref<!tpu.dma_semaphore, #tpu.memory_space<semaphore_mem>>)
      %dma_wait3A = arith.constant 0 : i32
      %dma_wait3A_433 = tpu.memref_slice %arg12[%mul3A_269, %dma_wait3A] : memref<3344x128xf32, #tpu.memory_space<vmem_shared>> -> memref<208x128xf32, #tpu.memory_space<vmem_shared>>
      %dma_wait3A_434 = arith.constant 0 : i32
      %dma_wait3A_435 = tpu.memref_slice %arg12[%mul3A_269, %dma_wait3A_434] : memref<3344x128xf32, #tpu.memory_space<vmem_shared>> -> memref<208x128xf32, #tpu.memory_space<vmem_shared>>
      tpu.wait_dma2 semaphore(%run_scoped3A_429 : memref<!tpu.dma_semaphore, #tpu.memory_space<semaphore_mem>>) src(%arg11 : memref<208x128xf32, #tpu.memory_space<vmem>>) dst(%dma_wait3A_435 : memref<208x128xf32, #tpu.memory_space<vmem_shared>>)
      tpu.yield
    }) : () -> ()
    %eq3A_270 = arith.constant 15 : i32
    %eq3A_271 = arith.cmpi eq, %arg1, %eq3A_270 : i32
    %convert_element_type3A_272 = arith.extui %eq3A_271 : i1 to i32
    %cond3A_273 = arith.constant 0 : i32
    %cond3A_274 = arith.cmpi ne, %convert_element_type3A_272, %cond3A_273 : i32
    scf.if %cond3A_274 {
      "tpu.region"() ({
        %run_scoped3A_429 = tpu.sem_alloc : memref<!tpu.dma_semaphore, #tpu.memory_space<semaphore_mem>>
        %dma_start3A = arith.constant 0 : i32
        %dma_start3A_430 = arith.constant 0 : i32
        %dma_start3A_431 = tpu.memref_slice %arg11[%dma_start3A, %dma_start3A_430] : memref<208x128xf32, #tpu.memory_space<vmem>> -> memref<8x128xf32, #tpu.memory_space<vmem>>
        %dma_start3A_432 = arith.constant 3328 : i32
        %dma_start3A_433 = arith.constant 0 : i32
        %dma_start3A_434 = tpu.memref_slice %arg12[%dma_start3A_432, %dma_start3A_433] : memref<3344x128xf32, #tpu.memory_space<vmem_shared>> -> memref<8x128xf32, #tpu.memory_space<vmem_shared>>
        %dma_start3A_435 = arith.constant 3328 : i32
        %dma_start3A_436 = arith.constant 0 : i32
        %dma_start3A_437 = tpu.memref_slice %arg12[%dma_start3A_435, %dma_start3A_436] : memref<3344x128xf32, #tpu.memory_space<vmem_shared>> -> memref<8x128xf32, #tpu.memory_space<vmem_shared>>
        %dma_start3A_438 = arith.constant 0 : i32
        %dma_start3A_439 = arith.constant 0 : i32
        %dma_start3A_440 = tpu.memref_slice %arg11[%dma_start3A_438, %dma_start3A_439] : memref<208x128xf32, #tpu.memory_space<vmem>> -> memref<8x128xf32, #tpu.memory_space<vmem>>
        tpu.enqueue_dma source(%dma_start3A_440 : memref<8x128xf32, #tpu.memory_space<vmem>>) target(%dma_start3A_437 : memref<8x128xf32, #tpu.memory_space<vmem_shared>>) target_semaphore(%run_scoped3A_429 : memref<!tpu.dma_semaphore, #tpu.memory_space<semaphore_mem>>)
        %dma_wait3A = arith.constant 0 : i32
        %dma_wait3A_441 = arith.constant 0 : i32
        %dma_wait3A_442 = tpu.memref_slice %arg11[%dma_wait3A, %dma_wait3A_441] : memref<208x128xf32, #tpu.memory_space<vmem>> -> memref<8x128xf32, #tpu.memory_space<vmem>>
        %dma_wait3A_443 = arith.constant 3328 : i32
        %dma_wait3A_444 = arith.constant 0 : i32
        %dma_wait3A_445 = tpu.memref_slice %arg12[%dma_wait3A_443, %dma_wait3A_444] : memref<3344x128xf32, #tpu.memory_space<vmem_shared>> -> memref<8x128xf32, #tpu.memory_space<vmem_shared>>
        %dma_wait3A_446 = arith.constant 3328 : i32
        %dma_wait3A_447 = arith.constant 0 : i32
        %dma_wait3A_448 = tpu.memref_slice %arg12[%dma_wait3A_446, %dma_wait3A_447] : memref<3344x128xf32, #tpu.memory_space<vmem_shared>> -> memref<8x128xf32, #tpu.memory_space<vmem_shared>>
        %dma_wait3A_449 = arith.constant 0 : i32
        %dma_wait3A_450 = arith.constant 0 : i32
        %dma_wait3A_451 = tpu.memref_slice %arg11[%dma_wait3A_449, %dma_wait3A_450] : memref<208x128xf32, #tpu.memory_space<vmem>> -> memref<8x128xf32, #tpu.memory_space<vmem>>
        tpu.wait_dma2 semaphore(%run_scoped3A_429 : memref<!tpu.dma_semaphore, #tpu.memory_space<semaphore_mem>>) src(%dma_wait3A_451 : memref<8x128xf32, #tpu.memory_space<vmem>>) dst(%dma_wait3A_448 : memref<8x128xf32, #tpu.memory_space<vmem_shared>>)
        tpu.yield
      }) : () -> ()
    } else {
    }
    %barrier3A_275 = arith.constant 0 : index
    tpu.barrier barrier_id(%barrier3A_275)
    %scan3A_276 = arith.constant 0 : i32
    %scan3A_277 = arith.constant 0 : i32
    %scan3A_278 = arith.constant 125 : i32
    %scan3A_279 = arith.addi %scan3A_277, %scan3A_278 : i32
    %scan3A_280 = arith.constant 1 : i32
    scf.for %scan3A_429 = %scan3A_277 to %scan3A_279 step %scan3A_280  : i32 {
      %dma_start3A = arith.constant 0 : i32
      %dma_start3A_430 = tpu.memref_slice %arg8[%scan3A_429, %dma_start3A] : memref<125x80xi32, #tpu.memory_space<vmem>> -> memref<1x80xi32, #tpu.memory_space<vmem>>
      %dma_start3A_431 = tpu.memref_squeeze %dma_start3A_430 : memref<1x80xi32, #tpu.memory_space<vmem>> -> memref<80xi32, #tpu.memory_space<vmem>>
      %dma_start3A_432 = arith.constant 0 : i32
      %dma_start3A_433 = arith.constant 0 : i32
      %dma_start3A_434 = tpu.memref_slice %arg2[%dma_start3A_432, %dma_start3A_433] : memref<40000x128xf32, #tpu.memory_space<hbm>> -> memref<40000x128xf32, #tpu.memory_space<hbm>>
      tpu.enqueue_indirect_dma source(%dma_start3A_434 : memref<40000x128xf32, #tpu.memory_space<hbm>>) target(%arg10 : memref<80x128xf32, #tpu.memory_space<vmem>>) offsets(%dma_start3A_431 : memref<80xi32, #tpu.memory_space<vmem>>) semaphore(%arg13 : memref<!tpu.dma_semaphore, #tpu.memory_space<semaphore_mem>>)
      %dma_wait3A = arith.constant 0 : i32
      %dma_wait3A_435 = tpu.memref_slice %arg8[%scan3A_429, %dma_wait3A] : memref<125x80xi32, #tpu.memory_space<vmem>> -> memref<1x80xi32, #tpu.memory_space<vmem>>
      %dma_wait3A_436 = tpu.memref_squeeze %dma_wait3A_435 : memref<1x80xi32, #tpu.memory_space<vmem>> -> memref<80xi32, #tpu.memory_space<vmem>>
      %dma_wait3A_437 = arith.constant 0 : i32
      %dma_wait3A_438 = arith.constant 0 : i32
      %dma_wait3A_439 = tpu.memref_slice %arg2[%dma_wait3A_437, %dma_wait3A_438] : memref<40000x128xf32, #tpu.memory_space<hbm>> -> memref<40000x128xf32, #tpu.memory_space<hbm>>
      tpu.wait_indirect_dma semaphore(%arg13 : memref<!tpu.dma_semaphore, #tpu.memory_space<semaphore_mem>>) src(%dma_wait3A_439 : memref<40000x128xf32, #tpu.memory_space<hbm>>) dst(%arg10 : memref<80x128xf32, #tpu.memory_space<vmem>>)
      "tpu.region"() ({
        %run_scoped3A_440 = tpu.sem_alloc : memref<!tpu.dma_semaphore, #tpu.memory_space<semaphore_mem>>
        %dma_start3A_441 = arith.constant 0 : i32
        %dma_start3A_442 = tpu.memref_slice %arg9[%scan3A_429, %dma_start3A_441] : memref<125x80xi32, #tpu.memory_space<vmem>> -> memref<1x80xi32, #tpu.memory_space<vmem>>
        %dma_start3A_443 = tpu.memref_squeeze %dma_start3A_442 : memref<1x80xi32, #tpu.memory_space<vmem>> -> memref<80xi32, #tpu.memory_space<vmem>>
        %dma_start3A_444 = arith.constant 0 : i32
        %dma_start3A_445 = arith.constant 0 : i32
        %dma_start3A_446 = tpu.memref_slice %arg12[%dma_start3A_444, %dma_start3A_445] : memref<3344x128xf32, #tpu.memory_space<vmem_shared>> -> memref<3344x128xf32, #tpu.memory_space<vmem_shared>>
        tpu.enqueue_indirect_dma source(%arg10 : memref<80x128xf32, #tpu.memory_space<vmem>>) target(%dma_start3A_446 : memref<3344x128xf32, #tpu.memory_space<vmem_shared>>) offsets(%dma_start3A_443 : memref<80xi32, #tpu.memory_space<vmem>>) semaphore(%run_scoped3A_440 : memref<!tpu.dma_semaphore, #tpu.memory_space<semaphore_mem>>) {add = true}
        %dma_wait3A_447 = arith.constant 0 : i32
        %dma_wait3A_448 = tpu.memref_slice %arg9[%scan3A_429, %dma_wait3A_447] : memref<125x80xi32, #tpu.memory_space<vmem>> -> memref<1x80xi32, #tpu.memory_space<vmem>>
        %dma_wait3A_449 = tpu.memref_squeeze %dma_wait3A_448 : memref<1x80xi32, #tpu.memory_space<vmem>> -> memref<80xi32, #tpu.memory_space<vmem>>
        %dma_wait3A_450 = arith.constant 0 : i32
        %dma_wait3A_451 = arith.constant 0 : i32
        %dma_wait3A_452 = tpu.memref_slice %arg12[%dma_wait3A_450, %dma_wait3A_451] : memref<3344x128xf32, #tpu.memory_space<vmem_shared>> -> memref<3344x128xf32, #tpu.memory_space<vmem_shared>>
        tpu.wait_indirect_dma semaphore(%run_scoped3A_440 : memref<!tpu.dma_semaphore, #tpu.memory_space<semaphore_mem>>) src(%arg10 : memref<80x128xf32, #tpu.memory_space<vmem>>) dst(%dma_wait3A_452 : memref<3344x128xf32, #tpu.memory_space<vmem_shared>>)
        tpu.yield
      }) : () -> ()
    }
    %scan3A_281 = arith.constant 125 : i32
    %barrier3A_282 = arith.constant 0 : index
    tpu.barrier barrier_id(%barrier3A_282)
    %mul3A_283 = arith.constant 208 : i32
    %mul3A_284 = arith.muli %arg1, %mul3A_283 : i32
    %mul3A_285 = arith.constant 208 : i32
    %mul3A_286 = arith.muli %arg1, %mul3A_285 : i32
    %add3A_287 = arith.constant 3336 : i32
    %add3A_288 = arith.addi %add3A_287, %mul3A_286 : i32
    %run_scoped3A_289 = arith.constant 2 : i32
    "tpu.region"() ({
      %run_scoped3A_429 = tpu.sem_alloc : memref<!tpu.dma_semaphore, #tpu.memory_space<semaphore_mem>>
      %dma_start3A = arith.constant 0 : i32
      %dma_start3A_430 = arith.constant 0 : i32
      %dma_start3A_431 = tpu.memref_slice %arg5[%run_scoped3A_289, %dma_start3A, %dma_start3A_430] : memref<4x10000x128xf32, #tpu.memory_space<hbm>> -> memref<1x10000x128xf32, #tpu.memory_space<hbm>>
      %dma_start3A_432 = tpu.memref_squeeze %dma_start3A_431 : memref<1x10000x128xf32, #tpu.memory_space<hbm>> -> memref<10000x128xf32, #tpu.memory_space<hbm>>
      %dma_start3A_433 = arith.constant 0 : i32
      %dma_start3A_434 = tpu.memref_slice %dma_start3A_432[%add3A_288, %dma_start3A_433] : memref<10000x128xf32, #tpu.memory_space<hbm>> -> memref<208x128xf32, #tpu.memory_space<hbm>>
      %dma_start3A_435 = arith.constant 0 : i32
      %dma_start3A_436 = tpu.memref_slice %arg12[%mul3A_284, %dma_start3A_435] : memref<3344x128xf32, #tpu.memory_space<vmem_shared>> -> memref<208x128xf32, #tpu.memory_space<vmem_shared>>
      tpu.enqueue_dma source(%dma_start3A_436 : memref<208x128xf32, #tpu.memory_space<vmem_shared>>) target(%dma_start3A_434 : memref<208x128xf32, #tpu.memory_space<hbm>>) target_semaphore(%run_scoped3A_429 : memref<!tpu.dma_semaphore, #tpu.memory_space<semaphore_mem>>)
      %dma_wait3A = arith.constant 0 : i32
      %dma_wait3A_437 = arith.constant 0 : i32
      %dma_wait3A_438 = tpu.memref_slice %arg5[%run_scoped3A_289, %dma_wait3A, %dma_wait3A_437] : memref<4x10000x128xf32, #tpu.memory_space<hbm>> -> memref<1x10000x128xf32, #tpu.memory_space<hbm>>
      %dma_wait3A_439 = tpu.memref_squeeze %dma_wait3A_438 : memref<1x10000x128xf32, #tpu.memory_space<hbm>> -> memref<10000x128xf32, #tpu.memory_space<hbm>>
      %dma_wait3A_440 = arith.constant 0 : i32
      %dma_wait3A_441 = tpu.memref_slice %dma_wait3A_439[%add3A_288, %dma_wait3A_440] : memref<10000x128xf32, #tpu.memory_space<hbm>> -> memref<208x128xf32, #tpu.memory_space<hbm>>
      %dma_wait3A_442 = arith.constant 0 : i32
      %dma_wait3A_443 = tpu.memref_slice %arg12[%mul3A_284, %dma_wait3A_442] : memref<3344x128xf32, #tpu.memory_space<vmem_shared>> -> memref<208x128xf32, #tpu.memory_space<vmem_shared>>
      tpu.wait_dma2 semaphore(%run_scoped3A_429 : memref<!tpu.dma_semaphore, #tpu.memory_space<semaphore_mem>>) src(%dma_wait3A_443 : memref<208x128xf32, #tpu.memory_space<vmem_shared>>) dst(%dma_wait3A_441 : memref<208x128xf32, #tpu.memory_space<hbm>>)
      tpu.yield
    }) : () -> ()
    %eq3A_290 = arith.constant 15 : i32
    %eq3A_291 = arith.cmpi eq, %arg1, %eq3A_290 : i32
    %convert_element_type3A_292 = arith.extui %eq3A_291 : i1 to i32
    %cond3A_293 = arith.constant 0 : i32
    %cond3A_294 = arith.cmpi ne, %convert_element_type3A_292, %cond3A_293 : i32
    scf.if %cond3A_294 {
      %run_scoped3A_429 = arith.constant 2 : i32
      "tpu.region"() ({
        %run_scoped3A_430 = tpu.sem_alloc : memref<!tpu.dma_semaphore, #tpu.memory_space<semaphore_mem>>
        %dma_start3A = arith.constant 0 : i32
        %dma_start3A_431 = arith.constant 0 : i32
        %dma_start3A_432 = tpu.memref_slice %arg5[%run_scoped3A_429, %dma_start3A, %dma_start3A_431] : memref<4x10000x128xf32, #tpu.memory_space<hbm>> -> memref<1x10000x128xf32, #tpu.memory_space<hbm>>
        %dma_start3A_433 = tpu.memref_squeeze %dma_start3A_432 : memref<1x10000x128xf32, #tpu.memory_space<hbm>> -> memref<10000x128xf32, #tpu.memory_space<hbm>>
        %dma_start3A_434 = arith.constant 6664 : i32
        %dma_start3A_435 = arith.constant 0 : i32
        %dma_start3A_436 = tpu.memref_slice %dma_start3A_433[%dma_start3A_434, %dma_start3A_435] : memref<10000x128xf32, #tpu.memory_space<hbm>> -> memref<8x128xf32, #tpu.memory_space<hbm>>
        %dma_start3A_437 = arith.constant 3328 : i32
        %dma_start3A_438 = arith.constant 0 : i32
        %dma_start3A_439 = tpu.memref_slice %arg12[%dma_start3A_437, %dma_start3A_438] : memref<3344x128xf32, #tpu.memory_space<vmem_shared>> -> memref<8x128xf32, #tpu.memory_space<vmem_shared>>
        tpu.enqueue_dma source(%dma_start3A_439 : memref<8x128xf32, #tpu.memory_space<vmem_shared>>) target(%dma_start3A_436 : memref<8x128xf32, #tpu.memory_space<hbm>>) target_semaphore(%run_scoped3A_430 : memref<!tpu.dma_semaphore, #tpu.memory_space<semaphore_mem>>)
        %dma_wait3A = arith.constant 0 : i32
        %dma_wait3A_440 = arith.constant 0 : i32
        %dma_wait3A_441 = tpu.memref_slice %arg5[%run_scoped3A_429, %dma_wait3A, %dma_wait3A_440] : memref<4x10000x128xf32, #tpu.memory_space<hbm>> -> memref<1x10000x128xf32, #tpu.memory_space<hbm>>
        %dma_wait3A_442 = tpu.memref_squeeze %dma_wait3A_441 : memref<1x10000x128xf32, #tpu.memory_space<hbm>> -> memref<10000x128xf32, #tpu.memory_space<hbm>>
        %dma_wait3A_443 = arith.constant 6664 : i32
        %dma_wait3A_444 = arith.constant 0 : i32
        %dma_wait3A_445 = tpu.memref_slice %dma_wait3A_442[%dma_wait3A_443, %dma_wait3A_444] : memref<10000x128xf32, #tpu.memory_space<hbm>> -> memref<8x128xf32, #tpu.memory_space<hbm>>
        %dma_wait3A_446 = arith.constant 3328 : i32
        %dma_wait3A_447 = arith.constant 0 : i32
        %dma_wait3A_448 = tpu.memref_slice %arg12[%dma_wait3A_446, %dma_wait3A_447] : memref<3344x128xf32, #tpu.memory_space<vmem_shared>> -> memref<8x128xf32, #tpu.memory_space<vmem_shared>>
        tpu.wait_dma2 semaphore(%run_scoped3A_430 : memref<!tpu.dma_semaphore, #tpu.memory_space<semaphore_mem>>) src(%dma_wait3A_448 : memref<8x128xf32, #tpu.memory_space<vmem_shared>>) dst(%dma_wait3A_445 : memref<8x128xf32, #tpu.memory_space<hbm>>)
        tpu.yield
      }) : () -> ()
    } else {
    }
    %broadcast_in_dim3A_295 = arith.constant 6672 : i32
    %broadcast_in_dim3A_296 = vector.broadcast %broadcast_in_dim3A_295 : i32 to vector<16xi32>
    %broadcast_in_dim3A_297 = arith.constant 10000 : i32
    %broadcast_in_dim3A_298 = vector.broadcast %broadcast_in_dim3A_297 : i32 to vector<16xi32>
    %scan3A_299 = arith.constant 0 : i32
    %scan3A_300 = arith.constant 0 : i32
    %scan3A_301 = arith.constant 125 : i32
    %scan3A_302 = arith.addi %scan3A_300, %scan3A_301 : i32
    %scan3A_303 = arith.constant 1 : i32
    scf.for %scan3A_429 = %scan3A_300 to %scan3A_302 step %scan3A_303  : i32 {
      %get3A = arith.index_cast %scan3A_429 : i32 to index
      %get3A_430 = arith.constant 0 : index
      %get3A_431 = tpu.vector_load %arg7[%get3A, %get3A_430] {strides = array<i32>} : memref<125x80xi32, #tpu.memory_space<vmem>>, vector<1x16xi32>,
      %get3A_432 = vector.shape_cast %get3A_431 : vector<1x16xi32> to vector<16xi32>
      %lt3A = arith.cmpi slt, %get3A_432, %broadcast_in_dim3A_296 : vector<16xi32>
      %ge3A = arith.cmpi sge, %get3A_432, %broadcast_in_dim3A_298 : vector<16xi32>
      %or3A = arith.ori %lt3A, %ge3A : vector<16xi1>
      %sub3A = arith.subi %get3A_432, %broadcast_in_dim3A_296 : vector<16xi32>
      %select_n3A = arith.select %or3A, %broadcast_in_dim3A_7, %sub3A : vector<16xi1>, vector<16xi32>
      %swap3A = arith.index_cast %scan3A_429 : i32 to index
      %swap3A_433 = arith.constant 0 : index
      %swap3A_434 = tpu.vector_load %arg9[%swap3A, %swap3A_433] {strides = array<i32>} : memref<125x80xi32, #tpu.memory_space<vmem>>, vector<1x16xi32>,
      %swap3A_435 = vector.shape_cast %swap3A_434 : vector<1x16xi32> to vector<16xi32>
      %swap3A_436 = vector.shape_cast %select_n3A : vector<16xi32> to vector<1x16xi32>
      tpu.vector_store %arg9[%swap3A, %swap3A_433], %swap3A_436 {strides = array<i32>} : memref<125x80xi32, #tpu.memory_space<vmem>>, vector<1x16xi32>,
      %get3A_437 = arith.index_cast %scan3A_429 : i32 to index
      %get3A_438 = arith.constant 16 : index
      %get3A_439 = tpu.vector_load %arg7[%get3A_437, %get3A_438] {strides = array<i32>} : memref<125x80xi32, #tpu.memory_space<vmem>>, vector<1x16xi32>,
      %get3A_440 = vector.shape_cast %get3A_439 : vector<1x16xi32> to vector<16xi32>
      %lt3A_441 = arith.cmpi slt, %get3A_440, %broadcast_in_dim3A_296 : vector<16xi32>
      %ge3A_442 = arith.cmpi sge, %get3A_440, %broadcast_in_dim3A_298 : vector<16xi32>
      %or3A_443 = arith.ori %lt3A_441, %ge3A_442 : vector<16xi1>
      %sub3A_444 = arith.subi %get3A_440, %broadcast_in_dim3A_296 : vector<16xi32>
      %select_n3A_445 = arith.select %or3A_443, %broadcast_in_dim3A_7, %sub3A_444 : vector<16xi1>, vector<16xi32>
      %swap3A_446 = arith.index_cast %scan3A_429 : i32 to index
      %swap3A_447 = arith.constant 16 : index
      %swap3A_448 = tpu.vector_load %arg9[%swap3A_446, %swap3A_447] {strides = array<i32>} : memref<125x80xi32, #tpu.memory_space<vmem>>, vector<1x16xi32>,
      %swap3A_449 = vector.shape_cast %swap3A_448 : vector<1x16xi32> to vector<16xi32>
      %swap3A_450 = vector.shape_cast %select_n3A_445 : vector<16xi32> to vector<1x16xi32>
      tpu.vector_store %arg9[%swap3A_446, %swap3A_447], %swap3A_450 {strides = array<i32>} : memref<125x80xi32, #tpu.memory_space<vmem>>, vector<1x16xi32>,
      %get3A_451 = arith.index_cast %scan3A_429 : i32 to index
      %get3A_452 = arith.constant 32 : index
      %get3A_453 = tpu.vector_load %arg7[%get3A_451, %get3A_452] {strides = array<i32>} : memref<125x80xi32, #tpu.memory_space<vmem>>, vector<1x16xi32>,
      %get3A_454 = vector.shape_cast %get3A_453 : vector<1x16xi32> to vector<16xi32>
      %lt3A_455 = arith.cmpi slt, %get3A_454, %broadcast_in_dim3A_296 : vector<16xi32>
      %ge3A_456 = arith.cmpi sge, %get3A_454, %broadcast_in_dim3A_298 : vector<16xi32>
      %or3A_457 = arith.ori %lt3A_455, %ge3A_456 : vector<16xi1>
      %sub3A_458 = arith.subi %get3A_454, %broadcast_in_dim3A_296 : vector<16xi32>
      %select_n3A_459 = arith.select %or3A_457, %broadcast_in_dim3A_7, %sub3A_458 : vector<16xi1>, vector<16xi32>
      %swap3A_460 = arith.index_cast %scan3A_429 : i32 to index
      %swap3A_461 = arith.constant 32 : index
      %swap3A_462 = tpu.vector_load %arg9[%swap3A_460, %swap3A_461] {strides = array<i32>} : memref<125x80xi32, #tpu.memory_space<vmem>>, vector<1x16xi32>,
      %swap3A_463 = vector.shape_cast %swap3A_462 : vector<1x16xi32> to vector<16xi32>
      %swap3A_464 = vector.shape_cast %select_n3A_459 : vector<16xi32> to vector<1x16xi32>
      tpu.vector_store %arg9[%swap3A_460, %swap3A_461], %swap3A_464 {strides = array<i32>} : memref<125x80xi32, #tpu.memory_space<vmem>>, vector<1x16xi32>,
      %get3A_465 = arith.index_cast %scan3A_429 : i32 to index
      %get3A_466 = arith.constant 48 : index
      %get3A_467 = tpu.vector_load %arg7[%get3A_465, %get3A_466] {strides = array<i32>} : memref<125x80xi32, #tpu.memory_space<vmem>>, vector<1x16xi32>,
      %get3A_468 = vector.shape_cast %get3A_467 : vector<1x16xi32> to vector<16xi32>
      %lt3A_469 = arith.cmpi slt, %get3A_468, %broadcast_in_dim3A_296 : vector<16xi32>
      %ge3A_470 = arith.cmpi sge, %get3A_468, %broadcast_in_dim3A_298 : vector<16xi32>
      %or3A_471 = arith.ori %lt3A_469, %ge3A_470 : vector<16xi1>
      %sub3A_472 = arith.subi %get3A_468, %broadcast_in_dim3A_296 : vector<16xi32>
      %select_n3A_473 = arith.select %or3A_471, %broadcast_in_dim3A_7, %sub3A_472 : vector<16xi1>, vector<16xi32>
      %swap3A_474 = arith.index_cast %scan3A_429 : i32 to index
      %swap3A_475 = arith.constant 48 : index
      %swap3A_476 = tpu.vector_load %arg9[%swap3A_474, %swap3A_475] {strides = array<i32>} : memref<125x80xi32, #tpu.memory_space<vmem>>, vector<1x16xi32>,
      %swap3A_477 = vector.shape_cast %swap3A_476 : vector<1x16xi32> to vector<16xi32>
      %swap3A_478 = vector.shape_cast %select_n3A_473 : vector<16xi32> to vector<1x16xi32>
      tpu.vector_store %arg9[%swap3A_474, %swap3A_475], %swap3A_478 {strides = array<i32>} : memref<125x80xi32, #tpu.memory_space<vmem>>, vector<1x16xi32>,
      %get3A_479 = arith.index_cast %scan3A_429 : i32 to index
      %get3A_480 = arith.constant 64 : index
      %get3A_481 = tpu.vector_load %arg7[%get3A_479, %get3A_480] {strides = array<i32>} : memref<125x80xi32, #tpu.memory_space<vmem>>, vector<1x16xi32>,
      %get3A_482 = vector.shape_cast %get3A_481 : vector<1x16xi32> to vector<16xi32>
      %lt3A_483 = arith.cmpi slt, %get3A_482, %broadcast_in_dim3A_296 : vector<16xi32>
      %ge3A_484 = arith.cmpi sge, %get3A_482, %broadcast_in_dim3A_298 : vector<16xi32>
      %or3A_485 = arith.ori %lt3A_483, %ge3A_484 : vector<16xi1>
      %sub3A_486 = arith.subi %get3A_482, %broadcast_in_dim3A_296 : vector<16xi32>
      %select_n3A_487 = arith.select %or3A_485, %broadcast_in_dim3A_7, %sub3A_486 : vector<16xi1>, vector<16xi32>
      %swap3A_488 = arith.index_cast %scan3A_429 : i32 to index
      %swap3A_489 = arith.constant 64 : index
      %swap3A_490 = tpu.vector_load %arg9[%swap3A_488, %swap3A_489] {strides = array<i32>} : memref<125x80xi32, #tpu.memory_space<vmem>>, vector<1x16xi32>,
      %swap3A_491 = vector.shape_cast %swap3A_490 : vector<1x16xi32> to vector<16xi32>
      %swap3A_492 = vector.shape_cast %select_n3A_487 : vector<16xi32> to vector<1x16xi32>
      tpu.vector_store %arg9[%swap3A_488, %swap3A_489], %swap3A_492 {strides = array<i32>} : memref<125x80xi32, #tpu.memory_space<vmem>>, vector<1x16xi32>,
    }
    %scan3A_304 = arith.constant 125 : i32
    %mul3A_305 = arith.constant 208 : i32
    %mul3A_306 = arith.muli %arg1, %mul3A_305 : i32
    "tpu.region"() ({
      %run_scoped3A_429 = tpu.sem_alloc : memref<!tpu.dma_semaphore, #tpu.memory_space<semaphore_mem>>
      %dma_start3A = arith.constant 0 : i32
      %dma_start3A_430 = tpu.memref_slice %arg12[%mul3A_306, %dma_start3A] : memref<3344x128xf32, #tpu.memory_space<vmem_shared>> -> memref<208x128xf32, #tpu.memory_space<vmem_shared>>
      %dma_start3A_431 = arith.constant 0 : i32
      %dma_start3A_432 = tpu.memref_slice %arg12[%mul3A_306, %dma_start3A_431] : memref<3344x128xf32, #tpu.memory_space<vmem_shared>> -> memref<208x128xf32, #tpu.memory_space<vmem_shared>>
      tpu.enqueue_dma source(%arg11 : memref<208x128xf32, #tpu.memory_space<vmem>>) target(%dma_start3A_432 : memref<208x128xf32, #tpu.memory_space<vmem_shared>>) target_semaphore(%run_scoped3A_429 : memref<!tpu.dma_semaphore, #tpu.memory_space<semaphore_mem>>)
      %dma_wait3A = arith.constant 0 : i32
      %dma_wait3A_433 = tpu.memref_slice %arg12[%mul3A_306, %dma_wait3A] : memref<3344x128xf32, #tpu.memory_space<vmem_shared>> -> memref<208x128xf32, #tpu.memory_space<vmem_shared>>
      %dma_wait3A_434 = arith.constant 0 : i32
      %dma_wait3A_435 = tpu.memref_slice %arg12[%mul3A_306, %dma_wait3A_434] : memref<3344x128xf32, #tpu.memory_space<vmem_shared>> -> memref<208x128xf32, #tpu.memory_space<vmem_shared>>
      tpu.wait_dma2 semaphore(%run_scoped3A_429 : memref<!tpu.dma_semaphore, #tpu.memory_space<semaphore_mem>>) src(%arg11 : memref<208x128xf32, #tpu.memory_space<vmem>>) dst(%dma_wait3A_435 : memref<208x128xf32, #tpu.memory_space<vmem_shared>>)
      tpu.yield
    }) : () -> ()
    %barrier3A_307 = arith.constant 0 : index
    tpu.barrier barrier_id(%barrier3A_307)
    %scan3A_308 = arith.constant 0 : i32
    %scan3A_309 = arith.constant 0 : i32
    %scan3A_310 = arith.constant 125 : i32
    %scan3A_311 = arith.addi %scan3A_309, %scan3A_310 : i32
    %scan3A_312 = arith.constant 1 : i32
    scf.for %scan3A_429 = %scan3A_309 to %scan3A_311 step %scan3A_312  : i32 {
      %dma_start3A = arith.constant 0 : i32
      %dma_start3A_430 = tpu.memref_slice %arg8[%scan3A_429, %dma_start3A] : memref<125x80xi32, #tpu.memory_space<vmem>> -> memref<1x80xi32, #tpu.memory_space<vmem>>
      %dma_start3A_431 = tpu.memref_squeeze %dma_start3A_430 : memref<1x80xi32, #tpu.memory_space<vmem>> -> memref<80xi32, #tpu.memory_space<vmem>>
      %dma_start3A_432 = arith.constant 0 : i32
      %dma_start3A_433 = arith.constant 0 : i32
      %dma_start3A_434 = tpu.memref_slice %arg2[%dma_start3A_432, %dma_start3A_433] : memref<40000x128xf32, #tpu.memory_space<hbm>> -> memref<40000x128xf32, #tpu.memory_space<hbm>>
      tpu.enqueue_indirect_dma source(%dma_start3A_434 : memref<40000x128xf32, #tpu.memory_space<hbm>>) target(%arg10 : memref<80x128xf32, #tpu.memory_space<vmem>>) offsets(%dma_start3A_431 : memref<80xi32, #tpu.memory_space<vmem>>) semaphore(%arg13 : memref<!tpu.dma_semaphore, #tpu.memory_space<semaphore_mem>>)
      %dma_wait3A = arith.constant 0 : i32
      %dma_wait3A_435 = tpu.memref_slice %arg8[%scan3A_429, %dma_wait3A] : memref<125x80xi32, #tpu.memory_space<vmem>> -> memref<1x80xi32, #tpu.memory_space<vmem>>
      %dma_wait3A_436 = tpu.memref_squeeze %dma_wait3A_435 : memref<1x80xi32, #tpu.memory_space<vmem>> -> memref<80xi32, #tpu.memory_space<vmem>>
      %dma_wait3A_437 = arith.constant 0 : i32
      %dma_wait3A_438 = arith.constant 0 : i32
      %dma_wait3A_439 = tpu.memref_slice %arg2[%dma_wait3A_437, %dma_wait3A_438] : memref<40000x128xf32, #tpu.memory_space<hbm>> -> memref<40000x128xf32, #tpu.memory_space<hbm>>
      tpu.wait_indirect_dma semaphore(%arg13 : memref<!tpu.dma_semaphore, #tpu.memory_space<semaphore_mem>>) src(%dma_wait3A_439 : memref<40000x128xf32, #tpu.memory_space<hbm>>) dst(%arg10 : memref<80x128xf32, #tpu.memory_space<vmem>>)
      "tpu.region"() ({
        %run_scoped3A_440 = tpu.sem_alloc : memref<!tpu.dma_semaphore, #tpu.memory_space<semaphore_mem>>
        %dma_start3A_441 = arith.constant 0 : i32
        %dma_start3A_442 = tpu.memref_slice %arg9[%scan3A_429, %dma_start3A_441] : memref<125x80xi32, #tpu.memory_space<vmem>> -> memref<1x80xi32, #tpu.memory_space<vmem>>
        %dma_start3A_443 = tpu.memref_squeeze %dma_start3A_442 : memref<1x80xi32, #tpu.memory_space<vmem>> -> memref<80xi32, #tpu.memory_space<vmem>>
        %dma_start3A_444 = arith.constant 0 : i32
        %dma_start3A_445 = arith.constant 0 : i32
        %dma_start3A_446 = tpu.memref_slice %arg12[%dma_start3A_444, %dma_start3A_445] : memref<3344x128xf32, #tpu.memory_space<vmem_shared>> -> memref<3344x128xf32, #tpu.memory_space<vmem_shared>>
        tpu.enqueue_indirect_dma source(%arg10 : memref<80x128xf32, #tpu.memory_space<vmem>>) target(%dma_start3A_446 : memref<3344x128xf32, #tpu.memory_space<vmem_shared>>) offsets(%dma_start3A_443 : memref<80xi32, #tpu.memory_space<vmem>>) semaphore(%run_scoped3A_440 : memref<!tpu.dma_semaphore, #tpu.memory_space<semaphore_mem>>) {add = true}
        %dma_wait3A_447 = arith.constant 0 : i32
        %dma_wait3A_448 = tpu.memref_slice %arg9[%scan3A_429, %dma_wait3A_447] : memref<125x80xi32, #tpu.memory_space<vmem>> -> memref<1x80xi32, #tpu.memory_space<vmem>>
        %dma_wait3A_449 = tpu.memref_squeeze %dma_wait3A_448 : memref<1x80xi32, #tpu.memory_space<vmem>> -> memref<80xi32, #tpu.memory_space<vmem>>
        %dma_wait3A_450 = arith.constant 0 : i32
        %dma_wait3A_451 = arith.constant 0 : i32
        %dma_wait3A_452 = tpu.memref_slice %arg12[%dma_wait3A_450, %dma_wait3A_451] : memref<3344x128xf32, #tpu.memory_space<vmem_shared>> -> memref<3344x128xf32, #tpu.memory_space<vmem_shared>>
        tpu.wait_indirect_dma semaphore(%run_scoped3A_440 : memref<!tpu.dma_semaphore, #tpu.memory_space<semaphore_mem>>) src(%arg10 : memref<80x128xf32, #tpu.memory_space<vmem>>) dst(%dma_wait3A_452 : memref<3344x128xf32, #tpu.memory_space<vmem_shared>>)
        tpu.yield
      }) : () -> ()
    }
    %scan3A_313 = arith.constant 125 : i32
    %barrier3A_314 = arith.constant 0 : index
    tpu.barrier barrier_id(%barrier3A_314)
    %mul3A_315 = arith.constant 208 : i32
    %mul3A_316 = arith.muli %arg1, %mul3A_315 : i32
    %mul3A_317 = arith.constant 208 : i32
    %mul3A_318 = arith.muli %arg1, %mul3A_317 : i32
    %add3A_319 = arith.constant 6672 : i32
    %add3A_320 = arith.addi %add3A_319, %mul3A_318 : i32
    %run_scoped3A_321 = arith.constant 2 : i32
    "tpu.region"() ({
      %run_scoped3A_429 = tpu.sem_alloc : memref<!tpu.dma_semaphore, #tpu.memory_space<semaphore_mem>>
      %dma_start3A = arith.constant 0 : i32
      %dma_start3A_430 = arith.constant 0 : i32
      %dma_start3A_431 = tpu.memref_slice %arg5[%run_scoped3A_321, %dma_start3A, %dma_start3A_430] : memref<4x10000x128xf32, #tpu.memory_space<hbm>> -> memref<1x10000x128xf32, #tpu.memory_space<hbm>>
      %dma_start3A_432 = tpu.memref_squeeze %dma_start3A_431 : memref<1x10000x128xf32, #tpu.memory_space<hbm>> -> memref<10000x128xf32, #tpu.memory_space<hbm>>
      %dma_start3A_433 = arith.constant 0 : i32
      %dma_start3A_434 = tpu.memref_slice %dma_start3A_432[%add3A_320, %dma_start3A_433] : memref<10000x128xf32, #tpu.memory_space<hbm>> -> memref<208x128xf32, #tpu.memory_space<hbm>>
      %dma_start3A_435 = arith.constant 0 : i32
      %dma_start3A_436 = tpu.memref_slice %arg12[%mul3A_316, %dma_start3A_435] : memref<3344x128xf32, #tpu.memory_space<vmem_shared>> -> memref<208x128xf32, #tpu.memory_space<vmem_shared>>
      tpu.enqueue_dma source(%dma_start3A_436 : memref<208x128xf32, #tpu.memory_space<vmem_shared>>) target(%dma_start3A_434 : memref<208x128xf32, #tpu.memory_space<hbm>>) target_semaphore(%run_scoped3A_429 : memref<!tpu.dma_semaphore, #tpu.memory_space<semaphore_mem>>)
      %dma_wait3A = arith.constant 0 : i32
      %dma_wait3A_437 = arith.constant 0 : i32
      %dma_wait3A_438 = tpu.memref_slice %arg5[%run_scoped3A_321, %dma_wait3A, %dma_wait3A_437] : memref<4x10000x128xf32, #tpu.memory_space<hbm>> -> memref<1x10000x128xf32, #tpu.memory_space<hbm>>
      %dma_wait3A_439 = tpu.memref_squeeze %dma_wait3A_438 : memref<1x10000x128xf32, #tpu.memory_space<hbm>> -> memref<10000x128xf32, #tpu.memory_space<hbm>>
      %dma_wait3A_440 = arith.constant 0 : i32
      %dma_wait3A_441 = tpu.memref_slice %dma_wait3A_439[%add3A_320, %dma_wait3A_440] : memref<10000x128xf32, #tpu.memory_space<hbm>> -> memref<208x128xf32, #tpu.memory_space<hbm>>
      %dma_wait3A_442 = arith.constant 0 : i32
      %dma_wait3A_443 = tpu.memref_slice %arg12[%mul3A_316, %dma_wait3A_442] : memref<3344x128xf32, #tpu.memory_space<vmem_shared>> -> memref<208x128xf32, #tpu.memory_space<vmem_shared>>
      tpu.wait_dma2 semaphore(%run_scoped3A_429 : memref<!tpu.dma_semaphore, #tpu.memory_space<semaphore_mem>>) src(%dma_wait3A_443 : memref<208x128xf32, #tpu.memory_space<vmem_shared>>) dst(%dma_wait3A_441 : memref<208x128xf32, #tpu.memory_space<hbm>>)
      tpu.yield
    }) : () -> ()
    %scan3A_322 = arith.constant 0 : i32
    %scan3A_323 = arith.constant 0 : i32
    %scan3A_324 = arith.constant 125 : i32
    %scan3A_325 = arith.addi %scan3A_323, %scan3A_324 : i32
    %scan3A_326 = arith.constant 1 : i32
    scf.for %scan3A_429 = %scan3A_323 to %scan3A_325 step %scan3A_326  : i32 {
      %get3A = arith.index_cast %scan3A_429 : i32 to index
      %get3A_430 = arith.constant 0 : index
      %get3A_431 = tpu.vector_load %arg6[%get3A, %get3A_430] {strides = array<i32>} : memref<125x80xi32, #tpu.memory_space<vmem>>, vector<1x16xi32>,
      %get3A_432 = vector.shape_cast %get3A_431 : vector<1x16xi32> to vector<16xi32>
      %mul3A_433 = arith.constant 4 : i32
      %mul3A_434 = vector.broadcast %mul3A_433 : i32 to vector<16xi32>
      %mul3A_435 = arith.muli %get3A_432, %mul3A_434 : vector<16xi32>
      %add3A_436 = arith.constant 3 : i32
      %add3A_437 = vector.broadcast %add3A_436 : i32 to vector<16xi32>
      %add3A_438 = arith.addi %mul3A_435, %add3A_437 : vector<16xi32>
      %swap3A = arith.index_cast %scan3A_429 : i32 to index
      %swap3A_439 = arith.constant 0 : index
      %swap3A_440 = tpu.vector_load %arg8[%swap3A, %swap3A_439] {strides = array<i32>} : memref<125x80xi32, #tpu.memory_space<vmem>>, vector<1x16xi32>,
      %swap3A_441 = vector.shape_cast %swap3A_440 : vector<1x16xi32> to vector<16xi32>
      %swap3A_442 = vector.shape_cast %add3A_438 : vector<16xi32> to vector<1x16xi32>
      tpu.vector_store %arg8[%swap3A, %swap3A_439], %swap3A_442 {strides = array<i32>} : memref<125x80xi32, #tpu.memory_space<vmem>>, vector<1x16xi32>,
      %get3A_443 = arith.index_cast %scan3A_429 : i32 to index
      %get3A_444 = arith.constant 16 : index
      %get3A_445 = tpu.vector_load %arg6[%get3A_443, %get3A_444] {strides = array<i32>} : memref<125x80xi32, #tpu.memory_space<vmem>>, vector<1x16xi32>,
      %get3A_446 = vector.shape_cast %get3A_445 : vector<1x16xi32> to vector<16xi32>
      %mul3A_447 = arith.constant 4 : i32
      %mul3A_448 = vector.broadcast %mul3A_447 : i32 to vector<16xi32>
      %mul3A_449 = arith.muli %get3A_446, %mul3A_448 : vector<16xi32>
      %add3A_450 = arith.constant 3 : i32
      %add3A_451 = vector.broadcast %add3A_450 : i32 to vector<16xi32>
      %add3A_452 = arith.addi %mul3A_449, %add3A_451 : vector<16xi32>
      %swap3A_453 = arith.index_cast %scan3A_429 : i32 to index
      %swap3A_454 = arith.constant 16 : index
      %swap3A_455 = tpu.vector_load %arg8[%swap3A_453, %swap3A_454] {strides = array<i32>} : memref<125x80xi32, #tpu.memory_space<vmem>>, vector<1x16xi32>,
      %swap3A_456 = vector.shape_cast %swap3A_455 : vector<1x16xi32> to vector<16xi32>
      %swap3A_457 = vector.shape_cast %add3A_452 : vector<16xi32> to vector<1x16xi32>
      tpu.vector_store %arg8[%swap3A_453, %swap3A_454], %swap3A_457 {strides = array<i32>} : memref<125x80xi32, #tpu.memory_space<vmem>>, vector<1x16xi32>,
      %get3A_458 = arith.index_cast %scan3A_429 : i32 to index
      %get3A_459 = arith.constant 32 : index
      %get3A_460 = tpu.vector_load %arg6[%get3A_458, %get3A_459] {strides = array<i32>} : memref<125x80xi32, #tpu.memory_space<vmem>>, vector<1x16xi32>,
      %get3A_461 = vector.shape_cast %get3A_460 : vector<1x16xi32> to vector<16xi32>
      %mul3A_462 = arith.constant 4 : i32
      %mul3A_463 = vector.broadcast %mul3A_462 : i32 to vector<16xi32>
      %mul3A_464 = arith.muli %get3A_461, %mul3A_463 : vector<16xi32>
      %add3A_465 = arith.constant 3 : i32
      %add3A_466 = vector.broadcast %add3A_465 : i32 to vector<16xi32>
      %add3A_467 = arith.addi %mul3A_464, %add3A_466 : vector<16xi32>
      %swap3A_468 = arith.index_cast %scan3A_429 : i32 to index
      %swap3A_469 = arith.constant 32 : index
      %swap3A_470 = tpu.vector_load %arg8[%swap3A_468, %swap3A_469] {strides = array<i32>} : memref<125x80xi32, #tpu.memory_space<vmem>>, vector<1x16xi32>,
      %swap3A_471 = vector.shape_cast %swap3A_470 : vector<1x16xi32> to vector<16xi32>
      %swap3A_472 = vector.shape_cast %add3A_467 : vector<16xi32> to vector<1x16xi32>
      tpu.vector_store %arg8[%swap3A_468, %swap3A_469], %swap3A_472 {strides = array<i32>} : memref<125x80xi32, #tpu.memory_space<vmem>>, vector<1x16xi32>,
      %get3A_473 = arith.index_cast %scan3A_429 : i32 to index
      %get3A_474 = arith.constant 48 : index
      %get3A_475 = tpu.vector_load %arg6[%get3A_473, %get3A_474] {strides = array<i32>} : memref<125x80xi32, #tpu.memory_space<vmem>>, vector<1x16xi32>,
      %get3A_476 = vector.shape_cast %get3A_475 : vector<1x16xi32> to vector<16xi32>
      %mul3A_477 = arith.constant 4 : i32
      %mul3A_478 = vector.broadcast %mul3A_477 : i32 to vector<16xi32>
      %mul3A_479 = arith.muli %get3A_476, %mul3A_478 : vector<16xi32>
      %add3A_480 = arith.constant 3 : i32
      %add3A_481 = vector.broadcast %add3A_480 : i32 to vector<16xi32>
      %add3A_482 = arith.addi %mul3A_479, %add3A_481 : vector<16xi32>
      %swap3A_483 = arith.index_cast %scan3A_429 : i32 to index
      %swap3A_484 = arith.constant 48 : index
      %swap3A_485 = tpu.vector_load %arg8[%swap3A_483, %swap3A_484] {strides = array<i32>} : memref<125x80xi32, #tpu.memory_space<vmem>>, vector<1x16xi32>,
      %swap3A_486 = vector.shape_cast %swap3A_485 : vector<1x16xi32> to vector<16xi32>
      %swap3A_487 = vector.shape_cast %add3A_482 : vector<16xi32> to vector<1x16xi32>
      tpu.vector_store %arg8[%swap3A_483, %swap3A_484], %swap3A_487 {strides = array<i32>} : memref<125x80xi32, #tpu.memory_space<vmem>>, vector<1x16xi32>,
      %get3A_488 = arith.index_cast %scan3A_429 : i32 to index
      %get3A_489 = arith.constant 64 : index
      %get3A_490 = tpu.vector_load %arg6[%get3A_488, %get3A_489] {strides = array<i32>} : memref<125x80xi32, #tpu.memory_space<vmem>>, vector<1x16xi32>,
      %get3A_491 = vector.shape_cast %get3A_490 : vector<1x16xi32> to vector<16xi32>
      %mul3A_492 = arith.constant 4 : i32
      %mul3A_493 = vector.broadcast %mul3A_492 : i32 to vector<16xi32>
      %mul3A_494 = arith.muli %get3A_491, %mul3A_493 : vector<16xi32>
      %add3A_495 = arith.constant 3 : i32
      %add3A_496 = vector.broadcast %add3A_495 : i32 to vector<16xi32>
      %add3A_497 = arith.addi %mul3A_494, %add3A_496 : vector<16xi32>
      %swap3A_498 = arith.index_cast %scan3A_429 : i32 to index
      %swap3A_499 = arith.constant 64 : index
      %swap3A_500 = tpu.vector_load %arg8[%swap3A_498, %swap3A_499] {strides = array<i32>} : memref<125x80xi32, #tpu.memory_space<vmem>>, vector<1x16xi32>,
      %swap3A_501 = vector.shape_cast %swap3A_500 : vector<1x16xi32> to vector<16xi32>
      %swap3A_502 = vector.shape_cast %add3A_497 : vector<16xi32> to vector<1x16xi32>
      tpu.vector_store %arg8[%swap3A_498, %swap3A_499], %swap3A_502 {strides = array<i32>} : memref<125x80xi32, #tpu.memory_space<vmem>>, vector<1x16xi32>,
    }
    %scan3A_327 = arith.constant 125 : i32
    %broadcast_in_dim3A_328 = arith.constant 0 : i32
    %broadcast_in_dim3A_329 = vector.broadcast %broadcast_in_dim3A_328 : i32 to vector<16xi32>
    %broadcast_in_dim3A_330 = arith.constant 3336 : i32
    %broadcast_in_dim3A_331 = vector.broadcast %broadcast_in_dim3A_330 : i32 to vector<16xi32>
    %scan3A_332 = arith.constant 0 : i32
    %scan3A_333 = arith.constant 0 : i32
    %scan3A_334 = arith.constant 125 : i32
    %scan3A_335 = arith.addi %scan3A_333, %scan3A_334 : i32
    %scan3A_336 = arith.constant 1 : i32
    scf.for %scan3A_429 = %scan3A_333 to %scan3A_335 step %scan3A_336  : i32 {
      %get3A = arith.index_cast %scan3A_429 : i32 to index
      %get3A_430 = arith.constant 0 : index
      %get3A_431 = tpu.vector_load %arg7[%get3A, %get3A_430] {strides = array<i32>} : memref<125x80xi32, #tpu.memory_space<vmem>>, vector<1x16xi32>,
      %get3A_432 = vector.shape_cast %get3A_431 : vector<1x16xi32> to vector<16xi32>
      %lt3A = arith.cmpi slt, %get3A_432, %broadcast_in_dim3A_329 : vector<16xi32>
      %ge3A = arith.cmpi sge, %get3A_432, %broadcast_in_dim3A_331 : vector<16xi32>
      %or3A = arith.ori %lt3A, %ge3A : vector<16xi1>
      %sub3A = arith.subi %get3A_432, %broadcast_in_dim3A_329 : vector<16xi32>
      %select_n3A = arith.select %or3A, %broadcast_in_dim3A_7, %sub3A : vector<16xi1>, vector<16xi32>
      %swap3A = arith.index_cast %scan3A_429 : i32 to index
      %swap3A_433 = arith.constant 0 : index
      %swap3A_434 = tpu.vector_load %arg9[%swap3A, %swap3A_433] {strides = array<i32>} : memref<125x80xi32, #tpu.memory_space<vmem>>, vector<1x16xi32>,
      %swap3A_435 = vector.shape_cast %swap3A_434 : vector<1x16xi32> to vector<16xi32>
      %swap3A_436 = vector.shape_cast %select_n3A : vector<16xi32> to vector<1x16xi32>
      tpu.vector_store %arg9[%swap3A, %swap3A_433], %swap3A_436 {strides = array<i32>} : memref<125x80xi32, #tpu.memory_space<vmem>>, vector<1x16xi32>,
      %get3A_437 = arith.index_cast %scan3A_429 : i32 to index
      %get3A_438 = arith.constant 16 : index
      %get3A_439 = tpu.vector_load %arg7[%get3A_437, %get3A_438] {strides = array<i32>} : memref<125x80xi32, #tpu.memory_space<vmem>>, vector<1x16xi32>,
      %get3A_440 = vector.shape_cast %get3A_439 : vector<1x16xi32> to vector<16xi32>
      %lt3A_441 = arith.cmpi slt, %get3A_440, %broadcast_in_dim3A_329 : vector<16xi32>
      %ge3A_442 = arith.cmpi sge, %get3A_440, %broadcast_in_dim3A_331 : vector<16xi32>
      %or3A_443 = arith.ori %lt3A_441, %ge3A_442 : vector<16xi1>
      %sub3A_444 = arith.subi %get3A_440, %broadcast_in_dim3A_329 : vector<16xi32>
      %select_n3A_445 = arith.select %or3A_443, %broadcast_in_dim3A_7, %sub3A_444 : vector<16xi1>, vector<16xi32>
      %swap3A_446 = arith.index_cast %scan3A_429 : i32 to index
      %swap3A_447 = arith.constant 16 : index
      %swap3A_448 = tpu.vector_load %arg9[%swap3A_446, %swap3A_447] {strides = array<i32>} : memref<125x80xi32, #tpu.memory_space<vmem>>, vector<1x16xi32>,
      %swap3A_449 = vector.shape_cast %swap3A_448 : vector<1x16xi32> to vector<16xi32>
      %swap3A_450 = vector.shape_cast %select_n3A_445 : vector<16xi32> to vector<1x16xi32>
      tpu.vector_store %arg9[%swap3A_446, %swap3A_447], %swap3A_450 {strides = array<i32>} : memref<125x80xi32, #tpu.memory_space<vmem>>, vector<1x16xi32>,
      %get3A_451 = arith.index_cast %scan3A_429 : i32 to index
      %get3A_452 = arith.constant 32 : index
      %get3A_453 = tpu.vector_load %arg7[%get3A_451, %get3A_452] {strides = array<i32>} : memref<125x80xi32, #tpu.memory_space<vmem>>, vector<1x16xi32>,
      %get3A_454 = vector.shape_cast %get3A_453 : vector<1x16xi32> to vector<16xi32>
      %lt3A_455 = arith.cmpi slt, %get3A_454, %broadcast_in_dim3A_329 : vector<16xi32>
      %ge3A_456 = arith.cmpi sge, %get3A_454, %broadcast_in_dim3A_331 : vector<16xi32>
      %or3A_457 = arith.ori %lt3A_455, %ge3A_456 : vector<16xi1>
      %sub3A_458 = arith.subi %get3A_454, %broadcast_in_dim3A_329 : vector<16xi32>
      %select_n3A_459 = arith.select %or3A_457, %broadcast_in_dim3A_7, %sub3A_458 : vector<16xi1>, vector<16xi32>
      %swap3A_460 = arith.index_cast %scan3A_429 : i32 to index
      %swap3A_461 = arith.constant 32 : index
      %swap3A_462 = tpu.vector_load %arg9[%swap3A_460, %swap3A_461] {strides = array<i32>} : memref<125x80xi32, #tpu.memory_space<vmem>>, vector<1x16xi32>,
      %swap3A_463 = vector.shape_cast %swap3A_462 : vector<1x16xi32> to vector<16xi32>
      %swap3A_464 = vector.shape_cast %select_n3A_459 : vector<16xi32> to vector<1x16xi32>
      tpu.vector_store %arg9[%swap3A_460, %swap3A_461], %swap3A_464 {strides = array<i32>} : memref<125x80xi32, #tpu.memory_space<vmem>>, vector<1x16xi32>,
      %get3A_465 = arith.index_cast %scan3A_429 : i32 to index
      %get3A_466 = arith.constant 48 : index
      %get3A_467 = tpu.vector_load %arg7[%get3A_465, %get3A_466] {strides = array<i32>} : memref<125x80xi32, #tpu.memory_space<vmem>>, vector<1x16xi32>,
      %get3A_468 = vector.shape_cast %get3A_467 : vector<1x16xi32> to vector<16xi32>
      %lt3A_469 = arith.cmpi slt, %get3A_468, %broadcast_in_dim3A_329 : vector<16xi32>
      %ge3A_470 = arith.cmpi sge, %get3A_468, %broadcast_in_dim3A_331 : vector<16xi32>
      %or3A_471 = arith.ori %lt3A_469, %ge3A_470 : vector<16xi1>
      %sub3A_472 = arith.subi %get3A_468, %broadcast_in_dim3A_329 : vector<16xi32>
      %select_n3A_473 = arith.select %or3A_471, %broadcast_in_dim3A_7, %sub3A_472 : vector<16xi1>, vector<16xi32>
      %swap3A_474 = arith.index_cast %scan3A_429 : i32 to index
      %swap3A_475 = arith.constant 48 : index
      %swap3A_476 = tpu.vector_load %arg9[%swap3A_474, %swap3A_475] {strides = array<i32>} : memref<125x80xi32, #tpu.memory_space<vmem>>, vector<1x16xi32>,
      %swap3A_477 = vector.shape_cast %swap3A_476 : vector<1x16xi32> to vector<16xi32>
      %swap3A_478 = vector.shape_cast %select_n3A_473 : vector<16xi32> to vector<1x16xi32>
      tpu.vector_store %arg9[%swap3A_474, %swap3A_475], %swap3A_478 {strides = array<i32>} : memref<125x80xi32, #tpu.memory_space<vmem>>, vector<1x16xi32>,
      %get3A_479 = arith.index_cast %scan3A_429 : i32 to index
      %get3A_480 = arith.constant 64 : index
      %get3A_481 = tpu.vector_load %arg7[%get3A_479, %get3A_480] {strides = array<i32>} : memref<125x80xi32, #tpu.memory_space<vmem>>, vector<1x16xi32>,
      %get3A_482 = vector.shape_cast %get3A_481 : vector<1x16xi32> to vector<16xi32>
      %lt3A_483 = arith.cmpi slt, %get3A_482, %broadcast_in_dim3A_329 : vector<16xi32>
      %ge3A_484 = arith.cmpi sge, %get3A_482, %broadcast_in_dim3A_331 : vector<16xi32>
      %or3A_485 = arith.ori %lt3A_483, %ge3A_484 : vector<16xi1>
      %sub3A_486 = arith.subi %get3A_482, %broadcast_in_dim3A_329 : vector<16xi32>
      %select_n3A_487 = arith.select %or3A_485, %broadcast_in_dim3A_7, %sub3A_486 : vector<16xi1>, vector<16xi32>
      %swap3A_488 = arith.index_cast %scan3A_429 : i32 to index
      %swap3A_489 = arith.constant 64 : index
      %swap3A_490 = tpu.vector_load %arg9[%swap3A_488, %swap3A_489] {strides = array<i32>} : memref<125x80xi32, #tpu.memory_space<vmem>>, vector<1x16xi32>,
      %swap3A_491 = vector.shape_cast %swap3A_490 : vector<1x16xi32> to vector<16xi32>
      %swap3A_492 = vector.shape_cast %select_n3A_487 : vector<16xi32> to vector<1x16xi32>
      tpu.vector_store %arg9[%swap3A_488, %swap3A_489], %swap3A_492 {strides = array<i32>} : memref<125x80xi32, #tpu.memory_space<vmem>>, vector<1x16xi32>,
    }
    %scan3A_337 = arith.constant 125 : i32
    %mul3A_338 = arith.constant 208 : i32
    %mul3A_339 = arith.muli %arg1, %mul3A_338 : i32
    "tpu.region"() ({
      %run_scoped3A_429 = tpu.sem_alloc : memref<!tpu.dma_semaphore, #tpu.memory_space<semaphore_mem>>
      %dma_start3A = arith.constant 0 : i32
      %dma_start3A_430 = tpu.memref_slice %arg12[%mul3A_339, %dma_start3A] : memref<3344x128xf32, #tpu.memory_space<vmem_shared>> -> memref<208x128xf32, #tpu.memory_space<vmem_shared>>
      %dma_start3A_431 = arith.constant 0 : i32
      %dma_start3A_432 = tpu.memref_slice %arg12[%mul3A_339, %dma_start3A_431] : memref<3344x128xf32, #tpu.memory_space<vmem_shared>> -> memref<208x128xf32, #tpu.memory_space<vmem_shared>>
      tpu.enqueue_dma source(%arg11 : memref<208x128xf32, #tpu.memory_space<vmem>>) target(%dma_start3A_432 : memref<208x128xf32, #tpu.memory_space<vmem_shared>>) target_semaphore(%run_scoped3A_429 : memref<!tpu.dma_semaphore, #tpu.memory_space<semaphore_mem>>)
      %dma_wait3A = arith.constant 0 : i32
      %dma_wait3A_433 = tpu.memref_slice %arg12[%mul3A_339, %dma_wait3A] : memref<3344x128xf32, #tpu.memory_space<vmem_shared>> -> memref<208x128xf32, #tpu.memory_space<vmem_shared>>
      %dma_wait3A_434 = arith.constant 0 : i32
      %dma_wait3A_435 = tpu.memref_slice %arg12[%mul3A_339, %dma_wait3A_434] : memref<3344x128xf32, #tpu.memory_space<vmem_shared>> -> memref<208x128xf32, #tpu.memory_space<vmem_shared>>
      tpu.wait_dma2 semaphore(%run_scoped3A_429 : memref<!tpu.dma_semaphore, #tpu.memory_space<semaphore_mem>>) src(%arg11 : memref<208x128xf32, #tpu.memory_space<vmem>>) dst(%dma_wait3A_435 : memref<208x128xf32, #tpu.memory_space<vmem_shared>>)
      tpu.yield
    }) : () -> ()
    %eq3A_340 = arith.constant 15 : i32
    %eq3A_341 = arith.cmpi eq, %arg1, %eq3A_340 : i32
    %convert_element_type3A_342 = arith.extui %eq3A_341 : i1 to i32
    %cond3A_343 = arith.constant 0 : i32
    %cond3A_344 = arith.cmpi ne, %convert_element_type3A_342, %cond3A_343 : i32
    scf.if %cond3A_344 {
      "tpu.region"() ({
        %run_scoped3A_429 = tpu.sem_alloc : memref<!tpu.dma_semaphore, #tpu.memory_space<semaphore_mem>>
        %dma_start3A = arith.constant 0 : i32
        %dma_start3A_430 = arith.constant 0 : i32
        %dma_start3A_431 = tpu.memref_slice %arg11[%dma_start3A, %dma_start3A_430] : memref<208x128xf32, #tpu.memory_space<vmem>> -> memref<8x128xf32, #tpu.memory_space<vmem>>
        %dma_start3A_432 = arith.constant 3328 : i32
        %dma_start3A_433 = arith.constant 0 : i32
        %dma_start3A_434 = tpu.memref_slice %arg12[%dma_start3A_432, %dma_start3A_433] : memref<3344x128xf32, #tpu.memory_space<vmem_shared>> -> memref<8x128xf32, #tpu.memory_space<vmem_shared>>
        %dma_start3A_435 = arith.constant 3328 : i32
        %dma_start3A_436 = arith.constant 0 : i32
        %dma_start3A_437 = tpu.memref_slice %arg12[%dma_start3A_435, %dma_start3A_436] : memref<3344x128xf32, #tpu.memory_space<vmem_shared>> -> memref<8x128xf32, #tpu.memory_space<vmem_shared>>
        %dma_start3A_438 = arith.constant 0 : i32
        %dma_start3A_439 = arith.constant 0 : i32
        %dma_start3A_440 = tpu.memref_slice %arg11[%dma_start3A_438, %dma_start3A_439] : memref<208x128xf32, #tpu.memory_space<vmem>> -> memref<8x128xf32, #tpu.memory_space<vmem>>
        tpu.enqueue_dma source(%dma_start3A_440 : memref<8x128xf32, #tpu.memory_space<vmem>>) target(%dma_start3A_437 : memref<8x128xf32, #tpu.memory_space<vmem_shared>>) target_semaphore(%run_scoped3A_429 : memref<!tpu.dma_semaphore, #tpu.memory_space<semaphore_mem>>)
        %dma_wait3A = arith.constant 0 : i32
        %dma_wait3A_441 = arith.constant 0 : i32
        %dma_wait3A_442 = tpu.memref_slice %arg11[%dma_wait3A, %dma_wait3A_441] : memref<208x128xf32, #tpu.memory_space<vmem>> -> memref<8x128xf32, #tpu.memory_space<vmem>>
        %dma_wait3A_443 = arith.constant 3328 : i32
        %dma_wait3A_444 = arith.constant 0 : i32
        %dma_wait3A_445 = tpu.memref_slice %arg12[%dma_wait3A_443, %dma_wait3A_444] : memref<3344x128xf32, #tpu.memory_space<vmem_shared>> -> memref<8x128xf32, #tpu.memory_space<vmem_shared>>
        %dma_wait3A_446 = arith.constant 3328 : i32
        %dma_wait3A_447 = arith.constant 0 : i32
        %dma_wait3A_448 = tpu.memref_slice %arg12[%dma_wait3A_446, %dma_wait3A_447] : memref<3344x128xf32, #tpu.memory_space<vmem_shared>> -> memref<8x128xf32, #tpu.memory_space<vmem_shared>>
        %dma_wait3A_449 = arith.constant 0 : i32
        %dma_wait3A_450 = arith.constant 0 : i32
        %dma_wait3A_451 = tpu.memref_slice %arg11[%dma_wait3A_449, %dma_wait3A_450] : memref<208x128xf32, #tpu.memory_space<vmem>> -> memref<8x128xf32, #tpu.memory_space<vmem>>
        tpu.wait_dma2 semaphore(%run_scoped3A_429 : memref<!tpu.dma_semaphore, #tpu.memory_space<semaphore_mem>>) src(%dma_wait3A_451 : memref<8x128xf32, #tpu.memory_space<vmem>>) dst(%dma_wait3A_448 : memref<8x128xf32, #tpu.memory_space<vmem_shared>>)
        tpu.yield
      }) : () -> ()
    } else {
    }
    %barrier3A_345 = arith.constant 0 : index
    tpu.barrier barrier_id(%barrier3A_345)
    %scan3A_346 = arith.constant 0 : i32
    %scan3A_347 = arith.constant 0 : i32
    %scan3A_348 = arith.constant 125 : i32
    %scan3A_349 = arith.addi %scan3A_347, %scan3A_348 : i32
    %scan3A_350 = arith.constant 1 : i32
    scf.for %scan3A_429 = %scan3A_347 to %scan3A_349 step %scan3A_350  : i32 {
      %dma_start3A = arith.constant 0 : i32
      %dma_start3A_430 = tpu.memref_slice %arg8[%scan3A_429, %dma_start3A] : memref<125x80xi32, #tpu.memory_space<vmem>> -> memref<1x80xi32, #tpu.memory_space<vmem>>
      %dma_start3A_431 = tpu.memref_squeeze %dma_start3A_430 : memref<1x80xi32, #tpu.memory_space<vmem>> -> memref<80xi32, #tpu.memory_space<vmem>>
      %dma_start3A_432 = arith.constant 0 : i32
      %dma_start3A_433 = arith.constant 0 : i32
      %dma_start3A_434 = tpu.memref_slice %arg2[%dma_start3A_432, %dma_start3A_433] : memref<40000x128xf32, #tpu.memory_space<hbm>> -> memref<40000x128xf32, #tpu.memory_space<hbm>>
      tpu.enqueue_indirect_dma source(%dma_start3A_434 : memref<40000x128xf32, #tpu.memory_space<hbm>>) target(%arg10 : memref<80x128xf32, #tpu.memory_space<vmem>>) offsets(%dma_start3A_431 : memref<80xi32, #tpu.memory_space<vmem>>) semaphore(%arg13 : memref<!tpu.dma_semaphore, #tpu.memory_space<semaphore_mem>>)
      %dma_wait3A = arith.constant 0 : i32
      %dma_wait3A_435 = tpu.memref_slice %arg8[%scan3A_429, %dma_wait3A] : memref<125x80xi32, #tpu.memory_space<vmem>> -> memref<1x80xi32, #tpu.memory_space<vmem>>
      %dma_wait3A_436 = tpu.memref_squeeze %dma_wait3A_435 : memref<1x80xi32, #tpu.memory_space<vmem>> -> memref<80xi32, #tpu.memory_space<vmem>>
      %dma_wait3A_437 = arith.constant 0 : i32
      %dma_wait3A_438 = arith.constant 0 : i32
      %dma_wait3A_439 = tpu.memref_slice %arg2[%dma_wait3A_437, %dma_wait3A_438] : memref<40000x128xf32, #tpu.memory_space<hbm>> -> memref<40000x128xf32, #tpu.memory_space<hbm>>
      tpu.wait_indirect_dma semaphore(%arg13 : memref<!tpu.dma_semaphore, #tpu.memory_space<semaphore_mem>>) src(%dma_wait3A_439 : memref<40000x128xf32, #tpu.memory_space<hbm>>) dst(%arg10 : memref<80x128xf32, #tpu.memory_space<vmem>>)
      "tpu.region"() ({
        %run_scoped3A_440 = tpu.sem_alloc : memref<!tpu.dma_semaphore, #tpu.memory_space<semaphore_mem>>
        %dma_start3A_441 = arith.constant 0 : i32
        %dma_start3A_442 = tpu.memref_slice %arg9[%scan3A_429, %dma_start3A_441] : memref<125x80xi32, #tpu.memory_space<vmem>> -> memref<1x80xi32, #tpu.memory_space<vmem>>
        %dma_start3A_443 = tpu.memref_squeeze %dma_start3A_442 : memref<1x80xi32, #tpu.memory_space<vmem>> -> memref<80xi32, #tpu.memory_space<vmem>>
        %dma_start3A_444 = arith.constant 0 : i32
        %dma_start3A_445 = arith.constant 0 : i32
        %dma_start3A_446 = tpu.memref_slice %arg12[%dma_start3A_444, %dma_start3A_445] : memref<3344x128xf32, #tpu.memory_space<vmem_shared>> -> memref<3344x128xf32, #tpu.memory_space<vmem_shared>>
        tpu.enqueue_indirect_dma source(%arg10 : memref<80x128xf32, #tpu.memory_space<vmem>>) target(%dma_start3A_446 : memref<3344x128xf32, #tpu.memory_space<vmem_shared>>) offsets(%dma_start3A_443 : memref<80xi32, #tpu.memory_space<vmem>>) semaphore(%run_scoped3A_440 : memref<!tpu.dma_semaphore, #tpu.memory_space<semaphore_mem>>) {add = true}
        %dma_wait3A_447 = arith.constant 0 : i32
        %dma_wait3A_448 = tpu.memref_slice %arg9[%scan3A_429, %dma_wait3A_447] : memref<125x80xi32, #tpu.memory_space<vmem>> -> memref<1x80xi32, #tpu.memory_space<vmem>>
        %dma_wait3A_449 = tpu.memref_squeeze %dma_wait3A_448 : memref<1x80xi32, #tpu.memory_space<vmem>> -> memref<80xi32, #tpu.memory_space<vmem>>
        %dma_wait3A_450 = arith.constant 0 : i32
        %dma_wait3A_451 = arith.constant 0 : i32
        %dma_wait3A_452 = tpu.memref_slice %arg12[%dma_wait3A_450, %dma_wait3A_451] : memref<3344x128xf32, #tpu.memory_space<vmem_shared>> -> memref<3344x128xf32, #tpu.memory_space<vmem_shared>>
        tpu.wait_indirect_dma semaphore(%run_scoped3A_440 : memref<!tpu.dma_semaphore, #tpu.memory_space<semaphore_mem>>) src(%arg10 : memref<80x128xf32, #tpu.memory_space<vmem>>) dst(%dma_wait3A_452 : memref<3344x128xf32, #tpu.memory_space<vmem_shared>>)
        tpu.yield
      }) : () -> ()
    }
    %scan3A_351 = arith.constant 125 : i32
    %barrier3A_352 = arith.constant 0 : index
    tpu.barrier barrier_id(%barrier3A_352)
    %mul3A_353 = arith.constant 208 : i32
    %mul3A_354 = arith.muli %arg1, %mul3A_353 : i32
    %mul3A_355 = arith.constant 208 : i32
    %mul3A_356 = arith.muli %arg1, %mul3A_355 : i32
    %add3A_357 = arith.constant 0 : i32
    %add3A_358 = arith.addi %add3A_357, %mul3A_356 : i32
    %run_scoped3A_359 = arith.constant 3 : i32
    "tpu.region"() ({
      %run_scoped3A_429 = tpu.sem_alloc : memref<!tpu.dma_semaphore, #tpu.memory_space<semaphore_mem>>
      %dma_start3A = arith.constant 0 : i32
      %dma_start3A_430 = arith.constant 0 : i32
      %dma_start3A_431 = tpu.memref_slice %arg5[%run_scoped3A_359, %dma_start3A, %dma_start3A_430] : memref<4x10000x128xf32, #tpu.memory_space<hbm>> -> memref<1x10000x128xf32, #tpu.memory_space<hbm>>
      %dma_start3A_432 = tpu.memref_squeeze %dma_start3A_431 : memref<1x10000x128xf32, #tpu.memory_space<hbm>> -> memref<10000x128xf32, #tpu.memory_space<hbm>>
      %dma_start3A_433 = arith.constant 0 : i32
      %dma_start3A_434 = tpu.memref_slice %dma_start3A_432[%add3A_358, %dma_start3A_433] : memref<10000x128xf32, #tpu.memory_space<hbm>> -> memref<208x128xf32, #tpu.memory_space<hbm>>
      %dma_start3A_435 = arith.constant 0 : i32
      %dma_start3A_436 = tpu.memref_slice %arg12[%mul3A_354, %dma_start3A_435] : memref<3344x128xf32, #tpu.memory_space<vmem_shared>> -> memref<208x128xf32, #tpu.memory_space<vmem_shared>>
      tpu.enqueue_dma source(%dma_start3A_436 : memref<208x128xf32, #tpu.memory_space<vmem_shared>>) target(%dma_start3A_434 : memref<208x128xf32, #tpu.memory_space<hbm>>) target_semaphore(%run_scoped3A_429 : memref<!tpu.dma_semaphore, #tpu.memory_space<semaphore_mem>>)
      %dma_wait3A = arith.constant 0 : i32
      %dma_wait3A_437 = arith.constant 0 : i32
      %dma_wait3A_438 = tpu.memref_slice %arg5[%run_scoped3A_359, %dma_wait3A, %dma_wait3A_437] : memref<4x10000x128xf32, #tpu.memory_space<hbm>> -> memref<1x10000x128xf32, #tpu.memory_space<hbm>>
      %dma_wait3A_439 = tpu.memref_squeeze %dma_wait3A_438 : memref<1x10000x128xf32, #tpu.memory_space<hbm>> -> memref<10000x128xf32, #tpu.memory_space<hbm>>
      %dma_wait3A_440 = arith.constant 0 : i32
      %dma_wait3A_441 = tpu.memref_slice %dma_wait3A_439[%add3A_358, %dma_wait3A_440] : memref<10000x128xf32, #tpu.memory_space<hbm>> -> memref<208x128xf32, #tpu.memory_space<hbm>>
      %dma_wait3A_442 = arith.constant 0 : i32
      %dma_wait3A_443 = tpu.memref_slice %arg12[%mul3A_354, %dma_wait3A_442] : memref<3344x128xf32, #tpu.memory_space<vmem_shared>> -> memref<208x128xf32, #tpu.memory_space<vmem_shared>>
      tpu.wait_dma2 semaphore(%run_scoped3A_429 : memref<!tpu.dma_semaphore, #tpu.memory_space<semaphore_mem>>) src(%dma_wait3A_443 : memref<208x128xf32, #tpu.memory_space<vmem_shared>>) dst(%dma_wait3A_441 : memref<208x128xf32, #tpu.memory_space<hbm>>)
      tpu.yield
    }) : () -> ()
    %eq3A_360 = arith.constant 15 : i32
    %eq3A_361 = arith.cmpi eq, %arg1, %eq3A_360 : i32
    %convert_element_type3A_362 = arith.extui %eq3A_361 : i1 to i32
    %cond3A_363 = arith.constant 0 : i32
    %cond3A_364 = arith.cmpi ne, %convert_element_type3A_362, %cond3A_363 : i32
    scf.if %cond3A_364 {
      %run_scoped3A_429 = arith.constant 3 : i32
      "tpu.region"() ({
        %run_scoped3A_430 = tpu.sem_alloc : memref<!tpu.dma_semaphore, #tpu.memory_space<semaphore_mem>>
        %dma_start3A = arith.constant 0 : i32
        %dma_start3A_431 = arith.constant 0 : i32
        %dma_start3A_432 = tpu.memref_slice %arg5[%run_scoped3A_429, %dma_start3A, %dma_start3A_431] : memref<4x10000x128xf32, #tpu.memory_space<hbm>> -> memref<1x10000x128xf32, #tpu.memory_space<hbm>>
        %dma_start3A_433 = tpu.memref_squeeze %dma_start3A_432 : memref<1x10000x128xf32, #tpu.memory_space<hbm>> -> memref<10000x128xf32, #tpu.memory_space<hbm>>
        %dma_start3A_434 = arith.constant 3328 : i32
        %dma_start3A_435 = arith.constant 0 : i32
        %dma_start3A_436 = tpu.memref_slice %dma_start3A_433[%dma_start3A_434, %dma_start3A_435] : memref<10000x128xf32, #tpu.memory_space<hbm>> -> memref<8x128xf32, #tpu.memory_space<hbm>>
        %dma_start3A_437 = arith.constant 3328 : i32
        %dma_start3A_438 = arith.constant 0 : i32
        %dma_start3A_439 = tpu.memref_slice %arg12[%dma_start3A_437, %dma_start3A_438] : memref<3344x128xf32, #tpu.memory_space<vmem_shared>> -> memref<8x128xf32, #tpu.memory_space<vmem_shared>>
        tpu.enqueue_dma source(%dma_start3A_439 : memref<8x128xf32, #tpu.memory_space<vmem_shared>>) target(%dma_start3A_436 : memref<8x128xf32, #tpu.memory_space<hbm>>) target_semaphore(%run_scoped3A_430 : memref<!tpu.dma_semaphore, #tpu.memory_space<semaphore_mem>>)
        %dma_wait3A = arith.constant 0 : i32
        %dma_wait3A_440 = arith.constant 0 : i32
        %dma_wait3A_441 = tpu.memref_slice %arg5[%run_scoped3A_429, %dma_wait3A, %dma_wait3A_440] : memref<4x10000x128xf32, #tpu.memory_space<hbm>> -> memref<1x10000x128xf32, #tpu.memory_space<hbm>>
        %dma_wait3A_442 = tpu.memref_squeeze %dma_wait3A_441 : memref<1x10000x128xf32, #tpu.memory_space<hbm>> -> memref<10000x128xf32, #tpu.memory_space<hbm>>
        %dma_wait3A_443 = arith.constant 3328 : i32
        %dma_wait3A_444 = arith.constant 0 : i32
        %dma_wait3A_445 = tpu.memref_slice %dma_wait3A_442[%dma_wait3A_443, %dma_wait3A_444] : memref<10000x128xf32, #tpu.memory_space<hbm>> -> memref<8x128xf32, #tpu.memory_space<hbm>>
        %dma_wait3A_446 = arith.constant 3328 : i32
        %dma_wait3A_447 = arith.constant 0 : i32
        %dma_wait3A_448 = tpu.memref_slice %arg12[%dma_wait3A_446, %dma_wait3A_447] : memref<3344x128xf32, #tpu.memory_space<vmem_shared>> -> memref<8x128xf32, #tpu.memory_space<vmem_shared>>
        tpu.wait_dma2 semaphore(%run_scoped3A_430 : memref<!tpu.dma_semaphore, #tpu.memory_space<semaphore_mem>>) src(%dma_wait3A_448 : memref<8x128xf32, #tpu.memory_space<vmem_shared>>) dst(%dma_wait3A_445 : memref<8x128xf32, #tpu.memory_space<hbm>>)
        tpu.yield
      }) : () -> ()
    } else {
    }
    %broadcast_in_dim3A_365 = arith.constant 3336 : i32
    %broadcast_in_dim3A_366 = vector.broadcast %broadcast_in_dim3A_365 : i32 to vector<16xi32>
    %broadcast_in_dim3A_367 = arith.constant 6672 : i32
    %broadcast_in_dim3A_368 = vector.broadcast %broadcast_in_dim3A_367 : i32 to vector<16xi32>
    %scan3A_369 = arith.constant 0 : i32
    %scan3A_370 = arith.constant 0 : i32
    %scan3A_371 = arith.constant 125 : i32
    %scan3A_372 = arith.addi %scan3A_370, %scan3A_371 : i32
    %scan3A_373 = arith.constant 1 : i32
    scf.for %scan3A_429 = %scan3A_370 to %scan3A_372 step %scan3A_373  : i32 {
      %get3A = arith.index_cast %scan3A_429 : i32 to index
      %get3A_430 = arith.constant 0 : index
      %get3A_431 = tpu.vector_load %arg7[%get3A, %get3A_430] {strides = array<i32>} : memref<125x80xi32, #tpu.memory_space<vmem>>, vector<1x16xi32>,
      %get3A_432 = vector.shape_cast %get3A_431 : vector<1x16xi32> to vector<16xi32>
      %lt3A = arith.cmpi slt, %get3A_432, %broadcast_in_dim3A_366 : vector<16xi32>
      %ge3A = arith.cmpi sge, %get3A_432, %broadcast_in_dim3A_368 : vector<16xi32>
      %or3A = arith.ori %lt3A, %ge3A : vector<16xi1>
      %sub3A = arith.subi %get3A_432, %broadcast_in_dim3A_366 : vector<16xi32>
      %select_n3A = arith.select %or3A, %broadcast_in_dim3A_7, %sub3A : vector<16xi1>, vector<16xi32>
      %swap3A = arith.index_cast %scan3A_429 : i32 to index
      %swap3A_433 = arith.constant 0 : index
      %swap3A_434 = tpu.vector_load %arg9[%swap3A, %swap3A_433] {strides = array<i32>} : memref<125x80xi32, #tpu.memory_space<vmem>>, vector<1x16xi32>,
      %swap3A_435 = vector.shape_cast %swap3A_434 : vector<1x16xi32> to vector<16xi32>
      %swap3A_436 = vector.shape_cast %select_n3A : vector<16xi32> to vector<1x16xi32>
      tpu.vector_store %arg9[%swap3A, %swap3A_433], %swap3A_436 {strides = array<i32>} : memref<125x80xi32, #tpu.memory_space<vmem>>, vector<1x16xi32>,
      %get3A_437 = arith.index_cast %scan3A_429 : i32 to index
      %get3A_438 = arith.constant 16 : index
      %get3A_439 = tpu.vector_load %arg7[%get3A_437, %get3A_438] {strides = array<i32>} : memref<125x80xi32, #tpu.memory_space<vmem>>, vector<1x16xi32>,
      %get3A_440 = vector.shape_cast %get3A_439 : vector<1x16xi32> to vector<16xi32>
      %lt3A_441 = arith.cmpi slt, %get3A_440, %broadcast_in_dim3A_366 : vector<16xi32>
      %ge3A_442 = arith.cmpi sge, %get3A_440, %broadcast_in_dim3A_368 : vector<16xi32>
      %or3A_443 = arith.ori %lt3A_441, %ge3A_442 : vector<16xi1>
      %sub3A_444 = arith.subi %get3A_440, %broadcast_in_dim3A_366 : vector<16xi32>
      %select_n3A_445 = arith.select %or3A_443, %broadcast_in_dim3A_7, %sub3A_444 : vector<16xi1>, vector<16xi32>
      %swap3A_446 = arith.index_cast %scan3A_429 : i32 to index
      %swap3A_447 = arith.constant 16 : index
      %swap3A_448 = tpu.vector_load %arg9[%swap3A_446, %swap3A_447] {strides = array<i32>} : memref<125x80xi32, #tpu.memory_space<vmem>>, vector<1x16xi32>,
      %swap3A_449 = vector.shape_cast %swap3A_448 : vector<1x16xi32> to vector<16xi32>
      %swap3A_450 = vector.shape_cast %select_n3A_445 : vector<16xi32> to vector<1x16xi32>
      tpu.vector_store %arg9[%swap3A_446, %swap3A_447], %swap3A_450 {strides = array<i32>} : memref<125x80xi32, #tpu.memory_space<vmem>>, vector<1x16xi32>,
      %get3A_451 = arith.index_cast %scan3A_429 : i32 to index
      %get3A_452 = arith.constant 32 : index
      %get3A_453 = tpu.vector_load %arg7[%get3A_451, %get3A_452] {strides = array<i32>} : memref<125x80xi32, #tpu.memory_space<vmem>>, vector<1x16xi32>,
      %get3A_454 = vector.shape_cast %get3A_453 : vector<1x16xi32> to vector<16xi32>
      %lt3A_455 = arith.cmpi slt, %get3A_454, %broadcast_in_dim3A_366 : vector<16xi32>
      %ge3A_456 = arith.cmpi sge, %get3A_454, %broadcast_in_dim3A_368 : vector<16xi32>
      %or3A_457 = arith.ori %lt3A_455, %ge3A_456 : vector<16xi1>
      %sub3A_458 = arith.subi %get3A_454, %broadcast_in_dim3A_366 : vector<16xi32>
      %select_n3A_459 = arith.select %or3A_457, %broadcast_in_dim3A_7, %sub3A_458 : vector<16xi1>, vector<16xi32>
      %swap3A_460 = arith.index_cast %scan3A_429 : i32 to index
      %swap3A_461 = arith.constant 32 : index
      %swap3A_462 = tpu.vector_load %arg9[%swap3A_460, %swap3A_461] {strides = array<i32>} : memref<125x80xi32, #tpu.memory_space<vmem>>, vector<1x16xi32>,
      %swap3A_463 = vector.shape_cast %swap3A_462 : vector<1x16xi32> to vector<16xi32>
      %swap3A_464 = vector.shape_cast %select_n3A_459 : vector<16xi32> to vector<1x16xi32>
      tpu.vector_store %arg9[%swap3A_460, %swap3A_461], %swap3A_464 {strides = array<i32>} : memref<125x80xi32, #tpu.memory_space<vmem>>, vector<1x16xi32>,
      %get3A_465 = arith.index_cast %scan3A_429 : i32 to index
      %get3A_466 = arith.constant 48 : index
      %get3A_467 = tpu.vector_load %arg7[%get3A_465, %get3A_466] {strides = array<i32>} : memref<125x80xi32, #tpu.memory_space<vmem>>, vector<1x16xi32>,
      %get3A_468 = vector.shape_cast %get3A_467 : vector<1x16xi32> to vector<16xi32>
      %lt3A_469 = arith.cmpi slt, %get3A_468, %broadcast_in_dim3A_366 : vector<16xi32>
      %ge3A_470 = arith.cmpi sge, %get3A_468, %broadcast_in_dim3A_368 : vector<16xi32>
      %or3A_471 = arith.ori %lt3A_469, %ge3A_470 : vector<16xi1>
      %sub3A_472 = arith.subi %get3A_468, %broadcast_in_dim3A_366 : vector<16xi32>
      %select_n3A_473 = arith.select %or3A_471, %broadcast_in_dim3A_7, %sub3A_472 : vector<16xi1>, vector<16xi32>
      %swap3A_474 = arith.index_cast %scan3A_429 : i32 to index
      %swap3A_475 = arith.constant 48 : index
      %swap3A_476 = tpu.vector_load %arg9[%swap3A_474, %swap3A_475] {strides = array<i32>} : memref<125x80xi32, #tpu.memory_space<vmem>>, vector<1x16xi32>,
      %swap3A_477 = vector.shape_cast %swap3A_476 : vector<1x16xi32> to vector<16xi32>
      %swap3A_478 = vector.shape_cast %select_n3A_473 : vector<16xi32> to vector<1x16xi32>
      tpu.vector_store %arg9[%swap3A_474, %swap3A_475], %swap3A_478 {strides = array<i32>} : memref<125x80xi32, #tpu.memory_space<vmem>>, vector<1x16xi32>,
      %get3A_479 = arith.index_cast %scan3A_429 : i32 to index
      %get3A_480 = arith.constant 64 : index
      %get3A_481 = tpu.vector_load %arg7[%get3A_479, %get3A_480] {strides = array<i32>} : memref<125x80xi32, #tpu.memory_space<vmem>>, vector<1x16xi32>,
      %get3A_482 = vector.shape_cast %get3A_481 : vector<1x16xi32> to vector<16xi32>
      %lt3A_483 = arith.cmpi slt, %get3A_482, %broadcast_in_dim3A_366 : vector<16xi32>
      %ge3A_484 = arith.cmpi sge, %get3A_482, %broadcast_in_dim3A_368 : vector<16xi32>
      %or3A_485 = arith.ori %lt3A_483, %ge3A_484 : vector<16xi1>
      %sub3A_486 = arith.subi %get3A_482, %broadcast_in_dim3A_366 : vector<16xi32>
      %select_n3A_487 = arith.select %or3A_485, %broadcast_in_dim3A_7, %sub3A_486 : vector<16xi1>, vector<16xi32>
      %swap3A_488 = arith.index_cast %scan3A_429 : i32 to index
      %swap3A_489 = arith.constant 64 : index
      %swap3A_490 = tpu.vector_load %arg9[%swap3A_488, %swap3A_489] {strides = array<i32>} : memref<125x80xi32, #tpu.memory_space<vmem>>, vector<1x16xi32>,
      %swap3A_491 = vector.shape_cast %swap3A_490 : vector<1x16xi32> to vector<16xi32>
      %swap3A_492 = vector.shape_cast %select_n3A_487 : vector<16xi32> to vector<1x16xi32>
      tpu.vector_store %arg9[%swap3A_488, %swap3A_489], %swap3A_492 {strides = array<i32>} : memref<125x80xi32, #tpu.memory_space<vmem>>, vector<1x16xi32>,
    }
    %scan3A_374 = arith.constant 125 : i32
    %mul3A_375 = arith.constant 208 : i32
    %mul3A_376 = arith.muli %arg1, %mul3A_375 : i32
    "tpu.region"() ({
      %run_scoped3A_429 = tpu.sem_alloc : memref<!tpu.dma_semaphore, #tpu.memory_space<semaphore_mem>>
      %dma_start3A = arith.constant 0 : i32
      %dma_start3A_430 = tpu.memref_slice %arg12[%mul3A_376, %dma_start3A] : memref<3344x128xf32, #tpu.memory_space<vmem_shared>> -> memref<208x128xf32, #tpu.memory_space<vmem_shared>>
      %dma_start3A_431 = arith.constant 0 : i32
      %dma_start3A_432 = tpu.memref_slice %arg12[%mul3A_376, %dma_start3A_431] : memref<3344x128xf32, #tpu.memory_space<vmem_shared>> -> memref<208x128xf32, #tpu.memory_space<vmem_shared>>
      tpu.enqueue_dma source(%arg11 : memref<208x128xf32, #tpu.memory_space<vmem>>) target(%dma_start3A_432 : memref<208x128xf32, #tpu.memory_space<vmem_shared>>) target_semaphore(%run_scoped3A_429 : memref<!tpu.dma_semaphore, #tpu.memory_space<semaphore_mem>>)
      %dma_wait3A = arith.constant 0 : i32
      %dma_wait3A_433 = tpu.memref_slice %arg12[%mul3A_376, %dma_wait3A] : memref<3344x128xf32, #tpu.memory_space<vmem_shared>> -> memref<208x128xf32, #tpu.memory_space<vmem_shared>>
      %dma_wait3A_434 = arith.constant 0 : i32
      %dma_wait3A_435 = tpu.memref_slice %arg12[%mul3A_376, %dma_wait3A_434] : memref<3344x128xf32, #tpu.memory_space<vmem_shared>> -> memref<208x128xf32, #tpu.memory_space<vmem_shared>>
      tpu.wait_dma2 semaphore(%run_scoped3A_429 : memref<!tpu.dma_semaphore, #tpu.memory_space<semaphore_mem>>) src(%arg11 : memref<208x128xf32, #tpu.memory_space<vmem>>) dst(%dma_wait3A_435 : memref<208x128xf32, #tpu.memory_space<vmem_shared>>)
      tpu.yield
    }) : () -> ()
    %eq3A_377 = arith.constant 15 : i32
    %eq3A_378 = arith.cmpi eq, %arg1, %eq3A_377 : i32
    %convert_element_type3A_379 = arith.extui %eq3A_378 : i1 to i32
    %cond3A_380 = arith.constant 0 : i32
    %cond3A_381 = arith.cmpi ne, %convert_element_type3A_379, %cond3A_380 : i32
    scf.if %cond3A_381 {
      "tpu.region"() ({
        %run_scoped3A_429 = tpu.sem_alloc : memref<!tpu.dma_semaphore, #tpu.memory_space<semaphore_mem>>
        %dma_start3A = arith.constant 0 : i32
        %dma_start3A_430 = arith.constant 0 : i32
        %dma_start3A_431 = tpu.memref_slice %arg11[%dma_start3A, %dma_start3A_430] : memref<208x128xf32, #tpu.memory_space<vmem>> -> memref<8x128xf32, #tpu.memory_space<vmem>>
        %dma_start3A_432 = arith.constant 3328 : i32
        %dma_start3A_433 = arith.constant 0 : i32
        %dma_start3A_434 = tpu.memref_slice %arg12[%dma_start3A_432, %dma_start3A_433] : memref<3344x128xf32, #tpu.memory_space<vmem_shared>> -> memref<8x128xf32, #tpu.memory_space<vmem_shared>>
        %dma_start3A_435 = arith.constant 3328 : i32
        %dma_start3A_436 = arith.constant 0 : i32
        %dma_start3A_437 = tpu.memref_slice %arg12[%dma_start3A_435, %dma_start3A_436] : memref<3344x128xf32, #tpu.memory_space<vmem_shared>> -> memref<8x128xf32, #tpu.memory_space<vmem_shared>>
        %dma_start3A_438 = arith.constant 0 : i32
        %dma_start3A_439 = arith.constant 0 : i32
        %dma_start3A_440 = tpu.memref_slice %arg11[%dma_start3A_438, %dma_start3A_439] : memref<208x128xf32, #tpu.memory_space<vmem>> -> memref<8x128xf32, #tpu.memory_space<vmem>>
        tpu.enqueue_dma source(%dma_start3A_440 : memref<8x128xf32, #tpu.memory_space<vmem>>) target(%dma_start3A_437 : memref<8x128xf32, #tpu.memory_space<vmem_shared>>) target_semaphore(%run_scoped3A_429 : memref<!tpu.dma_semaphore, #tpu.memory_space<semaphore_mem>>)
        %dma_wait3A = arith.constant 0 : i32
        %dma_wait3A_441 = arith.constant 0 : i32
        %dma_wait3A_442 = tpu.memref_slice %arg11[%dma_wait3A, %dma_wait3A_441] : memref<208x128xf32, #tpu.memory_space<vmem>> -> memref<8x128xf32, #tpu.memory_space<vmem>>
        %dma_wait3A_443 = arith.constant 3328 : i32
        %dma_wait3A_444 = arith.constant 0 : i32
        %dma_wait3A_445 = tpu.memref_slice %arg12[%dma_wait3A_443, %dma_wait3A_444] : memref<3344x128xf32, #tpu.memory_space<vmem_shared>> -> memref<8x128xf32, #tpu.memory_space<vmem_shared>>
        %dma_wait3A_446 = arith.constant 3328 : i32
        %dma_wait3A_447 = arith.constant 0 : i32
        %dma_wait3A_448 = tpu.memref_slice %arg12[%dma_wait3A_446, %dma_wait3A_447] : memref<3344x128xf32, #tpu.memory_space<vmem_shared>> -> memref<8x128xf32, #tpu.memory_space<vmem_shared>>
        %dma_wait3A_449 = arith.constant 0 : i32
        %dma_wait3A_450 = arith.constant 0 : i32
        %dma_wait3A_451 = tpu.memref_slice %arg11[%dma_wait3A_449, %dma_wait3A_450] : memref<208x128xf32, #tpu.memory_space<vmem>> -> memref<8x128xf32, #tpu.memory_space<vmem>>
        tpu.wait_dma2 semaphore(%run_scoped3A_429 : memref<!tpu.dma_semaphore, #tpu.memory_space<semaphore_mem>>) src(%dma_wait3A_451 : memref<8x128xf32, #tpu.memory_space<vmem>>) dst(%dma_wait3A_448 : memref<8x128xf32, #tpu.memory_space<vmem_shared>>)
        tpu.yield
      }) : () -> ()
    } else {
    }
    %barrier3A_382 = arith.constant 0 : index
    tpu.barrier barrier_id(%barrier3A_382)
    %scan3A_383 = arith.constant 0 : i32
    %scan3A_384 = arith.constant 0 : i32
    %scan3A_385 = arith.constant 125 : i32
    %scan3A_386 = arith.addi %scan3A_384, %scan3A_385 : i32
    %scan3A_387 = arith.constant 1 : i32
    scf.for %scan3A_429 = %scan3A_384 to %scan3A_386 step %scan3A_387  : i32 {
      %dma_start3A = arith.constant 0 : i32
      %dma_start3A_430 = tpu.memref_slice %arg8[%scan3A_429, %dma_start3A] : memref<125x80xi32, #tpu.memory_space<vmem>> -> memref<1x80xi32, #tpu.memory_space<vmem>>
      %dma_start3A_431 = tpu.memref_squeeze %dma_start3A_430 : memref<1x80xi32, #tpu.memory_space<vmem>> -> memref<80xi32, #tpu.memory_space<vmem>>
      %dma_start3A_432 = arith.constant 0 : i32
      %dma_start3A_433 = arith.constant 0 : i32
      %dma_start3A_434 = tpu.memref_slice %arg2[%dma_start3A_432, %dma_start3A_433] : memref<40000x128xf32, #tpu.memory_space<hbm>> -> memref<40000x128xf32, #tpu.memory_space<hbm>>
      tpu.enqueue_indirect_dma source(%dma_start3A_434 : memref<40000x128xf32, #tpu.memory_space<hbm>>) target(%arg10 : memref<80x128xf32, #tpu.memory_space<vmem>>) offsets(%dma_start3A_431 : memref<80xi32, #tpu.memory_space<vmem>>) semaphore(%arg13 : memref<!tpu.dma_semaphore, #tpu.memory_space<semaphore_mem>>)
      %dma_wait3A = arith.constant 0 : i32
      %dma_wait3A_435 = tpu.memref_slice %arg8[%scan3A_429, %dma_wait3A] : memref<125x80xi32, #tpu.memory_space<vmem>> -> memref<1x80xi32, #tpu.memory_space<vmem>>
      %dma_wait3A_436 = tpu.memref_squeeze %dma_wait3A_435 : memref<1x80xi32, #tpu.memory_space<vmem>> -> memref<80xi32, #tpu.memory_space<vmem>>
      %dma_wait3A_437 = arith.constant 0 : i32
      %dma_wait3A_438 = arith.constant 0 : i32
      %dma_wait3A_439 = tpu.memref_slice %arg2[%dma_wait3A_437, %dma_wait3A_438] : memref<40000x128xf32, #tpu.memory_space<hbm>> -> memref<40000x128xf32, #tpu.memory_space<hbm>>
      tpu.wait_indirect_dma semaphore(%arg13 : memref<!tpu.dma_semaphore, #tpu.memory_space<semaphore_mem>>) src(%dma_wait3A_439 : memref<40000x128xf32, #tpu.memory_space<hbm>>) dst(%arg10 : memref<80x128xf32, #tpu.memory_space<vmem>>)
      "tpu.region"() ({
        %run_scoped3A_440 = tpu.sem_alloc : memref<!tpu.dma_semaphore, #tpu.memory_space<semaphore_mem>>
        %dma_start3A_441 = arith.constant 0 : i32
        %dma_start3A_442 = tpu.memref_slice %arg9[%scan3A_429, %dma_start3A_441] : memref<125x80xi32, #tpu.memory_space<vmem>> -> memref<1x80xi32, #tpu.memory_space<vmem>>
        %dma_start3A_443 = tpu.memref_squeeze %dma_start3A_442 : memref<1x80xi32, #tpu.memory_space<vmem>> -> memref<80xi32, #tpu.memory_space<vmem>>
        %dma_start3A_444 = arith.constant 0 : i32
        %dma_start3A_445 = arith.constant 0 : i32
        %dma_start3A_446 = tpu.memref_slice %arg12[%dma_start3A_444, %dma_start3A_445] : memref<3344x128xf32, #tpu.memory_space<vmem_shared>> -> memref<3344x128xf32, #tpu.memory_space<vmem_shared>>
        tpu.enqueue_indirect_dma source(%arg10 : memref<80x128xf32, #tpu.memory_space<vmem>>) target(%dma_start3A_446 : memref<3344x128xf32, #tpu.memory_space<vmem_shared>>) offsets(%dma_start3A_443 : memref<80xi32, #tpu.memory_space<vmem>>) semaphore(%run_scoped3A_440 : memref<!tpu.dma_semaphore, #tpu.memory_space<semaphore_mem>>) {add = true}
        %dma_wait3A_447 = arith.constant 0 : i32
        %dma_wait3A_448 = tpu.memref_slice %arg9[%scan3A_429, %dma_wait3A_447] : memref<125x80xi32, #tpu.memory_space<vmem>> -> memref<1x80xi32, #tpu.memory_space<vmem>>
        %dma_wait3A_449 = tpu.memref_squeeze %dma_wait3A_448 : memref<1x80xi32, #tpu.memory_space<vmem>> -> memref<80xi32, #tpu.memory_space<vmem>>
        %dma_wait3A_450 = arith.constant 0 : i32
        %dma_wait3A_451 = arith.constant 0 : i32
        %dma_wait3A_452 = tpu.memref_slice %arg12[%dma_wait3A_450, %dma_wait3A_451] : memref<3344x128xf32, #tpu.memory_space<vmem_shared>> -> memref<3344x128xf32, #tpu.memory_space<vmem_shared>>
        tpu.wait_indirect_dma semaphore(%run_scoped3A_440 : memref<!tpu.dma_semaphore, #tpu.memory_space<semaphore_mem>>) src(%arg10 : memref<80x128xf32, #tpu.memory_space<vmem>>) dst(%dma_wait3A_452 : memref<3344x128xf32, #tpu.memory_space<vmem_shared>>)
        tpu.yield
      }) : () -> ()
    }
    %scan3A_388 = arith.constant 125 : i32
    %barrier3A_389 = arith.constant 0 : index
    tpu.barrier barrier_id(%barrier3A_389)
    %mul3A_390 = arith.constant 208 : i32
    %mul3A_391 = arith.muli %arg1, %mul3A_390 : i32
    %mul3A_392 = arith.constant 208 : i32
    %mul3A_393 = arith.muli %arg1, %mul3A_392 : i32
    %add3A_394 = arith.constant 3336 : i32
    %add3A_395 = arith.addi %add3A_394, %mul3A_393 : i32
    %run_scoped3A_396 = arith.constant 3 : i32
    "tpu.region"() ({
      %run_scoped3A_429 = tpu.sem_alloc : memref<!tpu.dma_semaphore, #tpu.memory_space<semaphore_mem>>
      %dma_start3A = arith.constant 0 : i32
      %dma_start3A_430 = arith.constant 0 : i32
      %dma_start3A_431 = tpu.memref_slice %arg5[%run_scoped3A_396, %dma_start3A, %dma_start3A_430] : memref<4x10000x128xf32, #tpu.memory_space<hbm>> -> memref<1x10000x128xf32, #tpu.memory_space<hbm>>
      %dma_start3A_432 = tpu.memref_squeeze %dma_start3A_431 : memref<1x10000x128xf32, #tpu.memory_space<hbm>> -> memref<10000x128xf32, #tpu.memory_space<hbm>>
      %dma_start3A_433 = arith.constant 0 : i32
      %dma_start3A_434 = tpu.memref_slice %dma_start3A_432[%add3A_395, %dma_start3A_433] : memref<10000x128xf32, #tpu.memory_space<hbm>> -> memref<208x128xf32, #tpu.memory_space<hbm>>
      %dma_start3A_435 = arith.constant 0 : i32
      %dma_start3A_436 = tpu.memref_slice %arg12[%mul3A_391, %dma_start3A_435] : memref<3344x128xf32, #tpu.memory_space<vmem_shared>> -> memref<208x128xf32, #tpu.memory_space<vmem_shared>>
      tpu.enqueue_dma source(%dma_start3A_436 : memref<208x128xf32, #tpu.memory_space<vmem_shared>>) target(%dma_start3A_434 : memref<208x128xf32, #tpu.memory_space<hbm>>) target_semaphore(%run_scoped3A_429 : memref<!tpu.dma_semaphore, #tpu.memory_space<semaphore_mem>>)
      %dma_wait3A = arith.constant 0 : i32
      %dma_wait3A_437 = arith.constant 0 : i32
      %dma_wait3A_438 = tpu.memref_slice %arg5[%run_scoped3A_396, %dma_wait3A, %dma_wait3A_437] : memref<4x10000x128xf32, #tpu.memory_space<hbm>> -> memref<1x10000x128xf32, #tpu.memory_space<hbm>>
      %dma_wait3A_439 = tpu.memref_squeeze %dma_wait3A_438 : memref<1x10000x128xf32, #tpu.memory_space<hbm>> -> memref<10000x128xf32, #tpu.memory_space<hbm>>
      %dma_wait3A_440 = arith.constant 0 : i32
      %dma_wait3A_441 = tpu.memref_slice %dma_wait3A_439[%add3A_395, %dma_wait3A_440] : memref<10000x128xf32, #tpu.memory_space<hbm>> -> memref<208x128xf32, #tpu.memory_space<hbm>>
      %dma_wait3A_442 = arith.constant 0 : i32
      %dma_wait3A_443 = tpu.memref_slice %arg12[%mul3A_391, %dma_wait3A_442] : memref<3344x128xf32, #tpu.memory_space<vmem_shared>> -> memref<208x128xf32, #tpu.memory_space<vmem_shared>>
      tpu.wait_dma2 semaphore(%run_scoped3A_429 : memref<!tpu.dma_semaphore, #tpu.memory_space<semaphore_mem>>) src(%dma_wait3A_443 : memref<208x128xf32, #tpu.memory_space<vmem_shared>>) dst(%dma_wait3A_441 : memref<208x128xf32, #tpu.memory_space<hbm>>)
      tpu.yield
    }) : () -> ()
    %eq3A_397 = arith.constant 15 : i32
    %eq3A_398 = arith.cmpi eq, %arg1, %eq3A_397 : i32
    %convert_element_type3A_399 = arith.extui %eq3A_398 : i1 to i32
    %cond3A_400 = arith.constant 0 : i32
    %cond3A_401 = arith.cmpi ne, %convert_element_type3A_399, %cond3A_400 : i32
    scf.if %cond3A_401 {
      %run_scoped3A_429 = arith.constant 3 : i32
      "tpu.region"() ({
        %run_scoped3A_430 = tpu.sem_alloc : memref<!tpu.dma_semaphore, #tpu.memory_space<semaphore_mem>>
        %dma_start3A = arith.constant 0 : i32
        %dma_start3A_431 = arith.constant 0 : i32
        %dma_start3A_432 = tpu.memref_slice %arg5[%run_scoped3A_429, %dma_start3A, %dma_start3A_431] : memref<4x10000x128xf32, #tpu.memory_space<hbm>> -> memref<1x10000x128xf32, #tpu.memory_space<hbm>>
        %dma_start3A_433 = tpu.memref_squeeze %dma_start3A_432 : memref<1x10000x128xf32, #tpu.memory_space<hbm>> -> memref<10000x128xf32, #tpu.memory_space<hbm>>
        %dma_start3A_434 = arith.constant 6664 : i32
        %dma_start3A_435 = arith.constant 0 : i32
        %dma_start3A_436 = tpu.memref_slice %dma_start3A_433[%dma_start3A_434, %dma_start3A_435] : memref<10000x128xf32, #tpu.memory_space<hbm>> -> memref<8x128xf32, #tpu.memory_space<hbm>>
        %dma_start3A_437 = arith.constant 3328 : i32
        %dma_start3A_438 = arith.constant 0 : i32
        %dma_start3A_439 = tpu.memref_slice %arg12[%dma_start3A_437, %dma_start3A_438] : memref<3344x128xf32, #tpu.memory_space<vmem_shared>> -> memref<8x128xf32, #tpu.memory_space<vmem_shared>>
        tpu.enqueue_dma source(%dma_start3A_439 : memref<8x128xf32, #tpu.memory_space<vmem_shared>>) target(%dma_start3A_436 : memref<8x128xf32, #tpu.memory_space<hbm>>) target_semaphore(%run_scoped3A_430 : memref<!tpu.dma_semaphore, #tpu.memory_space<semaphore_mem>>)
        %dma_wait3A = arith.constant 0 : i32
        %dma_wait3A_440 = arith.constant 0 : i32
        %dma_wait3A_441 = tpu.memref_slice %arg5[%run_scoped3A_429, %dma_wait3A, %dma_wait3A_440] : memref<4x10000x128xf32, #tpu.memory_space<hbm>> -> memref<1x10000x128xf32, #tpu.memory_space<hbm>>
        %dma_wait3A_442 = tpu.memref_squeeze %dma_wait3A_441 : memref<1x10000x128xf32, #tpu.memory_space<hbm>> -> memref<10000x128xf32, #tpu.memory_space<hbm>>
        %dma_wait3A_443 = arith.constant 6664 : i32
        %dma_wait3A_444 = arith.constant 0 : i32
        %dma_wait3A_445 = tpu.memref_slice %dma_wait3A_442[%dma_wait3A_443, %dma_wait3A_444] : memref<10000x128xf32, #tpu.memory_space<hbm>> -> memref<8x128xf32, #tpu.memory_space<hbm>>
        %dma_wait3A_446 = arith.constant 3328 : i32
        %dma_wait3A_447 = arith.constant 0 : i32
        %dma_wait3A_448 = tpu.memref_slice %arg12[%dma_wait3A_446, %dma_wait3A_447] : memref<3344x128xf32, #tpu.memory_space<vmem_shared>> -> memref<8x128xf32, #tpu.memory_space<vmem_shared>>
        tpu.wait_dma2 semaphore(%run_scoped3A_430 : memref<!tpu.dma_semaphore, #tpu.memory_space<semaphore_mem>>) src(%dma_wait3A_448 : memref<8x128xf32, #tpu.memory_space<vmem_shared>>) dst(%dma_wait3A_445 : memref<8x128xf32, #tpu.memory_space<hbm>>)
        tpu.yield
      }) : () -> ()
    } else {
    }
    %broadcast_in_dim3A_402 = arith.constant 6672 : i32
    %broadcast_in_dim3A_403 = vector.broadcast %broadcast_in_dim3A_402 : i32 to vector<16xi32>
    %broadcast_in_dim3A_404 = arith.constant 10000 : i32
    %broadcast_in_dim3A_405 = vector.broadcast %broadcast_in_dim3A_404 : i32 to vector<16xi32>
    %scan3A_406 = arith.constant 0 : i32
    %scan3A_407 = arith.constant 0 : i32
    %scan3A_408 = arith.constant 125 : i32
    %scan3A_409 = arith.addi %scan3A_407, %scan3A_408 : i32
    %scan3A_410 = arith.constant 1 : i32
    scf.for %scan3A_429 = %scan3A_407 to %scan3A_409 step %scan3A_410  : i32 {
      %get3A = arith.index_cast %scan3A_429 : i32 to index
      %get3A_430 = arith.constant 0 : index
      %get3A_431 = tpu.vector_load %arg7[%get3A, %get3A_430] {strides = array<i32>} : memref<125x80xi32, #tpu.memory_space<vmem>>, vector<1x16xi32>,
      %get3A_432 = vector.shape_cast %get3A_431 : vector<1x16xi32> to vector<16xi32>
      %lt3A = arith.cmpi slt, %get3A_432, %broadcast_in_dim3A_403 : vector<16xi32>
      %ge3A = arith.cmpi sge, %get3A_432, %broadcast_in_dim3A_405 : vector<16xi32>
      %or3A = arith.ori %lt3A, %ge3A : vector<16xi1>
      %sub3A = arith.subi %get3A_432, %broadcast_in_dim3A_403 : vector<16xi32>
      %select_n3A = arith.select %or3A, %broadcast_in_dim3A_7, %sub3A : vector<16xi1>, vector<16xi32>
      %swap3A = arith.index_cast %scan3A_429 : i32 to index
      %swap3A_433 = arith.constant 0 : index
      %swap3A_434 = tpu.vector_load %arg9[%swap3A, %swap3A_433] {strides = array<i32>} : memref<125x80xi32, #tpu.memory_space<vmem>>, vector<1x16xi32>,
      %swap3A_435 = vector.shape_cast %swap3A_434 : vector<1x16xi32> to vector<16xi32>
      %swap3A_436 = vector.shape_cast %select_n3A : vector<16xi32> to vector<1x16xi32>
      tpu.vector_store %arg9[%swap3A, %swap3A_433], %swap3A_436 {strides = array<i32>} : memref<125x80xi32, #tpu.memory_space<vmem>>, vector<1x16xi32>,
      %get3A_437 = arith.index_cast %scan3A_429 : i32 to index
      %get3A_438 = arith.constant 16 : index
      %get3A_439 = tpu.vector_load %arg7[%get3A_437, %get3A_438] {strides = array<i32>} : memref<125x80xi32, #tpu.memory_space<vmem>>, vector<1x16xi32>,
      %get3A_440 = vector.shape_cast %get3A_439 : vector<1x16xi32> to vector<16xi32>
      %lt3A_441 = arith.cmpi slt, %get3A_440, %broadcast_in_dim3A_403 : vector<16xi32>
      %ge3A_442 = arith.cmpi sge, %get3A_440, %broadcast_in_dim3A_405 : vector<16xi32>
      %or3A_443 = arith.ori %lt3A_441, %ge3A_442 : vector<16xi1>
      %sub3A_444 = arith.subi %get3A_440, %broadcast_in_dim3A_403 : vector<16xi32>
      %select_n3A_445 = arith.select %or3A_443, %broadcast_in_dim3A_7, %sub3A_444 : vector<16xi1>, vector<16xi32>
      %swap3A_446 = arith.index_cast %scan3A_429 : i32 to index
      %swap3A_447 = arith.constant 16 : index
      %swap3A_448 = tpu.vector_load %arg9[%swap3A_446, %swap3A_447] {strides = array<i32>} : memref<125x80xi32, #tpu.memory_space<vmem>>, vector<1x16xi32>,
      %swap3A_449 = vector.shape_cast %swap3A_448 : vector<1x16xi32> to vector<16xi32>
      %swap3A_450 = vector.shape_cast %select_n3A_445 : vector<16xi32> to vector<1x16xi32>
      tpu.vector_store %arg9[%swap3A_446, %swap3A_447], %swap3A_450 {strides = array<i32>} : memref<125x80xi32, #tpu.memory_space<vmem>>, vector<1x16xi32>,
      %get3A_451 = arith.index_cast %scan3A_429 : i32 to index
      %get3A_452 = arith.constant 32 : index
      %get3A_453 = tpu.vector_load %arg7[%get3A_451, %get3A_452] {strides = array<i32>} : memref<125x80xi32, #tpu.memory_space<vmem>>, vector<1x16xi32>,
      %get3A_454 = vector.shape_cast %get3A_453 : vector<1x16xi32> to vector<16xi32>
      %lt3A_455 = arith.cmpi slt, %get3A_454, %broadcast_in_dim3A_403 : vector<16xi32>
      %ge3A_456 = arith.cmpi sge, %get3A_454, %broadcast_in_dim3A_405 : vector<16xi32>
      %or3A_457 = arith.ori %lt3A_455, %ge3A_456 : vector<16xi1>
      %sub3A_458 = arith.subi %get3A_454, %broadcast_in_dim3A_403 : vector<16xi32>
      %select_n3A_459 = arith.select %or3A_457, %broadcast_in_dim3A_7, %sub3A_458 : vector<16xi1>, vector<16xi32>
      %swap3A_460 = arith.index_cast %scan3A_429 : i32 to index
      %swap3A_461 = arith.constant 32 : index
      %swap3A_462 = tpu.vector_load %arg9[%swap3A_460, %swap3A_461] {strides = array<i32>} : memref<125x80xi32, #tpu.memory_space<vmem>>, vector<1x16xi32>,
      %swap3A_463 = vector.shape_cast %swap3A_462 : vector<1x16xi32> to vector<16xi32>
      %swap3A_464 = vector.shape_cast %select_n3A_459 : vector<16xi32> to vector<1x16xi32>
      tpu.vector_store %arg9[%swap3A_460, %swap3A_461], %swap3A_464 {strides = array<i32>} : memref<125x80xi32, #tpu.memory_space<vmem>>, vector<1x16xi32>,
      %get3A_465 = arith.index_cast %scan3A_429 : i32 to index
      %get3A_466 = arith.constant 48 : index
      %get3A_467 = tpu.vector_load %arg7[%get3A_465, %get3A_466] {strides = array<i32>} : memref<125x80xi32, #tpu.memory_space<vmem>>, vector<1x16xi32>,
      %get3A_468 = vector.shape_cast %get3A_467 : vector<1x16xi32> to vector<16xi32>
      %lt3A_469 = arith.cmpi slt, %get3A_468, %broadcast_in_dim3A_403 : vector<16xi32>
      %ge3A_470 = arith.cmpi sge, %get3A_468, %broadcast_in_dim3A_405 : vector<16xi32>
      %or3A_471 = arith.ori %lt3A_469, %ge3A_470 : vector<16xi1>
      %sub3A_472 = arith.subi %get3A_468, %broadcast_in_dim3A_403 : vector<16xi32>
      %select_n3A_473 = arith.select %or3A_471, %broadcast_in_dim3A_7, %sub3A_472 : vector<16xi1>, vector<16xi32>
      %swap3A_474 = arith.index_cast %scan3A_429 : i32 to index
      %swap3A_475 = arith.constant 48 : index
      %swap3A_476 = tpu.vector_load %arg9[%swap3A_474, %swap3A_475] {strides = array<i32>} : memref<125x80xi32, #tpu.memory_space<vmem>>, vector<1x16xi32>,
      %swap3A_477 = vector.shape_cast %swap3A_476 : vector<1x16xi32> to vector<16xi32>
      %swap3A_478 = vector.shape_cast %select_n3A_473 : vector<16xi32> to vector<1x16xi32>
      tpu.vector_store %arg9[%swap3A_474, %swap3A_475], %swap3A_478 {strides = array<i32>} : memref<125x80xi32, #tpu.memory_space<vmem>>, vector<1x16xi32>,
      %get3A_479 = arith.index_cast %scan3A_429 : i32 to index
      %get3A_480 = arith.constant 64 : index
      %get3A_481 = tpu.vector_load %arg7[%get3A_479, %get3A_480] {strides = array<i32>} : memref<125x80xi32, #tpu.memory_space<vmem>>, vector<1x16xi32>,
      %get3A_482 = vector.shape_cast %get3A_481 : vector<1x16xi32> to vector<16xi32>
      %lt3A_483 = arith.cmpi slt, %get3A_482, %broadcast_in_dim3A_403 : vector<16xi32>
      %ge3A_484 = arith.cmpi sge, %get3A_482, %broadcast_in_dim3A_405 : vector<16xi32>
      %or3A_485 = arith.ori %lt3A_483, %ge3A_484 : vector<16xi1>
      %sub3A_486 = arith.subi %get3A_482, %broadcast_in_dim3A_403 : vector<16xi32>
      %select_n3A_487 = arith.select %or3A_485, %broadcast_in_dim3A_7, %sub3A_486 : vector<16xi1>, vector<16xi32>
      %swap3A_488 = arith.index_cast %scan3A_429 : i32 to index
      %swap3A_489 = arith.constant 64 : index
      %swap3A_490 = tpu.vector_load %arg9[%swap3A_488, %swap3A_489] {strides = array<i32>} : memref<125x80xi32, #tpu.memory_space<vmem>>, vector<1x16xi32>,
      %swap3A_491 = vector.shape_cast %swap3A_490 : vector<1x16xi32> to vector<16xi32>
      %swap3A_492 = vector.shape_cast %select_n3A_487 : vector<16xi32> to vector<1x16xi32>
      tpu.vector_store %arg9[%swap3A_488, %swap3A_489], %swap3A_492 {strides = array<i32>} : memref<125x80xi32, #tpu.memory_space<vmem>>, vector<1x16xi32>,
    }
    %scan3A_411 = arith.constant 125 : i32
    %mul3A_412 = arith.constant 208 : i32
    %mul3A_413 = arith.muli %arg1, %mul3A_412 : i32
    "tpu.region"() ({
      %run_scoped3A_429 = tpu.sem_alloc : memref<!tpu.dma_semaphore, #tpu.memory_space<semaphore_mem>>
      %dma_start3A = arith.constant 0 : i32
      %dma_start3A_430 = tpu.memref_slice %arg12[%mul3A_413, %dma_start3A] : memref<3344x128xf32, #tpu.memory_space<vmem_shared>> -> memref<208x128xf32, #tpu.memory_space<vmem_shared>>
      %dma_start3A_431 = arith.constant 0 : i32
      %dma_start3A_432 = tpu.memref_slice %arg12[%mul3A_413, %dma_start3A_431] : memref<3344x128xf32, #tpu.memory_space<vmem_shared>> -> memref<208x128xf32, #tpu.memory_space<vmem_shared>>
      tpu.enqueue_dma source(%arg11 : memref<208x128xf32, #tpu.memory_space<vmem>>) target(%dma_start3A_432 : memref<208x128xf32, #tpu.memory_space<vmem_shared>>) target_semaphore(%run_scoped3A_429 : memref<!tpu.dma_semaphore, #tpu.memory_space<semaphore_mem>>)
      %dma_wait3A = arith.constant 0 : i32
      %dma_wait3A_433 = tpu.memref_slice %arg12[%mul3A_413, %dma_wait3A] : memref<3344x128xf32, #tpu.memory_space<vmem_shared>> -> memref<208x128xf32, #tpu.memory_space<vmem_shared>>
      %dma_wait3A_434 = arith.constant 0 : i32
      %dma_wait3A_435 = tpu.memref_slice %arg12[%mul3A_413, %dma_wait3A_434] : memref<3344x128xf32, #tpu.memory_space<vmem_shared>> -> memref<208x128xf32, #tpu.memory_space<vmem_shared>>
      tpu.wait_dma2 semaphore(%run_scoped3A_429 : memref<!tpu.dma_semaphore, #tpu.memory_space<semaphore_mem>>) src(%arg11 : memref<208x128xf32, #tpu.memory_space<vmem>>) dst(%dma_wait3A_435 : memref<208x128xf32, #tpu.memory_space<vmem_shared>>)
      tpu.yield
    }) : () -> ()
    %barrier3A_414 = arith.constant 0 : index
    tpu.barrier barrier_id(%barrier3A_414)
    %scan3A_415 = arith.constant 0 : i32
    %scan3A_416 = arith.constant 0 : i32
    %scan3A_417 = arith.constant 125 : i32
    %scan3A_418 = arith.addi %scan3A_416, %scan3A_417 : i32
    %scan3A_419 = arith.constant 1 : i32
    scf.for %scan3A_429 = %scan3A_416 to %scan3A_418 step %scan3A_419  : i32 {
      %dma_start3A = arith.constant 0 : i32
      %dma_start3A_430 = tpu.memref_slice %arg8[%scan3A_429, %dma_start3A] : memref<125x80xi32, #tpu.memory_space<vmem>> -> memref<1x80xi32, #tpu.memory_space<vmem>>
      %dma_start3A_431 = tpu.memref_squeeze %dma_start3A_430 : memref<1x80xi32, #tpu.memory_space<vmem>> -> memref<80xi32, #tpu.memory_space<vmem>>
      %dma_start3A_432 = arith.constant 0 : i32
      %dma_start3A_433 = arith.constant 0 : i32
      %dma_start3A_434 = tpu.memref_slice %arg2[%dma_start3A_432, %dma_start3A_433] : memref<40000x128xf32, #tpu.memory_space<hbm>> -> memref<40000x128xf32, #tpu.memory_space<hbm>>
      tpu.enqueue_indirect_dma source(%dma_start3A_434 : memref<40000x128xf32, #tpu.memory_space<hbm>>) target(%arg10 : memref<80x128xf32, #tpu.memory_space<vmem>>) offsets(%dma_start3A_431 : memref<80xi32, #tpu.memory_space<vmem>>) semaphore(%arg13 : memref<!tpu.dma_semaphore, #tpu.memory_space<semaphore_mem>>)
      %dma_wait3A = arith.constant 0 : i32
      %dma_wait3A_435 = tpu.memref_slice %arg8[%scan3A_429, %dma_wait3A] : memref<125x80xi32, #tpu.memory_space<vmem>> -> memref<1x80xi32, #tpu.memory_space<vmem>>
      %dma_wait3A_436 = tpu.memref_squeeze %dma_wait3A_435 : memref<1x80xi32, #tpu.memory_space<vmem>> -> memref<80xi32, #tpu.memory_space<vmem>>
      %dma_wait3A_437 = arith.constant 0 : i32
      %dma_wait3A_438 = arith.constant 0 : i32
      %dma_wait3A_439 = tpu.memref_slice %arg2[%dma_wait3A_437, %dma_wait3A_438] : memref<40000x128xf32, #tpu.memory_space<hbm>> -> memref<40000x128xf32, #tpu.memory_space<hbm>>
      tpu.wait_indirect_dma semaphore(%arg13 : memref<!tpu.dma_semaphore, #tpu.memory_space<semaphore_mem>>) src(%dma_wait3A_439 : memref<40000x128xf32, #tpu.memory_space<hbm>>) dst(%arg10 : memref<80x128xf32, #tpu.memory_space<vmem>>)
      "tpu.region"() ({
        %run_scoped3A_440 = tpu.sem_alloc : memref<!tpu.dma_semaphore, #tpu.memory_space<semaphore_mem>>
        %dma_start3A_441 = arith.constant 0 : i32
        %dma_start3A_442 = tpu.memref_slice %arg9[%scan3A_429, %dma_start3A_441] : memref<125x80xi32, #tpu.memory_space<vmem>> -> memref<1x80xi32, #tpu.memory_space<vmem>>
        %dma_start3A_443 = tpu.memref_squeeze %dma_start3A_442 : memref<1x80xi32, #tpu.memory_space<vmem>> -> memref<80xi32, #tpu.memory_space<vmem>>
        %dma_start3A_444 = arith.constant 0 : i32
        %dma_start3A_445 = arith.constant 0 : i32
        %dma_start3A_446 = tpu.memref_slice %arg12[%dma_start3A_444, %dma_start3A_445] : memref<3344x128xf32, #tpu.memory_space<vmem_shared>> -> memref<3344x128xf32, #tpu.memory_space<vmem_shared>>
        tpu.enqueue_indirect_dma source(%arg10 : memref<80x128xf32, #tpu.memory_space<vmem>>) target(%dma_start3A_446 : memref<3344x128xf32, #tpu.memory_space<vmem_shared>>) offsets(%dma_start3A_443 : memref<80xi32, #tpu.memory_space<vmem>>) semaphore(%run_scoped3A_440 : memref<!tpu.dma_semaphore, #tpu.memory_space<semaphore_mem>>) {add = true}
        %dma_wait3A_447 = arith.constant 0 : i32
        %dma_wait3A_448 = tpu.memref_slice %arg9[%scan3A_429, %dma_wait3A_447] : memref<125x80xi32, #tpu.memory_space<vmem>> -> memref<1x80xi32, #tpu.memory_space<vmem>>
        %dma_wait3A_449 = tpu.memref_squeeze %dma_wait3A_448 : memref<1x80xi32, #tpu.memory_space<vmem>> -> memref<80xi32, #tpu.memory_space<vmem>>
        %dma_wait3A_450 = arith.constant 0 : i32
        %dma_wait3A_451 = arith.constant 0 : i32
        %dma_wait3A_452 = tpu.memref_slice %arg12[%dma_wait3A_450, %dma_wait3A_451] : memref<3344x128xf32, #tpu.memory_space<vmem_shared>> -> memref<3344x128xf32, #tpu.memory_space<vmem_shared>>
        tpu.wait_indirect_dma semaphore(%run_scoped3A_440 : memref<!tpu.dma_semaphore, #tpu.memory_space<semaphore_mem>>) src(%arg10 : memref<80x128xf32, #tpu.memory_space<vmem>>) dst(%dma_wait3A_452 : memref<3344x128xf32, #tpu.memory_space<vmem_shared>>)
        tpu.yield
      }) : () -> ()
    }
    %scan3A_420 = arith.constant 125 : i32
    %barrier3A_421 = arith.constant 0 : index
    tpu.barrier barrier_id(%barrier3A_421)
    %mul3A_422 = arith.constant 208 : i32
    %mul3A_423 = arith.muli %arg1, %mul3A_422 : i32
    %mul3A_424 = arith.constant 208 : i32
    %mul3A_425 = arith.muli %arg1, %mul3A_424 : i32
    %add3A_426 = arith.constant 6672 : i32
    %add3A_427 = arith.addi %add3A_426, %mul3A_425 : i32
    %run_scoped3A_428 = arith.constant 3 : i32
    "tpu.region"() ({
      %run_scoped3A_429 = tpu.sem_alloc : memref<!tpu.dma_semaphore, #tpu.memory_space<semaphore_mem>>
      %dma_start3A = arith.constant 0 : i32
      %dma_start3A_430 = arith.constant 0 : i32
      %dma_start3A_431 = tpu.memref_slice %arg5[%run_scoped3A_428, %dma_start3A, %dma_start3A_430] : memref<4x10000x128xf32, #tpu.memory_space<hbm>> -> memref<1x10000x128xf32, #tpu.memory_space<hbm>>
      %dma_start3A_432 = tpu.memref_squeeze %dma_start3A_431 : memref<1x10000x128xf32, #tpu.memory_space<hbm>> -> memref<10000x128xf32, #tpu.memory_space<hbm>>
      %dma_start3A_433 = arith.constant 0 : i32
      %dma_start3A_434 = tpu.memref_slice %dma_start3A_432[%add3A_427, %dma_start3A_433] : memref<10000x128xf32, #tpu.memory_space<hbm>> -> memref<208x128xf32, #tpu.memory_space<hbm>>
      %dma_start3A_435 = arith.constant 0 : i32
      %dma_start3A_436 = tpu.memref_slice %arg12[%mul3A_423, %dma_start3A_435] : memref<3344x128xf32, #tpu.memory_space<vmem_shared>> -> memref<208x128xf32, #tpu.memory_space<vmem_shared>>
      tpu.enqueue_dma source(%dma_start3A_436 : memref<208x128xf32, #tpu.memory_space<vmem_shared>>) target(%dma_start3A_434 : memref<208x128xf32, #tpu.memory_space<hbm>>) target_semaphore(%run_scoped3A_429 : memref<!tpu.dma_semaphore, #tpu.memory_space<semaphore_mem>>)
      %dma_wait3A = arith.constant 0 : i32
      %dma_wait3A_437 = arith.constant 0 : i32
      %dma_wait3A_438 = tpu.memref_slice %arg5[%run_scoped3A_428, %dma_wait3A, %dma_wait3A_437] : memref<4x10000x128xf32, #tpu.memory_space<hbm>> -> memref<1x10000x128xf32, #tpu.memory_space<hbm>>
      %dma_wait3A_439 = tpu.memref_squeeze %dma_wait3A_438 : memref<1x10000x128xf32, #tpu.memory_space<hbm>> -> memref<10000x128xf32, #tpu.memory_space<hbm>>
      %dma_wait3A_440 = arith.constant 0 : i32
      %dma_wait3A_441 = tpu.memref_slice %dma_wait3A_439[%add3A_427, %dma_wait3A_440] : memref<10000x128xf32, #tpu.memory_space<hbm>> -> memref<208x128xf32, #tpu.memory_space<hbm>>
      %dma_wait3A_442 = arith.constant 0 : i32
      %dma_wait3A_443 = tpu.memref_slice %arg12[%mul3A_423, %dma_wait3A_442] : memref<3344x128xf32, #tpu.memory_space<vmem_shared>> -> memref<208x128xf32, #tpu.memory_space<vmem_shared>>
      tpu.wait_dma2 semaphore(%run_scoped3A_429 : memref<!tpu.dma_semaphore, #tpu.memory_space<semaphore_mem>>) src(%dma_wait3A_443 : memref<208x128xf32, #tpu.memory_space<vmem_shared>>) dst(%dma_wait3A_441 : memref<208x128xf32, #tpu.memory_space<hbm>>)
      tpu.yield
    }) : () -> ()
    return
  }
}

module attributes {stable_mosaic.version = 14 : i64} {
  func.func @_mm_init_kernel(%arg0: i32, %arg1: memref<1000x256xf32, #tpu.memory_space<vmem>>, %arg2: memref<512x256xf32, #tpu.memory_space<vmem>>, %arg3: memref<1000x512xf32, #tpu.memory_space<vmem>>) attributes {dimension_semantics = [#tpu.dimension_semantics<arbitrary>], iteration_bounds = array<i64: 10>, scalar_prefetch = 0 : i64, scratch_operands = 0 : i64, tpu.core_type = #tpu.core_type<tc>, window_params = [{transform_indices = @transform_0, window_bounds = array<i64: 1000, 256>}, {pipeline_mode = #tpu.pipeline_mode<synchronous>, transform_indices = @transform_1, window_bounds = array<i64: 512, 256>}, {transform_indices = @transform_2, window_bounds = array<i64: 1000, 512>}]} {
    %get3A = arith.constant 0 : index
    %get3A_0 = arith.constant 0 : index
    %get3A_1 = vector.load %arg1[%get3A, %get3A_0] : memref<1000x256xf32, #tpu.memory_space<vmem>>, vector<1000x256xf32>
    %get3A_2 = arith.constant 0 : index
    %get3A_3 = arith.constant 0 : index
    %get3A_4 = vector.load %arg2[%get3A_2, %get3A_3] : memref<512x256xf32, #tpu.memory_space<vmem>>, vector<512x256xf32>
    %dot_general3A = arith.constant dense<0.000000e+00> : vector<1000x512xf32>
    %dot_general3A_5 = tpu.matmul %get3A_1, %get3A_4, %dot_general3A {dimension_numbers = #tpu.dot_dimension_numbers<[1], [1], [0], [0], [0, 0, 1, 0], [], []>, transpose_lhs_hint = false} : vector<1000x256xf32>, vector<512x256xf32>, vector<1000x512xf32> -> vector<1000x512xf32>
    %swap3A = arith.constant 0 : index
    %swap3A_6 = arith.constant 0 : index
    %swap3A_7 = vector.load %arg3[%swap3A, %swap3A_6] : memref<1000x512xf32, #tpu.memory_space<vmem>>, vector<1000x512xf32>
    tpu.vector_store %arg3[%swap3A, %swap3A_6], %dot_general3A_5 {strides = array<i32>} : memref<1000x512xf32, #tpu.memory_space<vmem>>, vector<1000x512xf32>,
    return
  }
  func.func @transform_0(%arg0: i32) -> (i32, i32) {
    %c0_i32 = arith.constant 0 : i32
    %c0_i32_0 = arith.constant 0 : i32
    return %arg0, %c0_i32 : i32, i32
  }
  func.func @transform_1(%arg0: i32) -> (i32, i32) {
    %c0_i32 = arith.constant 0 : i32
    %c0_i32_0 = arith.constant 0 : i32
    %c0_i32_1 = arith.constant 0 : i32
    return %c0_i32, %c0_i32_0 : i32, i32
  }
  func.func @transform_2(%arg0: i32) -> (i32, i32) {
    %c0_i32 = arith.constant 0 : i32
    %c0_i32_0 = arith.constant 0 : i32
    return %arg0, %c0_i32 : i32, i32
  }
}

module attributes {stable_mosaic.version = 14 : i64} {
  func.func @_layer_kernel(%arg0: i32, %arg1: memref<4x1000x128xf32, #tpu.memory_space<vmem>>, %arg2: memref<1000x512xf32, #tpu.memory_space<vmem>>, %arg3: memref<512x512xf32, #tpu.memory_space<vmem>>, %arg4: memref<1x512xf32, #tpu.memory_space<vmem>>, %arg5: memref<512x512xf32, #tpu.memory_space<vmem>>, %arg6: memref<1x512xf32, #tpu.memory_space<vmem>>, %arg7: memref<1000x512xf32, #tpu.memory_space<vmem>>) attributes {dimension_semantics = [#tpu.dimension_semantics<arbitrary>], iteration_bounds = array<i64: 10>, scalar_prefetch = 0 : i64, scratch_operands = 0 : i64, tpu.core_type = #tpu.core_type<tc>, window_params = [{transform_indices = @transform_0, window_bounds = array<i64: 4, 1000, 128>}, {transform_indices = @transform_1, window_bounds = array<i64: 1000, 512>}, {pipeline_mode = #tpu.pipeline_mode<synchronous>, transform_indices = @transform_2, window_bounds = array<i64: 512, 512>}, {pipeline_mode = #tpu.pipeline_mode<synchronous>, transform_indices = @transform_3, window_bounds = array<i64: 1, 512>}, {pipeline_mode = #tpu.pipeline_mode<synchronous>, transform_indices = @transform_4, window_bounds = array<i64: 512, 512>}, {pipeline_mode = #tpu.pipeline_mode<synchronous>, transform_indices = @transform_5, window_bounds = array<i64: 1, 512>}, {transform_indices = @transform_6, window_bounds = array<i64: 1000, 512>}]} {
    %get3A = arith.constant 0 : index
    %get3A_0 = arith.constant 0 : index
    %get3A_1 = arith.constant 0 : index
    %get3A_2 = vector.load %arg1[%get3A, %get3A_0, %get3A_1] : memref<4x1000x128xf32, #tpu.memory_space<vmem>>, vector<1x1000x128xf32>
    %get3A_3 = vector.shape_cast %get3A_2 : vector<1x1000x128xf32> to vector<1000x128xf32>
    %get3A_4 = arith.constant 0 : index
    %get3A_5 = arith.constant 0 : index
    %get3A_6 = vector.load %arg3[%get3A_4, %get3A_5] : memref<512x512xf32, #tpu.memory_space<vmem>>, vector<512x512xf32>
    %slice3A = vector.extract_strided_slice %get3A_6 {offsets = [0, 0], sizes = [512, 128], strides = [1, 1]} : vector<512x512xf32> to vector<512x128xf32>
    %dot_general3A = arith.constant dense<0.000000e+00> : vector<1000x512xf32>
    %dot_general3A_7 = tpu.matmul %get3A_3, %slice3A, %dot_general3A {dimension_numbers = #tpu.dot_dimension_numbers<[1], [1], [0], [0], [0, 0, 1, 0], [], []>, transpose_lhs_hint = false} : vector<1000x128xf32>, vector<512x128xf32>, vector<1000x512xf32> -> vector<1000x512xf32>
    %get3A_8 = arith.constant 1 : index
    %get3A_9 = arith.constant 0 : index
    %get3A_10 = arith.constant 0 : index
    %get3A_11 = vector.load %arg1[%get3A_8, %get3A_9, %get3A_10] : memref<4x1000x128xf32, #tpu.memory_space<vmem>>, vector<1x1000x128xf32>
    %get3A_12 = vector.shape_cast %get3A_11 : vector<1x1000x128xf32> to vector<1000x128xf32>
    %get3A_13 = arith.constant 0 : index
    %get3A_14 = arith.constant 0 : index
    %get3A_15 = vector.load %arg3[%get3A_13, %get3A_14] : memref<512x512xf32, #tpu.memory_space<vmem>>, vector<512x512xf32>
    %slice3A_16 = vector.extract_strided_slice %get3A_15 {offsets = [0, 128], sizes = [512, 128], strides = [1, 1]} : vector<512x512xf32> to vector<512x128xf32>
    %dot_general3A_17 = arith.constant dense<0.000000e+00> : vector<1000x512xf32>
    %dot_general3A_18 = tpu.matmul %get3A_12, %slice3A_16, %dot_general3A_17 {dimension_numbers = #tpu.dot_dimension_numbers<[1], [1], [0], [0], [0, 0, 1, 0], [], []>, transpose_lhs_hint = false} : vector<1000x128xf32>, vector<512x128xf32>, vector<1000x512xf32> -> vector<1000x512xf32>
    %add3A = arith.addf %dot_general3A_7, %dot_general3A_18 : vector<1000x512xf32>
    %get3A_19 = arith.constant 2 : index
    %get3A_20 = arith.constant 0 : index
    %get3A_21 = arith.constant 0 : index
    %get3A_22 = vector.load %arg1[%get3A_19, %get3A_20, %get3A_21] : memref<4x1000x128xf32, #tpu.memory_space<vmem>>, vector<1x1000x128xf32>
    %get3A_23 = vector.shape_cast %get3A_22 : vector<1x1000x128xf32> to vector<1000x128xf32>
    %get3A_24 = arith.constant 0 : index
    %get3A_25 = arith.constant 0 : index
    %get3A_26 = vector.load %arg3[%get3A_24, %get3A_25] : memref<512x512xf32, #tpu.memory_space<vmem>>, vector<512x512xf32>
    %slice3A_27 = vector.extract_strided_slice %get3A_26 {offsets = [0, 256], sizes = [512, 128], strides = [1, 1]} : vector<512x512xf32> to vector<512x128xf32>
    %dot_general3A_28 = arith.constant dense<0.000000e+00> : vector<1000x512xf32>
    %dot_general3A_29 = tpu.matmul %get3A_23, %slice3A_27, %dot_general3A_28 {dimension_numbers = #tpu.dot_dimension_numbers<[1], [1], [0], [0], [0, 0, 1, 0], [], []>, transpose_lhs_hint = false} : vector<1000x128xf32>, vector<512x128xf32>, vector<1000x512xf32> -> vector<1000x512xf32>
    %add3A_30 = arith.addf %add3A, %dot_general3A_29 : vector<1000x512xf32>
    %get3A_31 = arith.constant 3 : index
    %get3A_32 = arith.constant 0 : index
    %get3A_33 = arith.constant 0 : index
    %get3A_34 = vector.load %arg1[%get3A_31, %get3A_32, %get3A_33] : memref<4x1000x128xf32, #tpu.memory_space<vmem>>, vector<1x1000x128xf32>
    %get3A_35 = vector.shape_cast %get3A_34 : vector<1x1000x128xf32> to vector<1000x128xf32>
    %get3A_36 = arith.constant 0 : index
    %get3A_37 = arith.constant 0 : index
    %get3A_38 = vector.load %arg3[%get3A_36, %get3A_37] : memref<512x512xf32, #tpu.memory_space<vmem>>, vector<512x512xf32>
    %slice3A_39 = vector.extract_strided_slice %get3A_38 {offsets = [0, 384], sizes = [512, 128], strides = [1, 1]} : vector<512x512xf32> to vector<512x128xf32>
    %dot_general3A_40 = arith.constant dense<0.000000e+00> : vector<1000x512xf32>
    %dot_general3A_41 = tpu.matmul %get3A_35, %slice3A_39, %dot_general3A_40 {dimension_numbers = #tpu.dot_dimension_numbers<[1], [1], [0], [0], [0, 0, 1, 0], [], []>, transpose_lhs_hint = false} : vector<1000x128xf32>, vector<512x128xf32>, vector<1000x512xf32> -> vector<1000x512xf32>
    %add3A_42 = arith.addf %add3A_30, %dot_general3A_41 : vector<1000x512xf32>
    %get3A_43 = arith.constant 0 : index
    %get3A_44 = arith.constant 0 : index
    %get3A_45 = vector.load %arg2[%get3A_43, %get3A_44] : memref<1000x512xf32, #tpu.memory_space<vmem>>, vector<1000x512xf32>
    %get3A_46 = arith.constant 0 : index
    %get3A_47 = arith.constant 0 : index
    %get3A_48 = vector.load %arg5[%get3A_46, %get3A_47] : memref<512x512xf32, #tpu.memory_space<vmem>>, vector<512x512xf32>
    %dot_general3A_49 = arith.constant dense<0.000000e+00> : vector<1000x512xf32>
    %dot_general3A_50 = tpu.matmul %get3A_45, %get3A_48, %dot_general3A_49 {dimension_numbers = #tpu.dot_dimension_numbers<[1], [1], [0], [0], [0, 0, 1, 0], [], []>, transpose_lhs_hint = false} : vector<1000x512xf32>, vector<512x512xf32>, vector<1000x512xf32> -> vector<1000x512xf32>
    %get3A_51 = arith.constant 0 : index
    %get3A_52 = arith.constant 0 : index
    %get3A_53 = vector.load %arg4[%get3A_51, %get3A_52] : memref<1x512xf32, #tpu.memory_space<vmem>>, vector<1x512xf32>
    %add3A_54 = vector.broadcast %get3A_53 : vector<1x512xf32> to vector<1000x512xf32>
    %add3A_55 = arith.addf %add3A_42, %add3A_54 : vector<1000x512xf32>
    %max3A = arith.constant 0.000000e+00 : f32
    %max3A_56 = vector.broadcast %max3A : f32 to vector<1000x512xf32>
    %max3A_57 = arith.maximumf %add3A_55, %max3A_56 : vector<1000x512xf32>
    %get3A_58 = arith.constant 0 : index
    %get3A_59 = arith.constant 0 : index
    %get3A_60 = vector.load %arg6[%get3A_58, %get3A_59] : memref<1x512xf32, #tpu.memory_space<vmem>>, vector<1x512xf32>
    %add3A_61 = vector.broadcast %get3A_60 : vector<1x512xf32> to vector<1000x512xf32>
    %add3A_62 = arith.addf %dot_general3A_50, %add3A_61 : vector<1000x512xf32>
    %max3A_63 = arith.constant 0.000000e+00 : f32
    %max3A_64 = vector.broadcast %max3A_63 : f32 to vector<1000x512xf32>
    %max3A_65 = arith.maximumf %add3A_62, %max3A_64 : vector<1000x512xf32>
    %add3A_66 = arith.addf %max3A_57, %max3A_65 : vector<1000x512xf32>
    %swap3A = arith.constant 0 : index
    %swap3A_67 = arith.constant 0 : index
    %swap3A_68 = vector.load %arg7[%swap3A, %swap3A_67] : memref<1000x512xf32, #tpu.memory_space<vmem>>, vector<1000x512xf32>
    tpu.vector_store %arg7[%swap3A, %swap3A_67], %add3A_66 {strides = array<i32>} : memref<1000x512xf32, #tpu.memory_space<vmem>>, vector<1000x512xf32>,
    return
  }
  func.func @transform_0(%arg0: i32) -> (i32, i32, i32) {
    %c0_i32 = arith.constant 0 : i32
    %c0_i32_0 = arith.constant 0 : i32
    %c0_i32_1 = arith.constant 0 : i32
    return %c0_i32, %arg0, %c0_i32_0 : i32, i32, i32
  }
  func.func @transform_1(%arg0: i32) -> (i32, i32) {
    %c0_i32 = arith.constant 0 : i32
    %c0_i32_0 = arith.constant 0 : i32
    return %arg0, %c0_i32 : i32, i32
  }
  func.func @transform_2(%arg0: i32) -> (i32, i32) {
    %c0_i32 = arith.constant 0 : i32
    %c0_i32_0 = arith.constant 0 : i32
    %c0_i32_1 = arith.constant 0 : i32
    return %c0_i32, %c0_i32_0 : i32, i32
  }
  func.func @transform_3(%arg0: i32) -> (i32, i32) {
    %c0_i32 = arith.constant 0 : i32
    %c0_i32_0 = arith.constant 0 : i32
    %c0_i32_1 = arith.constant 0 : i32
    return %c0_i32, %c0_i32_0 : i32, i32
  }
  func.func @transform_4(%arg0: i32) -> (i32, i32) {
    %c0_i32 = arith.constant 0 : i32
    %c0_i32_0 = arith.constant 0 : i32
    %c0_i32_1 = arith.constant 0 : i32
    return %c0_i32, %c0_i32_0 : i32, i32
  }
  func.func @transform_5(%arg0: i32) -> (i32, i32) {
    %c0_i32 = arith.constant 0 : i32
    %c0_i32_0 = arith.constant 0 : i32
    %c0_i32_1 = arith.constant 0 : i32
    return %c0_i32, %c0_i32_0 : i32, i32
  }
  func.func @transform_6(%arg0: i32) -> (i32, i32) {
    %c0_i32 = arith.constant 0 : i32
    %c0_i32_0 = arith.constant 0 : i32
    return %arg0, %c0_i32 : i32, i32
  }
}

</mosaic_0001>

<sc_bundles>
// kernel: _impl_a.5.cloned.1.call-start
scs
__scs_entry_jumppad:
0x0: {  	(pc) =	sbr.rel $0x88, $3  }
0x1: {  	(tag) =	ssettag $0x0;
	lr =	simm.s32 $0x1  }
0x2: {  	[smem:$0x3F9A] =	sst lr;
	_ =	strace $0xD0000000  }
0x3: {  	_ = 	snop  }
0x4: {  	_ = 	snop  }
0x5: {  	_ = 	snop  }
0x6: {  	_ = 	snop  }
0x7: {  	_ = 	snop  }
__scs_overlays_trampoline_lowered:
0x8: {  	[smem:$0x3FA9] =	sst s0  }
0x9: {  	[smem:$0x3FAA] =	sst s1  }
0xa: {  	[smem:$0x3FAB] =	sst s2  }
0xb: {  	[smem:$0x3FAC] =	sst s3  }
0xc: {  	[smem:$0x3FAD] =	sst s4  }
0xd: {  	[smem:$0x3FAE] =	sst s5  }
0xe: {  	[smem:$0x3FAF] =	sst s6  }
0xf: {  	[smem:$0x3FB0] =	sst s7  }
0x10: {  	[smem:$0x3FB1] =	sst s8  }
0x11: {  	[smem:$0x3FB2] =	sst s9;
	s0 =	simm.s32 @!p0 $0x0  }
0x12: {  	s1 =	sld [smem:$0x3F98];
	s0 =	simm.s32 @p0 $0x1  }
0x13: {  	[smem:$0x3FB3] =	sst s0;
	s0 =	simm.s32 @!p1 $0x0  }
0x14: {  	s2 =	sld [smem:$0x3F97];
	s0 =	simm.s32 @p1 $0x1  }
0x15: {  	[smem:$0x3FB4] =	sst s0;
	s0 =	simm.s32 @!p2 $0x0  }
0x16: {  	s3 =	sld [smem:$0x3FDB];
	s0 =	simm.s32 @p2 $0x1  }
0x17: {  	s4 =	simm.s32 $0x1BF5;
	[smem:$0x3FB6] =	sst s0  }
0x18: {  	s0 =	sld [smem:$0x3F99];
	_ =	swait.ge [sflag:s4], $0x0  }
0x19: {  	s7 =	sld [smem:$0x3F9A]  }
0x1a: {  	s8 =	sadd.s32 $0xFFFFE003, lr  }
0x1b: {  	s9 =	sadd.s32 $0xFFFFFEF7, lr;
	s5 =	simm.s32 $0xFFFFFFFF;
	p2 =	slt.u32 s8, $0xFFFFF086  }
0x1c: {  	p1 =	slt.u32 s9, $0xF7A;
	s5 =	simm.s32 @!p2 $0x0  }
0x1d: {  	s5 =	simm.s32 @p1 $0x1;
	p0 =	seq.s32 s7, s2  }
0x1e: {  	s7 =	smul.u32 @!p0 $0xF7A, s2;
	p2 =	seq.s32 @!p0 s5, $0x0  }
0x1f: {  	s9 =	smul.u32 $0xF7A, s1;
	s8 =	simm.s32 @!p0 $0x1BF5;
	p2 =	por !p2, p0  }
0x20: {  	[sflag:s8] =	ssyncset.s32 @!p0 $0xFFFFF086;
	s6 =	sadd.s32 @!p0 s3, s7;
	s7 =	simm.s32 @!p0 $0x108  }
0x21: {  	s3 =	sadd.s32 s3, s9;
	s6 =	sadd.s32 @!p0 $0x88, s6;
	s7 =	simm.s32 @p2 $0x1082  }
0x22: {  	[simem:s7], [sflag:s8] =	dma.local @!p0 [hbm:s6], $0xF7A  }
0x23: {  	s9 =	sor.u32 $0xD0000000, s2;
	s6 =	simm.s32 $0x108;
	_ =	swait.ge @!p0 [sflag:s8], $0x0  }
0x24: {  	s3 =	sadd.s32 $0x88, s3;
	s6 =	simm.s32 @!p1 $0x1082;
	[sflag:s4] =	ssyncset.s32 $0xFFFFF086  }
0x25: {  	[simem:s6], [sflag:s4] =	dma.local [hbm:s3], $0xF7A  }
0x26: {  	[smem:$0x3F9A] =	sst s1;
	(tag) =	ssettag s2;
	_ =	strace s9  }
0x27: {  	s1 =	sld [smem:$0x3FAA]  }
0x28: {  	s2 =	sld [smem:$0x3FAB]  }
0x29: {  	s4 =	sld [smem:$0x3FAD]  }
0x2a: {  	p0 =	seq.s32 s5, $0x0;
	s5 =	sld [smem:$0x3FAE]  }
0x2b: {  	s6 =	sld [smem:$0x3FAF]  }
0x2c: {  	s7 =	sld [smem:$0x3FB0]  }
0x2d: {  	s3 =	simm.s32 $0x108;
	s8 =	sld [smem:$0x3FB1]  }
0x2e: {  	s3 =	simm.s32 @!p0 $0x1082;
	s9 =	sld [smem:$0x3FB2]  }
0x2f: {  	lr =	sadd.s32 s0, s3;
	s0 =	sld [smem:$0x3FA9]  }
0x30: {  	s3 =	sld [smem:$0x3FAC]  }
0x31: {  	[smem:$0x3FB5] =	sst s10  }
0x32: {  	s10 =	sld [smem:$0x3FB3];
	_ =	sdelay $0x3  }
0x33: {  	p0 =	seq.s32 s10, $0x1;
	s10 =	sld [smem:$0x3FB5];
	_ =	sdelay $0x3  }
0x34: {  	[smem:$0x3FB5] =	sst s10  }
0x35: {  	s10 =	sld [smem:$0x3FB4];
	_ =	sdelay $0x3  }
0x36: {  	p1 =	seq.s32 s10, $0x1;
	s10 =	sld [smem:$0x3FB5];
	_ =	sdelay $0x3  }
0x37: {  	[smem:$0x3FB5] =	sst s10  }
0x38: {  	s10 =	sld [smem:$0x3FB6]  }
0x39: {  	_ = 	snop;
	(pc) =	sbr.ind lr, $3  }
0x3a: {  	_ = 	snop  }
0x3b: {  	_ = 	snop  }
0x3c: {  	p2 =	seq.s32 s10, $0x1;
	s10 =	sld [smem:$0x3FB5]  }
0x3d: {  	_ =	shalt  }
0x3e: {  	_ =	shalt  }
0x3f: {  	_ =	shalt  }
0x40: {  	_ =	shalt  }
0x41: {  	_ =	shalt  }
0x42: {  	_ =	shalt  }
0x43: {  	_ =	shalt  }
0x44: {  	_ =	shalt  }
0x45: {  	_ =	shalt  }
0x46: {  	_ =	shalt  }
0x47: {  	_ =	shalt  }
0x48: {  	_ =	shalt  }
0x49: {  	_ =	shalt  }
0x4a: {  	_ =	shalt  }
0x4b: {  	_ =	shalt  }
0x4c: {  	_ =	shalt  }
0x4d: {  	_ =	shalt  }
0x4e: {  	_ =	shalt  }
0x4f: {  	_ =	shalt  }
0x50: {  	_ =	shalt  }
0x51: {  	_ =	shalt  }
0x52: {  	_ =	shalt  }
0x53: {  	_ =	shalt  }
0x54: {  	_ =	shalt  }
0x55: {  	_ =	shalt  }
0x56: {  	_ =	shalt  }
0x57: {  	_ =	shalt  }
0x58: {  	_ =	shalt  }
0x59: {  	_ =	shalt  }
0x5a: {  	_ =	shalt  }
0x5b: {  	_ =	shalt  }
0x5c: {  	_ =	shalt  }
0x5d: {  	_ =	shalt  }
0x5e: {  	_ =	shalt  }
0x5f: {  	_ =	shalt  }
0x60: {  	_ =	shalt  }
0x61: {  	_ =	shalt  }
0x62: {  	_ =	shalt  }
0x63: {  	_ =	shalt  }
0x64: {  	_ =	shalt  }
0x65: {  	_ =	shalt  }
0x66: {  	_ =	shalt  }
0x67: {  	_ =	shalt  }
0x68: {  	_ =	shalt  }
0x69: {  	_ =	shalt  }
0x6a: {  	_ =	shalt  }
0x6b: {  	_ =	shalt  }
0x6c: {  	_ =	shalt  }
0x6d: {  	_ =	shalt  }
0x6e: {  	_ =	shalt  }
0x6f: {  	_ =	shalt  }
0x70: {  	_ =	shalt  }
0x71: {  	_ =	shalt  }
0x72: {  	_ =	shalt  }
0x73: {  	_ =	shalt  }
0x74: {  	_ =	shalt  }
0x75: {  	_ =	shalt  }
0x76: {  	_ =	shalt  }
0x77: {  	_ =	shalt  }
0x78: {  	_ =	shalt  }
0x79: {  	_ =	shalt  }
0x7a: {  	_ =	shalt  }
0x7b: {  	_ =	shalt  }
0x7c: {  	_ =	shalt  }
0x7d: {  	_ =	shalt  }
0x7e: {  	_ =	shalt  }
0x7f: {  	_ =	shalt  }
0x80: {  	_ =	shalt  }
0x81: {  	_ =	shalt  }
0x82: {  	_ =	shalt  }
0x83: {  	_ =	shalt  }
0x84: {  	_ =	shalt  }
0x85: {  	_ =	shalt  }
0x86: {  	_ =	shalt  }
0x87: {  	_ =	shalt  }
.Lfunc_end0:
.L_simem_size_0:
called_computation_lowered:
.L_overlay_start_0:
0x88: {  	s0 =	sld [smem:$0x3FD9]  }
0x89: {  	s1 =	sld [smem:$0x3FFE];
	_ =	sdelay $0x3  }
0x8a: {  	s0 =	sadd.s32 s1, s0  }
0x8b: {  	[smem:$0x3FC1] =	sst s0  }
0x8c: {  	_ = 	snop  }
0x8d: {  	s0 =	sld [smem:$0x3FD0];
	_ =	sdelay $0x2  }
0x8e: {  	s13 =	simm.s32 $0xA;
	s2 =	simm.s32 $0x10  }
0x8f: {  	[smem:s2], [sflag:s13] =	dma.local [hbm:s0], $0x1  }
0x90: {  	_ =	swait.eq [sflag:s13], $0x1  }
0x91: {  	[sflag:s13] =	ssyncset.done $0x0  }
0x92: {  	[sflag:s13] =	ssyncadd.s32 $0xFFFFFFFF  }
0x93: {  	s14 =	sld [smem:$0x10];
	(tm) =	ssettm $0x1  }
0x94: {  	s15 =	sld [smem:$0x3FFB];
	_ =	sdelay $0x3  }
0x95: {  	_ =	strace s15  }
0x96: {  	s1 =	sld [smem:$0x3FFC];
	_ =	sdelay $0x3  }
0x97: {  	_ =	strace s1  }
0x98: {  	s1 =	sld [smem:$0x3FFD];
	_ =	sdelay $0x3  }
0x99: {  	_ =	strace s1  }
0x9a: {  	_ =	strace $0x8FFFFFFF  }
0x9b: {  	s16 =	sld [smem:$0x3FDB];
	_ =	sdelay $0x1  }
0x9c: {  	s17 =	simm.s32 $_scs_section_size  }
0x9d: {  	s3 =	simm.s32 $_size__tile_overlayer_lowered;
	s4 =	simm.s32 $_tile_overlayer_lowered  }
0x9e: {  	s20 =	simm.s32 $0x1BFF;
	s19 =	sshll.u32 s4, $0x1;
	s1 =	sadd.s32 s17, s16  }
0x9f: {  	s5 =	simm.s32 $0x0;
	s18 =	sshll.u32 s3, $0x1;
	s3 =	sadd.s32 s19, s1  }
0xa0: {  	[timem:s5], [sflag:s20] =	dma.local [hbm:s3], s18  }
0xa1: {  	_ =	swait.ge [sflag:s20], s18  }
0xa2: {  	s2 =	ssub.s32 $0x0, s18;
	[sflag:s20] =	ssyncset.done $0x0  }
0xa3: {  	[sflag:s20] =	ssyncadd.s32 s2;
	_ =	sdelay $0x1  }
0xa4: {  	s21 =	simm.s32 $0x1B8B  }
0xa5: {  	_ =	swait.ge [sflag:s21], $0x1  }
0xa6: {  	[sflag:s21] =	ssyncset.done $0x0  }
0xa7: {  	s23 =	simm.s32 $0x1B8E;
	s22 =	sld [smem:$0x3FFE];
	[sflag:s21] =	ssyncadd.s32 $0xFFFFFFFF  }
0xa8: {  	s24 =	simm.s32 $execute0_lowered;
	[smem:$0x3FD2] =	sst s23  }
0xa9: {  	s3 =	sshll.u32 s24, $0x1;
	_ =	strace $0x80000046;
	[dreg:$0x1] =	wrdreg $0xFFFFFFFF  }
0xaa: {  	s25 =	simm.s32 $_size_execute0_lowered;
	s1 =	sadd.s32 s1, s3;
	[dreg:$0x0] =	wrdreg $0x0  }
0xab: {  	s3 =	sshll.u32 s25, $0x1;
	[dreg:$0x2] =	wrdreg s1  }
0xac: {  	[dreg:$0x3] =	wrdreg s3  }
0xad: {  	[dreg:$0x4] =	wrdreg $0xC0  }
0xae: {  	_ =	task [dreg:s5], $0x5FFFF  }
0xaf: {  	[dreg:$0x1] =	wrdreg $0xFFFFFFFF  }
0xb0: {  	[dreg:$0x0] =	wrdreg $0x60  }
0xb1: {  	[dreg:$0x2] =	wrdreg s14  }
0xb2: {  	[dreg:$0x3] =	wrdreg s22  }
0xb3: {  	[dreg:$0x4] =	wrdreg $0x190000  }
0xb4: {  	[dreg:$0x5] =	wrdreg $0x9  }
0xb5: {  	_ =	task.clear_ibuf [dreg:s5], $0x6FFFF;
	_ =	strace $0x90000046  }
0xb6: {  	s26 =	simm.s32 $0x9;
	_ =	strace $0x80000048  }
0xb7: {  	_ =	swait.ge [sflag:s26], $0x1  }
0xb8: {  	[sflag:s26] =	ssyncadd.s32 $0xFFFFFFFF  }
0xb9: {  	_ =	strace $0x90000048  }
0xba: {  	_ =	sfence  }
0xbb: {  	s28 =	sld [smem:$0x0];
	_ =	sdelay $0x1  }
0xbc: {  	s29 =	srdreg.scid  }
0xbd: {  	s30 =	sshll.u32 s29, $0xD;
	s31 =	sshrl.u32 s29, $0x2  }
0xbe: {  	s2 =	sand.u32 $0x4000, s30;
	s1 =	sand.u32 $0x1, s29;
	s0 =	sadd.s32 s31, s28  }
0xbf: {  	s1 =	sor.u32 s2, s1;
	s0 =	sshll.u32 s0, $0x11  }
0xc0: {  	s0 =	sor.u32 s0, s1  }
0xc1: {  	s0 =	sadd.s32 $0x8F2B, s0  }
0xc2: {  	[sflag:s0] =	ssyncadd.remote.s32 $0x1  }
0xc3: {  	_ =	sfence.sel $0xFFFF  }
0xc4: {  	[dreg:$0x0] =	wrdreg $0xFFFFFFFF;
	(pc) =	sbr.abs _section_cstart, $3  }
0xc5: {  	[dreg:$0x1] =	wrdreg $0xFFFFFFFF  }
0xc6: {  	_ =	task.clear_ibuf [dreg:s5], $0x2FFFF;
	_ =	strace $0x9FFFFFFF  }
0xc7: {  	(tm) =	ssettm $0x7FFFFFFF  }
tec
execute0_lowered:
.L_overlay_start_1:
0x0: {  	(tag) =	ssettag $0x1  }
0x1: {  	s3 =	rddreg [dreg:$0x0]  }
0x2: {  	s4 =	rddreg [dreg:$0x1]  }
0x3: {  	s2 =	rddreg [dreg:$0x2];
	s1 =	stileid.u32  }
0x4: {  	s0 =	rddreg [dreg:$0x3];
	s5 =	simm.s32 $0x0;
	s6 =	sshll.u32 s1, $0xB  }
0x5: {  	[smem:$0x7FF] =	sst s5;
	s6 =	sadd.s32 s6, s4  }
0x6: {  	s31 =	simm.s32 $0x2;
	_ =	strace $0x80000047;
	s7 =	sadd.s32 $0xE00, s6  }
0x7: {  	[tilespmem:s5], [sflag:$0x2] =	stream.linear.gather [hbm4b:s7+s5], $0x3E80, $0x38;
	[tilespmem:$0x1F880] =	vst v63  }
0x8: {  	_ =	swait.ge [sflag:s31], $0x3E80  }
0x9: {  	[sflag:s31] =	ssyncset.done $0x0  }
0xa: {  	s8 =	simm.s32 $0x4000;
	s6 =	sadd.s32 $0x8E00, s6;
	[sflag:s31] =	ssyncadd.s32 $0xFFFFC180  }
0xb: {  	[tilespmem:s8], [sflag:$0x2] =	stream.linear.gather [hbm4b:s6+s5], $0x3E80, $0x38;
	[tilespmem:$0x1F880] =	vst v63  }
0xc: {  	_ =	swait.ge [sflag:s31], $0x3E80  }
0xd: {  	s5 =	sadd.s32 $0xAD200, s4;
	[sflag:s31] =	ssyncset.done $0x0  }
0xe: {  	v0 =	vimm.f32 $0.0e+00;
	s4 =	simm.s32 $0x0;
	s6 =	simm.s32 $0x200;
	[sflag:s31] =	ssyncadd.s32 $0xFFFFC180  }
.LBB2_1:
0xf: {  	p0 =	sne.s32 s6, $0x19E00;
	[tilespmem:s4+$0x12870] =	vst v0  }
0x10: {  	[tilespmem:s4+$0x12800] =	vst v0  }
0x11: {  	[tilespmem:s4+$0x12810] =	vst v0  }
.Ltmp0:
0x12: {  	[tilespmem:s4+$0x12820] =	vst v0;
	(pc) =	sbr.rel @p0 .LBB2_1-.Ltmp0, $4  }
0x13: {  	[tilespmem:s4+$0x12830] =	vst v0  }
0x14: {  	[tilespmem:s4+$0x12840] =	vst v0  }
0x15: {  	[tilespmem:s4+$0x12850] =	vst v0  }
0x16: {  	[tilespmem:s4+$0x12860] =	vst v0;
	s4 =	sshra.s32 s6, $0x2;
	s6 =	sadd.s32 $0x200, s6  }
0x17: {  	[tilespmem:s4+$0x12870] =	vst v0  }
0x18: {  	[tilespmem:s4+$0x12800] =	vst v0  }
0x19: {  	[tilespmem:s4+$0x12810] =	vst v0  }
0x1a: {  	[tilespmem:s4+$0x12820] =	vst v0  }
0x1b: {  	[tilespmem:s4+$0x12830] =	vst v0  }
0x1c: {  	[tilespmem:s4+$0x12840] =	vst v0  }
0x1d: {  	[tilespmem:s4+$0x12850] =	vst v0  }
0x1e: {  	[tilespmem:s4+$0x12860] =	vst v0;
	s4 =	simm.s32 $0x0  }
0x1f: {  	v3 =	vld [tilespmem:s4+$0x40]  }
0x20: {  	v4 =	vld [tilespmem:s4+$0x0]  }
0x21: {  	v2 =	vld [tilespmem:s4+$0x10]  }
0x22: {  	v0 =	vld [tilespmem:s4+$0x20]  }
0x23: {  	s6 =	simm.s32 $0x200;
	v1 =	vld [tilespmem:s4+$0x30]  }
.LBB2_3:
0x24: {  	s7 =	sshra.s32 s6, $0x2;
	p0 =	sne.s32 s6, $0xF800;
	s6 =	sadd.s32 $0x200, s6;
	v5 =	vshll.u32 v3, $0x2  }
.Ltmp1:
0x25: {  	v3 =	vld [tilespmem:s7+$0x40];
	v6 =	vshll.u32 v4, $0x2;
	[tilespmem:s4+$0x8040] =	vst v5;
	(pc) =	sbr.rel @p0 .LBB2_3-.Ltmp1, $4  }
0x26: {  	v4 =	vld [tilespmem:s7+$0x0];
	[tilespmem:s4+$0x8000] =	vst v6;
	v5 =	vshll.u32 v2, $0x2  }
0x27: {  	v2 =	vld [tilespmem:s7+$0x10];
	[tilespmem:s4+$0x8010] =	vst v5;
	v5 =	vshll.u32 v0, $0x2  }
0x28: {  	v0 =	vld [tilespmem:s7+$0x20];
	[tilespmem:s4+$0x8020] =	vst v5;
	v5 =	vshll.u32 v1, $0x2  }
0x29: {  	v1 =	vld [tilespmem:s7+$0x30];
	[tilespmem:s4+$0x8030] =	vst v5;
	s4 =	smov.u32 s7  }
0x2a: {  	v3 =	vshll.u32 v3, $0x2  }
0x2b: {  	v4 =	vshll.u32 v4, $0x2;
	[tilespmem:s4+$0x8040] =	vst v3  }
0x2c: {  	[tilespmem:s4+$0x8000] =	vst v4;
	v2 =	vshll.u32 v2, $0x2  }
0x2d: {  	[tilespmem:s4+$0x8010] =	vst v2;
	v0 =	vshll.u32 v0, $0x2  }
0x2e: {  	[tilespmem:s4+$0x8020] =	vst v0;
	v0 =	vshll.u32 v1, $0x2  }
0x2f: {  	[tilespmem:s4+$0x8030] =	vst v0;
	s4 =	simm.s32 $0x0  }
0x30: {  	v3 =	vld [tilespmem:s4+$0x4040]  }
0x31: {  	v4 =	vld [tilespmem:s4+$0x4000]  }
0x32: {  	v2 =	vld [tilespmem:s4+$0x4010]  }
0x33: {  	v0 =	vld [tilespmem:s4+$0x4020]  }
0x34: {  	s6 =	simm.s32 $0x200;
	v1 =	vld [tilespmem:s4+$0x4030]  }
.LBB2_5:
0x35: {  	s7 =	sshra.s32 s6, $0x2;
	p0 =	sne.s32 s6, $0xF800;
	s6 =	sadd.s32 $0x200, s6;
	v5 =	vmin.u32 v3, $0xD08  }
.Ltmp2:
0x36: {  	v3 =	vld [tilespmem:s7+$0x4040];
	v6 =	vmin.u32 v4, $0xD08;
	[tilespmem:s4+$0xC040] =	vst v5;
	(pc) =	sbr.rel @p0 .LBB2_5-.Ltmp2, $4  }
0x37: {  	v4 =	vld [tilespmem:s7+$0x4000];
	[tilespmem:s4+$0xC000] =	vst v6;
	v5 =	vmin.u32 v2, $0xD08  }
0x38: {  	v2 =	vld [tilespmem:s7+$0x4010];
	[tilespmem:s4+$0xC010] =	vst v5;
	v5 =	vmin.u32 v0, $0xD08  }
0x39: {  	v0 =	vld [tilespmem:s7+$0x4020];
	[tilespmem:s4+$0xC020] =	vst v5;
	v5 =	vmin.u32 v1, $0xD08  }
0x3a: {  	v1 =	vld [tilespmem:s7+$0x4030];
	[tilespmem:s4+$0xC030] =	vst v5;
	s4 =	smov.u32 s7  }
0x3b: {  	v3 =	vmin.u32 v3, $0xD08  }
0x3c: {  	v4 =	vmin.u32 v4, $0xD08;
	[tilespmem:s4+$0xC040] =	vst v3  }
0x3d: {  	s6 =	smul.u32 $0x1A000, s1;
	[tilespmem:s4+$0xC000] =	vst v4;
	v2 =	vmin.u32 v2, $0xD08  }
0x3e: {  	[tilespmem:s4+$0xC010] =	vst v2;
	v0 =	vmin.u32 v0, $0xD08  }
0x3f: {  	s6 =	sshrl.u32 s6, $0x2;
	[tilespmem:s4+$0xC020] =	vst v0;
	v63 =	vmin.u32 v1, $0xD08  }
0x40: {  	s29 =	simm.s32 $0x12800;
	s7 =	simm.s32 $0x2;
	s6 =	sadd.s32 s6, s2;
	[tilespmem:s4+$0xC030] =	vst v63  }
0x41: {  	[spmem:s6] =	stream.linear.scatter [tilespmem:s29], [sflag:$0x2], $0x6800, $0x38;
	[tilespmem:$0x1F880] =	vst v63  }
0x42: {  	_ =	swait.ge [sflag:s7], $0x6800  }
0x43: {  	p0 =	sne.s32 s1, $0xF;
	s10 =	sadd.s32 $0x68000, s2;
	[sflag:s7] =	ssyncset.done $0x0  }
0x44: {  	s12 =	smul.u32 $0xD00, s1;
	s4 =	simm.s32 @!p0 $0x12800;
	[sflag:s7] =	ssyncadd.s32 $0xFFFF9800  }
0x45: {  	[spmem:s10] =	stream.linear.scatter @!p0 [tilespmem:s4], [sflag:$0x2], $0x400, $0x38;
	[tilespmem:$0x1F880] =	vst v63  }
0x46: {  	s8 =	smul.u32 $0x6800, s1;
	s4 =	simm.s32 @!p0 $0x2  }
0x47: {  	s18 =	sadd.s32 $0xD000, s5;
	s19 =	simm.s32 $0x10000;
	_ =	swait.ge @!p0 [sflag:s4], $0x400  }
0x48: {  	s20 =	simm.s32 $0x1;
	s30 =	simm.s32 $0x8000;
	[sflag:s4] =	ssyncset.done @!p0 $0x0  }
0x49: {  	s16 =	sadd.s32 $0x1A080, s5;
	s14 =	sadd.s32 $0x27100, s5;
	[sflag:s4] =	ssyncadd.s32 @!p0 $0xFFFFFC00  }
0x4a: {  	s13 =	sshrl.u32 s8, $0x3;
	s8 =	simm.s32 $0x50;
	[bflag:$0x0] =	sbarrier.arrive $0xFFFF  }
0x4b: {  	[tilespmem:s19], [sflag:$0x1] =	stream.indirect.gather [hbm4b:s3+s8], $0x80, s30, s8, $0xb8;
	[tilespmem:$0x1F880] =	vst v63  }
0x4c: {  	s31 =	simm.s32 $0xC000;
	s22 =	simm.s32 $0x400;
	_ =	swait.ge [sflag:s20], $0x2800  }
0x4d: {  	s21 =	simm.s32 $0x80;
	s9 =	sadd.s32 $0xD080, s13;
	[sflag:s20] =	ssyncset.done $0x0  }
0x4e: {  	s11 =	sadd.s32 s5, s12;
	s17 =	sadd.s32 s5, s9;
	[sflag:s20] =	ssyncadd.s32 $0xFFFFD800  }
0x4f: {  	[spmem:s2] =	stream.indirect.scatter.add.f32 [tilespmem:s19], [sflag:$0x2], $0x80, s31, s8, $0xb8;
	[tilespmem:$0x1F880] =	vst v63  }
0x50: {  	s4 =	sadd.s32 $0x1A100, s13;
	s13 =	sadd.s32 $0x4E200, s5;
	_ =	swait.ge [sflag:s7], $0x2800  }
0x51: {  	s15 =	sadd.s32 s5, s4;
	s5 =	sadd.s32 $0x75300, s5;
	[sflag:s7] =	ssyncset.done $0x0  }
.LBB2_7:
0x52: {  	s23 =	sadd.s32 $0x8000, s21  }
0x53: {  	[sflag:s7] =	ssyncadd.s32 $0xFFFFD800;
	s24 =	smov.u32 s22;
	s25 =	sadd.s32 $0x200, s22  }
0x54: {  	[tilespmem:s19], [sflag:$0x1] =	stream.indirect.gather [hbm4b:s3+s8], $0x80, s23, s8, $0xb8;
	[tilespmem:$0x1F880] =	vst v63  }
0x55: {  	p1 =	sne.s32 s22, $0xF800;
	_ =	swait.ge [sflag:s20], $0x2800  }
.Ltmp3:
0x56: {  	[sflag:s20] =	ssyncset.done $0x0;
	(pc) =	sbr.rel @p1 .LBB2_7-.Ltmp3, $4  }
0x57: {  	s21 =	sadd.s32 $0xC000, s21;
	[sflag:s20] =	ssyncadd.s32 $0xFFFFD800  }
0x58: {  	[spmem:s2] =	stream.indirect.scatter.add.f32 [tilespmem:s19], [sflag:$0x2], $0x80, s21, s8, $0xb8;
	[tilespmem:$0x1F880] =	vst v63  }
0x59: {  	_ =	swait.ge [sflag:s7], $0x2800  }
0x5a: {  	s22 =	smov.u32 s25;
	s21 =	sshra.s32 s24, $0x2;
	[sflag:s7] =	ssyncset.done $0x0  }
0x5b: {  	s22 =	sadd.s32 $0x8000, s21;
	[sflag:s7] =	ssyncadd.s32 $0xFFFFD800  }
0x5c: {  	[tilespmem:s19], [sflag:$0x1] =	stream.indirect.gather [hbm4b:s3+s8], $0x80, s22, s8, $0xb8;
	[tilespmem:$0x1F880] =	vst v63  }
0x5d: {  	_ =	swait.ge [sflag:s20], $0x2800  }
0x5e: {  	[sflag:s20] =	ssyncset.done $0x0  }
0x5f: {  	s29 =	sadd.s32 $0xC000, s21;
	[sflag:s20] =	ssyncadd.s32 $0xFFFFD800  }
0x60: {  	[spmem:s2] =	stream.indirect.scatter.add.f32 [tilespmem:s19], [sflag:$0x2], $0x80, s29, s8, $0xb8;
	[tilespmem:$0x1F880] =	vst v63  }
0x61: {  	_ =	swait.ge [sflag:s7], $0x2800  }
0x62: {  	[sflag:s7] =	ssyncset.done $0x0  }
0x63: {  	s30 =	sshll.u32 s1, $0x6;
	s31 =	simm.s32 $0x2;
	[sflag:s7] =	ssyncadd.s32 $0xFFFFD800  }
0x64: {  	s8 =	sshrl.u32 s6, $0x3;
	s7 =	sor.u32 $0x1C02, s30;
	[bflag:$0x0] =	sbarrier.arrive $0xFFFF  }
0x65: {  	[hbm:s11], [sflag:s7] =	dma.local [spmem:s8], $0xD00  }
0x66: {  	_ =	swait.ge [sflag:s31], $0xD00  }
0x67: {  	[sflag:s31] =	ssyncset.done $0x0  }
0x68: {  	s11 =	sshrl.u32 @!p0 s10, $0x3;
	[sflag:s31] =	ssyncadd.s32 $0xFFFFF300  }
0x69: {  	[hbm:s18], [sflag:s7] =	dma.local @!p0 [spmem:s11], $0x80  }
0x6a: {  	s18 =	simm.s32 @!p0 $0x2  }
0x6b: {  	_ =	swait.ge @!p0 [sflag:s18], $0x80  }
0x6c: {  	[sflag:s18] =	ssyncset.done @!p0 $0x0  }
0x6d: {  	s19 =	simm.s32 $0x0;
	[sflag:s18] =	ssyncadd.s32 @!p0 $0xFFFFFF80  }
0x6e: {  	v0 =	vld [tilespmem:s19+$0x4040]  }
0x6f: {  	v1 =	vld [tilespmem:s19+$0x4000]  }
0x70: {  	s18 =	simm.s32 $0x80;
	v3 =	vld [tilespmem:s19+$0x4010]  }
0x71: {  	v7 =	vld [tilespmem:s18+$0x4040]  }
0x72: {  	v4 =	vld [tilespmem:s19+$0x4020]  }
0x73: {  	v5 =	vld [tilespmem:s19+$0x4030];
	v2 =	vadd.s32 $0xFFFFE5F0, v0  }
0x74: {  	v0 =	vadd.s32 $0xFFFFF2F8, v0;
	vm0 =	vlt.u32 v2, $0xFFFFF2F8  }
0x75: {  	v6 =	vadd.s32 $0xFFFFE5F0, v3;
	v9 =	vadd.s32 $0xFFFFF2F8, v1;
	v8 =	vsel vm0, $0xD08, v0  }
0x76: {  	v11 =	vadd.s32 $0xFFFFE5F0, v7;
	v7 =	vadd.s32 $0xFFFFF2F8, v7;
	v2 =	vadd.s32 $0xFFFFE5F0, v1;
	v0 =	vld [tilespmem:s18+$0x4000];
	[tilespmem:s19+$0xC040] =	vst v8  }
0x77: {  	vm1 =	vlt.u32 v6, $0xFFFFF2F8;
	v1 =	vadd.s32 $0xFFFFE5F0, v4;
	vm0 =	vlt.u32 v2, $0xFFFFF2F8;
	v2 =	vld [tilespmem:s18+$0x4010]  }
0x78: {  	v6 =	vadd.s32 $0xFFFFF2F8, v3;
	v3 =	vadd.s32 $0xFFFFE5F0, v5;
	vm2 =	vlt.u32 v1, $0xFFFFF2F8;
	v1 =	vld [tilespmem:s18+$0x4020]  }
0x79: {  	v4 =	vadd.s32 $0xFFFFF2F8, v4;
	vm3 =	vlt.u32 v3, $0xFFFFF2F8;
	v9 =	vsel vm0, $0xD08, v9;
	v3 =	vld [tilespmem:s18+$0x4030]  }
0x7a: {  	v10 =	vsel vm1, $0xD08, v6;
	v8 =	vadd.s32 $0xFFFFF2F8, v5;
	v5 =	vsel vm2, $0xD08, v4;
	[tilespmem:s19+$0xC000] =	vst v9  }
0x7b: {  	s21 =	simm.s32 $0x600;
	s20 =	simm.s32 $0x100;
	vm0 =	vlt.u32 v11, $0xFFFFF2F8;
	v4 =	vsel vm3, $0xD08, v8;
	[tilespmem:s19+$0xC010] =	vst v10;
	v6 =	vadd.s32 $0xFFFFE5F0, v0  }
.LBB2_9:
0x7c: {  	p1 =	sne.s32 s21, $0xF800;
	v8 =	vld [tilespmem:s20+$0x4040];
	vm1 =	vlt.u32 v6, $0xFFFFF2F8;
	v6 =	vadd.s32 $0xFFFFE5F0, v2;
	v7 =	vsel vm0, $0xD08, v7;
	[tilespmem:s19+$0xC020] =	vst v5  }
0x7d: {  	v5 =	vadd.s32 $0xFFFFF2F8, v0;
	v0 =	vld [tilespmem:s20+$0x4000];
	vm0 =	vlt.u32 v6, $0xFFFFF2F8;
	v6 =	vadd.s32 $0xFFFFE5F0, v1;
	[tilespmem:s18+$0xC040] =	vst v7  }
.Ltmp4:
0x7e: {  	v7 =	vadd.s32 $0xFFFFF2F8, v2;
	v2 =	vld [tilespmem:s20+$0x4010];
	vm2 =	vlt.u32 v6, $0xFFFFF2F8;
	v6 =	vadd.s32 $0xFFFFE5F0, v3;
	[tilespmem:s19+$0xC030] =	vst v4;
	s19 =	smov.u32 s18;
	s18 =	smov.u32 s20;
	(pc) =	sbr.rel @p1 .LBB2_9-.Ltmp4, $4  }
0x7f: {  	v4 =	vadd.s32 $0xFFFFF2F8, v1;
	v1 =	vld [tilespmem:s18+$0x4020];
	vm3 =	vlt.u32 v6, $0xFFFFF2F8;
	v6 =	vadd.s32 $0xFFFFF2F8, v3  }
0x80: {  	v9 =	vsel vm1, $0xD08, v5;
	v10 =	vsel vm0, $0xD08, v7;
	v5 =	vsel vm2, $0xD08, v4;
	v3 =	vld [tilespmem:s18+$0x4030]  }
0x81: {  	v4 =	vsel vm3, $0xD08, v6;
	v7 =	vadd.s32 $0xFFFFE5F0, v8;
	[tilespmem:s19+$0xC000] =	vst v9  }
0x82: {  	s20 =	sshra.s32 s21, $0x2;
	s21 =	sadd.s32 $0x200, s21;
	v6 =	vadd.s32 $0xFFFFE5F0, v0;
	vm0 =	vlt.u32 v7, $0xFFFFF2F8;
	v7 =	vadd.s32 $0xFFFFF2F8, v8;
	[tilespmem:s19+$0xC010] =	vst v10  }
0x83: {  	v8 =	vld [tilespmem:s20+$0x4040];
	[tilespmem:s19+$0xC020] =	vst v5;
	v43 =	vsel vm0, $0xD08, v7;
	v9 =	vadd.s32 $0xFFFFE5F0, v2  }
0x84: {  	vm10 =	vlt.u32 v6, $0xFFFFF2F8;
	v0 =	vadd.s32 $0xFFFFF2F8, v0;
	v46 =	vadd.s32 $0xFFFFF2F8, v2;
	v44 =	vld [tilespmem:s20+$0x4000];
	[tilespmem:s18+$0xC040] =	vst v43  }
0x85: {  	vm1 =	vlt.u32 v9, $0xFFFFF2F8;
	v45 =	vadd.s32 $0xFFFFE5F0, v1;
	v48 =	vadd.s32 $0xFFFFF2F8, v1;
	v5 =	vld [tilespmem:s20+$0x4010];
	[tilespmem:s19+$0xC030] =	vst v4  }
0x86: {  	v0 =	vsel vm10, $0xD08, v0;
	v47 =	vadd.s32 $0xFFFFE5F0, v3;
	vm2 =	vlt.u32 v45, $0xFFFFF2F8;
	v4 =	vld [tilespmem:s20+$0x4020]  }
0x87: {  	v49 =	vadd.s32 $0xFFFFF2F8, v3;
	v2 =	vsel vm1, $0xD08, v46;
	vm3 =	vlt.u32 v47, $0xFFFFF2F8;
	v50 =	vld [tilespmem:s20+$0x4030]  }
0x88: {  	v1 =	vsel vm2, $0xD08, v48;
	[tilespmem:s18+$0xC000] =	vst v0;
	v52 =	vsel vm3, $0xD08, v49;
	v51 =	vadd.s32 $0xFFFFE5F0, v8  }
0x89: {  	[tilespmem:s18+$0xC010] =	vst v2;
	v8 =	vadd.s32 $0xFFFFF2F8, v8;
	v53 =	vadd.s32 $0xFFFFE5F0, v44;
	vm11 =	vlt.u32 v51, $0xFFFFF2F8  }
0x8a: {  	[tilespmem:s18+$0xC020] =	vst v1;
	v56 =	vadd.s32 $0xFFFFF2F8, v44;
	v54 =	vadd.s32 $0xFFFFE5F0, v5;
	v55 =	vsel vm11, $0xD08, v8  }
0x8b: {  	vm12 =	vlt.u32 v53, $0xFFFFF2F8;
	v58 =	vadd.s32 $0xFFFFF2F8, v5;
	vm13 =	vlt.u32 v54, $0xFFFFF2F8;
	[tilespmem:s20+$0xC040] =	vst v55  }
0x8c: {  	v57 =	vadd.s32 $0xFFFFE5F0, v4;
	v59 =	vsel vm12, $0xD08, v56;
	v60 =	vadd.s32 $0xFFFFE5F0, v50;
	[tilespmem:s18+$0xC030] =	vst v52  }
0x8d: {  	v61 =	vadd.s32 $0xFFFFF2F8, v4;
	vm14 =	vlt.u32 v57, $0xFFFFF2F8;
	v3 =	vsel vm13, $0xD08, v58;
	[tilespmem:s20+$0xC000] =	vst v59  }
0x8e: {  	v62 =	vadd.s32 $0xFFFFF2F8, v50;
	vm15 =	vlt.u32 v60, $0xFFFFF2F8;
	v63 =	vsel vm14, $0xD08, v61;
	[tilespmem:s20+$0xC010] =	vst v3  }
0x8f: {  	v0 =	vsel vm15, $0xD08, v62;
	[tilespmem:s20+$0xC020] =	vst v63  }
0x90: {  	s30 =	simm.s32 $0x12800;
	s18 =	simm.s32 $0x2;
	[tilespmem:s20+$0xC030] =	vst v0  }
0x91: {  	[spmem:s6] =	stream.linear.scatter [tilespmem:s30], [sflag:$0x2], $0x6800, $0x38;
	[tilespmem:$0x1F880] =	vst v63  }
0x92: {  	_ =	swait.ge [sflag:s18], $0x6800  }
0x93: {  	[sflag:s18] =	ssyncset.done $0x0  }
0x94: {  	s19 =	simm.s32 @!p0 $0x12800;
	[sflag:s18] =	ssyncadd.s32 $0xFFFF9800  }
0x95: {  	[spmem:s10] =	stream.linear.scatter @!p0 [tilespmem:s19], [sflag:$0x2], $0x400, $0x38;
	[tilespmem:$0x1F880] =	vst v63  }
0x96: {  	s19 =	simm.s32 @!p0 $0x2  }
0x97: {  	_ =	swait.ge @!p0 [sflag:s19], $0x400  }
0x98: {  	[sflag:s19] =	ssyncset.done @!p0 $0x0  }
0x99: {  	s21 =	simm.s32 $0x1;
	s22 =	simm.s32 $0x8000;
	[sflag:s19] =	ssyncadd.s32 @!p0 $0xFFFFFC00  }
0x9a: {  	s20 =	simm.s32 $0x10000;
	s19 =	simm.s32 $0x50;
	[bflag:$0x0] =	sbarrier.arrive $0xFFFF  }
0x9b: {  	[tilespmem:s20], [sflag:$0x1] =	stream.indirect.gather [hbm4b:s3+s19], $0x80, s22, s19, $0xb8;
	[tilespmem:$0x1F880] =	vst v63  }
0x9c: {  	_ =	swait.ge [sflag:s21], $0x2800  }
0x9d: {  	[sflag:s21] =	ssyncset.done $0x0  }
0x9e: {  	s31 =	simm.s32 $0xC000;
	[sflag:s21] =	ssyncadd.s32 $0xFFFFD800  }
0x9f: {  	[spmem:s2] =	stream.indirect.scatter.add.f32 [tilespmem:s20], [sflag:$0x2], $0x80, s31, s19, $0xb8;
	[tilespmem:$0x1F880] =	vst v63  }
0xa0: {  	_ =	swait.ge [sflag:s18], $0x2800  }
0xa1: {  	s23 =	simm.s32 $0x400;
	s22 =	simm.s32 $0x80;
	[sflag:s18] =	ssyncset.done $0x0  }
.LBB2_11:
0xa2: {  	s24 =	sadd.s32 $0x8000, s22  }
0xa3: {  	[sflag:s18] =	ssyncadd.s32 $0xFFFFD800;
	s25 =	smov.u32 s23;
	s26 =	sadd.s32 $0x200, s23  }
0xa4: {  	[tilespmem:s20], [sflag:$0x1] =	stream.indirect.gather [hbm4b:s3+s19], $0x80, s24, s19, $0xb8;
	[tilespmem:$0x1F880] =	vst v63  }
0xa5: {  	p1 =	sne.s32 s23, $0xF800;
	_ =	swait.ge [sflag:s21], $0x2800  }
.Ltmp5:
0xa6: {  	[sflag:s21] =	ssyncset.done $0x0;
	(pc) =	sbr.rel @p1 .LBB2_11-.Ltmp5, $4  }
0xa7: {  	s22 =	sadd.s32 $0xC000, s22;
	[sflag:s21] =	ssyncadd.s32 $0xFFFFD800  }
0xa8: {  	[spmem:s2] =	stream.indirect.scatter.add.f32 [tilespmem:s20], [sflag:$0x2], $0x80, s22, s19, $0xb8;
	[tilespmem:$0x1F880] =	vst v63  }
0xa9: {  	_ =	swait.ge [sflag:s18], $0x2800  }
0xaa: {  	s23 =	smov.u32 s26;
	s22 =	sshra.s32 s25, $0x2;
	[sflag:s18] =	ssyncset.done $0x0  }
0xab: {  	s23 =	sadd.s32 $0x8000, s22;
	[sflag:s18] =	ssyncadd.s32 $0xFFFFD800  }
0xac: {  	[tilespmem:s20], [sflag:$0x1] =	stream.indirect.gather [hbm4b:s3+s19], $0x80, s23, s19, $0xb8;
	[tilespmem:$0x1F880] =	vst v63  }
0xad: {  	_ =	swait.ge [sflag:s21], $0x2800  }
0xae: {  	[sflag:s21] =	ssyncset.done $0x0  }
0xaf: {  	s30 =	sadd.s32 $0xC000, s22;
	[sflag:s21] =	ssyncadd.s32 $0xFFFFD800  }
0xb0: {  	[spmem:s2] =	stream.indirect.scatter.add.f32 [tilespmem:s20], [sflag:$0x2], $0x80, s30, s19, $0xb8;
	[tilespmem:$0x1F880] =	vst v63  }
0xb1: {  	_ =	swait.ge [sflag:s18], $0x2800  }
0xb2: {  	[sflag:s18] =	ssyncset.done $0x0  }
0xb3: {  	[sflag:s18] =	ssyncadd.s32 $0xFFFFD800  }
0xb4: {  	s31 =	simm.s32 $0x2;
	[bflag:$0x0] =	sbarrier.arrive $0xFFFF  }
0xb5: {  	[hbm:s17], [sflag:s7] =	dma.local [spmem:s8], $0xD00  }
0xb6: {  	_ =	swait.ge [sflag:s31], $0xD00  }
0xb7: {  	[sflag:s31] =	ssyncset.done $0x0  }
0xb8: {  	[sflag:s31] =	ssyncadd.s32 $0xFFFFF300  }
0xb9: {  	[hbm:s16], [sflag:s7] =	dma.local @!p0 [spmem:s11], $0x80  }
0xba: {  	s16 =	simm.s32 @!p0 $0x2  }
0xbb: {  	_ =	swait.ge @!p0 [sflag:s16], $0x80  }
0xbc: {  	[sflag:s16] =	ssyncset.done @!p0 $0x0  }
0xbd: {  	s17 =	simm.s32 $0x0;
	[sflag:s16] =	ssyncadd.s32 @!p0 $0xFFFFFF80  }
0xbe: {  	v0 =	vld [tilespmem:s17+$0x4040]  }
0xbf: {  	v1 =	vld [tilespmem:s17+$0x4000]  }
0xc0: {  	s16 =	simm.s32 $0x80;
	v3 =	vld [tilespmem:s17+$0x4010]  }
0xc1: {  	v7 =	vld [tilespmem:s16+$0x4040]  }
0xc2: {  	v4 =	vld [tilespmem:s17+$0x4020]  }
0xc3: {  	v5 =	vld [tilespmem:s17+$0x4030];
	v2 =	vadd.s32 $0xFFFFD8F0, v0  }
0xc4: {  	v0 =	vadd.s32 $0xFFFFE5F0, v0;
	vm0 =	vlt.u32 v2, $0xFFFFF300  }
0xc5: {  	v6 =	vadd.s32 $0xFFFFD8F0, v3;
	v9 =	vadd.s32 $0xFFFFE5F0, v1;
	v8 =	vsel vm0, $0xD08, v0  }
0xc6: {  	v11 =	vadd.s32 $0xFFFFD8F0, v7;
	v7 =	vadd.s32 $0xFFFFE5F0, v7;
	v2 =	vadd.s32 $0xFFFFD8F0, v1;
	v0 =	vld [tilespmem:s16+$0x4000];
	[tilespmem:s17+$0xC040] =	vst v8  }
0xc7: {  	vm1 =	vlt.u32 v6, $0xFFFFF300;
	v1 =	vadd.s32 $0xFFFFD8F0, v4;
	vm0 =	vlt.u32 v2, $0xFFFFF300;
	v2 =	vld [tilespmem:s16+$0x4010]  }
0xc8: {  	v6 =	vadd.s32 $0xFFFFE5F0, v3;
	v3 =	vadd.s32 $0xFFFFD8F0, v5;
	vm2 =	vlt.u32 v1, $0xFFFFF300;
	v1 =	vld [tilespmem:s16+$0x4020]  }
0xc9: {  	v4 =	vadd.s32 $0xFFFFE5F0, v4;
	vm3 =	vlt.u32 v3, $0xFFFFF300;
	v9 =	vsel vm0, $0xD08, v9;
	v3 =	vld [tilespmem:s16+$0x4030]  }
0xca: {  	v10 =	vsel vm1, $0xD08, v6;
	v8 =	vadd.s32 $0xFFFFE5F0, v5;
	v5 =	vsel vm2, $0xD08, v4;
	[tilespmem:s17+$0xC000] =	vst v9  }
0xcb: {  	s19 =	simm.s32 $0x600;
	s18 =	simm.s32 $0x100;
	vm0 =	vlt.u32 v11, $0xFFFFF300;
	v4 =	vsel vm3, $0xD08, v8;
	[tilespmem:s17+$0xC010] =	vst v10;
	v6 =	vadd.s32 $0xFFFFD8F0, v0  }
.LBB2_13:
0xcc: {  	p1 =	sne.s32 s19, $0xF800;
	v8 =	vld [tilespmem:s18+$0x4040];
	vm1 =	vlt.u32 v6, $0xFFFFF300;
	v6 =	vadd.s32 $0xFFFFD8F0, v2;
	v7 =	vsel vm0, $0xD08, v7;
	[tilespmem:s17+$0xC020] =	vst v5  }
0xcd: {  	v5 =	vadd.s32 $0xFFFFE5F0, v0;
	v0 =	vld [tilespmem:s18+$0x4000];
	vm0 =	vlt.u32 v6, $0xFFFFF300;
	v6 =	vadd.s32 $0xFFFFD8F0, v1;
	[tilespmem:s16+$0xC040] =	vst v7  }
.Ltmp6:
0xce: {  	v7 =	vadd.s32 $0xFFFFE5F0, v2;
	v2 =	vld [tilespmem:s18+$0x4010];
	vm2 =	vlt.u32 v6, $0xFFFFF300;
	v6 =	vadd.s32 $0xFFFFD8F0, v3;
	[tilespmem:s17+$0xC030] =	vst v4;
	s17 =	smov.u32 s16;
	s16 =	smov.u32 s18;
	(pc) =	sbr.rel @p1 .LBB2_13-.Ltmp6, $4  }
0xcf: {  	v4 =	vadd.s32 $0xFFFFE5F0, v1;
	v1 =	vld [tilespmem:s16+$0x4020];
	vm3 =	vlt.u32 v6, $0xFFFFF300;
	v6 =	vadd.s32 $0xFFFFE5F0, v3  }
0xd0: {  	v9 =	vsel vm1, $0xD08, v5;
	v10 =	vsel vm0, $0xD08, v7;
	v5 =	vsel vm2, $0xD08, v4;
	v3 =	vld [tilespmem:s16+$0x4030]  }
0xd1: {  	v4 =	vsel vm3, $0xD08, v6;
	v7 =	vadd.s32 $0xFFFFD8F0, v8;
	[tilespmem:s17+$0xC000] =	vst v9  }
0xd2: {  	s18 =	sshra.s32 s19, $0x2;
	s19 =	sadd.s32 $0x200, s19;
	v6 =	vadd.s32 $0xFFFFD8F0, v0;
	vm0 =	vlt.u32 v7, $0xFFFFF300;
	v7 =	vadd.s32 $0xFFFFE5F0, v8;
	[tilespmem:s17+$0xC010] =	vst v10  }
0xd3: {  	v8 =	vld [tilespmem:s18+$0x4040];
	[tilespmem:s17+$0xC020] =	vst v5;
	v43 =	vsel vm0, $0xD08, v7;
	v9 =	vadd.s32 $0xFFFFD8F0, v2  }
0xd4: {  	vm10 =	vlt.u32 v6, $0xFFFFF300;
	v0 =	vadd.s32 $0xFFFFE5F0, v0;
	v46 =	vadd.s32 $0xFFFFE5F0, v2;
	v44 =	vld [tilespmem:s18+$0x4000];
	[tilespmem:s16+$0xC040] =	vst v43  }
0xd5: {  	vm1 =	vlt.u32 v9, $0xFFFFF300;
	v45 =	vadd.s32 $0xFFFFD8F0, v1;
	v48 =	vadd.s32 $0xFFFFE5F0, v1;
	v5 =	vld [tilespmem:s18+$0x4010];
	[tilespmem:s17+$0xC030] =	vst v4  }
0xd6: {  	v0 =	vsel vm10, $0xD08, v0;
	v47 =	vadd.s32 $0xFFFFD8F0, v3;
	vm2 =	vlt.u32 v45, $0xFFFFF300;
	v4 =	vld [tilespmem:s18+$0x4020]  }
0xd7: {  	v49 =	vadd.s32 $0xFFFFE5F0, v3;
	v2 =	vsel vm1, $0xD08, v46;
	vm3 =	vlt.u32 v47, $0xFFFFF300;
	v50 =	vld [tilespmem:s18+$0x4030]  }
0xd8: {  	v1 =	vsel vm2, $0xD08, v48;
	[tilespmem:s16+$0xC000] =	vst v0;
	v52 =	vsel vm3, $0xD08, v49;
	v51 =	vadd.s32 $0xFFFFD8F0, v8  }
0xd9: {  	[tilespmem:s16+$0xC010] =	vst v2;
	v8 =	vadd.s32 $0xFFFFE5F0, v8;
	v53 =	vadd.s32 $0xFFFFD8F0, v44;
	vm11 =	vlt.u32 v51, $0xFFFFF300  }
0xda: {  	[tilespmem:s16+$0xC020] =	vst v1;
	v56 =	vadd.s32 $0xFFFFE5F0, v44;
	v54 =	vadd.s32 $0xFFFFD8F0, v5;
	v55 =	vsel vm11, $0xD08, v8  }
0xdb: {  	vm12 =	vlt.u32 v53, $0xFFFFF300;
	v58 =	vadd.s32 $0xFFFFE5F0, v5;
	vm13 =	vlt.u32 v54, $0xFFFFF300;
	[tilespmem:s18+$0xC040] =	vst v55  }
0xdc: {  	v57 =	vadd.s32 $0xFFFFD8F0, v4;
	v59 =	vsel vm12, $0xD08, v56;
	v60 =	vadd.s32 $0xFFFFD8F0, v50;
	[tilespmem:s16+$0xC030] =	vst v52  }
0xdd: {  	v61 =	vadd.s32 $0xFFFFE5F0, v4;
	vm14 =	vlt.u32 v57, $0xFFFFF300;
	v3 =	vsel vm13, $0xD08, v58;
	[tilespmem:s18+$0xC000] =	vst v59  }
0xde: {  	v62 =	vadd.s32 $0xFFFFE5F0, v50;
	vm15 =	vlt.u32 v60, $0xFFFFF300;
	v63 =	vsel vm14, $0xD08, v61;
	[tilespmem:s18+$0xC010] =	vst v3  }
0xdf: {  	v0 =	vsel vm15, $0xD08, v62;
	[tilespmem:s18+$0xC020] =	vst v63  }
0xe0: {  	s30 =	simm.s32 $0x12800;
	s16 =	simm.s32 $0x2;
	[tilespmem:s18+$0xC030] =	vst v0  }
0xe1: {  	[spmem:s6] =	stream.linear.scatter [tilespmem:s30], [sflag:$0x2], $0x6800, $0x38;
	[tilespmem:$0x1F880] =	vst v63  }
0xe2: {  	_ =	swait.ge [sflag:s16], $0x6800  }
0xe3: {  	[sflag:s16] =	ssyncset.done $0x0  }
0xe4: {  	s19 =	simm.s32 $0x1;
	s20 =	simm.s32 $0x8000;
	[sflag:s16] =	ssyncadd.s32 $0xFFFF9800  }
0xe5: {  	s17 =	simm.s32 $0x50;
	s18 =	simm.s32 $0x10000;
	[bflag:$0x0] =	sbarrier.arrive $0xFFFF  }
0xe6: {  	[tilespmem:s18], [sflag:$0x1] =	stream.indirect.gather [hbm4b:s3+s17], $0x80, s20, s17, $0xb8;
	[tilespmem:$0x1F880] =	vst v63  }
0xe7: {  	_ =	swait.ge [sflag:s19], $0x2800  }
0xe8: {  	[sflag:s19] =	ssyncset.done $0x0  }
0xe9: {  	s31 =	simm.s32 $0xC000;
	[sflag:s19] =	ssyncadd.s32 $0xFFFFD800  }
0xea: {  	[spmem:s2] =	stream.indirect.scatter.add.f32 [tilespmem:s18], [sflag:$0x2], $0x80, s31, s17, $0xb8;
	[tilespmem:$0x1F880] =	vst v63  }
0xeb: {  	_ =	swait.ge [sflag:s16], $0x2800  }
0xec: {  	s21 =	simm.s32 $0x400;
	s20 =	simm.s32 $0x80;
	[sflag:s16] =	ssyncset.done $0x0  }
.LBB2_15:
0xed: {  	s22 =	sadd.s32 $0x8000, s20  }
0xee: {  	[sflag:s16] =	ssyncadd.s32 $0xFFFFD800;
	s23 =	smov.u32 s21;
	s24 =	sadd.s32 $0x200, s21  }
0xef: {  	[tilespmem:s18], [sflag:$0x1] =	stream.indirect.gather [hbm4b:s3+s17], $0x80, s22, s17, $0xb8;
	[tilespmem:$0x1F880] =	vst v63  }
0xf0: {  	p1 =	sne.s32 s21, $0xF800;
	_ =	swait.ge [sflag:s19], $0x2800  }
.Ltmp7:
0xf1: {  	[sflag:s19] =	ssyncset.done $0x0;
	(pc) =	sbr.rel @p1 .LBB2_15-.Ltmp7, $4  }
0xf2: {  	s20 =	sadd.s32 $0xC000, s20;
	[sflag:s19] =	ssyncadd.s32 $0xFFFFD800  }
0xf3: {  	[spmem:s2] =	stream.indirect.scatter.add.f32 [tilespmem:s18], [sflag:$0x2], $0x80, s20, s17, $0xb8;
	[tilespmem:$0x1F880] =	vst v63  }
0xf4: {  	_ =	swait.ge [sflag:s16], $0x2800  }
0xf5: {  	s21 =	smov.u32 s24;
	s20 =	sshra.s32 s23, $0x2;
	[sflag:s16] =	ssyncset.done $0x0  }
0xf6: {  	s21 =	sadd.s32 $0x8000, s20;
	[sflag:s16] =	ssyncadd.s32 $0xFFFFD800  }
0xf7: {  	[tilespmem:s18], [sflag:$0x1] =	stream.indirect.gather [hbm4b:s3+s17], $0x80, s21, s17, $0xb8;
	[tilespmem:$0x1F880] =	vst v63  }
0xf8: {  	_ =	swait.ge [sflag:s19], $0x2800  }
0xf9: {  	[sflag:s19] =	ssyncset.done $0x0  }
0xfa: {  	s30 =	sadd.s32 $0xC000, s20;
	[sflag:s19] =	ssyncadd.s32 $0xFFFFD800  }
0xfb: {  	[spmem:s2] =	stream.indirect.scatter.add.f32 [tilespmem:s18], [sflag:$0x2], $0x80, s30, s17, $0xb8;
	[tilespmem:$0x1F880] =	vst v63  }
0xfc: {  	_ =	swait.ge [sflag:s16], $0x2800  }
0xfd: {  	[sflag:s16] =	ssyncset.done $0x0  }
0xfe: {  	[sflag:s16] =	ssyncadd.s32 $0xFFFFD800  }
0xff: {  	s31 =	simm.s32 $0x2;
	[bflag:$0x0] =	sbarrier.arrive $0xFFFF  }
0x100: {  	[hbm:s15], [sflag:s7] =	dma.local [spmem:s8], $0xD00  }
0x101: {  	_ =	swait.ge [sflag:s31], $0xD00  }
0x102: {  	[sflag:s31] =	ssyncset.done $0x0  }
0x103: {  	s16 =	simm.s32 $0x0;
	[sflag:s31] =	ssyncadd.s32 $0xFFFFF300  }
0x104: {  	v0 =	vld [tilespmem:s16+$0x40]  }
0x105: {  	v1 =	vld [tilespmem:s16+$0x0]  }
0x106: {  	v4 =	vld [tilespmem:s16+$0x10]  }
0x107: {  	v5 =	vld [tilespmem:s16+$0x20]  }
0x108: {  	v6 =	vld [tilespmem:s16+$0x30]  }
0x109: {  	s15 =	simm.s32 $0x80;
	v2 =	vshll.u32 v0, $0x2  }
0x10a: {  	v0 =	vld [tilespmem:s15+$0x40];
	v1 =	vshll.u32 v1, $0x2;
	v2 =	vor.u32 $0x1, v2  }
0x10b: {  	v3 =	vld [tilespmem:s15+$0x0];
	v4 =	vshll.u32 v4, $0x2;
	v1 =	vor.u32 $0x1, v1;
	[tilespmem:s16+$0x8040] =	vst v2  }
0x10c: {  	v5 =	vshll.u32 v5, $0x2;
	v4 =	vor.u32 $0x1, v4;
	v2 =	vld [tilespmem:s15+$0x10];
	[tilespmem:s16+$0x8000] =	vst v1  }
0x10d: {  	v6 =	vshll.u32 v6, $0x2;
	v5 =	vor.u32 $0x1, v5;
	v1 =	vld [tilespmem:s15+$0x20];
	[tilespmem:s16+$0x8010] =	vst v4  }
0x10e: {  	s17 =	simm.s32 $0x400;
	v4 =	vld [tilespmem:s15+$0x30];
	[tilespmem:s16+$0x8020] =	vst v5;
	v5 =	vor.u32 $0x1, v6  }
.LBB2_17:
0x10f: {  	s18 =	sshra.s32 s17, $0x2;
	p1 =	sne.s32 s17, $0xF800;
	s17 =	sadd.s32 $0x200, s17;
	v6 =	vshll.u32 v0, $0x2;
	[tilespmem:s16+$0x8030] =	vst v5  }
.Ltmp8:
0x110: {  	s16 =	smov.u32 s15;
	v0 =	vld [tilespmem:s18+$0x40];
	v5 =	vshll.u32 v3, $0x2;
	v6 =	vor.u32 $0x1, v6;
	s15 =	smov.u32 s18;
	(pc) =	sbr.rel @p1 .LBB2_17-.Ltmp8, $4  }
0x111: {  	v3 =	vld [tilespmem:s15+$0x0];
	v5 =	vor.u32 $0x1, v5;
	v7 =	vshll.u32 v2, $0x2;
	[tilespmem:s16+$0x8040] =	vst v6  }
0x112: {  	v2 =	vld [tilespmem:s15+$0x10];
	[tilespmem:s16+$0x8000] =	vst v5;
	v5 =	vor.u32 $0x1, v7;
	v6 =	vshll.u32 v1, $0x2  }
0x113: {  	v1 =	vld [tilespmem:s15+$0x20];
	[tilespmem:s16+$0x8010] =	vst v5;
	v5 =	vor.u32 $0x1, v6;
	v6 =	vshll.u32 v4, $0x2  }
0x114: {  	v4 =	vld [tilespmem:s15+$0x30];
	[tilespmem:s16+$0x8020] =	vst v5;
	v5 =	vor.u32 $0x1, v6  }
0x115: {  	v0 =	vshll.u32 v0, $0x2  }
0x116: {  	[tilespmem:s16+$0x8030] =	vst v5;
	v3 =	vshll.u32 v3, $0x2;
	v0 =	vor.u32 $0x1, v0  }
0x117: {  	v3 =	vor.u32 $0x1, v3;
	v2 =	vshll.u32 v2, $0x2;
	[tilespmem:s15+$0x8040] =	vst v0  }
0x118: {  	[tilespmem:s15+$0x8000] =	vst v3;
	v0 =	vor.u32 $0x1, v2;
	v1 =	vshll.u32 v1, $0x2  }
0x119: {  	[tilespmem:s15+$0x8010] =	vst v0;
	v0 =	vor.u32 $0x1, v1;
	v1 =	vshll.u32 v4, $0x2  }
0x11a: {  	[tilespmem:s15+$0x8020] =	vst v0;
	v0 =	vor.u32 $0x1, v1  }
0x11b: {  	[tilespmem:s15+$0x8030] =	vst v0;
	s15 =	simm.s32 $0x0  }
0x11c: {  	v3 =	vld [tilespmem:s15+$0x4040]  }
0x11d: {  	v4 =	vld [tilespmem:s15+$0x4000]  }
0x11e: {  	v2 =	vld [tilespmem:s15+$0x4010]  }
0x11f: {  	v0 =	vld [tilespmem:s15+$0x4020]  }
0x120: {  	s16 =	simm.s32 $0x200;
	v1 =	vld [tilespmem:s15+$0x4030]  }
.LBB2_19:
0x121: {  	s17 =	sshra.s32 s16, $0x2;
	p1 =	sne.s32 s16, $0xF800;
	s16 =	sadd.s32 $0x200, s16;
	v5 =	vmin.u32 v3, $0xD08  }
.Ltmp9:
0x122: {  	v3 =	vld [tilespmem:s17+$0x4040];
	v6 =	vmin.u32 v4, $0xD08;
	[tilespmem:s15+$0xC040] =	vst v5;
	(pc) =	sbr.rel @p1 .LBB2_19-.Ltmp9, $4  }
0x123: {  	v4 =	vld [tilespmem:s17+$0x4000];
	[tilespmem:s15+$0xC000] =	vst v6;
	v5 =	vmin.u32 v2, $0xD08  }
0x124: {  	v2 =	vld [tilespmem:s17+$0x4010];
	[tilespmem:s15+$0xC010] =	vst v5;
	v5 =	vmin.u32 v0, $0xD08  }
0x125: {  	v0 =	vld [tilespmem:s17+$0x4020];
	[tilespmem:s15+$0xC020] =	vst v5;
	v5 =	vmin.u32 v1, $0xD08  }
0x126: {  	v1 =	vld [tilespmem:s17+$0x4030];
	[tilespmem:s15+$0xC030] =	vst v5;
	s15 =	smov.u32 s17  }
0x127: {  	v3 =	vmin.u32 v3, $0xD08  }
0x128: {  	v4 =	vmin.u32 v4, $0xD08;
	[tilespmem:s15+$0xC040] =	vst v3  }
0x129: {  	[tilespmem:s15+$0xC000] =	vst v4;
	v2 =	vmin.u32 v2, $0xD08  }
0x12a: {  	[tilespmem:s15+$0xC010] =	vst v2;
	v0 =	vmin.u32 v0, $0xD08  }
0x12b: {  	[tilespmem:s15+$0xC020] =	vst v0;
	v63 =	vmin.u32 v1, $0xD08  }
0x12c: {  	s30 =	simm.s32 $0x12800;
	[tilespmem:s15+$0xC030] =	vst v63;
	s15 =	simm.s32 $0x2  }
0x12d: {  	[spmem:s6] =	stream.linear.scatter [tilespmem:s30], [sflag:$0x2], $0x6800, $0x38;
	[tilespmem:$0x1F880] =	vst v63  }
0x12e: {  	_ =	swait.ge [sflag:s15], $0x6800  }
0x12f: {  	[sflag:s15] =	ssyncset.done $0x0  }
0x130: {  	s16 =	simm.s32 @!p0 $0x12800;
	[sflag:s15] =	ssyncadd.s32 $0xFFFF9800  }
0x131: {  	[spmem:s10] =	stream.linear.scatter @!p0 [tilespmem:s16], [sflag:$0x2], $0x400, $0x38;
	[tilespmem:$0x1F880] =	vst v63  }
0x132: {  	s16 =	simm.s32 @!p0 $0x2  }
0x133: {  	_ =	swait.ge @!p0 [sflag:s16], $0x400  }
0x134: {  	[sflag:s16] =	ssyncset.done @!p0 $0x0  }
0x135: {  	s17 =	simm.s32 $0x10000;
	s18 =	simm.s32 $0x1;
	[sflag:s16] =	ssyncadd.s32 @!p0 $0xFFFFFC00  }
0x136: {  	s19 =	simm.s32 $0x8000;
	s16 =	simm.s32 $0x50;
	[bflag:$0x0] =	sbarrier.arrive $0xFFFF  }
0x137: {  	[tilespmem:s17], [sflag:$0x1] =	stream.indirect.gather [hbm4b:s3+s16], $0x80, s19, s16, $0xb8;
	[tilespmem:$0x1F880] =	vst v63  }
0x138: {  	_ =	swait.ge [sflag:s18], $0x2800  }
0x139: {  	[sflag:s18] =	ssyncset.done $0x0  }
0x13a: {  	s31 =	simm.s32 $0xC000;
	[sflag:s18] =	ssyncadd.s32 $0xFFFFD800  }
0x13b: {  	[spmem:s2] =	stream.indirect.scatter.add.f32 [tilespmem:s17], [sflag:$0x2], $0x80, s31, s16, $0xb8;
	[tilespmem:$0x1F880] =	vst v63  }
0x13c: {  	_ =	swait.ge [sflag:s15], $0x2800  }
0x13d: {  	s20 =	simm.s32 $0x400;
	s19 =	simm.s32 $0x80;
	[sflag:s15] =	ssyncset.done $0x0  }
.LBB2_21:
0x13e: {  	s21 =	sadd.s32 $0x8000, s19  }
0x13f: {  	[sflag:s15] =	ssyncadd.s32 $0xFFFFD800;
	s22 =	smov.u32 s20;
	s23 =	sadd.s32 $0x200, s20  }
0x140: {  	[tilespmem:s17], [sflag:$0x1] =	stream.indirect.gather [hbm4b:s3+s16], $0x80, s21, s16, $0xb8;
	[tilespmem:$0x1F880] =	vst v63  }
0x141: {  	p1 =	sne.s32 s20, $0xF800;
	_ =	swait.ge [sflag:s18], $0x2800  }
.Ltmp10:
0x142: {  	[sflag:s18] =	ssyncset.done $0x0;
	(pc) =	sbr.rel @p1 .LBB2_21-.Ltmp10, $4  }
0x143: {  	s19 =	sadd.s32 $0xC000, s19;
	[sflag:s18] =	ssyncadd.s32 $0xFFFFD800  }
0x144: {  	[spmem:s2] =	stream.indirect.scatter.add.f32 [tilespmem:s17], [sflag:$0x2], $0x80, s19, s16, $0xb8;
	[tilespmem:$0x1F880] =	vst v63  }
0x145: {  	_ =	swait.ge [sflag:s15], $0x2800  }
0x146: {  	s20 =	smov.u32 s23;
	s19 =	sshra.s32 s22, $0x2;
	[sflag:s15] =	ssyncset.done $0x0  }
0x147: {  	s20 =	sadd.s32 $0x8000, s19;
	[sflag:s15] =	ssyncadd.s32 $0xFFFFD800  }
0x148: {  	[tilespmem:s17], [sflag:$0x1] =	stream.indirect.gather [hbm4b:s3+s16], $0x80, s20, s16, $0xb8;
	[tilespmem:$0x1F880] =	vst v63  }
0x149: {  	_ =	swait.ge [sflag:s18], $0x2800  }
0x14a: {  	[sflag:s18] =	ssyncset.done $0x0  }
0x14b: {  	s29 =	sadd.s32 $0xC000, s19;
	[sflag:s18] =	ssyncadd.s32 $0xFFFFD800  }
0x14c: {  	[spmem:s2] =	stream.indirect.scatter.add.f32 [tilespmem:s17], [sflag:$0x2], $0x80, s29, s16, $0xb8;
	[tilespmem:$0x1F880] =	vst v63  }
0x14d: {  	_ =	swait.ge [sflag:s15], $0x2800  }
0x14e: {  	[sflag:s15] =	ssyncset.done $0x0  }
0x14f: {  	[sflag:s15] =	ssyncadd.s32 $0xFFFFD800  }
0x150: {  	s30 =	sadd.s32 s12, s14;
	s31 =	simm.s32 $0x2;
	[bflag:$0x0] =	sbarrier.arrive $0xFFFF  }
0x151: {  	[hbm:s30], [sflag:s7] =	dma.local [spmem:s8], $0xD00  }
0x152: {  	_ =	swait.ge [sflag:s31], $0xD00  }
0x153: {  	[sflag:s31] =	ssyncset.done $0x0  }
0x154: {  	s15 =	sadd.s32 @!p0 $0xD000, s14;
	[sflag:s31] =	ssyncadd.s32 $0xFFFFF300  }
0x155: {  	[hbm:s15], [sflag:s7] =	dma.local @!p0 [spmem:s11], $0x80  }
0x156: {  	s15 =	simm.s32 @!p0 $0x2  }
0x157: {  	_ =	swait.ge @!p0 [sflag:s15], $0x80  }
0x158: {  	[sflag:s15] =	ssyncset.done @!p0 $0x0  }
0x159: {  	s16 =	simm.s32 $0x0;
	[sflag:s15] =	ssyncadd.s32 @!p0 $0xFFFFFF80  }
0x15a: {  	v0 =	vld [tilespmem:s16+$0x4040]  }
0x15b: {  	v1 =	vld [tilespmem:s16+$0x4000]  }
0x15c: {  	s15 =	simm.s32 $0x80;
	v3 =	vld [tilespmem:s16+$0x4010]  }
0x15d: {  	v7 =	vld [tilespmem:s15+$0x4040]  }
0x15e: {  	v4 =	vld [tilespmem:s16+$0x4020]  }
0x15f: {  	v5 =	vld [tilespmem:s16+$0x4030];
	v2 =	vadd.s32 $0xFFFFE5F0, v0  }
0x160: {  	v0 =	vadd.s32 $0xFFFFF2F8, v0;
	vm0 =	vlt.u32 v2, $0xFFFFF2F8  }
0x161: {  	v6 =	vadd.s32 $0xFFFFE5F0, v3;
	v9 =	vadd.s32 $0xFFFFF2F8, v1;
	v8 =	vsel vm0, $0xD08, v0  }
0x162: {  	v11 =	vadd.s32 $0xFFFFE5F0, v7;
	v7 =	vadd.s32 $0xFFFFF2F8, v7;
	v2 =	vadd.s32 $0xFFFFE5F0, v1;
	v0 =	vld [tilespmem:s15+$0x4000];
	[tilespmem:s16+$0xC040] =	vst v8  }
0x163: {  	vm1 =	vlt.u32 v6, $0xFFFFF2F8;
	v1 =	vadd.s32 $0xFFFFE5F0, v4;
	vm0 =	vlt.u32 v2, $0xFFFFF2F8;
	v2 =	vld [tilespmem:s15+$0x4010]  }
0x164: {  	v6 =	vadd.s32 $0xFFFFF2F8, v3;
	v3 =	vadd.s32 $0xFFFFE5F0, v5;
	vm2 =	vlt.u32 v1, $0xFFFFF2F8;
	v1 =	vld [tilespmem:s15+$0x4020]  }
0x165: {  	v4 =	vadd.s32 $0xFFFFF2F8, v4;
	vm3 =	vlt.u32 v3, $0xFFFFF2F8;
	v9 =	vsel vm0, $0xD08, v9;
	v3 =	vld [tilespmem:s15+$0x4030]  }
0x166: {  	v10 =	vsel vm1, $0xD08, v6;
	v8 =	vadd.s32 $0xFFFFF2F8, v5;
	v5 =	vsel vm2, $0xD08, v4;
	[tilespmem:s16+$0xC000] =	vst v9  }
0x167: {  	s18 =	simm.s32 $0x600;
	s17 =	simm.s32 $0x100;
	vm0 =	vlt.u32 v11, $0xFFFFF2F8;
	v4 =	vsel vm3, $0xD08, v8;
	[tilespmem:s16+$0xC010] =	vst v10;
	v6 =	vadd.s32 $0xFFFFE5F0, v0  }
.LBB2_23:
0x168: {  	p1 =	sne.s32 s18, $0xF800;
	v8 =	vld [tilespmem:s17+$0x4040];
	vm1 =	vlt.u32 v6, $0xFFFFF2F8;
	v6 =	vadd.s32 $0xFFFFE5F0, v2;
	v7 =	vsel vm0, $0xD08, v7;
	[tilespmem:s16+$0xC020] =	vst v5  }
0x169: {  	v5 =	vadd.s32 $0xFFFFF2F8, v0;
	v0 =	vld [tilespmem:s17+$0x4000];
	vm0 =	vlt.u32 v6, $0xFFFFF2F8;
	v6 =	vadd.s32 $0xFFFFE5F0, v1;
	[tilespmem:s15+$0xC040] =	vst v7  }
.Ltmp11:
0x16a: {  	v7 =	vadd.s32 $0xFFFFF2F8, v2;
	v2 =	vld [tilespmem:s17+$0x4010];
	vm2 =	vlt.u32 v6, $0xFFFFF2F8;
	v6 =	vadd.s32 $0xFFFFE5F0, v3;
	[tilespmem:s16+$0xC030] =	vst v4;
	s16 =	smov.u32 s15;
	s15 =	smov.u32 s17;
	(pc) =	sbr.rel @p1 .LBB2_23-.Ltmp11, $4  }
0x16b: {  	v4 =	vadd.s32 $0xFFFFF2F8, v1;
	v1 =	vld [tilespmem:s15+$0x4020];
	vm3 =	vlt.u32 v6, $0xFFFFF2F8;
	v6 =	vadd.s32 $0xFFFFF2F8, v3  }
0x16c: {  	v9 =	vsel vm1, $0xD08, v5;
	v10 =	vsel vm0, $0xD08, v7;
	v5 =	vsel vm2, $0xD08, v4;
	v3 =	vld [tilespmem:s15+$0x4030]  }
0x16d: {  	v4 =	vsel vm3, $0xD08, v6;
	v7 =	vadd.s32 $0xFFFFE5F0, v8;
	[tilespmem:s16+$0xC000] =	vst v9  }
0x16e: {  	s17 =	sshra.s32 s18, $0x2;
	s18 =	sadd.s32 $0x200, s18;
	v6 =	vadd.s32 $0xFFFFE5F0, v0;
	vm0 =	vlt.u32 v7, $0xFFFFF2F8;
	v7 =	vadd.s32 $0xFFFFF2F8, v8;
	[tilespmem:s16+$0xC010] =	vst v10  }
0x16f: {  	v8 =	vld [tilespmem:s17+$0x4040];
	[tilespmem:s16+$0xC020] =	vst v5;
	v43 =	vsel vm0, $0xD08, v7;
	v9 =	vadd.s32 $0xFFFFE5F0, v2  }
0x170: {  	vm10 =	vlt.u32 v6, $0xFFFFF2F8;
	v0 =	vadd.s32 $0xFFFFF2F8, v0;
	v46 =	vadd.s32 $0xFFFFF2F8, v2;
	v44 =	vld [tilespmem:s17+$0x4000];
	[tilespmem:s15+$0xC040] =	vst v43  }
0x171: {  	vm1 =	vlt.u32 v9, $0xFFFFF2F8;
	v45 =	vadd.s32 $0xFFFFE5F0, v1;
	v48 =	vadd.s32 $0xFFFFF2F8, v1;
	v5 =	vld [tilespmem:s17+$0x4010];
	[tilespmem:s16+$0xC030] =	vst v4  }
0x172: {  	v0 =	vsel vm10, $0xD08, v0;
	v47 =	vadd.s32 $0xFFFFE5F0, v3;
	vm2 =	vlt.u32 v45, $0xFFFFF2F8;
	v4 =	vld [tilespmem:s17+$0x4020]  }
0x173: {  	v49 =	vadd.s32 $0xFFFFF2F8, v3;
	v2 =	vsel vm1, $0xD08, v46;
	vm3 =	vlt.u32 v47, $0xFFFFF2F8;
	v50 =	vld [tilespmem:s17+$0x4030]  }
0x174: {  	v1 =	vsel vm2, $0xD08, v48;
	[tilespmem:s15+$0xC000] =	vst v0;
	v52 =	vsel vm3, $0xD08, v49;
	v51 =	vadd.s32 $0xFFFFE5F0, v8  }
0x175: {  	[tilespmem:s15+$0xC010] =	vst v2;
	v8 =	vadd.s32 $0xFFFFF2F8, v8;
	v53 =	vadd.s32 $0xFFFFE5F0, v44;
	vm11 =	vlt.u32 v51, $0xFFFFF2F8  }
0x176: {  	[tilespmem:s15+$0xC020] =	vst v1;
	v56 =	vadd.s32 $0xFFFFF2F8, v44;
	v54 =	vadd.s32 $0xFFFFE5F0, v5;
	v55 =	vsel vm11, $0xD08, v8  }
0x177: {  	vm12 =	vlt.u32 v53, $0xFFFFF2F8;
	v58 =	vadd.s32 $0xFFFFF2F8, v5;
	vm13 =	vlt.u32 v54, $0xFFFFF2F8;
	[tilespmem:s17+$0xC040] =	vst v55  }
0x178: {  	v57 =	vadd.s32 $0xFFFFE5F0, v4;
	v59 =	vsel vm12, $0xD08, v56;
	v60 =	vadd.s32 $0xFFFFE5F0, v50;
	[tilespmem:s15+$0xC030] =	vst v52  }
0x179: {  	v61 =	vadd.s32 $0xFFFFF2F8, v4;
	vm14 =	vlt.u32 v57, $0xFFFFF2F8;
	v3 =	vsel vm13, $0xD08, v58;
	[tilespmem:s17+$0xC000] =	vst v59  }
0x17a: {  	v62 =	vadd.s32 $0xFFFFF2F8, v50;
	vm15 =	vlt.u32 v60, $0xFFFFF2F8;
	v63 =	vsel vm14, $0xD08, v61;
	[tilespmem:s17+$0xC010] =	vst v3  }
0x17b: {  	v0 =	vsel vm15, $0xD08, v62;
	[tilespmem:s17+$0xC020] =	vst v63  }
0x17c: {  	s30 =	simm.s32 $0x12800;
	s15 =	simm.s32 $0x2;
	[tilespmem:s17+$0xC030] =	vst v0  }
0x17d: {  	[spmem:s6] =	stream.linear.scatter [tilespmem:s30], [sflag:$0x2], $0x6800, $0x38;
	[tilespmem:$0x1F880] =	vst v63  }
0x17e: {  	_ =	swait.ge [sflag:s15], $0x6800  }
0x17f: {  	[sflag:s15] =	ssyncset.done $0x0  }
0x180: {  	s16 =	simm.s32 @!p0 $0x12800;
	[sflag:s15] =	ssyncadd.s32 $0xFFFF9800  }
0x181: {  	[spmem:s10] =	stream.linear.scatter @!p0 [tilespmem:s16], [sflag:$0x2], $0x400, $0x38;
	[tilespmem:$0x1F880] =	vst v63  }
0x182: {  	s16 =	simm.s32 @!p0 $0x2  }
0x183: {  	_ =	swait.ge @!p0 [sflag:s16], $0x400  }
0x184: {  	[sflag:s16] =	ssyncset.done @!p0 $0x0  }
0x185: {  	s18 =	simm.s32 $0x1;
	s19 =	simm.s32 $0x8000;
	[sflag:s16] =	ssyncadd.s32 @!p0 $0xFFFFFC00  }
0x186: {  	s17 =	simm.s32 $0x10000;
	s16 =	simm.s32 $0x50;
	[bflag:$0x0] =	sbarrier.arrive $0xFFFF  }
0x187: {  	[tilespmem:s17], [sflag:$0x1] =	stream.indirect.gather [hbm4b:s3+s16], $0x80, s19, s16, $0xb8;
	[tilespmem:$0x1F880] =	vst v63  }
0x188: {  	_ =	swait.ge [sflag:s18], $0x2800  }
0x189: {  	[sflag:s18] =	ssyncset.done $0x0  }
0x18a: {  	s31 =	simm.s32 $0xC000;
	[sflag:s18] =	ssyncadd.s32 $0xFFFFD800  }
0x18b: {  	[spmem:s2] =	stream.indirect.scatter.add.f32 [tilespmem:s17], [sflag:$0x2], $0x80, s31, s16, $0xb8;
	[tilespmem:$0x1F880] =	vst v63  }
0x18c: {  	_ =	swait.ge [sflag:s15], $0x2800  }
0x18d: {  	s20 =	simm.s32 $0x400;
	s19 =	simm.s32 $0x80;
	[sflag:s15] =	ssyncset.done $0x0  }
.LBB2_25:
0x18e: {  	s21 =	sadd.s32 $0x8000, s19  }
0x18f: {  	[sflag:s15] =	ssyncadd.s32 $0xFFFFD800;
	s22 =	smov.u32 s20;
	s23 =	sadd.s32 $0x200, s20  }
0x190: {  	[tilespmem:s17], [sflag:$0x1] =	stream.indirect.gather [hbm4b:s3+s16], $0x80, s21, s16, $0xb8;
	[tilespmem:$0x1F880] =	vst v63  }
0x191: {  	p1 =	sne.s32 s20, $0xF800;
	_ =	swait.ge [sflag:s18], $0x2800  }
.Ltmp12:
0x192: {  	[sflag:s18] =	ssyncset.done $0x0;
	(pc) =	sbr.rel @p1 .LBB2_25-.Ltmp12, $4  }
0x193: {  	s19 =	sadd.s32 $0xC000, s19;
	[sflag:s18] =	ssyncadd.s32 $0xFFFFD800  }
0x194: {  	[spmem:s2] =	stream.indirect.scatter.add.f32 [tilespmem:s17], [sflag:$0x2], $0x80, s19, s16, $0xb8;
	[tilespmem:$0x1F880] =	vst v63  }
0x195: {  	_ =	swait.ge [sflag:s15], $0x2800  }
0x196: {  	s20 =	smov.u32 s23;
	s19 =	sshra.s32 s22, $0x2;
	[sflag:s15] =	ssyncset.done $0x0  }
0x197: {  	s20 =	sadd.s32 $0x8000, s19;
	[sflag:s15] =	ssyncadd.s32 $0xFFFFD800  }
0x198: {  	[tilespmem:s17], [sflag:$0x1] =	stream.indirect.gather [hbm4b:s3+s16], $0x80, s20, s16, $0xb8;
	[tilespmem:$0x1F880] =	vst v63  }
0x199: {  	_ =	swait.ge [sflag:s18], $0x2800  }
0x19a: {  	[sflag:s18] =	ssyncset.done $0x0  }
0x19b: {  	s29 =	sadd.s32 $0xC000, s19;
	[sflag:s18] =	ssyncadd.s32 $0xFFFFD800  }
0x19c: {  	[spmem:s2] =	stream.indirect.scatter.add.f32 [tilespmem:s17], [sflag:$0x2], $0x80, s29, s16, $0xb8;
	[tilespmem:$0x1F880] =	vst v63  }
0x19d: {  	_ =	swait.ge [sflag:s15], $0x2800  }
0x19e: {  	[sflag:s15] =	ssyncset.done $0x0  }
0x19f: {  	[sflag:s15] =	ssyncadd.s32 $0xFFFFD800  }
0x1a0: {  	s30 =	sadd.s32 s9, s14;
	s31 =	simm.s32 $0x2;
	[bflag:$0x0] =	sbarrier.arrive $0xFFFF  }
0x1a1: {  	[hbm:s30], [sflag:s7] =	dma.local [spmem:s8], $0xD00  }
0x1a2: {  	_ =	swait.ge [sflag:s31], $0xD00  }
0x1a3: {  	[sflag:s31] =	ssyncset.done $0x0  }
0x1a4: {  	s15 =	sadd.s32 @!p0 $0x1A080, s14;
	[sflag:s31] =	ssyncadd.s32 $0xFFFFF300  }
0x1a5: {  	[hbm:s15], [sflag:s7] =	dma.local @!p0 [spmem:s11], $0x80  }
0x1a6: {  	s15 =	simm.s32 @!p0 $0x2  }
0x1a7: {  	_ =	swait.ge @!p0 [sflag:s15], $0x80  }
0x1a8: {  	[sflag:s15] =	ssyncset.done @!p0 $0x0  }
0x1a9: {  	s16 =	simm.s32 $0x0;
	[sflag:s15] =	ssyncadd.s32 @!p0 $0xFFFFFF80  }
0x1aa: {  	v0 =	vld [tilespmem:s16+$0x4040]  }
0x1ab: {  	v1 =	vld [tilespmem:s16+$0x4000]  }
0x1ac: {  	s15 =	simm.s32 $0x80;
	v3 =	vld [tilespmem:s16+$0x4010]  }
0x1ad: {  	v7 =	vld [tilespmem:s15+$0x4040]  }
0x1ae: {  	v4 =	vld [tilespmem:s16+$0x4020]  }
0x1af: {  	v5 =	vld [tilespmem:s16+$0x4030];
	v2 =	vadd.s32 $0xFFFFD8F0, v0  }
0x1b0: {  	v0 =	vadd.s32 $0xFFFFE5F0, v0;
	vm0 =	vlt.u32 v2, $0xFFFFF300  }
0x1b1: {  	v6 =	vadd.s32 $0xFFFFD8F0, v3;
	v9 =	vadd.s32 $0xFFFFE5F0, v1;
	v8 =	vsel vm0, $0xD08, v0  }
0x1b2: {  	v11 =	vadd.s32 $0xFFFFD8F0, v7;
	v7 =	vadd.s32 $0xFFFFE5F0, v7;
	v2 =	vadd.s32 $0xFFFFD8F0, v1;
	v0 =	vld [tilespmem:s15+$0x4000];
	[tilespmem:s16+$0xC040] =	vst v8  }
0x1b3: {  	vm1 =	vlt.u32 v6, $0xFFFFF300;
	v1 =	vadd.s32 $0xFFFFD8F0, v4;
	vm0 =	vlt.u32 v2, $0xFFFFF300;
	v2 =	vld [tilespmem:s15+$0x4010]  }
0x1b4: {  	v6 =	vadd.s32 $0xFFFFE5F0, v3;
	v3 =	vadd.s32 $0xFFFFD8F0, v5;
	vm2 =	vlt.u32 v1, $0xFFFFF300;
	v1 =	vld [tilespmem:s15+$0x4020]  }
0x1b5: {  	v4 =	vadd.s32 $0xFFFFE5F0, v4;
	vm3 =	vlt.u32 v3, $0xFFFFF300;
	v9 =	vsel vm0, $0xD08, v9;
	v3 =	vld [tilespmem:s15+$0x4030]  }
0x1b6: {  	v10 =	vsel vm1, $0xD08, v6;
	v8 =	vadd.s32 $0xFFFFE5F0, v5;
	v5 =	vsel vm2, $0xD08, v4;
	[tilespmem:s16+$0xC000] =	vst v9  }
0x1b7: {  	s18 =	simm.s32 $0x600;
	s17 =	simm.s32 $0x100;
	vm0 =	vlt.u32 v11, $0xFFFFF300;
	v4 =	vsel vm3, $0xD08, v8;
	[tilespmem:s16+$0xC010] =	vst v10;
	v6 =	vadd.s32 $0xFFFFD8F0, v0  }
.LBB2_27:
0x1b8: {  	p1 =	sne.s32 s18, $0xF800;
	v8 =	vld [tilespmem:s17+$0x4040];
	vm1 =	vlt.u32 v6, $0xFFFFF300;
	v6 =	vadd.s32 $0xFFFFD8F0, v2;
	v7 =	vsel vm0, $0xD08, v7;
	[tilespmem:s16+$0xC020] =	vst v5  }
0x1b9: {  	v5 =	vadd.s32 $0xFFFFE5F0, v0;
	v0 =	vld [tilespmem:s17+$0x4000];
	vm0 =	vlt.u32 v6, $0xFFFFF300;
	v6 =	vadd.s32 $0xFFFFD8F0, v1;
	[tilespmem:s15+$0xC040] =	vst v7  }
.Ltmp13:
0x1ba: {  	v7 =	vadd.s32 $0xFFFFE5F0, v2;
	v2 =	vld [tilespmem:s17+$0x4010];
	vm2 =	vlt.u32 v6, $0xFFFFF300;
	v6 =	vadd.s32 $0xFFFFD8F0, v3;
	[tilespmem:s16+$0xC030] =	vst v4;
	s16 =	smov.u32 s15;
	s15 =	smov.u32 s17;
	(pc) =	sbr.rel @p1 .LBB2_27-.Ltmp13, $4  }
0x1bb: {  	v4 =	vadd.s32 $0xFFFFE5F0, v1;
	v1 =	vld [tilespmem:s15+$0x4020];
	vm3 =	vlt.u32 v6, $0xFFFFF300;
	v6 =	vadd.s32 $0xFFFFE5F0, v3  }
0x1bc: {  	v9 =	vsel vm1, $0xD08, v5;
	v10 =	vsel vm0, $0xD08, v7;
	v5 =	vsel vm2, $0xD08, v4;
	v3 =	vld [tilespmem:s15+$0x4030]  }
0x1bd: {  	v4 =	vsel vm3, $0xD08, v6;
	v7 =	vadd.s32 $0xFFFFD8F0, v8;
	[tilespmem:s16+$0xC000] =	vst v9  }
0x1be: {  	s17 =	sshra.s32 s18, $0x2;
	s18 =	sadd.s32 $0x200, s18;
	v6 =	vadd.s32 $0xFFFFD8F0, v0;
	vm0 =	vlt.u32 v7, $0xFFFFF300;
	v7 =	vadd.s32 $0xFFFFE5F0, v8;
	[tilespmem:s16+$0xC010] =	vst v10  }
0x1bf: {  	v8 =	vld [tilespmem:s17+$0x4040];
	[tilespmem:s16+$0xC020] =	vst v5;
	v43 =	vsel vm0, $0xD08, v7;
	v9 =	vadd.s32 $0xFFFFD8F0, v2  }
0x1c0: {  	vm10 =	vlt.u32 v6, $0xFFFFF300;
	v0 =	vadd.s32 $0xFFFFE5F0, v0;
	v46 =	vadd.s32 $0xFFFFE5F0, v2;
	v44 =	vld [tilespmem:s17+$0x4000];
	[tilespmem:s15+$0xC040] =	vst v43  }
0x1c1: {  	vm1 =	vlt.u32 v9, $0xFFFFF300;
	v45 =	vadd.s32 $0xFFFFD8F0, v1;
	v48 =	vadd.s32 $0xFFFFE5F0, v1;
	v5 =	vld [tilespmem:s17+$0x4010];
	[tilespmem:s16+$0xC030] =	vst v4  }
0x1c2: {  	v0 =	vsel vm10, $0xD08, v0;
	v47 =	vadd.s32 $0xFFFFD8F0, v3;
	vm2 =	vlt.u32 v45, $0xFFFFF300;
	v4 =	vld [tilespmem:s17+$0x4020]  }
0x1c3: {  	v49 =	vadd.s32 $0xFFFFE5F0, v3;
	v2 =	vsel vm1, $0xD08, v46;
	vm3 =	vlt.u32 v47, $0xFFFFF300;
	v50 =	vld [tilespmem:s17+$0x4030]  }
0x1c4: {  	v1 =	vsel vm2, $0xD08, v48;
	[tilespmem:s15+$0xC000] =	vst v0;
	v52 =	vsel vm3, $0xD08, v49;
	v51 =	vadd.s32 $0xFFFFD8F0, v8  }
0x1c5: {  	[tilespmem:s15+$0xC010] =	vst v2;
	v8 =	vadd.s32 $0xFFFFE5F0, v8;
	v53 =	vadd.s32 $0xFFFFD8F0, v44;
	vm11 =	vlt.u32 v51, $0xFFFFF300  }
0x1c6: {  	[tilespmem:s15+$0xC020] =	vst v1;
	v56 =	vadd.s32 $0xFFFFE5F0, v44;
	v54 =	vadd.s32 $0xFFFFD8F0, v5;
	v55 =	vsel vm11, $0xD08, v8  }
0x1c7: {  	vm12 =	vlt.u32 v53, $0xFFFFF300;
	v58 =	vadd.s32 $0xFFFFE5F0, v5;
	vm13 =	vlt.u32 v54, $0xFFFFF300;
	[tilespmem:s17+$0xC040] =	vst v55  }
0x1c8: {  	v57 =	vadd.s32 $0xFFFFD8F0, v4;
	v59 =	vsel vm12, $0xD08, v56;
	v60 =	vadd.s32 $0xFFFFD8F0, v50;
	[tilespmem:s15+$0xC030] =	vst v52  }
0x1c9: {  	v61 =	vadd.s32 $0xFFFFE5F0, v4;
	vm14 =	vlt.u32 v57, $0xFFFFF300;
	v3 =	vsel vm13, $0xD08, v58;
	[tilespmem:s17+$0xC000] =	vst v59  }
0x1ca: {  	v62 =	vadd.s32 $0xFFFFE5F0, v50;
	vm15 =	vlt.u32 v60, $0xFFFFF300;
	v63 =	vsel vm14, $0xD08, v61;
	[tilespmem:s17+$0xC010] =	vst v3  }
0x1cb: {  	v0 =	vsel vm15, $0xD08, v62;
	[tilespmem:s17+$0xC020] =	vst v63  }
0x1cc: {  	s30 =	simm.s32 $0x12800;
	s15 =	simm.s32 $0x2;
	[tilespmem:s17+$0xC030] =	vst v0  }
0x1cd: {  	[spmem:s6] =	stream.linear.scatter [tilespmem:s30], [sflag:$0x2], $0x6800, $0x38;
	[tilespmem:$0x1F880] =	vst v63  }
0x1ce: {  	_ =	swait.ge [sflag:s15], $0x6800  }
0x1cf: {  	[sflag:s15] =	ssyncset.done $0x0  }
0x1d0: {  	s18 =	simm.s32 $0x1;
	s19 =	simm.s32 $0x8000;
	[sflag:s15] =	ssyncadd.s32 $0xFFFF9800  }
0x1d1: {  	s16 =	simm.s32 $0x50;
	s17 =	simm.s32 $0x10000;
	[bflag:$0x0] =	sbarrier.arrive $0xFFFF  }
0x1d2: {  	[tilespmem:s17], [sflag:$0x1] =	stream.indirect.gather [hbm4b:s3+s16], $0x80, s19, s16, $0xb8;
	[tilespmem:$0x1F880] =	vst v63  }
0x1d3: {  	_ =	swait.ge [sflag:s18], $0x2800  }
0x1d4: {  	[sflag:s18] =	ssyncset.done $0x0  }
0x1d5: {  	s31 =	simm.s32 $0xC000;
	[sflag:s18] =	ssyncadd.s32 $0xFFFFD800  }
0x1d6: {  	[spmem:s2] =	stream.indirect.scatter.add.f32 [tilespmem:s17], [sflag:$0x2], $0x80, s31, s16, $0xb8;
	[tilespmem:$0x1F880] =	vst v63  }
0x1d7: {  	_ =	swait.ge [sflag:s15], $0x2800  }
0x1d8: {  	s20 =	simm.s32 $0x400;
	s19 =	simm.s32 $0x80;
	[sflag:s15] =	ssyncset.done $0x0  }
.LBB2_29:
0x1d9: {  	s21 =	sadd.s32 $0x8000, s19  }
0x1da: {  	[sflag:s15] =	ssyncadd.s32 $0xFFFFD800;
	s22 =	smov.u32 s20;
	s23 =	sadd.s32 $0x200, s20  }
0x1db: {  	[tilespmem:s17], [sflag:$0x1] =	stream.indirect.gather [hbm4b:s3+s16], $0x80, s21, s16, $0xb8;
	[tilespmem:$0x1F880] =	vst v63  }
0x1dc: {  	p1 =	sne.s32 s20, $0xF800;
	_ =	swait.ge [sflag:s18], $0x2800  }
.Ltmp14:
0x1dd: {  	[sflag:s18] =	ssyncset.done $0x0;
	(pc) =	sbr.rel @p1 .LBB2_29-.Ltmp14, $4  }
0x1de: {  	s19 =	sadd.s32 $0xC000, s19;
	[sflag:s18] =	ssyncadd.s32 $0xFFFFD800  }
0x1df: {  	[spmem:s2] =	stream.indirect.scatter.add.f32 [tilespmem:s17], [sflag:$0x2], $0x80, s19, s16, $0xb8;
	[tilespmem:$0x1F880] =	vst v63  }
0x1e0: {  	_ =	swait.ge [sflag:s15], $0x2800  }
0x1e1: {  	s20 =	smov.u32 s23;
	s19 =	sshra.s32 s22, $0x2;
	[sflag:s15] =	ssyncset.done $0x0  }
0x1e2: {  	s20 =	sadd.s32 $0x8000, s19;
	[sflag:s15] =	ssyncadd.s32 $0xFFFFD800  }
0x1e3: {  	[tilespmem:s17], [sflag:$0x1] =	stream.indirect.gather [hbm4b:s3+s16], $0x80, s20, s16, $0xb8;
	[tilespmem:$0x1F880] =	vst v63  }
0x1e4: {  	_ =	swait.ge [sflag:s18], $0x2800  }
0x1e5: {  	[sflag:s18] =	ssyncset.done $0x0  }
0x1e6: {  	s30 =	sadd.s32 $0xC000, s19;
	[sflag:s18] =	ssyncadd.s32 $0xFFFFD800  }
0x1e7: {  	[spmem:s2] =	stream.indirect.scatter.add.f32 [tilespmem:s17], [sflag:$0x2], $0x80, s30, s16, $0xb8;
	[tilespmem:$0x1F880] =	vst v63  }
0x1e8: {  	_ =	swait.ge [sflag:s15], $0x2800  }
0x1e9: {  	[sflag:s15] =	ssyncset.done $0x0  }
0x1ea: {  	[sflag:s15] =	ssyncadd.s32 $0xFFFFD800  }
0x1eb: {  	s14 =	sadd.s32 s4, s14;
	s31 =	simm.s32 $0x2;
	[bflag:$0x0] =	sbarrier.arrive $0xFFFF  }
0x1ec: {  	[hbm:s14], [sflag:s7] =	dma.local [spmem:s8], $0xD00  }
0x1ed: {  	_ =	swait.ge [sflag:s31], $0xD00  }
0x1ee: {  	[sflag:s31] =	ssyncset.done $0x0  }
0x1ef: {  	s15 =	simm.s32 $0x0;
	[sflag:s31] =	ssyncadd.s32 $0xFFFFF300  }
0x1f0: {  	v0 =	vld [tilespmem:s15+$0x40]  }
0x1f1: {  	v1 =	vld [tilespmem:s15+$0x0]  }
0x1f2: {  	v4 =	vld [tilespmem:s15+$0x10]  }
0x1f3: {  	v5 =	vld [tilespmem:s15+$0x20]  }
0x1f4: {  	v6 =	vld [tilespmem:s15+$0x30]  }
0x1f5: {  	s14 =	simm.s32 $0x80;
	v2 =	vshll.u32 v0, $0x2  }
0x1f6: {  	v0 =	vld [tilespmem:s14+$0x40];
	v1 =	vshll.u32 v1, $0x2;
	v2 =	vor.u32 $0x2, v2  }
0x1f7: {  	v3 =	vld [tilespmem:s14+$0x0];
	v4 =	vshll.u32 v4, $0x2;
	v1 =	vor.u32 $0x2, v1;
	[tilespmem:s15+$0x8040] =	vst v2  }
0x1f8: {  	v5 =	vshll.u32 v5, $0x2;
	v4 =	vor.u32 $0x2, v4;
	v2 =	vld [tilespmem:s14+$0x10];
	[tilespmem:s15+$0x8000] =	vst v1  }
0x1f9: {  	v6 =	vshll.u32 v6, $0x2;
	v5 =	vor.u32 $0x2, v5;
	v1 =	vld [tilespmem:s14+$0x20];
	[tilespmem:s15+$0x8010] =	vst v4  }
0x1fa: {  	s16 =	simm.s32 $0x400;
	v4 =	vld [tilespmem:s14+$0x30];
	[tilespmem:s15+$0x8020] =	vst v5;
	v5 =	vor.u32 $0x2, v6  }
.LBB2_31:
0x1fb: {  	s17 =	sshra.s32 s16, $0x2;
	p1 =	sne.s32 s16, $0xF800;
	s16 =	sadd.s32 $0x200, s16;
	v6 =	vshll.u32 v0, $0x2;
	[tilespmem:s15+$0x8030] =	vst v5  }
.Ltmp15:
0x1fc: {  	s15 =	smov.u32 s14;
	v0 =	vld [tilespmem:s17+$0x40];
	v5 =	vshll.u32 v3, $0x2;
	v6 =	vor.u32 $0x2, v6;
	s14 =	smov.u32 s17;
	(pc) =	sbr.rel @p1 .LBB2_31-.Ltmp15, $4  }
0x1fd: {  	v3 =	vld [tilespmem:s14+$0x0];
	v5 =	vor.u32 $0x2, v5;
	v7 =	vshll.u32 v2, $0x2;
	[tilespmem:s15+$0x8040] =	vst v6  }
0x1fe: {  	v2 =	vld [tilespmem:s14+$0x10];
	[tilespmem:s15+$0x8000] =	vst v5;
	v5 =	vor.u32 $0x2, v7;
	v6 =	vshll.u32 v1, $0x2  }
0x1ff: {  	v1 =	vld [tilespmem:s14+$0x20];
	[tilespmem:s15+$0x8010] =	vst v5;
	v5 =	vor.u32 $0x2, v6;
	v6 =	vshll.u32 v4, $0x2  }
0x200: {  	v4 =	vld [tilespmem:s14+$0x30];
	[tilespmem:s15+$0x8020] =	vst v5;
	v5 =	vor.u32 $0x2, v6  }
0x201: {  	v0 =	vshll.u32 v0, $0x2  }
0x202: {  	[tilespmem:s15+$0x8030] =	vst v5;
	v3 =	vshll.u32 v3, $0x2;
	v0 =	vor.u32 $0x2, v0  }
0x203: {  	v3 =	vor.u32 $0x2, v3;
	v2 =	vshll.u32 v2, $0x2;
	[tilespmem:s14+$0x8040] =	vst v0  }
0x204: {  	[tilespmem:s14+$0x8000] =	vst v3;
	v0 =	vor.u32 $0x2, v2;
	v1 =	vshll.u32 v1, $0x2  }
0x205: {  	[tilespmem:s14+$0x8010] =	vst v0;
	v0 =	vor.u32 $0x2, v1;
	v1 =	vshll.u32 v4, $0x2  }
0x206: {  	[tilespmem:s14+$0x8020] =	vst v0;
	v0 =	vor.u32 $0x2, v1  }
0x207: {  	[tilespmem:s14+$0x8030] =	vst v0;
	s14 =	simm.s32 $0x0  }
0x208: {  	v3 =	vld [tilespmem:s14+$0x4040]  }
0x209: {  	v4 =	vld [tilespmem:s14+$0x4000]  }
0x20a: {  	v2 =	vld [tilespmem:s14+$0x4010]  }
0x20b: {  	v0 =	vld [tilespmem:s14+$0x4020]  }
0x20c: {  	s15 =	simm.s32 $0x200;
	v1 =	vld [tilespmem:s14+$0x4030]  }
.LBB2_33:
0x20d: {  	s16 =	sshra.s32 s15, $0x2;
	p1 =	sne.s32 s15, $0xF800;
	s15 =	sadd.s32 $0x200, s15;
	v5 =	vmin.u32 v3, $0xD08  }
.Ltmp16:
0x20e: {  	v3 =	vld [tilespmem:s16+$0x4040];
	v6 =	vmin.u32 v4, $0xD08;
	[tilespmem:s14+$0xC040] =	vst v5;
	(pc) =	sbr.rel @p1 .LBB2_33-.Ltmp16, $4  }
0x20f: {  	v4 =	vld [tilespmem:s16+$0x4000];
	[tilespmem:s14+$0xC000] =	vst v6;
	v5 =	vmin.u32 v2, $0xD08  }
0x210: {  	v2 =	vld [tilespmem:s16+$0x4010];
	[tilespmem:s14+$0xC010] =	vst v5;
	v5 =	vmin.u32 v0, $0xD08  }
0x211: {  	v0 =	vld [tilespmem:s16+$0x4020];
	[tilespmem:s14+$0xC020] =	vst v5;
	v5 =	vmin.u32 v1, $0xD08  }
0x212: {  	v1 =	vld [tilespmem:s16+$0x4030];
	[tilespmem:s14+$0xC030] =	vst v5;
	s14 =	smov.u32 s16  }
0x213: {  	v3 =	vmin.u32 v3, $0xD08  }
0x214: {  	v4 =	vmin.u32 v4, $0xD08;
	[tilespmem:s14+$0xC040] =	vst v3  }
0x215: {  	[tilespmem:s14+$0xC000] =	vst v4;
	v2 =	vmin.u32 v2, $0xD08  }
0x216: {  	[tilespmem:s14+$0xC010] =	vst v2;
	v0 =	vmin.u32 v0, $0xD08  }
0x217: {  	[tilespmem:s14+$0xC020] =	vst v0;
	v63 =	vmin.u32 v1, $0xD08  }
0x218: {  	s30 =	simm.s32 $0x12800;
	[tilespmem:s14+$0xC030] =	vst v63;
	s14 =	simm.s32 $0x2  }
0x219: {  	[spmem:s6] =	stream.linear.scatter [tilespmem:s30], [sflag:$0x2], $0x6800, $0x38;
	[tilespmem:$0x1F880] =	vst v63  }
0x21a: {  	_ =	swait.ge [sflag:s14], $0x6800  }
0x21b: {  	[sflag:s14] =	ssyncset.done $0x0  }
0x21c: {  	s15 =	simm.s32 @!p0 $0x12800;
	[sflag:s14] =	ssyncadd.s32 $0xFFFF9800  }
0x21d: {  	[spmem:s10] =	stream.linear.scatter @!p0 [tilespmem:s15], [sflag:$0x2], $0x400, $0x38;
	[tilespmem:$0x1F880] =	vst v63  }
0x21e: {  	s15 =	simm.s32 @!p0 $0x2  }
0x21f: {  	_ =	swait.ge @!p0 [sflag:s15], $0x400  }
0x220: {  	[sflag:s15] =	ssyncset.done @!p0 $0x0  }
0x221: {  	s16 =	simm.s32 $0x10000;
	s17 =	simm.s32 $0x1;
	[sflag:s15] =	ssyncadd.s32 @!p0 $0xFFFFFC00  }
0x222: {  	s18 =	simm.s32 $0x8000;
	s15 =	simm.s32 $0x50;
	[bflag:$0x0] =	sbarrier.arrive $0xFFFF  }
0x223: {  	[tilespmem:s16], [sflag:$0x1] =	stream.indirect.gather [hbm4b:s3+s15], $0x80, s18, s15, $0xb8;
	[tilespmem:$0x1F880] =	vst v63  }
0x224: {  	_ =	swait.ge [sflag:s17], $0x2800  }
0x225: {  	[sflag:s17] =	ssyncset.done $0x0  }
0x226: {  	s31 =	simm.s32 $0xC000;
	[sflag:s17] =	ssyncadd.s32 $0xFFFFD800  }
0x227: {  	[spmem:s2] =	stream.indirect.scatter.add.f32 [tilespmem:s16], [sflag:$0x2], $0x80, s31, s15, $0xb8;
	[tilespmem:$0x1F880] =	vst v63  }
0x228: {  	_ =	swait.ge [sflag:s14], $0x2800  }
0x229: {  	s19 =	simm.s32 $0x400;
	s18 =	simm.s32 $0x80;
	[sflag:s14] =	ssyncset.done $0x0  }
.LBB2_35:
0x22a: {  	s20 =	sadd.s32 $0x8000, s18  }
0x22b: {  	[sflag:s14] =	ssyncadd.s32 $0xFFFFD800;
	s21 =	smov.u32 s19;
	s22 =	sadd.s32 $0x200, s19  }
0x22c: {  	[tilespmem:s16], [sflag:$0x1] =	stream.indirect.gather [hbm4b:s3+s15], $0x80, s20, s15, $0xb8;
	[tilespmem:$0x1F880] =	vst v63  }
0x22d: {  	p1 =	sne.s32 s19, $0xF800;
	_ =	swait.ge [sflag:s17], $0x2800  }
.Ltmp17:
0x22e: {  	[sflag:s17] =	ssyncset.done $0x0;
	(pc) =	sbr.rel @p1 .LBB2_35-.Ltmp17, $4  }
0x22f: {  	s18 =	sadd.s32 $0xC000, s18;
	[sflag:s17] =	ssyncadd.s32 $0xFFFFD800  }
0x230: {  	[spmem:s2] =	stream.indirect.scatter.add.f32 [tilespmem:s16], [sflag:$0x2], $0x80, s18, s15, $0xb8;
	[tilespmem:$0x1F880] =	vst v63  }
0x231: {  	_ =	swait.ge [sflag:s14], $0x2800  }
0x232: {  	s19 =	smov.u32 s22;
	s18 =	sshra.s32 s21, $0x2;
	[sflag:s14] =	ssyncset.done $0x0  }
0x233: {  	s19 =	sadd.s32 $0x8000, s18;
	[sflag:s14] =	ssyncadd.s32 $0xFFFFD800  }
0x234: {  	[tilespmem:s16], [sflag:$0x1] =	stream.indirect.gather [hbm4b:s3+s15], $0x80, s19, s15, $0xb8;
	[tilespmem:$0x1F880] =	vst v63  }
0x235: {  	_ =	swait.ge [sflag:s17], $0x2800  }
0x236: {  	[sflag:s17] =	ssyncset.done $0x0  }
0x237: {  	s29 =	sadd.s32 $0xC000, s18;
	[sflag:s17] =	ssyncadd.s32 $0xFFFFD800  }
0x238: {  	[spmem:s2] =	stream.indirect.scatter.add.f32 [tilespmem:s16], [sflag:$0x2], $0x80, s29, s15, $0xb8;
	[tilespmem:$0x1F880] =	vst v63  }
0x239: {  	_ =	swait.ge [sflag:s14], $0x2800  }
0x23a: {  	[sflag:s14] =	ssyncset.done $0x0  }
0x23b: {  	[sflag:s14] =	ssyncadd.s32 $0xFFFFD800  }
0x23c: {  	s30 =	sadd.s32 s12, s13;
	s31 =	simm.s32 $0x2;
	[bflag:$0x0] =	sbarrier.arrive $0xFFFF  }
0x23d: {  	[hbm:s30], [sflag:s7] =	dma.local [spmem:s8], $0xD00  }
0x23e: {  	_ =	swait.ge [sflag:s31], $0xD00  }
0x23f: {  	[sflag:s31] =	ssyncset.done $0x0  }
0x240: {  	s14 =	sadd.s32 @!p0 $0xD000, s13;
	[sflag:s31] =	ssyncadd.s32 $0xFFFFF300  }
0x241: {  	[hbm:s14], [sflag:s7] =	dma.local @!p0 [spmem:s11], $0x80  }
0x242: {  	s14 =	simm.s32 @!p0 $0x2  }
0x243: {  	_ =	swait.ge @!p0 [sflag:s14], $0x80  }
0x244: {  	[sflag:s14] =	ssyncset.done @!p0 $0x0  }
0x245: {  	s15 =	simm.s32 $0x0;
	[sflag:s14] =	ssyncadd.s32 @!p0 $0xFFFFFF80  }
0x246: {  	v0 =	vld [tilespmem:s15+$0x4040]  }
0x247: {  	v1 =	vld [tilespmem:s15+$0x4000]  }
0x248: {  	s14 =	simm.s32 $0x80;
	v3 =	vld [tilespmem:s15+$0x4010]  }
0x249: {  	v7 =	vld [tilespmem:s14+$0x4040]  }
0x24a: {  	v4 =	vld [tilespmem:s15+$0x4020]  }
0x24b: {  	v5 =	vld [tilespmem:s15+$0x4030];
	v2 =	vadd.s32 $0xFFFFE5F0, v0  }
0x24c: {  	v0 =	vadd.s32 $0xFFFFF2F8, v0;
	vm0 =	vlt.u32 v2, $0xFFFFF2F8  }
0x24d: {  	v6 =	vadd.s32 $0xFFFFE5F0, v3;
	v9 =	vadd.s32 $0xFFFFF2F8, v1;
	v8 =	vsel vm0, $0xD08, v0  }
0x24e: {  	v11 =	vadd.s32 $0xFFFFE5F0, v7;
	v7 =	vadd.s32 $0xFFFFF2F8, v7;
	v2 =	vadd.s32 $0xFFFFE5F0, v1;
	v0 =	vld [tilespmem:s14+$0x4000];
	[tilespmem:s15+$0xC040] =	vst v8  }
0x24f: {  	vm1 =	vlt.u32 v6, $0xFFFFF2F8;
	v1 =	vadd.s32 $0xFFFFE5F0, v4;
	vm0 =	vlt.u32 v2, $0xFFFFF2F8;
	v2 =	vld [tilespmem:s14+$0x4010]  }
0x250: {  	v6 =	vadd.s32 $0xFFFFF2F8, v3;
	v3 =	vadd.s32 $0xFFFFE5F0, v5;
	vm2 =	vlt.u32 v1, $0xFFFFF2F8;
	v1 =	vld [tilespmem:s14+$0x4020]  }
0x251: {  	v4 =	vadd.s32 $0xFFFFF2F8, v4;
	vm3 =	vlt.u32 v3, $0xFFFFF2F8;
	v9 =	vsel vm0, $0xD08, v9;
	v3 =	vld [tilespmem:s14+$0x4030]  }
0x252: {  	v10 =	vsel vm1, $0xD08, v6;
	v8 =	vadd.s32 $0xFFFFF2F8, v5;
	v5 =	vsel vm2, $0xD08, v4;
	[tilespmem:s15+$0xC000] =	vst v9  }
0x253: {  	s17 =	simm.s32 $0x600;
	s16 =	simm.s32 $0x100;
	vm0 =	vlt.u32 v11, $0xFFFFF2F8;
	v4 =	vsel vm3, $0xD08, v8;
	[tilespmem:s15+$0xC010] =	vst v10;
	v6 =	vadd.s32 $0xFFFFE5F0, v0  }
.LBB2_37:
0x254: {  	p1 =	sne.s32 s17, $0xF800;
	v8 =	vld [tilespmem:s16+$0x4040];
	vm1 =	vlt.u32 v6, $0xFFFFF2F8;
	v6 =	vadd.s32 $0xFFFFE5F0, v2;
	v7 =	vsel vm0, $0xD08, v7;
	[tilespmem:s15+$0xC020] =	vst v5  }
0x255: {  	v5 =	vadd.s32 $0xFFFFF2F8, v0;
	v0 =	vld [tilespmem:s16+$0x4000];
	vm0 =	vlt.u32 v6, $0xFFFFF2F8;
	v6 =	vadd.s32 $0xFFFFE5F0, v1;
	[tilespmem:s14+$0xC040] =	vst v7  }
.Ltmp18:
0x256: {  	v7 =	vadd.s32 $0xFFFFF2F8, v2;
	v2 =	vld [tilespmem:s16+$0x4010];
	vm2 =	vlt.u32 v6, $0xFFFFF2F8;
	v6 =	vadd.s32 $0xFFFFE5F0, v3;
	[tilespmem:s15+$0xC030] =	vst v4;
	s15 =	smov.u32 s14;
	s14 =	smov.u32 s16;
	(pc) =	sbr.rel @p1 .LBB2_37-.Ltmp18, $4  }
0x257: {  	v4 =	vadd.s32 $0xFFFFF2F8, v1;
	v1 =	vld [tilespmem:s14+$0x4020];
	vm3 =	vlt.u32 v6, $0xFFFFF2F8;
	v6 =	vadd.s32 $0xFFFFF2F8, v3  }
0x258: {  	v9 =	vsel vm1, $0xD08, v5;
	v10 =	vsel vm0, $0xD08, v7;
	v5 =	vsel vm2, $0xD08, v4;
	v3 =	vld [tilespmem:s14+$0x4030]  }
0x259: {  	v4 =	vsel vm3, $0xD08, v6;
	v7 =	vadd.s32 $0xFFFFE5F0, v8;
	[tilespmem:s15+$0xC000] =	vst v9  }
0x25a: {  	s16 =	sshra.s32 s17, $0x2;
	s17 =	sadd.s32 $0x200, s17;
	v6 =	vadd.s32 $0xFFFFE5F0, v0;
	vm0 =	vlt.u32 v7, $0xFFFFF2F8;
	v7 =	vadd.s32 $0xFFFFF2F8, v8;
	[tilespmem:s15+$0xC010] =	vst v10  }
0x25b: {  	v8 =	vld [tilespmem:s16+$0x4040];
	[tilespmem:s15+$0xC020] =	vst v5;
	v43 =	vsel vm0, $0xD08, v7;
	v9 =	vadd.s32 $0xFFFFE5F0, v2  }
0x25c: {  	vm10 =	vlt.u32 v6, $0xFFFFF2F8;
	v0 =	vadd.s32 $0xFFFFF2F8, v0;
	v46 =	vadd.s32 $0xFFFFF2F8, v2;
	v44 =	vld [tilespmem:s16+$0x4000];
	[tilespmem:s14+$0xC040] =	vst v43  }
0x25d: {  	vm1 =	vlt.u32 v9, $0xFFFFF2F8;
	v45 =	vadd.s32 $0xFFFFE5F0, v1;
	v48 =	vadd.s32 $0xFFFFF2F8, v1;
	v5 =	vld [tilespmem:s16+$0x4010];
	[tilespmem:s15+$0xC030] =	vst v4  }
0x25e: {  	v0 =	vsel vm10, $0xD08, v0;
	v47 =	vadd.s32 $0xFFFFE5F0, v3;
	vm2 =	vlt.u32 v45, $0xFFFFF2F8;
	v4 =	vld [tilespmem:s16+$0x4020]  }
0x25f: {  	v49 =	vadd.s32 $0xFFFFF2F8, v3;
	v2 =	vsel vm1, $0xD08, v46;
	vm3 =	vlt.u32 v47, $0xFFFFF2F8;
	v50 =	vld [tilespmem:s16+$0x4030]  }
0x260: {  	v1 =	vsel vm2, $0xD08, v48;
	[tilespmem:s14+$0xC000] =	vst v0;
	v52 =	vsel vm3, $0xD08, v49;
	v51 =	vadd.s32 $0xFFFFE5F0, v8  }
0x261: {  	[tilespmem:s14+$0xC010] =	vst v2;
	v8 =	vadd.s32 $0xFFFFF2F8, v8;
	v53 =	vadd.s32 $0xFFFFE5F0, v44;
	vm11 =	vlt.u32 v51, $0xFFFFF2F8  }
0x262: {  	[tilespmem:s14+$0xC020] =	vst v1;
	v56 =	vadd.s32 $0xFFFFF2F8, v44;
	v54 =	vadd.s32 $0xFFFFE5F0, v5;
	v55 =	vsel vm11, $0xD08, v8  }
0x263: {  	vm12 =	vlt.u32 v53, $0xFFFFF2F8;
	v58 =	vadd.s32 $0xFFFFF2F8, v5;
	vm13 =	vlt.u32 v54, $0xFFFFF2F8;
	[tilespmem:s16+$0xC040] =	vst v55  }
0x264: {  	v57 =	vadd.s32 $0xFFFFE5F0, v4;
	v59 =	vsel vm12, $0xD08, v56;
	v60 =	vadd.s32 $0xFFFFE5F0, v50;
	[tilespmem:s14+$0xC030] =	vst v52  }
0x265: {  	v61 =	vadd.s32 $0xFFFFF2F8, v4;
	vm14 =	vlt.u32 v57, $0xFFFFF2F8;
	v3 =	vsel vm13, $0xD08, v58;
	[tilespmem:s16+$0xC000] =	vst v59  }
0x266: {  	v62 =	vadd.s32 $0xFFFFF2F8, v50;
	vm15 =	vlt.u32 v60, $0xFFFFF2F8;
	v63 =	vsel vm14, $0xD08, v61;
	[tilespmem:s16+$0xC010] =	vst v3  }
0x267: {  	v0 =	vsel vm15, $0xD08, v62;
	[tilespmem:s16+$0xC020] =	vst v63  }
0x268: {  	s30 =	simm.s32 $0x12800;
	s14 =	simm.s32 $0x2;
	[tilespmem:s16+$0xC030] =	vst v0  }
0x269: {  	[spmem:s6] =	stream.linear.scatter [tilespmem:s30], [sflag:$0x2], $0x6800, $0x38;
	[tilespmem:$0x1F880] =	vst v63  }
0x26a: {  	_ =	swait.ge [sflag:s14], $0x6800  }
0x26b: {  	[sflag:s14] =	ssyncset.done $0x0  }
0x26c: {  	s15 =	simm.s32 @!p0 $0x12800;
	[sflag:s14] =	ssyncadd.s32 $0xFFFF9800  }
0x26d: {  	[spmem:s10] =	stream.linear.scatter @!p0 [tilespmem:s15], [sflag:$0x2], $0x400, $0x38;
	[tilespmem:$0x1F880] =	vst v63  }
0x26e: {  	s15 =	simm.s32 @!p0 $0x2  }
0x26f: {  	_ =	swait.ge @!p0 [sflag:s15], $0x400  }
0x270: {  	[sflag:s15] =	ssyncset.done @!p0 $0x0  }
0x271: {  	s17 =	simm.s32 $0x1;
	s18 =	simm.s32 $0x8000;
	[sflag:s15] =	ssyncadd.s32 @!p0 $0xFFFFFC00  }
0x272: {  	s16 =	simm.s32 $0x10000;
	s15 =	simm.s32 $0x50;
	[bflag:$0x0] =	sbarrier.arrive $0xFFFF  }
0x273: {  	[tilespmem:s16], [sflag:$0x1] =	stream.indirect.gather [hbm4b:s3+s15], $0x80, s18, s15, $0xb8;
	[tilespmem:$0x1F880] =	vst v63  }
0x274: {  	_ =	swait.ge [sflag:s17], $0x2800  }
0x275: {  	[sflag:s17] =	ssyncset.done $0x0  }
0x276: {  	s31 =	simm.s32 $0xC000;
	[sflag:s17] =	ssyncadd.s32 $0xFFFFD800  }
0x277: {  	[spmem:s2] =	stream.indirect.scatter.add.f32 [tilespmem:s16], [sflag:$0x2], $0x80, s31, s15, $0xb8;
	[tilespmem:$0x1F880] =	vst v63  }
0x278: {  	_ =	swait.ge [sflag:s14], $0x2800  }
0x279: {  	s19 =	simm.s32 $0x400;
	s18 =	simm.s32 $0x80;
	[sflag:s14] =	ssyncset.done $0x0  }
.LBB2_39:
0x27a: {  	s20 =	sadd.s32 $0x8000, s18  }
0x27b: {  	[sflag:s14] =	ssyncadd.s32 $0xFFFFD800;
	s21 =	smov.u32 s19;
	s22 =	sadd.s32 $0x200, s19  }
0x27c: {  	[tilespmem:s16], [sflag:$0x1] =	stream.indirect.gather [hbm4b:s3+s15], $0x80, s20, s15, $0xb8;
	[tilespmem:$0x1F880] =	vst v63  }
0x27d: {  	p1 =	sne.s32 s19, $0xF800;
	_ =	swait.ge [sflag:s17], $0x2800  }
.Ltmp19:
0x27e: {  	[sflag:s17] =	ssyncset.done $0x0;
	(pc) =	sbr.rel @p1 .LBB2_39-.Ltmp19, $4  }
0x27f: {  	s18 =	sadd.s32 $0xC000, s18;
	[sflag:s17] =	ssyncadd.s32 $0xFFFFD800  }
0x280: {  	[spmem:s2] =	stream.indirect.scatter.add.f32 [tilespmem:s16], [sflag:$0x2], $0x80, s18, s15, $0xb8;
	[tilespmem:$0x1F880] =	vst v63  }
0x281: {  	_ =	swait.ge [sflag:s14], $0x2800  }
0x282: {  	s19 =	smov.u32 s22;
	s18 =	sshra.s32 s21, $0x2;
	[sflag:s14] =	ssyncset.done $0x0  }
0x283: {  	s19 =	sadd.s32 $0x8000, s18;
	[sflag:s14] =	ssyncadd.s32 $0xFFFFD800  }
0x284: {  	[tilespmem:s16], [sflag:$0x1] =	stream.indirect.gather [hbm4b:s3+s15], $0x80, s19, s15, $0xb8;
	[tilespmem:$0x1F880] =	vst v63  }
0x285: {  	_ =	swait.ge [sflag:s17], $0x2800  }
0x286: {  	[sflag:s17] =	ssyncset.done $0x0  }
0x287: {  	s29 =	sadd.s32 $0xC000, s18;
	[sflag:s17] =	ssyncadd.s32 $0xFFFFD800  }
0x288: {  	[spmem:s2] =	stream.indirect.scatter.add.f32 [tilespmem:s16], [sflag:$0x2], $0x80, s29, s15, $0xb8;
	[tilespmem:$0x1F880] =	vst v63  }
0x289: {  	_ =	swait.ge [sflag:s14], $0x2800  }
0x28a: {  	[sflag:s14] =	ssyncset.done $0x0  }
0x28b: {  	[sflag:s14] =	ssyncadd.s32 $0xFFFFD800  }
0x28c: {  	s30 =	sadd.s32 s9, s13;
	s31 =	simm.s32 $0x2;
	[bflag:$0x0] =	sbarrier.arrive $0xFFFF  }
0x28d: {  	[hbm:s30], [sflag:s7] =	dma.local [spmem:s8], $0xD00  }
0x28e: {  	_ =	swait.ge [sflag:s31], $0xD00  }
0x28f: {  	[sflag:s31] =	ssyncset.done $0x0  }
0x290: {  	s14 =	sadd.s32 @!p0 $0x1A080, s13;
	[sflag:s31] =	ssyncadd.s32 $0xFFFFF300  }
0x291: {  	[hbm:s14], [sflag:s7] =	dma.local @!p0 [spmem:s11], $0x80  }
0x292: {  	s14 =	simm.s32 @!p0 $0x2  }
0x293: {  	_ =	swait.ge @!p0 [sflag:s14], $0x80  }
0x294: {  	[sflag:s14] =	ssyncset.done @!p0 $0x0  }
0x295: {  	s15 =	simm.s32 $0x0;
	[sflag:s14] =	ssyncadd.s32 @!p0 $0xFFFFFF80  }
0x296: {  	v0 =	vld [tilespmem:s15+$0x4040]  }
0x297: {  	v1 =	vld [tilespmem:s15+$0x4000]  }
0x298: {  	s14 =	simm.s32 $0x80;
	v3 =	vld [tilespmem:s15+$0x4010]  }
0x299: {  	v7 =	vld [tilespmem:s14+$0x4040]  }
0x29a: {  	v4 =	vld [tilespmem:s15+$0x4020]  }
0x29b: {  	v5 =	vld [tilespmem:s15+$0x4030];
	v2 =	vadd.s32 $0xFFFFD8F0, v0  }
0x29c: {  	v0 =	vadd.s32 $0xFFFFE5F0, v0;
	vm0 =	vlt.u32 v2, $0xFFFFF300  }
0x29d: {  	v6 =	vadd.s32 $0xFFFFD8F0, v3;
	v9 =	vadd.s32 $0xFFFFE5F0, v1;
	v8 =	vsel vm0, $0xD08, v0  }
0x29e: {  	v11 =	vadd.s32 $0xFFFFD8F0, v7;
	v7 =	vadd.s32 $0xFFFFE5F0, v7;
	v2 =	vadd.s32 $0xFFFFD8F0, v1;
	v0 =	vld [tilespmem:s14+$0x4000];
	[tilespmem:s15+$0xC040] =	vst v8  }
0x29f: {  	vm1 =	vlt.u32 v6, $0xFFFFF300;
	v1 =	vadd.s32 $0xFFFFD8F0, v4;
	vm0 =	vlt.u32 v2, $0xFFFFF300;
	v2 =	vld [tilespmem:s14+$0x4010]  }
0x2a0: {  	v6 =	vadd.s32 $0xFFFFE5F0, v3;
	v3 =	vadd.s32 $0xFFFFD8F0, v5;
	vm2 =	vlt.u32 v1, $0xFFFFF300;
	v1 =	vld [tilespmem:s14+$0x4020]  }
0x2a1: {  	v4 =	vadd.s32 $0xFFFFE5F0, v4;
	vm3 =	vlt.u32 v3, $0xFFFFF300;
	v9 =	vsel vm0, $0xD08, v9;
	v3 =	vld [tilespmem:s14+$0x4030]  }
0x2a2: {  	v10 =	vsel vm1, $0xD08, v6;
	v8 =	vadd.s32 $0xFFFFE5F0, v5;
	v5 =	vsel vm2, $0xD08, v4;
	[tilespmem:s15+$0xC000] =	vst v9  }
0x2a3: {  	s17 =	simm.s32 $0x600;
	s16 =	simm.s32 $0x100;
	vm0 =	vlt.u32 v11, $0xFFFFF300;
	v4 =	vsel vm3, $0xD08, v8;
	[tilespmem:s15+$0xC010] =	vst v10;
	v6 =	vadd.s32 $0xFFFFD8F0, v0  }
.LBB2_41:
0x2a4: {  	p1 =	sne.s32 s17, $0xF800;
	v8 =	vld [tilespmem:s16+$0x4040];
	vm1 =	vlt.u32 v6, $0xFFFFF300;
	v6 =	vadd.s32 $0xFFFFD8F0, v2;
	v7 =	vsel vm0, $0xD08, v7;
	[tilespmem:s15+$0xC020] =	vst v5  }
0x2a5: {  	v5 =	vadd.s32 $0xFFFFE5F0, v0;
	v0 =	vld [tilespmem:s16+$0x4000];
	vm0 =	vlt.u32 v6, $0xFFFFF300;
	v6 =	vadd.s32 $0xFFFFD8F0, v1;
	[tilespmem:s14+$0xC040] =	vst v7  }
.Ltmp20:
0x2a6: {  	v7 =	vadd.s32 $0xFFFFE5F0, v2;
	v2 =	vld [tilespmem:s16+$0x4010];
	vm2 =	vlt.u32 v6, $0xFFFFF300;
	v6 =	vadd.s32 $0xFFFFD8F0, v3;
	[tilespmem:s15+$0xC030] =	vst v4;
	s15 =	smov.u32 s14;
	s14 =	smov.u32 s16;
	(pc) =	sbr.rel @p1 .LBB2_41-.Ltmp20, $4  }
0x2a7: {  	v4 =	vadd.s32 $0xFFFFE5F0, v1;
	v1 =	vld [tilespmem:s14+$0x4020];
	vm3 =	vlt.u32 v6, $0xFFFFF300;
	v6 =	vadd.s32 $0xFFFFE5F0, v3  }
0x2a8: {  	v9 =	vsel vm1, $0xD08, v5;
	v10 =	vsel vm0, $0xD08, v7;
	v5 =	vsel vm2, $0xD08, v4;
	v3 =	vld [tilespmem:s14+$0x4030]  }
0x2a9: {  	v4 =	vsel vm3, $0xD08, v6;
	v7 =	vadd.s32 $0xFFFFD8F0, v8;
	[tilespmem:s15+$0xC000] =	vst v9  }
0x2aa: {  	s16 =	sshra.s32 s17, $0x2;
	s17 =	sadd.s32 $0x200, s17;
	v6 =	vadd.s32 $0xFFFFD8F0, v0;
	vm0 =	vlt.u32 v7, $0xFFFFF300;
	v7 =	vadd.s32 $0xFFFFE5F0, v8;
	[tilespmem:s15+$0xC010] =	vst v10  }
0x2ab: {  	v8 =	vld [tilespmem:s16+$0x4040];
	[tilespmem:s15+$0xC020] =	vst v5;
	v43 =	vsel vm0, $0xD08, v7;
	v9 =	vadd.s32 $0xFFFFD8F0, v2  }
0x2ac: {  	vm10 =	vlt.u32 v6, $0xFFFFF300;
	v0 =	vadd.s32 $0xFFFFE5F0, v0;
	v46 =	vadd.s32 $0xFFFFE5F0, v2;
	v44 =	vld [tilespmem:s16+$0x4000];
	[tilespmem:s14+$0xC040] =	vst v43  }
0x2ad: {  	vm1 =	vlt.u32 v9, $0xFFFFF300;
	v45 =	vadd.s32 $0xFFFFD8F0, v1;
	v48 =	vadd.s32 $0xFFFFE5F0, v1;
	v5 =	vld [tilespmem:s16+$0x4010];
	[tilespmem:s15+$0xC030] =	vst v4  }
0x2ae: {  	v0 =	vsel vm10, $0xD08, v0;
	v47 =	vadd.s32 $0xFFFFD8F0, v3;
	vm2 =	vlt.u32 v45, $0xFFFFF300;
	v4 =	vld [tilespmem:s16+$0x4020]  }
0x2af: {  	v49 =	vadd.s32 $0xFFFFE5F0, v3;
	v2 =	vsel vm1, $0xD08, v46;
	vm3 =	vlt.u32 v47, $0xFFFFF300;
	v50 =	vld [tilespmem:s16+$0x4030]  }
0x2b0: {  	v1 =	vsel vm2, $0xD08, v48;
	[tilespmem:s14+$0xC000] =	vst v0;
	v52 =	vsel vm3, $0xD08, v49;
	v51 =	vadd.s32 $0xFFFFD8F0, v8  }
0x2b1: {  	[tilespmem:s14+$0xC010] =	vst v2;
	v8 =	vadd.s32 $0xFFFFE5F0, v8;
	v53 =	vadd.s32 $0xFFFFD8F0, v44;
	vm11 =	vlt.u32 v51, $0xFFFFF300  }
0x2b2: {  	[tilespmem:s14+$0xC020] =	vst v1;
	v56 =	vadd.s32 $0xFFFFE5F0, v44;
	v54 =	vadd.s32 $0xFFFFD8F0, v5;
	v55 =	vsel vm11, $0xD08, v8  }
0x2b3: {  	vm12 =	vlt.u32 v53, $0xFFFFF300;
	v58 =	vadd.s32 $0xFFFFE5F0, v5;
	vm13 =	vlt.u32 v54, $0xFFFFF300;
	[tilespmem:s16+$0xC040] =	vst v55  }
0x2b4: {  	v57 =	vadd.s32 $0xFFFFD8F0, v4;
	v59 =	vsel vm12, $0xD08, v56;
	v60 =	vadd.s32 $0xFFFFD8F0, v50;
	[tilespmem:s14+$0xC030] =	vst v52  }
0x2b5: {  	v61 =	vadd.s32 $0xFFFFE5F0, v4;
	vm14 =	vlt.u32 v57, $0xFFFFF300;
	v3 =	vsel vm13, $0xD08, v58;
	[tilespmem:s16+$0xC000] =	vst v59  }
0x2b6: {  	v62 =	vadd.s32 $0xFFFFE5F0, v50;
	vm15 =	vlt.u32 v60, $0xFFFFF300;
	v63 =	vsel vm14, $0xD08, v61;
	[tilespmem:s16+$0xC010] =	vst v3  }
0x2b7: {  	v0 =	vsel vm15, $0xD08, v62;
	[tilespmem:s16+$0xC020] =	vst v63  }
0x2b8: {  	s30 =	simm.s32 $0x12800;
	s14 =	simm.s32 $0x2;
	[tilespmem:s16+$0xC030] =	vst v0  }
0x2b9: {  	[spmem:s6] =	stream.linear.scatter [tilespmem:s30], [sflag:$0x2], $0x6800, $0x38;
	[tilespmem:$0x1F880] =	vst v63  }
0x2ba: {  	_ =	swait.ge [sflag:s14], $0x6800  }
0x2bb: {  	[sflag:s14] =	ssyncset.done $0x0  }
0x2bc: {  	s17 =	simm.s32 $0x1;
	s18 =	simm.s32 $0x8000;
	[sflag:s14] =	ssyncadd.s32 $0xFFFF9800  }
0x2bd: {  	s15 =	simm.s32 $0x50;
	s16 =	simm.s32 $0x10000;
	[bflag:$0x0] =	sbarrier.arrive $0xFFFF  }
0x2be: {  	[tilespmem:s16], [sflag:$0x1] =	stream.indirect.gather [hbm4b:s3+s15], $0x80, s18, s15, $0xb8;
	[tilespmem:$0x1F880] =	vst v63  }
0x2bf: {  	_ =	swait.ge [sflag:s17], $0x2800  }
0x2c0: {  	[sflag:s17] =	ssyncset.done $0x0  }
0x2c1: {  	s31 =	simm.s32 $0xC000;
	[sflag:s17] =	ssyncadd.s32 $0xFFFFD800  }
0x2c2: {  	[spmem:s2] =	stream.indirect.scatter.add.f32 [tilespmem:s16], [sflag:$0x2], $0x80, s31, s15, $0xb8;
	[tilespmem:$0x1F880] =	vst v63  }
0x2c3: {  	_ =	swait.ge [sflag:s14], $0x2800  }
0x2c4: {  	s19 =	simm.s32 $0x400;
	s18 =	simm.s32 $0x80;
	[sflag:s14] =	ssyncset.done $0x0  }
.LBB2_43:
0x2c5: {  	s20 =	sadd.s32 $0x8000, s18  }
0x2c6: {  	[sflag:s14] =	ssyncadd.s32 $0xFFFFD800;
	s21 =	smov.u32 s19;
	s22 =	sadd.s32 $0x200, s19  }
0x2c7: {  	[tilespmem:s16], [sflag:$0x1] =	stream.indirect.gather [hbm4b:s3+s15], $0x80, s20, s15, $0xb8;
	[tilespmem:$0x1F880] =	vst v63  }
0x2c8: {  	p1 =	sne.s32 s19, $0xF800;
	_ =	swait.ge [sflag:s17], $0x2800  }
.Ltmp21:
0x2c9: {  	[sflag:s17] =	ssyncset.done $0x0;
	(pc) =	sbr.rel @p1 .LBB2_43-.Ltmp21, $4  }
0x2ca: {  	s18 =	sadd.s32 $0xC000, s18;
	[sflag:s17] =	ssyncadd.s32 $0xFFFFD800  }
0x2cb: {  	[spmem:s2] =	stream.indirect.scatter.add.f32 [tilespmem:s16], [sflag:$0x2], $0x80, s18, s15, $0xb8;
	[tilespmem:$0x1F880] =	vst v63  }
0x2cc: {  	_ =	swait.ge [sflag:s14], $0x2800  }
0x2cd: {  	s19 =	smov.u32 s22;
	s18 =	sshra.s32 s21, $0x2;
	[sflag:s14] =	ssyncset.done $0x0  }
0x2ce: {  	s19 =	sadd.s32 $0x8000, s18;
	[sflag:s14] =	ssyncadd.s32 $0xFFFFD800  }
0x2cf: {  	[tilespmem:s16], [sflag:$0x1] =	stream.indirect.gather [hbm4b:s3+s15], $0x80, s19, s15, $0xb8;
	[tilespmem:$0x1F880] =	vst v63  }
0x2d0: {  	_ =	swait.ge [sflag:s17], $0x2800  }
0x2d1: {  	[sflag:s17] =	ssyncset.done $0x0  }
0x2d2: {  	s30 =	sadd.s32 $0xC000, s18;
	[sflag:s17] =	ssyncadd.s32 $0xFFFFD800  }
0x2d3: {  	[spmem:s2] =	stream.indirect.scatter.add.f32 [tilespmem:s16], [sflag:$0x2], $0x80, s30, s15, $0xb8;
	[tilespmem:$0x1F880] =	vst v63  }
0x2d4: {  	_ =	swait.ge [sflag:s14], $0x2800  }
0x2d5: {  	[sflag:s14] =	ssyncset.done $0x0  }
0x2d6: {  	[sflag:s14] =	ssyncadd.s32 $0xFFFFD800  }
0x2d7: {  	s13 =	sadd.s32 s4, s13;
	s31 =	simm.s32 $0x2;
	[bflag:$0x0] =	sbarrier.arrive $0xFFFF  }
0x2d8: {  	[hbm:s13], [sflag:s7] =	dma.local [spmem:s8], $0xD00  }
0x2d9: {  	_ =	swait.ge [sflag:s31], $0xD00  }
0x2da: {  	[sflag:s31] =	ssyncset.done $0x0  }
0x2db: {  	s14 =	simm.s32 $0x0;
	[sflag:s31] =	ssyncadd.s32 $0xFFFFF300  }
0x2dc: {  	v0 =	vld [tilespmem:s14+$0x40]  }
0x2dd: {  	v1 =	vld [tilespmem:s14+$0x0]  }
0x2de: {  	v4 =	vld [tilespmem:s14+$0x10]  }
0x2df: {  	v5 =	vld [tilespmem:s14+$0x20]  }
0x2e0: {  	v6 =	vld [tilespmem:s14+$0x30]  }
0x2e1: {  	s13 =	simm.s32 $0x80;
	v2 =	vshll.u32 v0, $0x2  }
0x2e2: {  	v0 =	vld [tilespmem:s13+$0x40];
	v1 =	vshll.u32 v1, $0x2;
	v2 =	vor.u32 $0x3, v2  }
0x2e3: {  	v3 =	vld [tilespmem:s13+$0x0];
	v4 =	vshll.u32 v4, $0x2;
	v1 =	vor.u32 $0x3, v1;
	[tilespmem:s14+$0x8040] =	vst v2  }
0x2e4: {  	v5 =	vshll.u32 v5, $0x2;
	v4 =	vor.u32 $0x3, v4;
	v2 =	vld [tilespmem:s13+$0x10];
	[tilespmem:s14+$0x8000] =	vst v1  }
0x2e5: {  	v6 =	vshll.u32 v6, $0x2;
	v5 =	vor.u32 $0x3, v5;
	v1 =	vld [tilespmem:s13+$0x20];
	[tilespmem:s14+$0x8010] =	vst v4  }
0x2e6: {  	s15 =	simm.s32 $0x400;
	v4 =	vld [tilespmem:s13+$0x30];
	[tilespmem:s14+$0x8020] =	vst v5;
	v5 =	vor.u32 $0x3, v6  }
.LBB2_45:
0x2e7: {  	s16 =	sshra.s32 s15, $0x2;
	p1 =	sne.s32 s15, $0xF800;
	s15 =	sadd.s32 $0x200, s15;
	v6 =	vshll.u32 v0, $0x2;
	[tilespmem:s14+$0x8030] =	vst v5  }
.Ltmp22:
0x2e8: {  	s14 =	smov.u32 s13;
	v0 =	vld [tilespmem:s16+$0x40];
	v5 =	vshll.u32 v3, $0x2;
	v6 =	vor.u32 $0x3, v6;
	s13 =	smov.u32 s16;
	(pc) =	sbr.rel @p1 .LBB2_45-.Ltmp22, $4  }
0x2e9: {  	v3 =	vld [tilespmem:s13+$0x0];
	v5 =	vor.u32 $0x3, v5;
	v7 =	vshll.u32 v2, $0x2;
	[tilespmem:s14+$0x8040] =	vst v6  }
0x2ea: {  	v2 =	vld [tilespmem:s13+$0x10];
	[tilespmem:s14+$0x8000] =	vst v5;
	v5 =	vor.u32 $0x3, v7;
	v6 =	vshll.u32 v1, $0x2  }
0x2eb: {  	v1 =	vld [tilespmem:s13+$0x20];
	[tilespmem:s14+$0x8010] =	vst v5;
	v5 =	vor.u32 $0x3, v6;
	v6 =	vshll.u32 v4, $0x2  }
0x2ec: {  	v4 =	vld [tilespmem:s13+$0x30];
	[tilespmem:s14+$0x8020] =	vst v5;
	v5 =	vor.u32 $0x3, v6  }
0x2ed: {  	v0 =	vshll.u32 v0, $0x2  }
0x2ee: {  	[tilespmem:s14+$0x8030] =	vst v5;
	v3 =	vshll.u32 v3, $0x2;
	v0 =	vor.u32 $0x3, v0  }
0x2ef: {  	v3 =	vor.u32 $0x3, v3;
	v2 =	vshll.u32 v2, $0x2;
	[tilespmem:s13+$0x8040] =	vst v0  }
0x2f0: {  	[tilespmem:s13+$0x8000] =	vst v3;
	v0 =	vor.u32 $0x3, v2;
	v1 =	vshll.u32 v1, $0x2  }
0x2f1: {  	[tilespmem:s13+$0x8010] =	vst v0;
	v0 =	vor.u32 $0x3, v1;
	v1 =	vshll.u32 v4, $0x2  }
0x2f2: {  	[tilespmem:s13+$0x8020] =	vst v0;
	v0 =	vor.u32 $0x3, v1  }
0x2f3: {  	[tilespmem:s13+$0x8030] =	vst v0;
	s13 =	simm.s32 $0x0  }
0x2f4: {  	v3 =	vld [tilespmem:s13+$0x4040]  }
0x2f5: {  	v4 =	vld [tilespmem:s13+$0x4000]  }
0x2f6: {  	v2 =	vld [tilespmem:s13+$0x4010]  }
0x2f7: {  	v0 =	vld [tilespmem:s13+$0x4020]  }
0x2f8: {  	s14 =	simm.s32 $0x200;
	v1 =	vld [tilespmem:s13+$0x4030]  }
.LBB2_47:
0x2f9: {  	s15 =	sshra.s32 s14, $0x2;
	p1 =	sne.s32 s14, $0xF800;
	s14 =	sadd.s32 $0x200, s14;
	v5 =	vmin.u32 v3, $0xD08  }
.Ltmp23:
0x2fa: {  	v3 =	vld [tilespmem:s15+$0x4040];
	v6 =	vmin.u32 v4, $0xD08;
	[tilespmem:s13+$0xC040] =	vst v5;
	(pc) =	sbr.rel @p1 .LBB2_47-.Ltmp23, $4  }
0x2fb: {  	v4 =	vld [tilespmem:s15+$0x4000];
	[tilespmem:s13+$0xC000] =	vst v6;
	v5 =	vmin.u32 v2, $0xD08  }
0x2fc: {  	v2 =	vld [tilespmem:s15+$0x4010];
	[tilespmem:s13+$0xC010] =	vst v5;
	v5 =	vmin.u32 v0, $0xD08  }
0x2fd: {  	v0 =	vld [tilespmem:s15+$0x4020];
	[tilespmem:s13+$0xC020] =	vst v5;
	v5 =	vmin.u32 v1, $0xD08  }
0x2fe: {  	v1 =	vld [tilespmem:s15+$0x4030];
	[tilespmem:s13+$0xC030] =	vst v5;
	s13 =	smov.u32 s15  }
0x2ff: {  	v3 =	vmin.u32 v3, $0xD08  }
0x300: {  	v4 =	vmin.u32 v4, $0xD08;
	[tilespmem:s13+$0xC040] =	vst v3  }
0x301: {  	[tilespmem:s13+$0xC000] =	vst v4;
	v2 =	vmin.u32 v2, $0xD08  }
0x302: {  	[tilespmem:s13+$0xC010] =	vst v2;
	v0 =	vmin.u32 v0, $0xD08  }
0x303: {  	[tilespmem:s13+$0xC020] =	vst v0;
	v63 =	vmin.u32 v1, $0xD08  }
0x304: {  	s30 =	simm.s32 $0x12800;
	[tilespmem:s13+$0xC030] =	vst v63;
	s13 =	simm.s32 $0x2  }
0x305: {  	[spmem:s6] =	stream.linear.scatter [tilespmem:s30], [sflag:$0x2], $0x6800, $0x38;
	[tilespmem:$0x1F880] =	vst v63  }
0x306: {  	_ =	swait.ge [sflag:s13], $0x6800  }
0x307: {  	[sflag:s13] =	ssyncset.done $0x0  }
0x308: {  	s14 =	simm.s32 @!p0 $0x12800;
	[sflag:s13] =	ssyncadd.s32 $0xFFFF9800  }
0x309: {  	[spmem:s10] =	stream.linear.scatter @!p0 [tilespmem:s14], [sflag:$0x2], $0x400, $0x38;
	[tilespmem:$0x1F880] =	vst v63  }
0x30a: {  	s14 =	simm.s32 @!p0 $0x2  }
0x30b: {  	_ =	swait.ge @!p0 [sflag:s14], $0x400  }
0x30c: {  	[sflag:s14] =	ssyncset.done @!p0 $0x0  }
0x30d: {  	s15 =	simm.s32 $0x10000;
	s16 =	simm.s32 $0x1;
	[sflag:s14] =	ssyncadd.s32 @!p0 $0xFFFFFC00  }
0x30e: {  	s17 =	simm.s32 $0x8000;
	s14 =	simm.s32 $0x50;
	[bflag:$0x0] =	sbarrier.arrive $0xFFFF  }
0x30f: {  	[tilespmem:s15], [sflag:$0x1] =	stream.indirect.gather [hbm4b:s3+s14], $0x80, s17, s14, $0xb8;
	[tilespmem:$0x1F880] =	vst v63  }
0x310: {  	_ =	swait.ge [sflag:s16], $0x2800  }
0x311: {  	[sflag:s16] =	ssyncset.done $0x0  }
0x312: {  	s31 =	simm.s32 $0xC000;
	[sflag:s16] =	ssyncadd.s32 $0xFFFFD800  }
0x313: {  	[spmem:s2] =	stream.indirect.scatter.add.f32 [tilespmem:s15], [sflag:$0x2], $0x80, s31, s14, $0xb8;
	[tilespmem:$0x1F880] =	vst v63  }
0x314: {  	_ =	swait.ge [sflag:s13], $0x2800  }
0x315: {  	s18 =	simm.s32 $0x400;
	s17 =	simm.s32 $0x80;
	[sflag:s13] =	ssyncset.done $0x0  }
.LBB2_49:
0x316: {  	s19 =	sadd.s32 $0x8000, s17  }
0x317: {  	[sflag:s13] =	ssyncadd.s32 $0xFFFFD800;
	s20 =	smov.u32 s18;
	s21 =	sadd.s32 $0x200, s18  }
0x318: {  	[tilespmem:s15], [sflag:$0x1] =	stream.indirect.gather [hbm4b:s3+s14], $0x80, s19, s14, $0xb8;
	[tilespmem:$0x1F880] =	vst v63  }
0x319: {  	p1 =	sne.s32 s18, $0xF800;
	_ =	swait.ge [sflag:s16], $0x2800  }
.Ltmp24:
0x31a: {  	[sflag:s16] =	ssyncset.done $0x0;
	(pc) =	sbr.rel @p1 .LBB2_49-.Ltmp24, $4  }
0x31b: {  	s17 =	sadd.s32 $0xC000, s17;
	[sflag:s16] =	ssyncadd.s32 $0xFFFFD800  }
0x31c: {  	[spmem:s2] =	stream.indirect.scatter.add.f32 [tilespmem:s15], [sflag:$0x2], $0x80, s17, s14, $0xb8;
	[tilespmem:$0x1F880] =	vst v63  }
0x31d: {  	_ =	swait.ge [sflag:s13], $0x2800  }
0x31e: {  	s18 =	smov.u32 s21;
	s17 =	sshra.s32 s20, $0x2;
	[sflag:s13] =	ssyncset.done $0x0  }
0x31f: {  	s18 =	sadd.s32 $0x8000, s17;
	[sflag:s13] =	ssyncadd.s32 $0xFFFFD800  }
0x320: {  	[tilespmem:s15], [sflag:$0x1] =	stream.indirect.gather [hbm4b:s3+s14], $0x80, s18, s14, $0xb8;
	[tilespmem:$0x1F880] =	vst v63  }
0x321: {  	_ =	swait.ge [sflag:s16], $0x2800  }
0x322: {  	[sflag:s16] =	ssyncset.done $0x0  }
0x323: {  	s30 =	sadd.s32 $0xC000, s17;
	[sflag:s16] =	ssyncadd.s32 $0xFFFFD800  }
0x324: {  	[spmem:s2] =	stream.indirect.scatter.add.f32 [tilespmem:s15], [sflag:$0x2], $0x80, s30, s14, $0xb8;
	[tilespmem:$0x1F880] =	vst v63  }
0x325: {  	_ =	swait.ge [sflag:s13], $0x2800  }
0x326: {  	[sflag:s13] =	ssyncset.done $0x0  }
0x327: {  	[sflag:s13] =	ssyncadd.s32 $0xFFFFD800  }
0x328: {  	s12 =	sadd.s32 s12, s5;
	s31 =	simm.s32 $0x2;
	[bflag:$0x0] =	sbarrier.arrive $0xFFFF  }
0x329: {  	[hbm:s12], [sflag:s7] =	dma.local [spmem:s8], $0xD00  }
0x32a: {  	_ =	swait.ge [sflag:s31], $0xD00  }
0x32b: {  	[sflag:s31] =	ssyncset.done $0x0  }
0x32c: {  	s12 =	sadd.s32 @!p0 $0xD000, s5;
	[sflag:s31] =	ssyncadd.s32 $0xFFFFF300  }
0x32d: {  	[hbm:s12], [sflag:s7] =	dma.local @!p0 [spmem:s11], $0x80  }
0x32e: {  	s12 =	simm.s32 @!p0 $0x2  }
0x32f: {  	_ =	swait.ge @!p0 [sflag:s12], $0x80  }
0x330: {  	[sflag:s12] =	ssyncset.done @!p0 $0x0  }
0x331: {  	s13 =	simm.s32 $0x0;
	[sflag:s12] =	ssyncadd.s32 @!p0 $0xFFFFFF80  }
0x332: {  	v0 =	vld [tilespmem:s13+$0x4040]  }
0x333: {  	v1 =	vld [tilespmem:s13+$0x4000]  }
0x334: {  	s12 =	simm.s32 $0x80;
	v3 =	vld [tilespmem:s13+$0x4010]  }
0x335: {  	v7 =	vld [tilespmem:s12+$0x4040]  }
0x336: {  	v4 =	vld [tilespmem:s13+$0x4020]  }
0x337: {  	v5 =	vld [tilespmem:s13+$0x4030];
	v2 =	vadd.s32 $0xFFFFE5F0, v0  }
0x338: {  	v0 =	vadd.s32 $0xFFFFF2F8, v0;
	vm0 =	vlt.u32 v2, $0xFFFFF2F8  }
0x339: {  	v6 =	vadd.s32 $0xFFFFE5F0, v3;
	v9 =	vadd.s32 $0xFFFFF2F8, v1;
	v8 =	vsel vm0, $0xD08, v0  }
0x33a: {  	v11 =	vadd.s32 $0xFFFFE5F0, v7;
	v7 =	vadd.s32 $0xFFFFF2F8, v7;
	v2 =	vadd.s32 $0xFFFFE5F0, v1;
	v0 =	vld [tilespmem:s12+$0x4000];
	[tilespmem:s13+$0xC040] =	vst v8  }
0x33b: {  	vm1 =	vlt.u32 v6, $0xFFFFF2F8;
	v1 =	vadd.s32 $0xFFFFE5F0, v4;
	vm0 =	vlt.u32 v2, $0xFFFFF2F8;
	v2 =	vld [tilespmem:s12+$0x4010]  }
0x33c: {  	v6 =	vadd.s32 $0xFFFFF2F8, v3;
	v3 =	vadd.s32 $0xFFFFE5F0, v5;
	vm2 =	vlt.u32 v1, $0xFFFFF2F8;
	v1 =	vld [tilespmem:s12+$0x4020]  }
0x33d: {  	v4 =	vadd.s32 $0xFFFFF2F8, v4;
	vm3 =	vlt.u32 v3, $0xFFFFF2F8;
	v9 =	vsel vm0, $0xD08, v9;
	v3 =	vld [tilespmem:s12+$0x4030]  }
0x33e: {  	v10 =	vsel vm1, $0xD08, v6;
	v8 =	vadd.s32 $0xFFFFF2F8, v5;
	v5 =	vsel vm2, $0xD08, v4;
	[tilespmem:s13+$0xC000] =	vst v9  }
0x33f: {  	s14 =	simm.s32 $0x100;
	s15 =	simm.s32 $0x600;
	vm0 =	vlt.u32 v11, $0xFFFFF2F8;
	v4 =	vsel vm3, $0xD08, v8;
	[tilespmem:s13+$0xC010] =	vst v10;
	v6 =	vadd.s32 $0xFFFFE5F0, v0  }
.LBB2_51:
0x340: {  	p1 =	sne.s32 s15, $0xF800;
	v8 =	vld [tilespmem:s14+$0x4040];
	vm1 =	vlt.u32 v6, $0xFFFFF2F8;
	v6 =	vadd.s32 $0xFFFFE5F0, v2;
	v7 =	vsel vm0, $0xD08, v7;
	[tilespmem:s13+$0xC020] =	vst v5  }
0x341: {  	v5 =	vadd.s32 $0xFFFFF2F8, v0;
	v0 =	vld [tilespmem:s14+$0x4000];
	vm0 =	vlt.u32 v6, $0xFFFFF2F8;
	v6 =	vadd.s32 $0xFFFFE5F0, v1;
	[tilespmem:s12+$0xC040] =	vst v7  }
.Ltmp25:
0x342: {  	v7 =	vadd.s32 $0xFFFFF2F8, v2;
	v2 =	vld [tilespmem:s14+$0x4010];
	vm2 =	vlt.u32 v6, $0xFFFFF2F8;
	v6 =	vadd.s32 $0xFFFFE5F0, v3;
	[tilespmem:s13+$0xC030] =	vst v4;
	s13 =	smov.u32 s12;
	s12 =	smov.u32 s14;
	(pc) =	sbr.rel @p1 .LBB2_51-.Ltmp25, $4  }
0x343: {  	v4 =	vadd.s32 $0xFFFFF2F8, v1;
	v1 =	vld [tilespmem:s12+$0x4020];
	vm3 =	vlt.u32 v6, $0xFFFFF2F8;
	v6 =	vadd.s32 $0xFFFFF2F8, v3  }
0x344: {  	v9 =	vsel vm1, $0xD08, v5;
	v10 =	vsel vm0, $0xD08, v7;
	v5 =	vsel vm2, $0xD08, v4;
	v3 =	vld [tilespmem:s12+$0x4030]  }
0x345: {  	v4 =	vsel vm3, $0xD08, v6;
	v7 =	vadd.s32 $0xFFFFE5F0, v8;
	[tilespmem:s13+$0xC000] =	vst v9  }
0x346: {  	s14 =	sshra.s32 s15, $0x2;
	s15 =	sadd.s32 $0x200, s15;
	v6 =	vadd.s32 $0xFFFFE5F0, v0;
	vm0 =	vlt.u32 v7, $0xFFFFF2F8;
	v7 =	vadd.s32 $0xFFFFF2F8, v8;
	[tilespmem:s13+$0xC010] =	vst v10  }
0x347: {  	v8 =	vld [tilespmem:s14+$0x4040];
	[tilespmem:s13+$0xC020] =	vst v5;
	v43 =	vsel vm0, $0xD08, v7;
	v9 =	vadd.s32 $0xFFFFE5F0, v2  }
0x348: {  	vm10 =	vlt.u32 v6, $0xFFFFF2F8;
	v0 =	vadd.s32 $0xFFFFF2F8, v0;
	v46 =	vadd.s32 $0xFFFFF2F8, v2;
	v44 =	vld [tilespmem:s14+$0x4000];
	[tilespmem:s12+$0xC040] =	vst v43  }
0x349: {  	vm1 =	vlt.u32 v9, $0xFFFFF2F8;
	v45 =	vadd.s32 $0xFFFFE5F0, v1;
	v48 =	vadd.s32 $0xFFFFF2F8, v1;
	v5 =	vld [tilespmem:s14+$0x4010];
	[tilespmem:s13+$0xC030] =	vst v4  }
0x34a: {  	v0 =	vsel vm10, $0xD08, v0;
	v47 =	vadd.s32 $0xFFFFE5F0, v3;
	vm2 =	vlt.u32 v45, $0xFFFFF2F8;
	v4 =	vld [tilespmem:s14+$0x4020]  }
0x34b: {  	v49 =	vadd.s32 $0xFFFFF2F8, v3;
	v2 =	vsel vm1, $0xD08, v46;
	vm3 =	vlt.u32 v47, $0xFFFFF2F8;
	v50 =	vld [tilespmem:s14+$0x4030]  }
0x34c: {  	v1 =	vsel vm2, $0xD08, v48;
	[tilespmem:s12+$0xC000] =	vst v0;
	v52 =	vsel vm3, $0xD08, v49;
	v51 =	vadd.s32 $0xFFFFE5F0, v8  }
0x34d: {  	[tilespmem:s12+$0xC010] =	vst v2;
	v8 =	vadd.s32 $0xFFFFF2F8, v8;
	v53 =	vadd.s32 $0xFFFFE5F0, v44;
	vm11 =	vlt.u32 v51, $0xFFFFF2F8  }
0x34e: {  	[tilespmem:s12+$0xC020] =	vst v1;
	v56 =	vadd.s32 $0xFFFFF2F8, v44;
	v54 =	vadd.s32 $0xFFFFE5F0, v5;
	v55 =	vsel vm11, $0xD08, v8  }
0x34f: {  	vm12 =	vlt.u32 v53, $0xFFFFF2F8;
	v58 =	vadd.s32 $0xFFFFF2F8, v5;
	vm13 =	vlt.u32 v54, $0xFFFFF2F8;
	[tilespmem:s14+$0xC040] =	vst v55  }
0x350: {  	v57 =	vadd.s32 $0xFFFFE5F0, v4;
	v59 =	vsel vm12, $0xD08, v56;
	v60 =	vadd.s32 $0xFFFFE5F0, v50;
	[tilespmem:s12+$0xC030] =	vst v52  }
0x351: {  	v61 =	vadd.s32 $0xFFFFF2F8, v4;
	vm14 =	vlt.u32 v57, $0xFFFFF2F8;
	v3 =	vsel vm13, $0xD08, v58;
	[tilespmem:s14+$0xC000] =	vst v59  }
0x352: {  	v62 =	vadd.s32 $0xFFFFF2F8, v50;
	vm15 =	vlt.u32 v60, $0xFFFFF2F8;
	v63 =	vsel vm14, $0xD08, v61;
	[tilespmem:s14+$0xC010] =	vst v3  }
0x353: {  	v0 =	vsel vm15, $0xD08, v62;
	[tilespmem:s14+$0xC020] =	vst v63  }
0x354: {  	s30 =	simm.s32 $0x12800;
	s12 =	simm.s32 $0x2;
	[tilespmem:s14+$0xC030] =	vst v0  }
0x355: {  	[spmem:s6] =	stream.linear.scatter [tilespmem:s30], [sflag:$0x2], $0x6800, $0x38;
	[tilespmem:$0x1F880] =	vst v63  }
0x356: {  	_ =	swait.ge [sflag:s12], $0x6800  }
0x357: {  	[sflag:s12] =	ssyncset.done $0x0  }
0x358: {  	s13 =	simm.s32 @!p0 $0x12800;
	[sflag:s12] =	ssyncadd.s32 $0xFFFF9800  }
0x359: {  	[spmem:s10] =	stream.linear.scatter @!p0 [tilespmem:s13], [sflag:$0x2], $0x400, $0x38;
	[tilespmem:$0x1F880] =	vst v63  }
0x35a: {  	s10 =	simm.s32 @!p0 $0x2  }
0x35b: {  	_ =	swait.ge @!p0 [sflag:s10], $0x400  }
0x35c: {  	[sflag:s10] =	ssyncset.done @!p0 $0x0  }
0x35d: {  	s15 =	simm.s32 $0x8000;
	s14 =	simm.s32 $0x1;
	[sflag:s10] =	ssyncadd.s32 @!p0 $0xFFFFFC00  }
0x35e: {  	s13 =	simm.s32 $0x10000;
	s10 =	simm.s32 $0x50;
	[bflag:$0x0] =	sbarrier.arrive $0xFFFF  }
0x35f: {  	[tilespmem:s13], [sflag:$0x1] =	stream.indirect.gather [hbm4b:s3+s10], $0x80, s15, s10, $0xb8;
	[tilespmem:$0x1F880] =	vst v63  }
0x360: {  	_ =	swait.ge [sflag:s14], $0x2800  }
0x361: {  	[sflag:s14] =	ssyncset.done $0x0  }
0x362: {  	s31 =	simm.s32 $0xC000;
	[sflag:s14] =	ssyncadd.s32 $0xFFFFD800  }
0x363: {  	[spmem:s2] =	stream.indirect.scatter.add.f32 [tilespmem:s13], [sflag:$0x2], $0x80, s31, s10, $0xb8;
	[tilespmem:$0x1F880] =	vst v63  }
0x364: {  	_ =	swait.ge [sflag:s12], $0x2800  }
0x365: {  	s16 =	simm.s32 $0x400;
	s15 =	simm.s32 $0x80;
	[sflag:s12] =	ssyncset.done $0x0  }
.LBB2_53:
0x366: {  	s17 =	sadd.s32 $0x8000, s15  }
0x367: {  	[sflag:s12] =	ssyncadd.s32 $0xFFFFD800;
	s18 =	smov.u32 s16;
	s19 =	sadd.s32 $0x200, s16  }
0x368: {  	[tilespmem:s13], [sflag:$0x1] =	stream.indirect.gather [hbm4b:s3+s10], $0x80, s17, s10, $0xb8;
	[tilespmem:$0x1F880] =	vst v63  }
0x369: {  	p1 =	sne.s32 s16, $0xF800;
	_ =	swait.ge [sflag:s14], $0x2800  }
.Ltmp26:
0x36a: {  	[sflag:s14] =	ssyncset.done $0x0;
	(pc) =	sbr.rel @p1 .LBB2_53-.Ltmp26, $4  }
0x36b: {  	s15 =	sadd.s32 $0xC000, s15;
	[sflag:s14] =	ssyncadd.s32 $0xFFFFD800  }
0x36c: {  	[spmem:s2] =	stream.indirect.scatter.add.f32 [tilespmem:s13], [sflag:$0x2], $0x80, s15, s10, $0xb8;
	[tilespmem:$0x1F880] =	vst v63  }
0x36d: {  	_ =	swait.ge [sflag:s12], $0x2800  }
0x36e: {  	s16 =	smov.u32 s19;
	s15 =	sshra.s32 s18, $0x2;
	[sflag:s12] =	ssyncset.done $0x0  }
0x36f: {  	s16 =	sadd.s32 $0x8000, s15;
	[sflag:s12] =	ssyncadd.s32 $0xFFFFD800  }
0x370: {  	[tilespmem:s13], [sflag:$0x1] =	stream.indirect.gather [hbm4b:s3+s10], $0x80, s16, s10, $0xb8;
	[tilespmem:$0x1F880] =	vst v63  }
0x371: {  	_ =	swait.ge [sflag:s14], $0x2800  }
0x372: {  	[sflag:s14] =	ssyncset.done $0x0  }
0x373: {  	s30 =	sadd.s32 $0xC000, s15;
	[sflag:s14] =	ssyncadd.s32 $0xFFFFD800  }
0x374: {  	[spmem:s2] =	stream.indirect.scatter.add.f32 [tilespmem:s13], [sflag:$0x2], $0x80, s30, s10, $0xb8;
	[tilespmem:$0x1F880] =	vst v63  }
0x375: {  	_ =	swait.ge [sflag:s12], $0x2800  }
0x376: {  	[sflag:s12] =	ssyncset.done $0x0  }
0x377: {  	[sflag:s12] =	ssyncadd.s32 $0xFFFFD800  }
0x378: {  	s9 =	sadd.s32 s9, s5;
	s31 =	simm.s32 $0x2;
	[bflag:$0x0] =	sbarrier.arrive $0xFFFF  }
0x379: {  	[hbm:s9], [sflag:s7] =	dma.local [spmem:s8], $0xD00  }
0x37a: {  	_ =	swait.ge [sflag:s31], $0xD00  }
0x37b: {  	[sflag:s31] =	ssyncset.done $0x0  }
0x37c: {  	s9 =	sadd.s32 @!p0 $0x1A080, s5;
	[sflag:s31] =	ssyncadd.s32 $0xFFFFF300  }
0x37d: {  	[hbm:s9], [sflag:s7] =	dma.local @!p0 [spmem:s11], $0x80  }
0x37e: {  	s9 =	simm.s32 @!p0 $0x2  }
0x37f: {  	_ =	swait.ge @!p0 [sflag:s9], $0x80  }
0x380: {  	[sflag:s9] =	ssyncset.done @!p0 $0x0  }
0x381: {  	s10 =	simm.s32 $0x0;
	[sflag:s9] =	ssyncadd.s32 @!p0 $0xFFFFFF80  }
0x382: {  	v0 =	vld [tilespmem:s10+$0x4040]  }
0x383: {  	v1 =	vld [tilespmem:s10+$0x4000]  }
0x384: {  	s9 =	simm.s32 $0x80;
	v3 =	vld [tilespmem:s10+$0x4010]  }
0x385: {  	v7 =	vld [tilespmem:s9+$0x4040]  }
0x386: {  	v4 =	vld [tilespmem:s10+$0x4020]  }
0x387: {  	v5 =	vld [tilespmem:s10+$0x4030];
	v2 =	vadd.s32 $0xFFFFD8F0, v0  }
0x388: {  	v0 =	vadd.s32 $0xFFFFE5F0, v0;
	vm0 =	vlt.u32 v2, $0xFFFFF300  }
0x389: {  	v6 =	vadd.s32 $0xFFFFD8F0, v3;
	v9 =	vadd.s32 $0xFFFFE5F0, v1;
	v8 =	vsel vm0, $0xD08, v0  }
0x38a: {  	v11 =	vadd.s32 $0xFFFFD8F0, v7;
	v7 =	vadd.s32 $0xFFFFE5F0, v7;
	v2 =	vadd.s32 $0xFFFFD8F0, v1;
	v0 =	vld [tilespmem:s9+$0x4000];
	[tilespmem:s10+$0xC040] =	vst v8  }
0x38b: {  	vm1 =	vlt.u32 v6, $0xFFFFF300;
	v1 =	vadd.s32 $0xFFFFD8F0, v4;
	vm0 =	vlt.u32 v2, $0xFFFFF300;
	v2 =	vld [tilespmem:s9+$0x4010]  }
0x38c: {  	v6 =	vadd.s32 $0xFFFFE5F0, v3;
	v3 =	vadd.s32 $0xFFFFD8F0, v5;
	vm2 =	vlt.u32 v1, $0xFFFFF300;
	v1 =	vld [tilespmem:s9+$0x4020]  }
0x38d: {  	v4 =	vadd.s32 $0xFFFFE5F0, v4;
	vm3 =	vlt.u32 v3, $0xFFFFF300;
	v9 =	vsel vm0, $0xD08, v9;
	v3 =	vld [tilespmem:s9+$0x4030]  }
0x38e: {  	v10 =	vsel vm1, $0xD08, v6;
	v8 =	vadd.s32 $0xFFFFE5F0, v5;
	v5 =	vsel vm2, $0xD08, v4;
	[tilespmem:s10+$0xC000] =	vst v9  }
0x38f: {  	s12 =	simm.s32 $0x600;
	s11 =	simm.s32 $0x100;
	vm0 =	vlt.u32 v11, $0xFFFFF300;
	v4 =	vsel vm3, $0xD08, v8;
	[tilespmem:s10+$0xC010] =	vst v10;
	v6 =	vadd.s32 $0xFFFFD8F0, v0  }
.LBB2_55:
0x390: {  	p0 =	sne.s32 s12, $0xF800;
	v8 =	vld [tilespmem:s11+$0x4040];
	vm1 =	vlt.u32 v6, $0xFFFFF300;
	v6 =	vadd.s32 $0xFFFFD8F0, v2;
	v7 =	vsel vm0, $0xD08, v7;
	[tilespmem:s10+$0xC020] =	vst v5  }
0x391: {  	v5 =	vadd.s32 $0xFFFFE5F0, v0;
	v0 =	vld [tilespmem:s11+$0x4000];
	vm0 =	vlt.u32 v6, $0xFFFFF300;
	v6 =	vadd.s32 $0xFFFFD8F0, v1;
	[tilespmem:s9+$0xC040] =	vst v7  }
.Ltmp27:
0x392: {  	v7 =	vadd.s32 $0xFFFFE5F0, v2;
	v2 =	vld [tilespmem:s11+$0x4010];
	vm2 =	vlt.u32 v6, $0xFFFFF300;
	v6 =	vadd.s32 $0xFFFFD8F0, v3;
	[tilespmem:s10+$0xC030] =	vst v4;
	s10 =	smov.u32 s9;
	s9 =	smov.u32 s11;
	(pc) =	sbr.rel @p0 .LBB2_55-.Ltmp27, $4  }
0x393: {  	v4 =	vadd.s32 $0xFFFFE5F0, v1;
	v1 =	vld [tilespmem:s9+$0x4020];
	vm3 =	vlt.u32 v6, $0xFFFFF300;
	v6 =	vadd.s32 $0xFFFFE5F0, v3  }
0x394: {  	v9 =	vsel vm1, $0xD08, v5;
	v10 =	vsel vm0, $0xD08, v7;
	v5 =	vsel vm2, $0xD08, v4;
	v3 =	vld [tilespmem:s9+$0x4030]  }
0x395: {  	v4 =	vsel vm3, $0xD08, v6;
	v7 =	vadd.s32 $0xFFFFD8F0, v8;
	[tilespmem:s10+$0xC000] =	vst v9  }
0x396: {  	s11 =	sshra.s32 s12, $0x2;
	s12 =	sadd.s32 $0x200, s12;
	v6 =	vadd.s32 $0xFFFFD8F0, v0;
	vm0 =	vlt.u32 v7, $0xFFFFF300;
	v7 =	vadd.s32 $0xFFFFE5F0, v8;
	[tilespmem:s10+$0xC010] =	vst v10  }
0x397: {  	v8 =	vld [tilespmem:s11+$0x4040];
	[tilespmem:s10+$0xC020] =	vst v5;
	v43 =	vsel vm0, $0xD08, v7;
	v9 =	vadd.s32 $0xFFFFD8F0, v2  }
0x398: {  	vm10 =	vlt.u32 v6, $0xFFFFF300;
	v0 =	vadd.s32 $0xFFFFE5F0, v0;
	v46 =	vadd.s32 $0xFFFFE5F0, v2;
	v44 =	vld [tilespmem:s11+$0x4000];
	[tilespmem:s9+$0xC040] =	vst v43  }
0x399: {  	vm1 =	vlt.u32 v9, $0xFFFFF300;
	v45 =	vadd.s32 $0xFFFFD8F0, v1;
	v48 =	vadd.s32 $0xFFFFE5F0, v1;
	v5 =	vld [tilespmem:s11+$0x4010];
	[tilespmem:s10+$0xC030] =	vst v4  }
0x39a: {  	v0 =	vsel vm10, $0xD08, v0;
	v47 =	vadd.s32 $0xFFFFD8F0, v3;
	vm2 =	vlt.u32 v45, $0xFFFFF300;
	v4 =	vld [tilespmem:s11+$0x4020]  }
0x39b: {  	v49 =	vadd.s32 $0xFFFFE5F0, v3;
	v2 =	vsel vm1, $0xD08, v46;
	vm3 =	vlt.u32 v47, $0xFFFFF300;
	v50 =	vld [tilespmem:s11+$0x4030]  }
0x39c: {  	v1 =	vsel vm2, $0xD08, v48;
	[tilespmem:s9+$0xC000] =	vst v0;
	v52 =	vsel vm3, $0xD08, v49;
	v51 =	vadd.s32 $0xFFFFD8F0, v8  }
0x39d: {  	[tilespmem:s9+$0xC010] =	vst v2;
	v8 =	vadd.s32 $0xFFFFE5F0, v8;
	v53 =	vadd.s32 $0xFFFFD8F0, v44;
	vm11 =	vlt.u32 v51, $0xFFFFF300  }
0x39e: {  	[tilespmem:s9+$0xC020] =	vst v1;
	v56 =	vadd.s32 $0xFFFFE5F0, v44;
	v54 =	vadd.s32 $0xFFFFD8F0, v5;
	v55 =	vsel vm11, $0xD08, v8  }
0x39f: {  	vm12 =	vlt.u32 v53, $0xFFFFF300;
	v58 =	vadd.s32 $0xFFFFE5F0, v5;
	vm13 =	vlt.u32 v54, $0xFFFFF300;
	[tilespmem:s11+$0xC040] =	vst v55  }
0x3a0: {  	v57 =	vadd.s32 $0xFFFFD8F0, v4;
	v59 =	vsel vm12, $0xD08, v56;
	v60 =	vadd.s32 $0xFFFFD8F0, v50;
	[tilespmem:s9+$0xC030] =	vst v52  }
0x3a1: {  	v61 =	vadd.s32 $0xFFFFE5F0, v4;
	vm14 =	vlt.u32 v57, $0xFFFFF300;
	v3 =	vsel vm13, $0xD08, v58;
	[tilespmem:s11+$0xC000] =	vst v59  }
0x3a2: {  	v62 =	vadd.s32 $0xFFFFE5F0, v50;
	vm15 =	vlt.u32 v60, $0xFFFFF300;
	v63 =	vsel vm14, $0xD08, v61;
	[tilespmem:s11+$0xC010] =	vst v3  }
0x3a3: {  	v0 =	vsel vm15, $0xD08, v62;
	[tilespmem:s11+$0xC020] =	vst v63  }
0x3a4: {  	s30 =	simm.s32 $0x12800;
	[tilespmem:s11+$0xC030] =	vst v0  }
0x3a5: {  	[spmem:s6] =	stream.linear.scatter [tilespmem:s30], [sflag:$0x2], $0x6800, $0x38;
	[tilespmem:$0x1F880] =	vst v63  }
0x3a6: {  	s6 =	simm.s32 $0x2  }
0x3a7: {  	_ =	swait.ge [sflag:s6], $0x6800  }
0x3a8: {  	[sflag:s6] =	ssyncset.done $0x0  }
0x3a9: {  	s12 =	simm.s32 $0x8000;
	s10 =	simm.s32 $0x10000;
	[sflag:s6] =	ssyncadd.s32 $0xFFFF9800  }
0x3aa: {  	s9 =	simm.s32 $0x50;
	s11 =	simm.s32 $0x1;
	[bflag:$0x0] =	sbarrier.arrive $0xFFFF  }
0x3ab: {  	[tilespmem:s10], [sflag:$0x1] =	stream.indirect.gather [hbm4b:s3+s9], $0x80, s12, s9, $0xb8;
	[tilespmem:$0x1F880] =	vst v63  }
0x3ac: {  	_ =	swait.ge [sflag:s11], $0x2800  }
0x3ad: {  	[sflag:s11] =	ssyncset.done $0x0  }
0x3ae: {  	s31 =	simm.s32 $0xC000;
	[sflag:s11] =	ssyncadd.s32 $0xFFFFD800  }
0x3af: {  	[spmem:s2] =	stream.indirect.scatter.add.f32 [tilespmem:s10], [sflag:$0x2], $0x80, s31, s9, $0xb8;
	[tilespmem:$0x1F880] =	vst v63  }
0x3b0: {  	_ =	swait.ge [sflag:s6], $0x2800  }
0x3b1: {  	s13 =	simm.s32 $0x400;
	s12 =	simm.s32 $0x80;
	[sflag:s6] =	ssyncset.done $0x0  }
.LBB2_57:
0x3b2: {  	s14 =	sadd.s32 $0x8000, s12  }
0x3b3: {  	[sflag:s6] =	ssyncadd.s32 $0xFFFFD800;
	s15 =	smov.u32 s13;
	s16 =	sadd.s32 $0x200, s13  }
0x3b4: {  	[tilespmem:s10], [sflag:$0x1] =	stream.indirect.gather [hbm4b:s3+s9], $0x80, s14, s9, $0xb8;
	[tilespmem:$0x1F880] =	vst v63  }
0x3b5: {  	p0 =	sne.s32 s13, $0xF800;
	_ =	swait.ge [sflag:s11], $0x2800  }
.Ltmp28:
0x3b6: {  	[sflag:s11] =	ssyncset.done $0x0;
	(pc) =	sbr.rel @p0 .LBB2_57-.Ltmp28, $4  }
0x3b7: {  	s12 =	sadd.s32 $0xC000, s12;
	[sflag:s11] =	ssyncadd.s32 $0xFFFFD800  }
0x3b8: {  	[spmem:s2] =	stream.indirect.scatter.add.f32 [tilespmem:s10], [sflag:$0x2], $0x80, s12, s9, $0xb8;
	[tilespmem:$0x1F880] =	vst v63  }
0x3b9: {  	_ =	swait.ge [sflag:s6], $0x2800  }
0x3ba: {  	s13 =	smov.u32 s16;
	s12 =	sshra.s32 s15, $0x2;
	[sflag:s6] =	ssyncset.done $0x0  }
0x3bb: {  	s13 =	sadd.s32 $0x8000, s12;
	[sflag:s6] =	ssyncadd.s32 $0xFFFFD800  }
0x3bc: {  	[tilespmem:s10], [sflag:$0x1] =	stream.indirect.gather [hbm4b:s3+s9], $0x80, s13, s9, $0xb8;
	[tilespmem:$0x1F880] =	vst v63  }
0x3bd: {  	_ =	swait.ge [sflag:s11], $0x2800  }
0x3be: {  	[sflag:s11] =	ssyncset.done $0x0  }
0x3bf: {  	s29 =	sadd.s32 $0xC000, s12;
	[sflag:s11] =	ssyncadd.s32 $0xFFFFD800  }
0x3c0: {  	[spmem:s2] =	stream.indirect.scatter.add.f32 [tilespmem:s10], [sflag:$0x2], $0x80, s29, s9, $0xb8;
	[tilespmem:$0x1F880] =	vst v63  }
0x3c1: {  	_ =	swait.ge [sflag:s6], $0x2800  }
0x3c2: {  	[sflag:s6] =	ssyncset.done $0x0  }
0x3c3: {  	[sflag:s6] =	ssyncadd.s32 $0xFFFFD800  }
0x3c4: {  	s30 =	sadd.s32 s4, s5;
	s31 =	simm.s32 $0x2;
	[bflag:$0x0] =	sbarrier.arrive $0xFFFF  }
0x3c5: {  	[hbm:s30], [sflag:s7] =	dma.local [spmem:s8], $0xD00  }
0x3c6: {  	_ =	swait.ge [sflag:s31], $0xD00  }
0x3c7: {  	[sflag:s31] =	ssyncset.done $0x0  }
0x3c8: {  	[sflag:s31] =	ssyncadd.s32 $0xFFFFF300  }
0x3c9: {  	_ =	sfence.sel $0x180000  }
0x3ca: {  	[bflag:$0x0] =	sbarrier.arrive $0xFFFF  }
0x3cb: {  	p0 =	sne.s32 s1, $0x0;
	_ =	strace $0x90000047  }
0x3cc: {  	s0 =	sadd.s32 @!p0 $0x100000, s0;
	[bflag:$0x2] =	sbarrier.arrive $0xFFFF  }
0x3cd: {  	[sflag:s0] =	ssyncadd.tile.s32 @!p0 $0x1;
	_ =	shalt  }
.Lfunc_end2:
_tile_overlayer_lowered:
.L_overlay_start_2:
0x3ce: {  	(tag) =	ssettag $0x2  }
0x3cf: {  	s0 =	rddreg [dreg:$0x0];
	s2 =	stileid.u32  }
0x3d0: {  	s1 =	rddreg [dreg:$0x1];
	p0 =	sne.s32 s2, $0x0  }
0x3d1: {  	s3 =	rddreg [dreg:$0x2];
	[bflag:$0x3] =	sbarrier.arrive $0xFFFF;
	s2 =	simm.s32 @!p0 $0x1C02  }
0x3d2: {  	[timem:s3], [sflag:s2] =	dma.local @!p0 [hbm:s0], s1  }
0x3d3: {  	s0 =	simm.s32 @!p0 $0x2  }
0x3d4: {  	_ =	swait.ge @!p0 [sflag:s0], s1  }
0x3d5: {  	s1 =	ssub.s32 @!p0 $0x0, s1;
	[sflag:s0] =	ssyncset.done @!p0 $0x0  }
0x3d6: {  	[sflag:s0] =	ssyncadd.s32 @!p0 s1  }
0x3d7: {  	[bflag:$0x3] =	sbarrier.arrive $0xFFFF  }
0x3d8: {  	_ =	shalt  }

</sc_bundles>
